<compile_context>
chip_gen: v7x
topology: tpu7x:2x2x1
jax: 0.10.2.dev20260603
libtpu: 0.0.44.dev20260713+nightly
codegen_flags: <defaults>
</compile_context>

<pallas_src>
import jax
import jax.numpy as jnp
from jax import lax
from jax.experimental import pallas as pl
from jax.experimental.pallas import tpu as pltpu
from jax.experimental.pallas import tpu_sc as plsc

N = 10000
NP = 10112
E = 320000
D = 128
DE = 16
EPS = 1e-8

NC = 2
NS = 16
NW = NC * NS
CH = 128
NCHUNK = E // CH
NPS = NP // NS

F32 = jnp.float32
_mesh = plsc.VectorSubcoreMesh(core_axis_name="c", subcore_axis_name="s")
_sc_params = pltpu.CompilerParams(needs_layout_passes=False)


EHALF = E // NC
BLK = 2000
NBLKC = EHALF // BLK
GCAP = 144


def _sc_scatter_g_body(x_hbm, src_hbm, trg_hbm, gp_hbm,
                       sblk, tblk, gbuf, tbuf, idxb, tgtb, rows, acc, sem):
    cid = lax.axis_index("c")
    sid = lax.axis_index("s")
    lo = sid * NPS
    ebase = cid * EHALF
    zv = jnp.zeros((16,), F32)
    zi = jnp.zeros((16,), jnp.int32)

    def zrow(i, _):
        r = i // 8
        k = i - r * 8
        acc[r, pl.ds(k * 16, 16)] = zv
        return 0

    lax.fori_loop(0, NPS * 8, zrow, 0)
    for k in range(GCAP // 16):
        gbuf[pl.ds(k * 16, 16)] = zi
        tbuf[pl.ds(k * 16, 16)] = zi

    def do_flush(n):
        for k in range(8):
            idxb[pl.ds(k * 16, 16)] = gbuf[pl.ds(k * 16, 16)]
            tgtb[pl.ds(k * 16, 16)] = tbuf[pl.ds(k * 16, 16)]
        pltpu.async_copy(x_hbm.at[idxb], rows, sem).wait()

        def accrow(e, _):
            tl = tgtb[pl.ds(e, 16)][0] - lo
            for k in range(8):
                acc[tl, pl.ds(k * 16, 16)] = (
                    acc[tl, pl.ds(k * 16, 16)] + rows[e, pl.ds(k * 16, 16)])
            return 0

        lax.fori_loop(0, n, accrow, 0)

    def scan_block(b, cnt):
        bb = ebase + b * BLK
        pltpu.sync_copy(src_hbm.at[pl.ds(bb, BLK)], sblk)
        pltpu.sync_copy(trg_hbm.at[pl.ds(bb, BLK)], tblk)

        def group(g, cnt):
            t16 = tblk[pl.ds(g * 16, 16)]
            s16 = sblk[pl.ds(g * 16, 16)]
            m = (t16 >= lo) & (t16 < lo + NPS)
            plsc.store_compressed(gbuf.at[pl.ds(cnt, 16)], s16, mask=m)
            plsc.store_compressed(tbuf.at[pl.ds(cnt, 16)], t16, mask=m)
            cnt = cnt + jnp.sum(m.astype(jnp.int32))

            @pl.when(cnt >= CH)
            def _():
                do_flush(CH)
                gbuf[pl.ds(0, 16)] = gbuf[pl.ds(CH, 16)]
                tbuf[pl.ds(0, 16)] = tbuf[pl.ds(CH, 16)]

            return jnp.where(cnt >= CH, cnt - CH, cnt)

        return lax.fori_loop(0, BLK // 16, group, cnt)

    cnt = lax.fori_loop(0, NBLKC, scan_block, 0)
    do_flush(cnt)

    pltpu.sync_copy(acc, gp_hbm.at[cid, pl.ds(lo, NPS)])


def _sc_scatter_f_body(ef_hbm, trg_hbm, fp_hbm,
                       tblk, efblk, pbuf, tbuf2, facc):
    cid = lax.axis_index("c")
    sid = lax.axis_index("s")
    lo = sid * NPS
    ebase = cid * EHALF
    zv = jnp.zeros((16,), F32)
    lanes = lax.iota(jnp.int32, 16)

    def zrow(r, _):
        facc[pl.ds(r * 16, 16)] = zv
        return 0

    lax.fori_loop(0, NPS, zrow, 0)

    def scan_block(b, _):
        bb = ebase + b * BLK
        pltpu.sync_copy(trg_hbm.at[pl.ds(bb, BLK)], tblk)
        pltpu.sync_copy(ef_hbm.at[pl.ds(bb * DE, BLK * DE)], efblk)

        def group(g, cnt):
            t16 = tblk[pl.ds(g * 16, 16)]
            m = (t16 >= lo) & (t16 < lo + NPS)
            pos16 = g * 16 + lanes
            plsc.store_compressed(pbuf.at[pl.ds(cnt, 16)], pos16, mask=m)
            plsc.store_compressed(tbuf2.at[pl.ds(cnt, 16)], t16, mask=m)
            return cnt + jnp.sum(m.astype(jnp.int32))

        cnt = lax.fori_loop(0, BLK // 16, group, 0)

        def accrow(j, _):
            p = pbuf[pl.ds(j, 16)][0]
            tl = tbuf2[pl.ds(j, 16)][0] - lo
            facc[pl.ds(tl * DE, 16)] = (facc[pl.ds(tl * DE, 16)]
                                        + efblk[pl.ds(p * DE, 16)])
            return 0

        lax.fori_loop(0, cnt, accrow, 0)
        return 0

    lax.fori_loop(0, NBLKC, scan_block, 0)
    pltpu.sync_copy(facc, fp_hbm.at[cid, pl.ds(lo * DE, NPS * DE)])


_sc_scatter_g = pl.kernel(
    _sc_scatter_g_body,
    out_type=jax.ShapeDtypeStruct((NC, NP, D), F32),
    mesh=_mesh,
    scratch_types=[
        pltpu.VMEM((BLK,), jnp.int32),
        pltpu.VMEM((BLK,), jnp.int32),
        pltpu.VMEM((GCAP,), jnp.int32),
        pltpu.VMEM((GCAP,), jnp.int32),
        pltpu.VMEM((CH,), jnp.int32),
        pltpu.VMEM((CH + 16,), jnp.int32),
        pltpu.VMEM((CH, D), F32),
        pltpu.VMEM((NPS, D), F32),
        pltpu.SemaphoreType.DMA,
    ],
    compiler_params=_sc_params,
)

_sc_scatter_f = pl.kernel(
    _sc_scatter_f_body,
    out_type=jax.ShapeDtypeStruct((NC, NP * DE), F32),
    mesh=_mesh,
    scratch_types=[
        pltpu.VMEM((BLK,), jnp.int32),
        pltpu.VMEM((BLK * DE,), F32),
        pltpu.VMEM((BLK + 16,), jnp.int32),
        pltpu.VMEM((BLK + 16,), jnp.int32),
        pltpu.VMEM((NPS * DE,), F32),
    ],
    compiler_params=_sc_params,
)


NB = 632


def _tc_node_body(x_ref, g0_ref, g1_ref, f0_ref, f1_ref,
                  ws_ref, wn_ref, we_ref, bc_ref,
                  xn_ref, xr_ref):
    prec = lax.Precision.HIGHEST
    xin = x_ref[...]
    g = g0_ref[...] + g1_ref[...]
    f = f0_ref[...] + f1_ref[...]
    acc = (jnp.dot(xin, ws_ref[...], precision=prec, preferred_element_type=F32)
           + jnp.dot(g, wn_ref[...], precision=prec, preferred_element_type=F32)
           + jnp.dot(f, we_ref[...], precision=prec, preferred_element_type=F32)
           + bc_ref[...])
    xn_ref[...] = acc
    xr_ref[...] = jnp.maximum(acc, 0.0)


def _tc_node(x, g0, g1, f0, f1, wself, wnei, wedge, bconv):
    grid = NP // NB
    return pl.pallas_call(
        _tc_node_body,
        grid=(grid,),
        in_specs=[
            pl.BlockSpec((NB, D), lambda i: (i, 0)),
            pl.BlockSpec((NB, D), lambda i: (i, 0)),
            pl.BlockSpec((NB, D), lambda i: (i, 0)),
            pl.BlockSpec((NB, DE), lambda i: (i, 0)),
            pl.BlockSpec((NB, DE), lambda i: (i, 0)),
            pl.BlockSpec((D, D), lambda i: (0, 0)),
            pl.BlockSpec((D, D), lambda i: (0, 0)),
            pl.BlockSpec((DE, D), lambda i: (0, 0)),
            pl.BlockSpec((1, D), lambda i: (0, 0)),
        ],
        out_specs=[
            pl.BlockSpec((NB, D), lambda i: (i, 0)),
            pl.BlockSpec((NB, D), lambda i: (i, 0)),
        ],
        out_shape=[
            jax.ShapeDtypeStruct((NP, D), F32),
            jax.ShapeDtypeStruct((NP, D), F32),
        ],
    )(x, g0, g1, f0, f1, wself, wnei, wedge, bconv)


def _sc_edge_body(x_hbm, src_hbm, trg_hbm,
                  xs_hbm, xt_hbm,
                  idx_s, idx_t, xs, xt, sem):
    cid = lax.axis_index("c")
    sid = lax.axis_index("s")
    wid = sid * NC + cid

    nch = (NECHUNK - wid + NW - 1) // NW

    def chunk(j, _):
        c = wid + j * NW
        base = c * ECH
        pltpu.sync_copy(src_hbm.at[pl.ds(base, ECH)], idx_s)
        pltpu.sync_copy(trg_hbm.at[pl.ds(base, ECH)], idx_t)
        pltpu.async_copy(x_hbm.at[idx_s], xs, sem).wait()
        pltpu.async_copy(x_hbm.at[idx_t], xt, sem).wait()
        pltpu.sync_copy(xs, xs_hbm.at[pl.ds(base, ECH)])
        pltpu.sync_copy(xt, xt_hbm.at[pl.ds(base, ECH)])
        return 0

    lax.fori_loop(0, nch, chunk, 0)


ECH = 64
NECHUNK = E // ECH

_sc_edge = pl.kernel(
    _sc_edge_body,
    out_type=[jax.ShapeDtypeStruct((E, D), F32),
              jax.ShapeDtypeStruct((E, D), F32)],
    mesh=_mesh,
    scratch_types=[
        pltpu.VMEM((ECH,), jnp.int32),
        pltpu.VMEM((ECH,), jnp.int32),
        pltpu.VMEM((ECH, D), F32),
        pltpu.VMEM((ECH, D), F32),
        pltpu.SemaphoreType.DMA,
    ],
    compiler_params=_sc_params,
)


EB = 3200


def _tc_edge_body(xs_ref, xt_ref, ef_ref, we_ref, ws_ref, wt_ref, wa_ref,
                  wsim_ref, bfc_ref, out_ref):
    prec = lax.Precision.HIGHEST
    xs = xs_ref[...]
    xt = xt_ref[...]
    d = jnp.abs(xs - xt)
    dot = jnp.sum(xs * xt, axis=1, keepdims=True)
    ns = jnp.maximum(jnp.sqrt(jnp.sum(xs * xs, axis=1, keepdims=True)), EPS)
    nt = jnp.maximum(jnp.sqrt(jnp.sum(xt * xt, axis=1, keepdims=True)), EPS)
    sim = dot / (ns * nt)
    out_ref[...] = (
        jnp.dot(ef_ref[...], we_ref[...], precision=prec, preferred_element_type=F32)
        + jnp.dot(xs, ws_ref[...], precision=prec, preferred_element_type=F32)
        + jnp.dot(xt, wt_ref[...], precision=prec, preferred_element_type=F32)
        + jnp.dot(d, wa_ref[...], precision=prec, preferred_element_type=F32)
        + sim * wsim_ref[...]
        + bfc_ref[...])


def _tc_edge(xs, xt, ef, we, ws, wt, wa, wsim, bfc):
    grid = E // EB
    return pl.pallas_call(
        _tc_edge_body,
        grid=(grid,),
        in_specs=[
            pl.BlockSpec((EB, D), lambda i: (i, 0)),
            pl.BlockSpec((EB, D), lambda i: (i, 0)),
            pl.BlockSpec((EB, DE), lambda i: (i, 0)),
            pl.BlockSpec((DE, DE), lambda i: (0, 0)),
            pl.BlockSpec((D, DE), lambda i: (0, 0)),
            pl.BlockSpec((D, DE), lambda i: (0, 0)),
            pl.BlockSpec((D, DE), lambda i: (0, 0)),
            pl.BlockSpec((1, DE), lambda i: (0, 0)),
            pl.BlockSpec((1, DE), lambda i: (0, 0)),
        ],
        out_specs=pl.BlockSpec((EB, DE), lambda i: (i, 0)),
        out_shape=jax.ShapeDtypeStruct((E, DE), F32),
    )(xs, xt, ef, we, ws, wt, wa, wsim, bfc)


def kernel(x, edge_index, edge_feat, Wself, Wnei, Wedge, bconv, Wfc, bfc):
    src = edge_index[0]
    trg = edge_index[1]
    ef = edge_feat
    xa = jnp.zeros((NP, D), F32).at[:N].set(x)
    num_layers = Wself.shape[0]
    for i in range(num_layers):
        w_e = Wfc[i, :DE, :]
        w_s = Wfc[i, DE:DE + D, :]
        w_t = Wfc[i, DE + D:DE + 2 * D, :]
        w_a = Wfc[i, DE + 2 * D:DE + 3 * D, :]
        w_sim = Wfc[i, DE + 3 * D, :].reshape(1, DE)

        gp = _sc_scatter_g(xa, src, trg)
        fp = _sc_scatter_f(ef.reshape(-1), trg).reshape(NC, NP, DE)
        xn, xr = _tc_node(xa, gp[0], gp[1], fp[0], fp[1],
                          Wself[i], Wnei[i], Wedge[i], bconv[i].reshape(1, D))
        xs, xt = _sc_edge(xn, src, trg)
        ef = _tc_edge(xs, xt, ef, w_e, w_s, w_t, w_a, w_sim,
                      bfc[i].reshape(1, DE))
        xa = xr

    return ef

# --- scband reference (transcript-rebuilt; emitter-appended) ---
"""Pipeline reference for scband-eedge-path-mpnn-58256936403397 (READ-ONLY COPY).

The authoritative reference and input builder live on the scoring server;
editing this copy changes nothing except your own understanding.
"""

import jax, jax.numpy as jnp
import numpy as np

N = 10000      # nodes
E = 320000     # edges
D = 128        # node feature / hidden channels
DE = 16        # edge feature / hidden edge channels
L = 2          # num_layers
FC_IN = DE + 3 * D + 1  # edge_feat ++ x_src ++ x_trg ++ |x_src-x_trg| ++ cosine-sim
EPS = 1e-8


def setup_inputs(seed: int = 0) -> dict:
    key = jax.random.key(seed)
    ks = jax.random.split(key, 12)
    x = jax.random.normal(ks[0], (N, D), dtype=jnp.float32)
    edge_index = jax.random.randint(ks[1], (2, E), 0, N, dtype=jnp.int32)
    edge_feat = jax.random.normal(ks[2], (E, DE), dtype=jnp.float32)
    # learned params for L message-passing conv layers + L edge fc layers
    Wself = jax.random.normal(ks[3], (L, D, D), dtype=jnp.float32) * (1.0 / np.sqrt(D))
    Wnei = jax.random.normal(ks[4], (L, D, D), dtype=jnp.float32) * (1.0 / np.sqrt(D))
    Wedge = jax.random.normal(ks[5], (L, DE, D), dtype=jnp.float32) * (1.0 / np.sqrt(DE))
    bconv = jnp.zeros((L, D), dtype=jnp.float32)
    Wfc = jax.random.normal(ks[6], (L, FC_IN, DE), dtype=jnp.float32) * (1.0 / np.sqrt(FC_IN))
    bfc = jnp.zeros((L, DE), dtype=jnp.float32)
    return {"x": x, "edge_index": edge_index, "edge_feat": edge_feat,
            "Wself": Wself, "Wnei": Wnei, "Wedge": Wedge, "bconv": bconv,
            "Wfc": Wfc, "bfc": bfc}


def _cosine(xs, xt):
    # matches torch.nn.CosineSimilarity(dim=1, eps=1e-8)
    ns = jnp.maximum(jnp.linalg.norm(xs, axis=-1), EPS)
    nt = jnp.maximum(jnp.linalg.norm(xt, axis=-1), EPS)
    return jnp.sum((xs / ns[:, None]) * (xt / nt[:, None]), axis=-1)


def reference(x, edge_index, edge_feat, Wself, Wnei, Wedge, bconv, Wfc, bfc):
    src = edge_index[0]
    trg = edge_index[1]
    for i in range(L):
        # conv: edge-conditioned message passing, scatter-add to dst nodes
        msg = jnp.take(x, src, axis=0) @ Wnei[i] + edge_feat @ Wedge[i]
        agg = jax.ops.segment_sum(msg, trg, num_segments=N)
        x = x @ Wself[i] + agg + bconv[i]
        # edge path update
        x_src = jnp.take(x, src, axis=0)
        x_trg = jnp.take(x, trg, axis=0)
        similar = _cosine(x_src, x_trg)
        ef = jnp.concatenate(
            [edge_feat, x_src, x_trg, jnp.abs(x_src - x_trg), similar[:, None]],
            axis=-1)
        edge_feat = ef @ Wfc[i] + bfc[i]
        # norm=None; act=ReLU; dropout p=0.0
        x = jax.nn.relu(x)
    return edge_feat

if __name__ == "__main__":
    import jax
    _d = setup_inputs()
    print(jax.jit(kernel)(*tuple(_d.values())))

</pallas_src>

<mosaic_0001>
#map = affine_map<(d0, d1) -> (0, 0)>
#map1 = affine_map<(d0, d1) -> (0)>
#map2 = affine_map<(d0, d1) -> (0, 0, 0)>
module attributes {stable_mosaic.version = 14 : i64} {
  func.func @_sc_scatter_g_body(%arg0: i32, %arg1: i32, %arg2: memref<10112x128xf32, #tpu.memory_space<hbm>>, %arg3: memref<320000xi32, #tpu.memory_space<hbm>>, %arg4: memref<320000xi32, #tpu.memory_space<hbm>>, %arg5: memref<2x10112x128xf32, #tpu.memory_space<hbm>>, %arg6: memref<2000xi32, #tpu.memory_space<vmem>>, %arg7: memref<2000xi32, #tpu.memory_space<vmem>>, %arg8: memref<144xi32, #tpu.memory_space<vmem>>, %arg9: memref<144xi32, #tpu.memory_space<vmem>>, %arg10: memref<128xi32, #tpu.memory_space<vmem>>, %arg11: memref<144xi32, #tpu.memory_space<vmem>>, %arg12: memref<128x128xf32, #tpu.memory_space<vmem>>, %arg13: memref<632x128xf32, #tpu.memory_space<vmem>>, %arg14: memref<!tpu.dma_semaphore, #tpu.memory_space<semaphore_mem>>) attributes {dimension_semantics = [#tpu.dimension_semantics<core_parallel>, #tpu.dimension_semantics<subcore_parallel>], iteration_bounds = array<i64: 2, 16>, scalar_prefetch = 0 : i64, scratch_operands = 9 : i64, tpu.core_type = #tpu.core_type<sc_vector_subcore>, window_params = [{transform_indices = #map}, {transform_indices = #map1}, {transform_indices = #map1}, {transform_indices = #map2}]} {
    %mul3A = arith.constant 632 : i32
    %mul3A_0 = arith.muli %arg1, %mul3A : i32
    %mul3A_1 = arith.constant 160000 : i32
    %mul3A_2 = arith.muli %arg0, %mul3A_1 : i32
    %broadcast_in_dim3A = arith.constant 0.000000e+00 : f32
    %broadcast_in_dim3A_3 = vector.broadcast %broadcast_in_dim3A : f32 to vector<16xf32>
    %broadcast_in_dim3A_4 = arith.constant 0 : i32
    %broadcast_in_dim3A_5 = vector.broadcast %broadcast_in_dim3A_4 : i32 to vector<16xi32>
    %scan3A = arith.constant 0 : i32
    %scan3A_6 = arith.constant 0 : i32
    %scan3A_7 = arith.constant 5056 : i32
    %scan3A_8 = arith.addi %scan3A_6, %scan3A_7 : i32
    %scan3A_9 = arith.constant 1 : i32
    %scan3A_10 = scf.for %scan3A_132 = %scan3A_6 to %scan3A_8 step %scan3A_9 iter_args(%scan3A_133 = %scan3A) -> (i32)  : i32 {
      %jit3A = arith.constant 8 : i32
      %div3A = arith.divsi %scan3A_132, %jit3A : i32
      %sign3A = arith.constant 0 : i32
      %sign3A_134 = arith.cmpi sgt, %scan3A_132, %sign3A : i32
      %sign3A_135 = arith.extui %sign3A_134 : i1 to i32
      %sign3A_136 = arith.constant 0 : i32
      %sign3A_137 = arith.cmpi slt, %scan3A_132, %sign3A_136 : i32
      %sign3A_138 = arith.extui %sign3A_137 : i1 to i32
      %sign3A_139 = arith.subi %sign3A_135, %sign3A_138 : i32
      %sign3A_140 = arith.constant 0 : i32
      %sign3A_141 = arith.cmpi sgt, %jit3A, %sign3A_140 : i32
      %sign3A_142 = arith.extui %sign3A_141 : i1 to i32
      %sign3A_143 = arith.constant 0 : i32
      %sign3A_144 = arith.cmpi slt, %jit3A, %sign3A_143 : i32
      %sign3A_145 = arith.extui %sign3A_144 : i1 to i32
      %sign3A_146 = arith.subi %sign3A_142, %sign3A_145 : i32
      %ne3A = arith.cmpi ne, %sign3A_139, %sign3A_146 : i32
      %rem3A = arith.remsi %scan3A_132, %jit3A : i32
      %ne3A_147 = arith.constant 0 : i32
      %ne3A_148 = arith.cmpi ne, %rem3A, %ne3A_147 : i32
      %and3A = arith.andi %ne3A, %ne3A_148 : i1
      %sub3A = arith.constant 1 : i32
      %sub3A_149 = arith.subi %div3A, %sub3A : i32
      %select_n3A = arith.select %and3A, %sub3A_149, %div3A : i32
      %mul3A_150 = arith.constant 8 : i32
      %mul3A_151 = arith.muli %select_n3A, %mul3A_150 : i32
      %sub3A_152 = arith.subi %scan3A_132, %mul3A_151 : i32
      %mul3A_153 = arith.constant 16 : i32
      %mul3A_154 = arith.muli %sub3A_152, %mul3A_153 : i32
      %swap3A_155 = arith.index_cast %select_n3A : i32 to index
      %swap3A_156 = arith.index_cast %mul3A_154 : i32 to index
      %swap3A_157 = tpu.vector_load %arg13[%swap3A_155, %swap3A_156] {strides = array<i32>} : memref<632x128xf32, #tpu.memory_space<vmem>>, vector<16xf32>,
      tpu.vector_store %arg13[%swap3A_155, %swap3A_156], %broadcast_in_dim3A_3 {strides = array<i32>} : memref<632x128xf32, #tpu.memory_space<vmem>>, vector<16xf32>,
      %scan3A_158 = arith.constant 0 : i32
      scf.yield %scan3A_158 : i32
    }
    %scan3A_11 = arith.constant 5056 : i32
    %swap3A = arith.constant 0 : index
    %swap3A_12 = tpu.vector_load %arg8[%swap3A] {strides = array<i32>} : memref<144xi32, #tpu.memory_space<vmem>>, vector<16xi32>,
    tpu.vector_store %arg8[%swap3A], %broadcast_in_dim3A_5 {strides = array<i32>} : memref<144xi32, #tpu.memory_space<vmem>>, vector<16xi32>,
    %swap3A_13 = arith.constant 0 : index
    %swap3A_14 = tpu.vector_load %arg9[%swap3A_13] {strides = array<i32>} : memref<144xi32, #tpu.memory_space<vmem>>, vector<16xi32>,
    tpu.vector_store %arg9[%swap3A_13], %broadcast_in_dim3A_5 {strides = array<i32>} : memref<144xi32, #tpu.memory_space<vmem>>, vector<16xi32>,
    %swap3A_15 = arith.constant 16 : index
    %swap3A_16 = tpu.vector_load %arg8[%swap3A_15] {strides = array<i32>} : memref<144xi32, #tpu.memory_space<vmem>>, vector<16xi32>,
    tpu.vector_store %arg8[%swap3A_15], %broadcast_in_dim3A_5 {strides = array<i32>} : memref<144xi32, #tpu.memory_space<vmem>>, vector<16xi32>,
    %swap3A_17 = arith.constant 16 : index
    %swap3A_18 = tpu.vector_load %arg9[%swap3A_17] {strides = array<i32>} : memref<144xi32, #tpu.memory_space<vmem>>, vector<16xi32>,
    tpu.vector_store %arg9[%swap3A_17], %broadcast_in_dim3A_5 {strides = array<i32>} : memref<144xi32, #tpu.memory_space<vmem>>, vector<16xi32>,
    %swap3A_19 = arith.constant 32 : index
    %swap3A_20 = tpu.vector_load %arg8[%swap3A_19] {strides = array<i32>} : memref<144xi32, #tpu.memory_space<vmem>>, vector<16xi32>,
    tpu.vector_store %arg8[%swap3A_19], %broadcast_in_dim3A_5 {strides = array<i32>} : memref<144xi32, #tpu.memory_space<vmem>>, vector<16xi32>,
    %swap3A_21 = arith.constant 32 : index
    %swap3A_22 = tpu.vector_load %arg9[%swap3A_21] {strides = array<i32>} : memref<144xi32, #tpu.memory_space<vmem>>, vector<16xi32>,
    tpu.vector_store %arg9[%swap3A_21], %broadcast_in_dim3A_5 {strides = array<i32>} : memref<144xi32, #tpu.memory_space<vmem>>, vector<16xi32>,
    %swap3A_23 = arith.constant 48 : index
    %swap3A_24 = tpu.vector_load %arg8[%swap3A_23] {strides = array<i32>} : memref<144xi32, #tpu.memory_space<vmem>>, vector<16xi32>,
    tpu.vector_store %arg8[%swap3A_23], %broadcast_in_dim3A_5 {strides = array<i32>} : memref<144xi32, #tpu.memory_space<vmem>>, vector<16xi32>,
    %swap3A_25 = arith.constant 48 : index
    %swap3A_26 = tpu.vector_load %arg9[%swap3A_25] {strides = array<i32>} : memref<144xi32, #tpu.memory_space<vmem>>, vector<16xi32>,
    tpu.vector_store %arg9[%swap3A_25], %broadcast_in_dim3A_5 {strides = array<i32>} : memref<144xi32, #tpu.memory_space<vmem>>, vector<16xi32>,
    %swap3A_27 = arith.constant 64 : index
    %swap3A_28 = tpu.vector_load %arg8[%swap3A_27] {strides = array<i32>} : memref<144xi32, #tpu.memory_space<vmem>>, vector<16xi32>,
    tpu.vector_store %arg8[%swap3A_27], %broadcast_in_dim3A_5 {strides = array<i32>} : memref<144xi32, #tpu.memory_space<vmem>>, vector<16xi32>,
    %swap3A_29 = arith.constant 64 : index
    %swap3A_30 = tpu.vector_load %arg9[%swap3A_29] {strides = array<i32>} : memref<144xi32, #tpu.memory_space<vmem>>, vector<16xi32>,
    tpu.vector_store %arg9[%swap3A_29], %broadcast_in_dim3A_5 {strides = array<i32>} : memref<144xi32, #tpu.memory_space<vmem>>, vector<16xi32>,
    %swap3A_31 = arith.constant 80 : index
    %swap3A_32 = tpu.vector_load %arg8[%swap3A_31] {strides = array<i32>} : memref<144xi32, #tpu.memory_space<vmem>>, vector<16xi32>,
    tpu.vector_store %arg8[%swap3A_31], %broadcast_in_dim3A_5 {strides = array<i32>} : memref<144xi32, #tpu.memory_space<vmem>>, vector<16xi32>,
    %swap3A_33 = arith.constant 80 : index
    %swap3A_34 = tpu.vector_load %arg9[%swap3A_33] {strides = array<i32>} : memref<144xi32, #tpu.memory_space<vmem>>, vector<16xi32>,
    tpu.vector_store %arg9[%swap3A_33], %broadcast_in_dim3A_5 {strides = array<i32>} : memref<144xi32, #tpu.memory_space<vmem>>, vector<16xi32>,
    %swap3A_35 = arith.constant 96 : index
    %swap3A_36 = tpu.vector_load %arg8[%swap3A_35] {strides = array<i32>} : memref<144xi32, #tpu.memory_space<vmem>>, vector<16xi32>,
    tpu.vector_store %arg8[%swap3A_35], %broadcast_in_dim3A_5 {strides = array<i32>} : memref<144xi32, #tpu.memory_space<vmem>>, vector<16xi32>,
    %swap3A_37 = arith.constant 96 : index
    %swap3A_38 = tpu.vector_load %arg9[%swap3A_37] {strides = array<i32>} : memref<144xi32, #tpu.memory_space<vmem>>, vector<16xi32>,
    tpu.vector_store %arg9[%swap3A_37], %broadcast_in_dim3A_5 {strides = array<i32>} : memref<144xi32, #tpu.memory_space<vmem>>, vector<16xi32>,
    %swap3A_39 = arith.constant 112 : index
    %swap3A_40 = tpu.vector_load %arg8[%swap3A_39] {strides = array<i32>} : memref<144xi32, #tpu.memory_space<vmem>>, vector<16xi32>,
    tpu.vector_store %arg8[%swap3A_39], %broadcast_in_dim3A_5 {strides = array<i32>} : memref<144xi32, #tpu.memory_space<vmem>>, vector<16xi32>,
    %swap3A_41 = arith.constant 112 : index
    %swap3A_42 = tpu.vector_load %arg9[%swap3A_41] {strides = array<i32>} : memref<144xi32, #tpu.memory_space<vmem>>, vector<16xi32>,
    tpu.vector_store %arg9[%swap3A_41], %broadcast_in_dim3A_5 {strides = array<i32>} : memref<144xi32, #tpu.memory_space<vmem>>, vector<16xi32>,
    %swap3A_43 = arith.constant 128 : index
    %swap3A_44 = tpu.vector_load %arg8[%swap3A_43] {strides = array<i32>} : memref<144xi32, #tpu.memory_space<vmem>>, vector<16xi32>,
    tpu.vector_store %arg8[%swap3A_43], %broadcast_in_dim3A_5 {strides = array<i32>} : memref<144xi32, #tpu.memory_space<vmem>>, vector<16xi32>,
    %swap3A_45 = arith.constant 128 : index
    %swap3A_46 = tpu.vector_load %arg9[%swap3A_45] {strides = array<i32>} : memref<144xi32, #tpu.memory_space<vmem>>, vector<16xi32>,
    tpu.vector_store %arg9[%swap3A_45], %broadcast_in_dim3A_5 {strides = array<i32>} : memref<144xi32, #tpu.memory_space<vmem>>, vector<16xi32>,
    %scan3A_47 = arith.constant 0 : i32
    %scan3A_48 = arith.constant 0 : i32
    %scan3A_49 = arith.constant 80 : i32
    %scan3A_50 = arith.addi %scan3A_48, %scan3A_49 : i32
    %scan3A_51 = arith.constant 1 : i32
    %scan3A_52 = scf.for %scan3A_132 = %scan3A_48 to %scan3A_50 step %scan3A_51 iter_args(%scan3A_133 = %scan3A_47) -> (i32)  : i32 {
      %mul3A_134 = arith.constant 2000 : i32
      %mul3A_135 = arith.muli %scan3A_132, %mul3A_134 : i32
      %add3A = arith.addi %mul3A_2, %mul3A_135 : i32
      "tpu.region"() ({
        %run_scoped3A = tpu.sem_alloc : memref<!tpu.dma_semaphore, #tpu.memory_space<semaphore_mem>>
        %dma_start3A_142 = tpu.memref_slice %arg3[%add3A] : memref<320000xi32, #tpu.memory_space<hbm>> -> memref<2000xi32, #tpu.memory_space<hbm>>
        %dma_start3A_143 = tpu.memref_slice %arg3[%add3A] : memref<320000xi32, #tpu.memory_space<hbm>> -> memref<2000xi32, #tpu.memory_space<hbm>>
        tpu.enqueue_dma source(%dma_start3A_143 : memref<2000xi32, #tpu.memory_space<hbm>>) target(%arg6 : memref<2000xi32, #tpu.memory_space<vmem>>) target_semaphore(%run_scoped3A : memref<!tpu.dma_semaphore, #tpu.memory_space<semaphore_mem>>)
        %dma_wait3A_144 = tpu.memref_slice %arg3[%add3A] : memref<320000xi32, #tpu.memory_space<hbm>> -> memref<2000xi32, #tpu.memory_space<hbm>>
        %dma_wait3A_145 = tpu.memref_slice %arg3[%add3A] : memref<320000xi32, #tpu.memory_space<hbm>> -> memref<2000xi32, #tpu.memory_space<hbm>>
        tpu.wait_dma2 semaphore(%run_scoped3A : memref<!tpu.dma_semaphore, #tpu.memory_space<semaphore_mem>>) src(%dma_wait3A_145 : memref<2000xi32, #tpu.memory_space<hbm>>) dst(%arg6 : memref<2000xi32, #tpu.memory_space<vmem>>)
        tpu.yield
      }) : () -> ()
      "tpu.region"() ({
        %run_scoped3A = tpu.sem_alloc : memref<!tpu.dma_semaphore, #tpu.memory_space<semaphore_mem>>
        %dma_start3A_142 = tpu.memref_slice %arg4[%add3A] : memref<320000xi32, #tpu.memory_space<hbm>> -> memref<2000xi32, #tpu.memory_space<hbm>>
        %dma_start3A_143 = tpu.memref_slice %arg4[%add3A] : memref<320000xi32, #tpu.memory_space<hbm>> -> memref<2000xi32, #tpu.memory_space<hbm>>
        tpu.enqueue_dma source(%dma_start3A_143 : memref<2000xi32, #tpu.memory_space<hbm>>) target(%arg7 : memref<2000xi32, #tpu.memory_space<vmem>>) target_semaphore(%run_scoped3A : memref<!tpu.dma_semaphore, #tpu.memory_space<semaphore_mem>>)
        %dma_wait3A_144 = tpu.memref_slice %arg4[%add3A] : memref<320000xi32, #tpu.memory_space<hbm>> -> memref<2000xi32, #tpu.memory_space<hbm>>
        %dma_wait3A_145 = tpu.memref_slice %arg4[%add3A] : memref<320000xi32, #tpu.memory_space<hbm>> -> memref<2000xi32, #tpu.memory_space<hbm>>
        tpu.wait_dma2 semaphore(%run_scoped3A : memref<!tpu.dma_semaphore, #tpu.memory_space<semaphore_mem>>) src(%dma_wait3A_145 : memref<2000xi32, #tpu.memory_space<hbm>>) dst(%arg7 : memref<2000xi32, #tpu.memory_space<vmem>>)
        tpu.yield
      }) : () -> ()
      %scan3A_136 = arith.constant 0 : i32
      %scan3A_137 = arith.constant 125 : i32
      %scan3A_138 = arith.addi %scan3A_136, %scan3A_137 : i32
      %scan3A_139 = arith.constant 1 : i32
      %scan3A_140 = scf.for %scan3A_142 = %scan3A_136 to %scan3A_138 step %scan3A_139 iter_args(%scan3A_143 = %scan3A_133) -> (i32)  : i32 {
        %mul3A_144 = arith.constant 16 : i32
        %mul3A_145 = arith.muli %scan3A_142, %mul3A_144 : i32
        %get3A_146 = arith.index_cast %mul3A_145 : i32 to index
        %get3A_147 = tpu.vector_load %arg7[%get3A_146] {strides = array<i32>} : memref<2000xi32, #tpu.memory_space<vmem>>, vector<16xi32>,
        %mul3A_148 = arith.constant 16 : i32
        %mul3A_149 = arith.muli %scan3A_142, %mul3A_148 : i32
        %get3A_150 = arith.index_cast %mul3A_149 : i32 to index
        %get3A_151 = tpu.vector_load %arg6[%get3A_150] {strides = array<i32>} : memref<2000xi32, #tpu.memory_space<vmem>>, vector<16xi32>,
        %ge3A = vector.broadcast %mul3A_0 : i32 to vector<16xi32>
        %ge3A_152 = arith.cmpi sge, %get3A_147, %ge3A : vector<16xi32>
        %add3A_153 = arith.constant 632 : i32
        %add3A_154 = arith.addi %mul3A_0, %add3A_153 : i32
        %lt3A = vector.broadcast %add3A_154 : i32 to vector<16xi32>
        %lt3A_155 = arith.cmpi slt, %get3A_147, %lt3A : vector<16xi32>
        %and3A = arith.andi %ge3A_152, %lt3A_155 : vector<16xi1>
        %swap3A_156 = arith.index_cast %scan3A_143 : i32 to index
        %swap3A_157 = tpu.vector_load %arg8[%swap3A_156] masked %and3A {strides = array<i32>} : memref<144xi32, #tpu.memory_space<vmem>>, vector<16xi32>, vector<16xi1>
        tpu.vector_store %arg8[%swap3A_156], %get3A_151 masked %and3A {strides = array<i32>} : memref<144xi32, #tpu.memory_space<vmem>>, vector<16xi32>, vector<16xi1>
        %swap3A_158 = arith.index_cast %scan3A_143 : i32 to index
        %swap3A_159 = tpu.vector_load %arg9[%swap3A_158] masked %and3A {strides = array<i32>} : memref<144xi32, #tpu.memory_space<vmem>>, vector<16xi32>, vector<16xi1>
        tpu.vector_store %arg9[%swap3A_158], %get3A_147 masked %and3A {strides = array<i32>} : memref<144xi32, #tpu.memory_space<vmem>>, vector<16xi32>, vector<16xi1>
        %convert_element_type3A = arith.extui %and3A : vector<16xi1> to vector<16xi32>
        %reduce_sum3A = arith.constant true
        %reduce_sum3A_160 = vector.broadcast %reduce_sum3A : i1 to vector<16xi1>
        %reduce_sum3A_161 = tpu.scan <sum>, %convert_element_type3A masked %reduce_sum3A_160 : vector<16xi32>, vector<16xi1> -> vector<16xi32>
        %reduce_sum3A_162 = vector.extract %reduce_sum3A_161[15] : i32 from vector<16xi32>
        %add3A_163 = arith.addi %scan3A_143, %reduce_sum3A_162 : i32
        %ge3A_164 = arith.constant 128 : i32
        %ge3A_165 = arith.cmpi sge, %add3A_163, %ge3A_164 : i32
        %convert_element_type3A_166 = arith.extui %ge3A_165 : i1 to i32
        %cond3A = arith.constant 0 : i32
        %cond3A_167 = arith.cmpi ne, %convert_element_type3A_166, %cond3A : i32
        scf.if %cond3A_167 {
          %get3A_171 = arith.constant 0 : index
          %get3A_172 = tpu.vector_load %arg8[%get3A_171] {strides = array<i32>} : memref<144xi32, #tpu.memory_space<vmem>>, vector<16xi32>,
          %swap3A_173 = arith.constant 0 : index
          %swap3A_174 = tpu.vector_load %arg10[%swap3A_173] {strides = array<i32>} : memref<128xi32, #tpu.memory_space<vmem>>, vector<16xi32>,
          tpu.vector_store %arg10[%swap3A_173], %get3A_172 {strides = array<i32>} : memref<128xi32, #tpu.memory_space<vmem>>, vector<16xi32>,
          %get3A_175 = arith.constant 0 : index
          %get3A_176 = tpu.vector_load %arg9[%get3A_175] {strides = array<i32>} : memref<144xi32, #tpu.memory_space<vmem>>, vector<16xi32>,
          %swap3A_177 = arith.constant 0 : index
          %swap3A_178 = tpu.vector_load %arg11[%swap3A_177] {strides = array<i32>} : memref<144xi32, #tpu.memory_space<vmem>>, vector<16xi32>,
          tpu.vector_store %arg11[%swap3A_177], %get3A_176 {strides = array<i32>} : memref<144xi32, #tpu.memory_space<vmem>>, vector<16xi32>,
          %get3A_179 = arith.constant 16 : index
          %get3A_180 = tpu.vector_load %arg8[%get3A_179] {strides = array<i32>} : memref<144xi32, #tpu.memory_space<vmem>>, vector<16xi32>,
          %swap3A_181 = arith.constant 16 : index
          %swap3A_182 = tpu.vector_load %arg10[%swap3A_181] {strides = array<i32>} : memref<128xi32, #tpu.memory_space<vmem>>, vector<16xi32>,
          tpu.vector_store %arg10[%swap3A_181], %get3A_180 {strides = array<i32>} : memref<128xi32, #tpu.memory_space<vmem>>, vector<16xi32>,
          %get3A_183 = arith.constant 16 : index
          %get3A_184 = tpu.vector_load %arg9[%get3A_183] {strides = array<i32>} : memref<144xi32, #tpu.memory_space<vmem>>, vector<16xi32>,
          %swap3A_185 = arith.constant 16 : index
          %swap3A_186 = tpu.vector_load %arg11[%swap3A_185] {strides = array<i32>} : memref<144xi32, #tpu.memory_space<vmem>>, vector<16xi32>,
          tpu.vector_store %arg11[%swap3A_185], %get3A_184 {strides = array<i32>} : memref<144xi32, #tpu.memory_space<vmem>>, vector<16xi32>,
          %get3A_187 = arith.constant 32 : index
          %get3A_188 = tpu.vector_load %arg8[%get3A_187] {strides = array<i32>} : memref<144xi32, #tpu.memory_space<vmem>>, vector<16xi32>,
          %swap3A_189 = arith.constant 32 : index
          %swap3A_190 = tpu.vector_load %arg10[%swap3A_189] {strides = array<i32>} : memref<128xi32, #tpu.memory_space<vmem>>, vector<16xi32>,
          tpu.vector_store %arg10[%swap3A_189], %get3A_188 {strides = array<i32>} : memref<128xi32, #tpu.memory_space<vmem>>, vector<16xi32>,
          %get3A_191 = arith.constant 32 : index
          %get3A_192 = tpu.vector_load %arg9[%get3A_191] {strides = array<i32>} : memref<144xi32, #tpu.memory_space<vmem>>, vector<16xi32>,
          %swap3A_193 = arith.constant 32 : index
          %swap3A_194 = tpu.vector_load %arg11[%swap3A_193] {strides = array<i32>} : memref<144xi32, #tpu.memory_space<vmem>>, vector<16xi32>,
          tpu.vector_store %arg11[%swap3A_193], %get3A_192 {strides = array<i32>} : memref<144xi32, #tpu.memory_space<vmem>>, vector<16xi32>,
          %get3A_195 = arith.constant 48 : index
          %get3A_196 = tpu.vector_load %arg8[%get3A_195] {strides = array<i32>} : memref<144xi32, #tpu.memory_space<vmem>>, vector<16xi32>,
          %swap3A_197 = arith.constant 48 : index
          %swap3A_198 = tpu.vector_load %arg10[%swap3A_197] {strides = array<i32>} : memref<128xi32, #tpu.memory_space<vmem>>, vector<16xi32>,
          tpu.vector_store %arg10[%swap3A_197], %get3A_196 {strides = array<i32>} : memref<128xi32, #tpu.memory_space<vmem>>, vector<16xi32>,
          %get3A_199 = arith.constant 48 : index
          %get3A_200 = tpu.vector_load %arg9[%get3A_199] {strides = array<i32>} : memref<144xi32, #tpu.memory_space<vmem>>, vector<16xi32>,
          %swap3A_201 = arith.constant 48 : index
          %swap3A_202 = tpu.vector_load %arg11[%swap3A_201] {strides = array<i32>} : memref<144xi32, #tpu.memory_space<vmem>>, vector<16xi32>,
          tpu.vector_store %arg11[%swap3A_201], %get3A_200 {strides = array<i32>} : memref<144xi32, #tpu.memory_space<vmem>>, vector<16xi32>,
          %get3A_203 = arith.constant 64 : index
          %get3A_204 = tpu.vector_load %arg8[%get3A_203] {strides = array<i32>} : memref<144xi32, #tpu.memory_space<vmem>>, vector<16xi32>,
          %swap3A_205 = arith.constant 64 : index
          %swap3A_206 = tpu.vector_load %arg10[%swap3A_205] {strides = array<i32>} : memref<128xi32, #tpu.memory_space<vmem>>, vector<16xi32>,
          tpu.vector_store %arg10[%swap3A_205], %get3A_204 {strides = array<i32>} : memref<128xi32, #tpu.memory_space<vmem>>, vector<16xi32>,
          %get3A_207 = arith.constant 64 : index
          %get3A_208 = tpu.vector_load %arg9[%get3A_207] {strides = array<i32>} : memref<144xi32, #tpu.memory_space<vmem>>, vector<16xi32>,
          %swap3A_209 = arith.constant 64 : index
          %swap3A_210 = tpu.vector_load %arg11[%swap3A_209] {strides = array<i32>} : memref<144xi32, #tpu.memory_space<vmem>>, vector<16xi32>,
          tpu.vector_store %arg11[%swap3A_209], %get3A_208 {strides = array<i32>} : memref<144xi32, #tpu.memory_space<vmem>>, vector<16xi32>,
          %get3A_211 = arith.constant 80 : index
          %get3A_212 = tpu.vector_load %arg8[%get3A_211] {strides = array<i32>} : memref<144xi32, #tpu.memory_space<vmem>>, vector<16xi32>,
          %swap3A_213 = arith.constant 80 : index
          %swap3A_214 = tpu.vector_load %arg10[%swap3A_213] {strides = array<i32>} : memref<128xi32, #tpu.memory_space<vmem>>, vector<16xi32>,
          tpu.vector_store %arg10[%swap3A_213], %get3A_212 {strides = array<i32>} : memref<128xi32, #tpu.memory_space<vmem>>, vector<16xi32>,
          %get3A_215 = arith.constant 80 : index
          %get3A_216 = tpu.vector_load %arg9[%get3A_215] {strides = array<i32>} : memref<144xi32, #tpu.memory_space<vmem>>, vector<16xi32>,
          %swap3A_217 = arith.constant 80 : index
          %swap3A_218 = tpu.vector_load %arg11[%swap3A_217] {strides = array<i32>} : memref<144xi32, #tpu.memory_space<vmem>>, vector<16xi32>,
          tpu.vector_store %arg11[%swap3A_217], %get3A_216 {strides = array<i32>} : memref<144xi32, #tpu.memory_space<vmem>>, vector<16xi32>,
          %get3A_219 = arith.constant 96 : index
          %get3A_220 = tpu.vector_load %arg8[%get3A_219] {strides = array<i32>} : memref<144xi32, #tpu.memory_space<vmem>>, vector<16xi32>,
          %swap3A_221 = arith.constant 96 : index
          %swap3A_222 = tpu.vector_load %arg10[%swap3A_221] {strides = array<i32>} : memref<128xi32, #tpu.memory_space<vmem>>, vector<16xi32>,
          tpu.vector_store %arg10[%swap3A_221], %get3A_220 {strides = array<i32>} : memref<128xi32, #tpu.memory_space<vmem>>, vector<16xi32>,
          %get3A_223 = arith.constant 96 : index
          %get3A_224 = tpu.vector_load %arg9[%get3A_223] {strides = array<i32>} : memref<144xi32, #tpu.memory_space<vmem>>, vector<16xi32>,
          %swap3A_225 = arith.constant 96 : index
          %swap3A_226 = tpu.vector_load %arg11[%swap3A_225] {strides = array<i32>} : memref<144xi32, #tpu.memory_space<vmem>>, vector<16xi32>,
          tpu.vector_store %arg11[%swap3A_225], %get3A_224 {strides = array<i32>} : memref<144xi32, #tpu.memory_space<vmem>>, vector<16xi32>,
          %get3A_227 = arith.constant 112 : index
          %get3A_228 = tpu.vector_load %arg8[%get3A_227] {strides = array<i32>} : memref<144xi32, #tpu.memory_space<vmem>>, vector<16xi32>,
          %swap3A_229 = arith.constant 112 : index
          %swap3A_230 = tpu.vector_load %arg10[%swap3A_229] {strides = array<i32>} : memref<128xi32, #tpu.memory_space<vmem>>, vector<16xi32>,
          tpu.vector_store %arg10[%swap3A_229], %get3A_228 {strides = array<i32>} : memref<128xi32, #tpu.memory_space<vmem>>, vector<16xi32>,
          %get3A_231 = arith.constant 112 : index
          %get3A_232 = tpu.vector_load %arg9[%get3A_231] {strides = array<i32>} : memref<144xi32, #tpu.memory_space<vmem>>, vector<16xi32>,
          %swap3A_233 = arith.constant 112 : index
          %swap3A_234 = tpu.vector_load %arg11[%swap3A_233] {strides = array<i32>} : memref<144xi32, #tpu.memory_space<vmem>>, vector<16xi32>,
          tpu.vector_store %arg11[%swap3A_233], %get3A_232 {strides = array<i32>} : memref<144xi32, #tpu.memory_space<vmem>>, vector<16xi32>,
          %dma_start3A_235 = arith.constant 0 : i32
          %dma_start3A_236 = arith.constant 0 : i32
          %dma_start3A_237 = tpu.memref_slice %arg2[%dma_start3A_235, %dma_start3A_236] : memref<10112x128xf32, #tpu.memory_space<hbm>> -> memref<10112x128xf32, #tpu.memory_space<hbm>>
          tpu.enqueue_indirect_dma source(%dma_start3A_237 : memref<10112x128xf32, #tpu.memory_space<hbm>>) target(%arg12 : memref<128x128xf32, #tpu.memory_space<vmem>>) offsets(%arg10 : memref<128xi32, #tpu.memory_space<vmem>>) semaphore(%arg14 : memref<!tpu.dma_semaphore, #tpu.memory_space<semaphore_mem>>)
          %dma_wait3A_238 = arith.constant 0 : i32
          %dma_wait3A_239 = arith.constant 0 : i32
          %dma_wait3A_240 = tpu.memref_slice %arg2[%dma_wait3A_238, %dma_wait3A_239] : memref<10112x128xf32, #tpu.memory_space<hbm>> -> memref<10112x128xf32, #tpu.memory_space<hbm>>
          tpu.wait_indirect_dma semaphore(%arg14 : memref<!tpu.dma_semaphore, #tpu.memory_space<semaphore_mem>>) src(%dma_wait3A_240 : memref<10112x128xf32, #tpu.memory_space<hbm>>) dst(%arg12 : memref<128x128xf32, #tpu.memory_space<vmem>>)
          %scan3A_241 = arith.constant 0 : i32
          %scan3A_242 = arith.constant 0 : i32
          %scan3A_243 = arith.constant 128 : i32
          %scan3A_244 = arith.addi %scan3A_242, %scan3A_243 : i32
          %scan3A_245 = arith.constant 1 : i32
          %scan3A_246 = scf.for %scan3A_256 = %scan3A_242 to %scan3A_244 step %scan3A_245 iter_args(%scan3A_257 = %scan3A_241) -> (i32)  : i32 {
            %get3A_258 = arith.index_cast %scan3A_256 : i32 to index
            %get3A_259 = tpu.vector_load %arg11[%get3A_258] {strides = array<i32>} : memref<144xi32, #tpu.memory_space<vmem>>, vector<16xi32>,
            %slice3A = vector.extract_strided_slice %get3A_259 {offsets = [0], sizes = [1], strides = [1]} : vector<16xi32> to vector<1xi32>
            %squeeze3A = vector.extract %slice3A[0] : i32 from vector<1xi32>
            %sub3A_260 = arith.subi %squeeze3A, %mul3A_0 : i32
            %get3A_261 = arith.index_cast %sub3A_260 : i32 to index
            %get3A_262 = arith.constant 0 : index
            %get3A_263 = tpu.vector_load %arg13[%get3A_261, %get3A_262] {strides = array<i32>} : memref<632x128xf32, #tpu.memory_space<vmem>>, vector<16xf32>,
            %get3A_264 = arith.index_cast %scan3A_256 : i32 to index
            %get3A_265 = arith.constant 0 : index
            %get3A_266 = tpu.vector_load %arg12[%get3A_264, %get3A_265] {strides = array<i32>} : memref<128x128xf32, #tpu.memory_space<vmem>>, vector<16xf32>,
            %add3A_267 = arith.addf %get3A_263, %get3A_266 : vector<16xf32>
            %swap3A_268 = arith.index_cast %sub3A_260 : i32 to index
            %swap3A_269 = arith.constant 0 : index
            %swap3A_270 = tpu.vector_load %arg13[%swap3A_268, %swap3A_269] {strides = array<i32>} : memref<632x128xf32, #tpu.memory_space<vmem>>, vector<16xf32>,
            tpu.vector_store %arg13[%swap3A_268, %swap3A_269], %add3A_267 {strides = array<i32>} : memref<632x128xf32, #tpu.memory_space<vmem>>, vector<16xf32>,
            %get3A_271 = arith.index_cast %sub3A_260 : i32 to index
            %get3A_272 = arith.constant 16 : index
            %get3A_273 = tpu.vector_load %arg13[%get3A_271, %get3A_272] {strides = array<i32>} : memref<632x128xf32, #tpu.memory_space<vmem>>, vector<16xf32>,
            %get3A_274 = arith.index_cast %scan3A_256 : i32 to index
            %get3A_275 = arith.constant 16 : index
            %get3A_276 = tpu.vector_load %arg12[%get3A_274, %get3A_275] {strides = array<i32>} : memref<128x128xf32, #tpu.memory_space<vmem>>, vector<16xf32>,
            %add3A_277 = arith.addf %get3A_273, %get3A_276 : vector<16xf32>
            %swap3A_278 = arith.index_cast %sub3A_260 : i32 to index
            %swap3A_279 = arith.constant 16 : index
            %swap3A_280 = tpu.vector_load %arg13[%swap3A_278, %swap3A_279] {strides = array<i32>} : memref<632x128xf32, #tpu.memory_space<vmem>>, vector<16xf32>,
            tpu.vector_store %arg13[%swap3A_278, %swap3A_279], %add3A_277 {strides = array<i32>} : memref<632x128xf32, #tpu.memory_space<vmem>>, vector<16xf32>,
            %get3A_281 = arith.index_cast %sub3A_260 : i32 to index
            %get3A_282 = arith.constant 32 : index
            %get3A_283 = tpu.vector_load %arg13[%get3A_281, %get3A_282] {strides = array<i32>} : memref<632x128xf32, #tpu.memory_space<vmem>>, vector<16xf32>,
            %get3A_284 = arith.index_cast %scan3A_256 : i32 to index
            %get3A_285 = arith.constant 32 : index
            %get3A_286 = tpu.vector_load %arg12[%get3A_284, %get3A_285] {strides = array<i32>} : memref<128x128xf32, #tpu.memory_space<vmem>>, vector<16xf32>,
            %add3A_287 = arith.addf %get3A_283, %get3A_286 : vector<16xf32>
            %swap3A_288 = arith.index_cast %sub3A_260 : i32 to index
            %swap3A_289 = arith.constant 32 : index
            %swap3A_290 = tpu.vector_load %arg13[%swap3A_288, %swap3A_289] {strides = array<i32>} : memref<632x128xf32, #tpu.memory_space<vmem>>, vector<16xf32>,
            tpu.vector_store %arg13[%swap3A_288, %swap3A_289], %add3A_287 {strides = array<i32>} : memref<632x128xf32, #tpu.memory_space<vmem>>, vector<16xf32>,
            %get3A_291 = arith.index_cast %sub3A_260 : i32 to index
            %get3A_292 = arith.constant 48 : index
            %get3A_293 = tpu.vector_load %arg13[%get3A_291, %get3A_292] {strides = array<i32>} : memref<632x128xf32, #tpu.memory_space<vmem>>, vector<16xf32>,
            %get3A_294 = arith.index_cast %scan3A_256 : i32 to index
            %get3A_295 = arith.constant 48 : index
            %get3A_296 = tpu.vector_load %arg12[%get3A_294, %get3A_295] {strides = array<i32>} : memref<128x128xf32, #tpu.memory_space<vmem>>, vector<16xf32>,
            %add3A_297 = arith.addf %get3A_293, %get3A_296 : vector<16xf32>
            %swap3A_298 = arith.index_cast %sub3A_260 : i32 to index
            %swap3A_299 = arith.constant 48 : index
            %swap3A_300 = tpu.vector_load %arg13[%swap3A_298, %swap3A_299] {strides = array<i32>} : memref<632x128xf32, #tpu.memory_space<vmem>>, vector<16xf32>,
            tpu.vector_store %arg13[%swap3A_298, %swap3A_299], %add3A_297 {strides = array<i32>} : memref<632x128xf32, #tpu.memory_space<vmem>>, vector<16xf32>,
            %get3A_301 = arith.index_cast %sub3A_260 : i32 to index
            %get3A_302 = arith.constant 64 : index
            %get3A_303 = tpu.vector_load %arg13[%get3A_301, %get3A_302] {strides = array<i32>} : memref<632x128xf32, #tpu.memory_space<vmem>>, vector<16xf32>,
            %get3A_304 = arith.index_cast %scan3A_256 : i32 to index
            %get3A_305 = arith.constant 64 : index
            %get3A_306 = tpu.vector_load %arg12[%get3A_304, %get3A_305] {strides = array<i32>} : memref<128x128xf32, #tpu.memory_space<vmem>>, vector<16xf32>,
            %add3A_307 = arith.addf %get3A_303, %get3A_306 : vector<16xf32>
            %swap3A_308 = arith.index_cast %sub3A_260 : i32 to index
            %swap3A_309 = arith.constant 64 : index
            %swap3A_310 = tpu.vector_load %arg13[%swap3A_308, %swap3A_309] {strides = array<i32>} : memref<632x128xf32, #tpu.memory_space<vmem>>, vector<16xf32>,
            tpu.vector_store %arg13[%swap3A_308, %swap3A_309], %add3A_307 {strides = array<i32>} : memref<632x128xf32, #tpu.memory_space<vmem>>, vector<16xf32>,
            %get3A_311 = arith.index_cast %sub3A_260 : i32 to index
            %get3A_312 = arith.constant 80 : index
            %get3A_313 = tpu.vector_load %arg13[%get3A_311, %get3A_312] {strides = array<i32>} : memref<632x128xf32, #tpu.memory_space<vmem>>, vector<16xf32>,
            %get3A_314 = arith.index_cast %scan3A_256 : i32 to index
            %get3A_315 = arith.constant 80 : index
            %get3A_316 = tpu.vector_load %arg12[%get3A_314, %get3A_315] {strides = array<i32>} : memref<128x128xf32, #tpu.memory_space<vmem>>, vector<16xf32>,
            %add3A_317 = arith.addf %get3A_313, %get3A_316 : vector<16xf32>
            %swap3A_318 = arith.index_cast %sub3A_260 : i32 to index
            %swap3A_319 = arith.constant 80 : index
            %swap3A_320 = tpu.vector_load %arg13[%swap3A_318, %swap3A_319] {strides = array<i32>} : memref<632x128xf32, #tpu.memory_space<vmem>>, vector<16xf32>,
            tpu.vector_store %arg13[%swap3A_318, %swap3A_319], %add3A_317 {strides = array<i32>} : memref<632x128xf32, #tpu.memory_space<vmem>>, vector<16xf32>,
            %get3A_321 = arith.index_cast %sub3A_260 : i32 to index
            %get3A_322 = arith.constant 96 : index
            %get3A_323 = tpu.vector_load %arg13[%get3A_321, %get3A_322] {strides = array<i32>} : memref<632x128xf32, #tpu.memory_space<vmem>>, vector<16xf32>,
            %get3A_324 = arith.index_cast %scan3A_256 : i32 to index
            %get3A_325 = arith.constant 96 : index
            %get3A_326 = tpu.vector_load %arg12[%get3A_324, %get3A_325] {strides = array<i32>} : memref<128x128xf32, #tpu.memory_space<vmem>>, vector<16xf32>,
            %add3A_327 = arith.addf %get3A_323, %get3A_326 : vector<16xf32>
            %swap3A_328 = arith.index_cast %sub3A_260 : i32 to index
            %swap3A_329 = arith.constant 96 : index
            %swap3A_330 = tpu.vector_load %arg13[%swap3A_328, %swap3A_329] {strides = array<i32>} : memref<632x128xf32, #tpu.memory_space<vmem>>, vector<16xf32>,
            tpu.vector_store %arg13[%swap3A_328, %swap3A_329], %add3A_327 {strides = array<i32>} : memref<632x128xf32, #tpu.memory_space<vmem>>, vector<16xf32>,
            %get3A_331 = arith.index_cast %sub3A_260 : i32 to index
            %get3A_332 = arith.constant 112 : index
            %get3A_333 = tpu.vector_load %arg13[%get3A_331, %get3A_332] {strides = array<i32>} : memref<632x128xf32, #tpu.memory_space<vmem>>, vector<16xf32>,
            %get3A_334 = arith.index_cast %scan3A_256 : i32 to index
            %get3A_335 = arith.constant 112 : index
            %get3A_336 = tpu.vector_load %arg12[%get3A_334, %get3A_335] {strides = array<i32>} : memref<128x128xf32, #tpu.memory_space<vmem>>, vector<16xf32>,
            %add3A_337 = arith.addf %get3A_333, %get3A_336 : vector<16xf32>
            %swap3A_338 = arith.index_cast %sub3A_260 : i32 to index
            %swap3A_339 = arith.constant 112 : index
            %swap3A_340 = tpu.vector_load %arg13[%swap3A_338, %swap3A_339] {strides = array<i32>} : memref<632x128xf32, #tpu.memory_space<vmem>>, vector<16xf32>,
            tpu.vector_store %arg13[%swap3A_338, %swap3A_339], %add3A_337 {strides = array<i32>} : memref<632x128xf32, #tpu.memory_space<vmem>>, vector<16xf32>,
            %scan3A_341 = arith.constant 0 : i32
            scf.yield %scan3A_341 : i32
          }
          %scan3A_247 = arith.constant 128 : i32
          %get3A_248 = arith.constant 128 : index
          %get3A_249 = tpu.vector_load %arg8[%get3A_248] {strides = array<i32>} : memref<144xi32, #tpu.memory_space<vmem>>, vector<16xi32>,
          %swap3A_250 = arith.constant 0 : index
          %swap3A_251 = tpu.vector_load %arg8[%swap3A_250] {strides = array<i32>} : memref<144xi32, #tpu.memory_space<vmem>>, vector<16xi32>,
          tpu.vector_store %arg8[%swap3A_250], %get3A_249 {strides = array<i32>} : memref<144xi32, #tpu.memory_space<vmem>>, vector<16xi32>,
          %get3A_252 = arith.constant 128 : index
          %get3A_253 = tpu.vector_load %arg9[%get3A_252] {strides = array<i32>} : memref<144xi32, #tpu.memory_space<vmem>>, vector<16xi32>,
          %swap3A_254 = arith.constant 0 : index
          %swap3A_255 = tpu.vector_load %arg9[%swap3A_254] {strides = array<i32>} : memref<144xi32, #tpu.memory_space<vmem>>, vector<16xi32>,
          tpu.vector_store %arg9[%swap3A_254], %get3A_253 {strides = array<i32>} : memref<144xi32, #tpu.memory_space<vmem>>, vector<16xi32>,
        } else {
        }
        %ge3A_168 = arith.constant 128 : i32
        %ge3A_169 = arith.cmpi sge, %add3A_163, %ge3A_168 : i32
        %sub3A = arith.constant 128 : i32
        %sub3A_170 = arith.subi %add3A_163, %sub3A : i32
        %select_n3A = arith.select %ge3A_169, %sub3A_170, %add3A_163 : i32
        scf.yield %select_n3A : i32
      }
      %scan3A_141 = arith.constant 125 : i32
      scf.yield %scan3A_140 : i32
    }
    %scan3A_53 = arith.constant 80 : i32
    %get3A = arith.constant 0 : index
    %get3A_54 = tpu.vector_load %arg8[%get3A] {strides = array<i32>} : memref<144xi32, #tpu.memory_space<vmem>>, vector<16xi32>,
    %swap3A_55 = arith.constant 0 : index
    %swap3A_56 = tpu.vector_load %arg10[%swap3A_55] {strides = array<i32>} : memref<128xi32, #tpu.memory_space<vmem>>, vector<16xi32>,
    tpu.vector_store %arg10[%swap3A_55], %get3A_54 {strides = array<i32>} : memref<128xi32, #tpu.memory_space<vmem>>, vector<16xi32>,
    %get3A_57 = arith.constant 0 : index
    %get3A_58 = tpu.vector_load %arg9[%get3A_57] {strides = array<i32>} : memref<144xi32, #tpu.memory_space<vmem>>, vector<16xi32>,
    %swap3A_59 = arith.constant 0 : index
    %swap3A_60 = tpu.vector_load %arg11[%swap3A_59] {strides = array<i32>} : memref<144xi32, #tpu.memory_space<vmem>>, vector<16xi32>,
    tpu.vector_store %arg11[%swap3A_59], %get3A_58 {strides = array<i32>} : memref<144xi32, #tpu.memory_space<vmem>>, vector<16xi32>,
    %get3A_61 = arith.constant 16 : index
    %get3A_62 = tpu.vector_load %arg8[%get3A_61] {strides = array<i32>} : memref<144xi32, #tpu.memory_space<vmem>>, vector<16xi32>,
    %swap3A_63 = arith.constant 16 : index
    %swap3A_64 = tpu.vector_load %arg10[%swap3A_63] {strides = array<i32>} : memref<128xi32, #tpu.memory_space<vmem>>, vector<16xi32>,
    tpu.vector_store %arg10[%swap3A_63], %get3A_62 {strides = array<i32>} : memref<128xi32, #tpu.memory_space<vmem>>, vector<16xi32>,
    %get3A_65 = arith.constant 16 : index
    %get3A_66 = tpu.vector_load %arg9[%get3A_65] {strides = array<i32>} : memref<144xi32, #tpu.memory_space<vmem>>, vector<16xi32>,
    %swap3A_67 = arith.constant 16 : index
    %swap3A_68 = tpu.vector_load %arg11[%swap3A_67] {strides = array<i32>} : memref<144xi32, #tpu.memory_space<vmem>>, vector<16xi32>,
    tpu.vector_store %arg11[%swap3A_67], %get3A_66 {strides = array<i32>} : memref<144xi32, #tpu.memory_space<vmem>>, vector<16xi32>,
    %get3A_69 = arith.constant 32 : index
    %get3A_70 = tpu.vector_load %arg8[%get3A_69] {strides = array<i32>} : memref<144xi32, #tpu.memory_space<vmem>>, vector<16xi32>,
    %swap3A_71 = arith.constant 32 : index
    %swap3A_72 = tpu.vector_load %arg10[%swap3A_71] {strides = array<i32>} : memref<128xi32, #tpu.memory_space<vmem>>, vector<16xi32>,
    tpu.vector_store %arg10[%swap3A_71], %get3A_70 {strides = array<i32>} : memref<128xi32, #tpu.memory_space<vmem>>, vector<16xi32>,
    %get3A_73 = arith.constant 32 : index
    %get3A_74 = tpu.vector_load %arg9[%get3A_73] {strides = array<i32>} : memref<144xi32, #tpu.memory_space<vmem>>, vector<16xi32>,
    %swap3A_75 = arith.constant 32 : index
    %swap3A_76 = tpu.vector_load %arg11[%swap3A_75] {strides = array<i32>} : memref<144xi32, #tpu.memory_space<vmem>>, vector<16xi32>,
    tpu.vector_store %arg11[%swap3A_75], %get3A_74 {strides = array<i32>} : memref<144xi32, #tpu.memory_space<vmem>>, vector<16xi32>,
    %get3A_77 = arith.constant 48 : index
    %get3A_78 = tpu.vector_load %arg8[%get3A_77] {strides = array<i32>} : memref<144xi32, #tpu.memory_space<vmem>>, vector<16xi32>,
    %swap3A_79 = arith.constant 48 : index
    %swap3A_80 = tpu.vector_load %arg10[%swap3A_79] {strides = array<i32>} : memref<128xi32, #tpu.memory_space<vmem>>, vector<16xi32>,
    tpu.vector_store %arg10[%swap3A_79], %get3A_78 {strides = array<i32>} : memref<128xi32, #tpu.memory_space<vmem>>, vector<16xi32>,
    %get3A_81 = arith.constant 48 : index
    %get3A_82 = tpu.vector_load %arg9[%get3A_81] {strides = array<i32>} : memref<144xi32, #tpu.memory_space<vmem>>, vector<16xi32>,
    %swap3A_83 = arith.constant 48 : index
    %swap3A_84 = tpu.vector_load %arg11[%swap3A_83] {strides = array<i32>} : memref<144xi32, #tpu.memory_space<vmem>>, vector<16xi32>,
    tpu.vector_store %arg11[%swap3A_83], %get3A_82 {strides = array<i32>} : memref<144xi32, #tpu.memory_space<vmem>>, vector<16xi32>,
    %get3A_85 = arith.constant 64 : index
    %get3A_86 = tpu.vector_load %arg8[%get3A_85] {strides = array<i32>} : memref<144xi32, #tpu.memory_space<vmem>>, vector<16xi32>,
    %swap3A_87 = arith.constant 64 : index
    %swap3A_88 = tpu.vector_load %arg10[%swap3A_87] {strides = array<i32>} : memref<128xi32, #tpu.memory_space<vmem>>, vector<16xi32>,
    tpu.vector_store %arg10[%swap3A_87], %get3A_86 {strides = array<i32>} : memref<128xi32, #tpu.memory_space<vmem>>, vector<16xi32>,
    %get3A_89 = arith.constant 64 : index
    %get3A_90 = tpu.vector_load %arg9[%get3A_89] {strides = array<i32>} : memref<144xi32, #tpu.memory_space<vmem>>, vector<16xi32>,
    %swap3A_91 = arith.constant 64 : index
    %swap3A_92 = tpu.vector_load %arg11[%swap3A_91] {strides = array<i32>} : memref<144xi32, #tpu.memory_space<vmem>>, vector<16xi32>,
    tpu.vector_store %arg11[%swap3A_91], %get3A_90 {strides = array<i32>} : memref<144xi32, #tpu.memory_space<vmem>>, vector<16xi32>,
    %get3A_93 = arith.constant 80 : index
    %get3A_94 = tpu.vector_load %arg8[%get3A_93] {strides = array<i32>} : memref<144xi32, #tpu.memory_space<vmem>>, vector<16xi32>,
    %swap3A_95 = arith.constant 80 : index
    %swap3A_96 = tpu.vector_load %arg10[%swap3A_95] {strides = array<i32>} : memref<128xi32, #tpu.memory_space<vmem>>, vector<16xi32>,
    tpu.vector_store %arg10[%swap3A_95], %get3A_94 {strides = array<i32>} : memref<128xi32, #tpu.memory_space<vmem>>, vector<16xi32>,
    %get3A_97 = arith.constant 80 : index
    %get3A_98 = tpu.vector_load %arg9[%get3A_97] {strides = array<i32>} : memref<144xi32, #tpu.memory_space<vmem>>, vector<16xi32>,
    %swap3A_99 = arith.constant 80 : index
    %swap3A_100 = tpu.vector_load %arg11[%swap3A_99] {strides = array<i32>} : memref<144xi32, #tpu.memory_space<vmem>>, vector<16xi32>,
    tpu.vector_store %arg11[%swap3A_99], %get3A_98 {strides = array<i32>} : memref<144xi32, #tpu.memory_space<vmem>>, vector<16xi32>,
    %get3A_101 = arith.constant 96 : index
    %get3A_102 = tpu.vector_load %arg8[%get3A_101] {strides = array<i32>} : memref<144xi32, #tpu.memory_space<vmem>>, vector<16xi32>,
    %swap3A_103 = arith.constant 96 : index
    %swap3A_104 = tpu.vector_load %arg10[%swap3A_103] {strides = array<i32>} : memref<128xi32, #tpu.memory_space<vmem>>, vector<16xi32>,
    tpu.vector_store %arg10[%swap3A_103], %get3A_102 {strides = array<i32>} : memref<128xi32, #tpu.memory_space<vmem>>, vector<16xi32>,
    %get3A_105 = arith.constant 96 : index
    %get3A_106 = tpu.vector_load %arg9[%get3A_105] {strides = array<i32>} : memref<144xi32, #tpu.memory_space<vmem>>, vector<16xi32>,
    %swap3A_107 = arith.constant 96 : index
    %swap3A_108 = tpu.vector_load %arg11[%swap3A_107] {strides = array<i32>} : memref<144xi32, #tpu.memory_space<vmem>>, vector<16xi32>,
    tpu.vector_store %arg11[%swap3A_107], %get3A_106 {strides = array<i32>} : memref<144xi32, #tpu.memory_space<vmem>>, vector<16xi32>,
    %get3A_109 = arith.constant 112 : index
    %get3A_110 = tpu.vector_load %arg8[%get3A_109] {strides = array<i32>} : memref<144xi32, #tpu.memory_space<vmem>>, vector<16xi32>,
    %swap3A_111 = arith.constant 112 : index
    %swap3A_112 = tpu.vector_load %arg10[%swap3A_111] {strides = array<i32>} : memref<128xi32, #tpu.memory_space<vmem>>, vector<16xi32>,
    tpu.vector_store %arg10[%swap3A_111], %get3A_110 {strides = array<i32>} : memref<128xi32, #tpu.memory_space<vmem>>, vector<16xi32>,
    %get3A_113 = arith.constant 112 : index
    %get3A_114 = tpu.vector_load %arg9[%get3A_113] {strides = array<i32>} : memref<144xi32, #tpu.memory_space<vmem>>, vector<16xi32>,
    %swap3A_115 = arith.constant 112 : index
    %swap3A_116 = tpu.vector_load %arg11[%swap3A_115] {strides = array<i32>} : memref<144xi32, #tpu.memory_space<vmem>>, vector<16xi32>,
    tpu.vector_store %arg11[%swap3A_115], %get3A_114 {strides = array<i32>} : memref<144xi32, #tpu.memory_space<vmem>>, vector<16xi32>,
    %dma_start3A = arith.constant 0 : i32
    %dma_start3A_117 = arith.constant 0 : i32
    %dma_start3A_118 = tpu.memref_slice %arg2[%dma_start3A, %dma_start3A_117] : memref<10112x128xf32, #tpu.memory_space<hbm>> -> memref<10112x128xf32, #tpu.memory_space<hbm>>
    tpu.enqueue_indirect_dma source(%dma_start3A_118 : memref<10112x128xf32, #tpu.memory_space<hbm>>) target(%arg12 : memref<128x128xf32, #tpu.memory_space<vmem>>) offsets(%arg10 : memref<128xi32, #tpu.memory_space<vmem>>) semaphore(%arg14 : memref<!tpu.dma_semaphore, #tpu.memory_space<semaphore_mem>>)
    %dma_wait3A = arith.constant 0 : i32
    %dma_wait3A_119 = arith.constant 0 : i32
    %dma_wait3A_120 = tpu.memref_slice %arg2[%dma_wait3A, %dma_wait3A_119] : memref<10112x128xf32, #tpu.memory_space<hbm>> -> memref<10112x128xf32, #tpu.memory_space<hbm>>
    tpu.wait_indirect_dma semaphore(%arg14 : memref<!tpu.dma_semaphore, #tpu.memory_space<semaphore_mem>>) src(%dma_wait3A_120 : memref<10112x128xf32, #tpu.memory_space<hbm>>) dst(%arg12 : memref<128x128xf32, #tpu.memory_space<vmem>>)
    %while3A = arith.constant 0 : i32
    %while3A_121 = arith.constant 0 : i32
    %while3A_122 = arith.subi %scan3A_52, %while3A : i32
    %while3A_123 = arith.addi %while3A, %while3A_122 : i32
    %while3A_124 = arith.constant 1 : i32
    %while3A_125 = arith.divsi %while3A_122, %while3A_124 : i32
    %while3A_126 = arith.muli %while3A_125, %while3A_124 : i32
    %while3A_127 = arith.addi %while3A, %while3A_126 : i32
    %while3A_128 = arith.constant 1 : i32
    %while3A_129 = scf.for %while3A_132 = %while3A to %while3A_127 step %while3A_128 iter_args(%while3A_133 = %while3A_121) -> (i32)  : i32 {
      %get3A_134 = arith.index_cast %while3A_132 : i32 to index
      %get3A_135 = tpu.vector_load %arg11[%get3A_134] {strides = array<i32>} : memref<144xi32, #tpu.memory_space<vmem>>, vector<16xi32>,
      %slice3A = vector.extract_strided_slice %get3A_135 {offsets = [0], sizes = [1], strides = [1]} : vector<16xi32> to vector<1xi32>
      %squeeze3A = vector.extract %slice3A[0] : i32 from vector<1xi32>
      %sub3A = arith.subi %squeeze3A, %mul3A_0 : i32
      %get3A_136 = arith.index_cast %sub3A : i32 to index
      %get3A_137 = arith.constant 0 : index
      %get3A_138 = tpu.vector_load %arg13[%get3A_136, %get3A_137] {strides = array<i32>} : memref<632x128xf32, #tpu.memory_space<vmem>>, vector<16xf32>,
      %get3A_139 = arith.index_cast %while3A_132 : i32 to index
      %get3A_140 = arith.constant 0 : index
      %get3A_141 = tpu.vector_load %arg12[%get3A_139, %get3A_140] {strides = array<i32>} : memref<128x128xf32, #tpu.memory_space<vmem>>, vector<16xf32>,
      %add3A = arith.addf %get3A_138, %get3A_141 : vector<16xf32>
      %swap3A_142 = arith.index_cast %sub3A : i32 to index
      %swap3A_143 = arith.constant 0 : index
      %swap3A_144 = tpu.vector_load %arg13[%swap3A_142, %swap3A_143] {strides = array<i32>} : memref<632x128xf32, #tpu.memory_space<vmem>>, vector<16xf32>,
      tpu.vector_store %arg13[%swap3A_142, %swap3A_143], %add3A {strides = array<i32>} : memref<632x128xf32, #tpu.memory_space<vmem>>, vector<16xf32>,
      %get3A_145 = arith.index_cast %sub3A : i32 to index
      %get3A_146 = arith.constant 16 : index
      %get3A_147 = tpu.vector_load %arg13[%get3A_145, %get3A_146] {strides = array<i32>} : memref<632x128xf32, #tpu.memory_space<vmem>>, vector<16xf32>,
      %get3A_148 = arith.index_cast %while3A_132 : i32 to index
      %get3A_149 = arith.constant 16 : index
      %get3A_150 = tpu.vector_load %arg12[%get3A_148, %get3A_149] {strides = array<i32>} : memref<128x128xf32, #tpu.memory_space<vmem>>, vector<16xf32>,
      %add3A_151 = arith.addf %get3A_147, %get3A_150 : vector<16xf32>
      %swap3A_152 = arith.index_cast %sub3A : i32 to index
      %swap3A_153 = arith.constant 16 : index
      %swap3A_154 = tpu.vector_load %arg13[%swap3A_152, %swap3A_153] {strides = array<i32>} : memref<632x128xf32, #tpu.memory_space<vmem>>, vector<16xf32>,
      tpu.vector_store %arg13[%swap3A_152, %swap3A_153], %add3A_151 {strides = array<i32>} : memref<632x128xf32, #tpu.memory_space<vmem>>, vector<16xf32>,
      %get3A_155 = arith.index_cast %sub3A : i32 to index
      %get3A_156 = arith.constant 32 : index
      %get3A_157 = tpu.vector_load %arg13[%get3A_155, %get3A_156] {strides = array<i32>} : memref<632x128xf32, #tpu.memory_space<vmem>>, vector<16xf32>,
      %get3A_158 = arith.index_cast %while3A_132 : i32 to index
      %get3A_159 = arith.constant 32 : index
      %get3A_160 = tpu.vector_load %arg12[%get3A_158, %get3A_159] {strides = array<i32>} : memref<128x128xf32, #tpu.memory_space<vmem>>, vector<16xf32>,
      %add3A_161 = arith.addf %get3A_157, %get3A_160 : vector<16xf32>
      %swap3A_162 = arith.index_cast %sub3A : i32 to index
      %swap3A_163 = arith.constant 32 : index
      %swap3A_164 = tpu.vector_load %arg13[%swap3A_162, %swap3A_163] {strides = array<i32>} : memref<632x128xf32, #tpu.memory_space<vmem>>, vector<16xf32>,
      tpu.vector_store %arg13[%swap3A_162, %swap3A_163], %add3A_161 {strides = array<i32>} : memref<632x128xf32, #tpu.memory_space<vmem>>, vector<16xf32>,
      %get3A_165 = arith.index_cast %sub3A : i32 to index
      %get3A_166 = arith.constant 48 : index
      %get3A_167 = tpu.vector_load %arg13[%get3A_165, %get3A_166] {strides = array<i32>} : memref<632x128xf32, #tpu.memory_space<vmem>>, vector<16xf32>,
      %get3A_168 = arith.index_cast %while3A_132 : i32 to index
      %get3A_169 = arith.constant 48 : index
      %get3A_170 = tpu.vector_load %arg12[%get3A_168, %get3A_169] {strides = array<i32>} : memref<128x128xf32, #tpu.memory_space<vmem>>, vector<16xf32>,
      %add3A_171 = arith.addf %get3A_167, %get3A_170 : vector<16xf32>
      %swap3A_172 = arith.index_cast %sub3A : i32 to index
      %swap3A_173 = arith.constant 48 : index
      %swap3A_174 = tpu.vector_load %arg13[%swap3A_172, %swap3A_173] {strides = array<i32>} : memref<632x128xf32, #tpu.memory_space<vmem>>, vector<16xf32>,
      tpu.vector_store %arg13[%swap3A_172, %swap3A_173], %add3A_171 {strides = array<i32>} : memref<632x128xf32, #tpu.memory_space<vmem>>, vector<16xf32>,
      %get3A_175 = arith.index_cast %sub3A : i32 to index
      %get3A_176 = arith.constant 64 : index
      %get3A_177 = tpu.vector_load %arg13[%get3A_175, %get3A_176] {strides = array<i32>} : memref<632x128xf32, #tpu.memory_space<vmem>>, vector<16xf32>,
      %get3A_178 = arith.index_cast %while3A_132 : i32 to index
      %get3A_179 = arith.constant 64 : index
      %get3A_180 = tpu.vector_load %arg12[%get3A_178, %get3A_179] {strides = array<i32>} : memref<128x128xf32, #tpu.memory_space<vmem>>, vector<16xf32>,
      %add3A_181 = arith.addf %get3A_177, %get3A_180 : vector<16xf32>
      %swap3A_182 = arith.index_cast %sub3A : i32 to index
      %swap3A_183 = arith.constant 64 : index
      %swap3A_184 = tpu.vector_load %arg13[%swap3A_182, %swap3A_183] {strides = array<i32>} : memref<632x128xf32, #tpu.memory_space<vmem>>, vector<16xf32>,
      tpu.vector_store %arg13[%swap3A_182, %swap3A_183], %add3A_181 {strides = array<i32>} : memref<632x128xf32, #tpu.memory_space<vmem>>, vector<16xf32>,
      %get3A_185 = arith.index_cast %sub3A : i32 to index
      %get3A_186 = arith.constant 80 : index
      %get3A_187 = tpu.vector_load %arg13[%get3A_185, %get3A_186] {strides = array<i32>} : memref<632x128xf32, #tpu.memory_space<vmem>>, vector<16xf32>,
      %get3A_188 = arith.index_cast %while3A_132 : i32 to index
      %get3A_189 = arith.constant 80 : index
      %get3A_190 = tpu.vector_load %arg12[%get3A_188, %get3A_189] {strides = array<i32>} : memref<128x128xf32, #tpu.memory_space<vmem>>, vector<16xf32>,
      %add3A_191 = arith.addf %get3A_187, %get3A_190 : vector<16xf32>
      %swap3A_192 = arith.index_cast %sub3A : i32 to index
      %swap3A_193 = arith.constant 80 : index
      %swap3A_194 = tpu.vector_load %arg13[%swap3A_192, %swap3A_193] {strides = array<i32>} : memref<632x128xf32, #tpu.memory_space<vmem>>, vector<16xf32>,
      tpu.vector_store %arg13[%swap3A_192, %swap3A_193], %add3A_191 {strides = array<i32>} : memref<632x128xf32, #tpu.memory_space<vmem>>, vector<16xf32>,
      %get3A_195 = arith.index_cast %sub3A : i32 to index
      %get3A_196 = arith.constant 96 : index
      %get3A_197 = tpu.vector_load %arg13[%get3A_195, %get3A_196] {strides = array<i32>} : memref<632x128xf32, #tpu.memory_space<vmem>>, vector<16xf32>,
      %get3A_198 = arith.index_cast %while3A_132 : i32 to index
      %get3A_199 = arith.constant 96 : index
      %get3A_200 = tpu.vector_load %arg12[%get3A_198, %get3A_199] {strides = array<i32>} : memref<128x128xf32, #tpu.memory_space<vmem>>, vector<16xf32>,
      %add3A_201 = arith.addf %get3A_197, %get3A_200 : vector<16xf32>
      %swap3A_202 = arith.index_cast %sub3A : i32 to index
      %swap3A_203 = arith.constant 96 : index
      %swap3A_204 = tpu.vector_load %arg13[%swap3A_202, %swap3A_203] {strides = array<i32>} : memref<632x128xf32, #tpu.memory_space<vmem>>, vector<16xf32>,
      tpu.vector_store %arg13[%swap3A_202, %swap3A_203], %add3A_201 {strides = array<i32>} : memref<632x128xf32, #tpu.memory_space<vmem>>, vector<16xf32>,
      %get3A_205 = arith.index_cast %sub3A : i32 to index
      %get3A_206 = arith.constant 112 : index
      %get3A_207 = tpu.vector_load %arg13[%get3A_205, %get3A_206] {strides = array<i32>} : memref<632x128xf32, #tpu.memory_space<vmem>>, vector<16xf32>,
      %get3A_208 = arith.index_cast %while3A_132 : i32 to index
      %get3A_209 = arith.constant 112 : index
      %get3A_210 = tpu.vector_load %arg12[%get3A_208, %get3A_209] {strides = array<i32>} : memref<128x128xf32, #tpu.memory_space<vmem>>, vector<16xf32>,
      %add3A_211 = arith.addf %get3A_207, %get3A_210 : vector<16xf32>
      %swap3A_212 = arith.index_cast %sub3A : i32 to index
      %swap3A_213 = arith.constant 112 : index
      %swap3A_214 = tpu.vector_load %arg13[%swap3A_212, %swap3A_213] {strides = array<i32>} : memref<632x128xf32, #tpu.memory_space<vmem>>, vector<16xf32>,
      tpu.vector_store %arg13[%swap3A_212, %swap3A_213], %add3A_211 {strides = array<i32>} : memref<632x128xf32, #tpu.memory_space<vmem>>, vector<16xf32>,
      %while3A_215 = arith.constant 0 : i32
      scf.yield %while3A_215 : i32
    }
    %while3A_130 = arith.constant 1 : i32
    %while3A_131 = scf.for %while3A_132 = %while3A_127 to %while3A_123 step %while3A_130 iter_args(%while3A_133 = %while3A_129) -> (i32)  : i32 {
      %get3A_134 = arith.index_cast %while3A_132 : i32 to index
      %get3A_135 = tpu.vector_load %arg11[%get3A_134] {strides = array<i32>} : memref<144xi32, #tpu.memory_space<vmem>>, vector<16xi32>,
      %slice3A = vector.extract_strided_slice %get3A_135 {offsets = [0], sizes = [1], strides = [1]} : vector<16xi32> to vector<1xi32>
      %squeeze3A = vector.extract %slice3A[0] : i32 from vector<1xi32>
      %sub3A = arith.subi %squeeze3A, %mul3A_0 : i32
      %get3A_136 = arith.index_cast %sub3A : i32 to index
      %get3A_137 = arith.constant 0 : index
      %get3A_138 = tpu.vector_load %arg13[%get3A_136, %get3A_137] {strides = array<i32>} : memref<632x128xf32, #tpu.memory_space<vmem>>, vector<16xf32>,
      %get3A_139 = arith.index_cast %while3A_132 : i32 to index
      %get3A_140 = arith.constant 0 : index
      %get3A_141 = tpu.vector_load %arg12[%get3A_139, %get3A_140] {strides = array<i32>} : memref<128x128xf32, #tpu.memory_space<vmem>>, vector<16xf32>,
      %add3A = arith.addf %get3A_138, %get3A_141 : vector<16xf32>
      %swap3A_142 = arith.index_cast %sub3A : i32 to index
      %swap3A_143 = arith.constant 0 : index
      %swap3A_144 = tpu.vector_load %arg13[%swap3A_142, %swap3A_143] {strides = array<i32>} : memref<632x128xf32, #tpu.memory_space<vmem>>, vector<16xf32>,
      tpu.vector_store %arg13[%swap3A_142, %swap3A_143], %add3A {strides = array<i32>} : memref<632x128xf32, #tpu.memory_space<vmem>>, vector<16xf32>,
      %get3A_145 = arith.index_cast %sub3A : i32 to index
      %get3A_146 = arith.constant 16 : index
      %get3A_147 = tpu.vector_load %arg13[%get3A_145, %get3A_146] {strides = array<i32>} : memref<632x128xf32, #tpu.memory_space<vmem>>, vector<16xf32>,
      %get3A_148 = arith.index_cast %while3A_132 : i32 to index
      %get3A_149 = arith.constant 16 : index
      %get3A_150 = tpu.vector_load %arg12[%get3A_148, %get3A_149] {strides = array<i32>} : memref<128x128xf32, #tpu.memory_space<vmem>>, vector<16xf32>,
      %add3A_151 = arith.addf %get3A_147, %get3A_150 : vector<16xf32>
      %swap3A_152 = arith.index_cast %sub3A : i32 to index
      %swap3A_153 = arith.constant 16 : index
      %swap3A_154 = tpu.vector_load %arg13[%swap3A_152, %swap3A_153] {strides = array<i32>} : memref<632x128xf32, #tpu.memory_space<vmem>>, vector<16xf32>,
      tpu.vector_store %arg13[%swap3A_152, %swap3A_153], %add3A_151 {strides = array<i32>} : memref<632x128xf32, #tpu.memory_space<vmem>>, vector<16xf32>,
      %get3A_155 = arith.index_cast %sub3A : i32 to index
      %get3A_156 = arith.constant 32 : index
      %get3A_157 = tpu.vector_load %arg13[%get3A_155, %get3A_156] {strides = array<i32>} : memref<632x128xf32, #tpu.memory_space<vmem>>, vector<16xf32>,
      %get3A_158 = arith.index_cast %while3A_132 : i32 to index
      %get3A_159 = arith.constant 32 : index
      %get3A_160 = tpu.vector_load %arg12[%get3A_158, %get3A_159] {strides = array<i32>} : memref<128x128xf32, #tpu.memory_space<vmem>>, vector<16xf32>,
      %add3A_161 = arith.addf %get3A_157, %get3A_160 : vector<16xf32>
      %swap3A_162 = arith.index_cast %sub3A : i32 to index
      %swap3A_163 = arith.constant 32 : index
      %swap3A_164 = tpu.vector_load %arg13[%swap3A_162, %swap3A_163] {strides = array<i32>} : memref<632x128xf32, #tpu.memory_space<vmem>>, vector<16xf32>,
      tpu.vector_store %arg13[%swap3A_162, %swap3A_163], %add3A_161 {strides = array<i32>} : memref<632x128xf32, #tpu.memory_space<vmem>>, vector<16xf32>,
      %get3A_165 = arith.index_cast %sub3A : i32 to index
      %get3A_166 = arith.constant 48 : index
      %get3A_167 = tpu.vector_load %arg13[%get3A_165, %get3A_166] {strides = array<i32>} : memref<632x128xf32, #tpu.memory_space<vmem>>, vector<16xf32>,
      %get3A_168 = arith.index_cast %while3A_132 : i32 to index
      %get3A_169 = arith.constant 48 : index
      %get3A_170 = tpu.vector_load %arg12[%get3A_168, %get3A_169] {strides = array<i32>} : memref<128x128xf32, #tpu.memory_space<vmem>>, vector<16xf32>,
      %add3A_171 = arith.addf %get3A_167, %get3A_170 : vector<16xf32>
      %swap3A_172 = arith.index_cast %sub3A : i32 to index
      %swap3A_173 = arith.constant 48 : index
      %swap3A_174 = tpu.vector_load %arg13[%swap3A_172, %swap3A_173] {strides = array<i32>} : memref<632x128xf32, #tpu.memory_space<vmem>>, vector<16xf32>,
      tpu.vector_store %arg13[%swap3A_172, %swap3A_173], %add3A_171 {strides = array<i32>} : memref<632x128xf32, #tpu.memory_space<vmem>>, vector<16xf32>,
      %get3A_175 = arith.index_cast %sub3A : i32 to index
      %get3A_176 = arith.constant 64 : index
      %get3A_177 = tpu.vector_load %arg13[%get3A_175, %get3A_176] {strides = array<i32>} : memref<632x128xf32, #tpu.memory_space<vmem>>, vector<16xf32>,
      %get3A_178 = arith.index_cast %while3A_132 : i32 to index
      %get3A_179 = arith.constant 64 : index
      %get3A_180 = tpu.vector_load %arg12[%get3A_178, %get3A_179] {strides = array<i32>} : memref<128x128xf32, #tpu.memory_space<vmem>>, vector<16xf32>,
      %add3A_181 = arith.addf %get3A_177, %get3A_180 : vector<16xf32>
      %swap3A_182 = arith.index_cast %sub3A : i32 to index
      %swap3A_183 = arith.constant 64 : index
      %swap3A_184 = tpu.vector_load %arg13[%swap3A_182, %swap3A_183] {strides = array<i32>} : memref<632x128xf32, #tpu.memory_space<vmem>>, vector<16xf32>,
      tpu.vector_store %arg13[%swap3A_182, %swap3A_183], %add3A_181 {strides = array<i32>} : memref<632x128xf32, #tpu.memory_space<vmem>>, vector<16xf32>,
      %get3A_185 = arith.index_cast %sub3A : i32 to index
      %get3A_186 = arith.constant 80 : index
      %get3A_187 = tpu.vector_load %arg13[%get3A_185, %get3A_186] {strides = array<i32>} : memref<632x128xf32, #tpu.memory_space<vmem>>, vector<16xf32>,
      %get3A_188 = arith.index_cast %while3A_132 : i32 to index
      %get3A_189 = arith.constant 80 : index
      %get3A_190 = tpu.vector_load %arg12[%get3A_188, %get3A_189] {strides = array<i32>} : memref<128x128xf32, #tpu.memory_space<vmem>>, vector<16xf32>,
      %add3A_191 = arith.addf %get3A_187, %get3A_190 : vector<16xf32>
      %swap3A_192 = arith.index_cast %sub3A : i32 to index
      %swap3A_193 = arith.constant 80 : index
      %swap3A_194 = tpu.vector_load %arg13[%swap3A_192, %swap3A_193] {strides = array<i32>} : memref<632x128xf32, #tpu.memory_space<vmem>>, vector<16xf32>,
      tpu.vector_store %arg13[%swap3A_192, %swap3A_193], %add3A_191 {strides = array<i32>} : memref<632x128xf32, #tpu.memory_space<vmem>>, vector<16xf32>,
      %get3A_195 = arith.index_cast %sub3A : i32 to index
      %get3A_196 = arith.constant 96 : index
      %get3A_197 = tpu.vector_load %arg13[%get3A_195, %get3A_196] {strides = array<i32>} : memref<632x128xf32, #tpu.memory_space<vmem>>, vector<16xf32>,
      %get3A_198 = arith.index_cast %while3A_132 : i32 to index
      %get3A_199 = arith.constant 96 : index
      %get3A_200 = tpu.vector_load %arg12[%get3A_198, %get3A_199] {strides = array<i32>} : memref<128x128xf32, #tpu.memory_space<vmem>>, vector<16xf32>,
      %add3A_201 = arith.addf %get3A_197, %get3A_200 : vector<16xf32>
      %swap3A_202 = arith.index_cast %sub3A : i32 to index
      %swap3A_203 = arith.constant 96 : index
      %swap3A_204 = tpu.vector_load %arg13[%swap3A_202, %swap3A_203] {strides = array<i32>} : memref<632x128xf32, #tpu.memory_space<vmem>>, vector<16xf32>,
      tpu.vector_store %arg13[%swap3A_202, %swap3A_203], %add3A_201 {strides = array<i32>} : memref<632x128xf32, #tpu.memory_space<vmem>>, vector<16xf32>,
      %get3A_205 = arith.index_cast %sub3A : i32 to index
      %get3A_206 = arith.constant 112 : index
      %get3A_207 = tpu.vector_load %arg13[%get3A_205, %get3A_206] {strides = array<i32>} : memref<632x128xf32, #tpu.memory_space<vmem>>, vector<16xf32>,
      %get3A_208 = arith.index_cast %while3A_132 : i32 to index
      %get3A_209 = arith.constant 112 : index
      %get3A_210 = tpu.vector_load %arg12[%get3A_208, %get3A_209] {strides = array<i32>} : memref<128x128xf32, #tpu.memory_space<vmem>>, vector<16xf32>,
      %add3A_211 = arith.addf %get3A_207, %get3A_210 : vector<16xf32>
      %swap3A_212 = arith.index_cast %sub3A : i32 to index
      %swap3A_213 = arith.constant 112 : index
      %swap3A_214 = tpu.vector_load %arg13[%swap3A_212, %swap3A_213] {strides = array<i32>} : memref<632x128xf32, #tpu.memory_space<vmem>>, vector<16xf32>,
      tpu.vector_store %arg13[%swap3A_212, %swap3A_213], %add3A_211 {strides = array<i32>} : memref<632x128xf32, #tpu.memory_space<vmem>>, vector<16xf32>,
      %while3A_215 = arith.constant 0 : i32
      scf.yield %while3A_215 : i32
    }
    "tpu.region"() ({
      %run_scoped3A = tpu.sem_alloc : memref<!tpu.dma_semaphore, #tpu.memory_space<semaphore_mem>>
      %dma_start3A_132 = arith.constant 0 : i32
      %dma_start3A_133 = tpu.memref_slice %arg5[%arg0, %mul3A_0, %dma_start3A_132] : memref<2x10112x128xf32, #tpu.memory_space<hbm>> -> memref<1x632x128xf32, #tpu.memory_space<hbm>>
      %dma_start3A_134 = tpu.memref_squeeze %dma_start3A_133 : memref<1x632x128xf32, #tpu.memory_space<hbm>> -> memref<632x128xf32, #tpu.memory_space<hbm>>
      %dma_start3A_135 = arith.constant 0 : i32
      %dma_start3A_136 = tpu.memref_slice %arg5[%arg0, %mul3A_0, %dma_start3A_135] : memref<2x10112x128xf32, #tpu.memory_space<hbm>> -> memref<1x632x128xf32, #tpu.memory_space<hbm>>
      %dma_start3A_137 = tpu.memref_squeeze %dma_start3A_136 : memref<1x632x128xf32, #tpu.memory_space<hbm>> -> memref<632x128xf32, #tpu.memory_space<hbm>>
      tpu.enqueue_dma source(%arg13 : memref<632x128xf32, #tpu.memory_space<vmem>>) target(%dma_start3A_137 : memref<632x128xf32, #tpu.memory_space<hbm>>) target_semaphore(%run_scoped3A : memref<!tpu.dma_semaphore, #tpu.memory_space<semaphore_mem>>)
      %dma_wait3A_138 = arith.constant 0 : i32
      %dma_wait3A_139 = tpu.memref_slice %arg5[%arg0, %mul3A_0, %dma_wait3A_138] : memref<2x10112x128xf32, #tpu.memory_space<hbm>> -> memref<1x632x128xf32, #tpu.memory_space<hbm>>
      %dma_wait3A_140 = tpu.memref_squeeze %dma_wait3A_139 : memref<1x632x128xf32, #tpu.memory_space<hbm>> -> memref<632x128xf32, #tpu.memory_space<hbm>>
      %dma_wait3A_141 = arith.constant 0 : i32
      %dma_wait3A_142 = tpu.memref_slice %arg5[%arg0, %mul3A_0, %dma_wait3A_141] : memref<2x10112x128xf32, #tpu.memory_space<hbm>> -> memref<1x632x128xf32, #tpu.memory_space<hbm>>
      %dma_wait3A_143 = tpu.memref_squeeze %dma_wait3A_142 : memref<1x632x128xf32, #tpu.memory_space<hbm>> -> memref<632x128xf32, #tpu.memory_space<hbm>>
      tpu.wait_dma2 semaphore(%run_scoped3A : memref<!tpu.dma_semaphore, #tpu.memory_space<semaphore_mem>>) src(%arg13 : memref<632x128xf32, #tpu.memory_space<vmem>>) dst(%dma_wait3A_143 : memref<632x128xf32, #tpu.memory_space<hbm>>)
      tpu.yield
    }) : () -> ()
    return
  }
}

#map = affine_map<(d0, d1) -> (0, 0)>
#map1 = affine_map<(d0, d1) -> (0)>
module attributes {stable_mosaic.version = 14 : i64} {
  func.func @_sc_edge_body(%arg0: i32, %arg1: i32, %arg2: memref<10112x128xf32, #tpu.memory_space<hbm>>, %arg3: memref<320000xi32, #tpu.memory_space<hbm>>, %arg4: memref<320000xi32, #tpu.memory_space<hbm>>, %arg5: memref<320000x128xf32, #tpu.memory_space<hbm>>, %arg6: memref<320000x128xf32, #tpu.memory_space<hbm>>, %arg7: memref<64xi32, #tpu.memory_space<vmem>>, %arg8: memref<64xi32, #tpu.memory_space<vmem>>, %arg9: memref<64x128xf32, #tpu.memory_space<vmem>>, %arg10: memref<64x128xf32, #tpu.memory_space<vmem>>, %arg11: memref<!tpu.dma_semaphore, #tpu.memory_space<semaphore_mem>>) attributes {dimension_semantics = [#tpu.dimension_semantics<core_parallel>, #tpu.dimension_semantics<subcore_parallel>], iteration_bounds = array<i64: 2, 16>, scalar_prefetch = 0 : i64, scratch_operands = 5 : i64, tpu.core_type = #tpu.core_type<sc_vector_subcore>, window_params = [{transform_indices = #map}, {transform_indices = #map1}, {transform_indices = #map1}, {transform_indices = #map}, {transform_indices = #map}]} {
    %mul3A = arith.constant 2 : i32
    %mul3A_0 = arith.muli %arg1, %mul3A : i32
    %add3A = arith.addi %mul3A_0, %arg0 : i32
    %sub3A = arith.constant 5000 : i32
    %sub3A_1 = arith.subi %sub3A, %add3A : i32
    %add3A_2 = arith.constant 32 : i32
    %add3A_3 = arith.addi %sub3A_1, %add3A_2 : i32
    %sub3A_4 = arith.constant 1 : i32
    %sub3A_5 = arith.subi %add3A_3, %sub3A_4 : i32
    %jit3A = arith.constant 32 : i32
    %div3A = arith.divsi %sub3A_5, %jit3A : i32
    %sign3A = arith.constant 0 : i32
    %sign3A_6 = arith.cmpi sgt, %sub3A_5, %sign3A : i32
    %sign3A_7 = arith.extui %sign3A_6 : i1 to i32
    %sign3A_8 = arith.constant 0 : i32
    %sign3A_9 = arith.cmpi slt, %sub3A_5, %sign3A_8 : i32
    %sign3A_10 = arith.extui %sign3A_9 : i1 to i32
    %sign3A_11 = arith.subi %sign3A_7, %sign3A_10 : i32
    %sign3A_12 = arith.constant 0 : i32
    %sign3A_13 = arith.cmpi sgt, %jit3A, %sign3A_12 : i32
    %sign3A_14 = arith.extui %sign3A_13 : i1 to i32
    %sign3A_15 = arith.constant 0 : i32
    %sign3A_16 = arith.cmpi slt, %jit3A, %sign3A_15 : i32
    %sign3A_17 = arith.extui %sign3A_16 : i1 to i32
    %sign3A_18 = arith.subi %sign3A_14, %sign3A_17 : i32
    %ne3A = arith.cmpi ne, %sign3A_11, %sign3A_18 : i32
    %rem3A = arith.remsi %sub3A_5, %jit3A : i32
    %ne3A_19 = arith.constant 0 : i32
    %ne3A_20 = arith.cmpi ne, %rem3A, %ne3A_19 : i32
    %and3A = arith.andi %ne3A, %ne3A_20 : i1
    %sub3A_21 = arith.constant 1 : i32
    %sub3A_22 = arith.subi %div3A, %sub3A_21 : i32
    %select_n3A = arith.select %and3A, %sub3A_22, %div3A : i32
    %while3A = arith.constant 0 : i32
    %while3A_23 = arith.constant 0 : i32
    %while3A_24 = arith.subi %select_n3A, %while3A : i32
    %while3A_25 = arith.addi %while3A, %while3A_24 : i32
    %while3A_26 = arith.constant 1 : i32
    %while3A_27 = arith.divsi %while3A_24, %while3A_26 : i32
    %while3A_28 = arith.muli %while3A_27, %while3A_26 : i32
    %while3A_29 = arith.addi %while3A, %while3A_28 : i32
    %while3A_30 = arith.constant 1 : i32
    %while3A_31 = scf.for %while3A_34 = %while3A to %while3A_29 step %while3A_30 iter_args(%while3A_35 = %while3A_23) -> (i32)  : i32 {
      %mul3A_36 = arith.constant 32 : i32
      %mul3A_37 = arith.muli %while3A_34, %mul3A_36 : i32
      %add3A_38 = arith.addi %add3A, %mul3A_37 : i32
      %mul3A_39 = arith.constant 64 : i32
      %mul3A_40 = arith.muli %add3A_38, %mul3A_39 : i32
      "tpu.region"() ({
        %run_scoped3A = tpu.sem_alloc : memref<!tpu.dma_semaphore, #tpu.memory_space<semaphore_mem>>
        %dma_start3A_52 = tpu.memref_slice %arg3[%mul3A_40] : memref<320000xi32, #tpu.memory_space<hbm>> -> memref<64xi32, #tpu.memory_space<hbm>>
        %dma_start3A_53 = tpu.memref_slice %arg3[%mul3A_40] : memref<320000xi32, #tpu.memory_space<hbm>> -> memref<64xi32, #tpu.memory_space<hbm>>
        tpu.enqueue_dma source(%dma_start3A_53 : memref<64xi32, #tpu.memory_space<hbm>>) target(%arg7 : memref<64xi32, #tpu.memory_space<vmem>>) target_semaphore(%run_scoped3A : memref<!tpu.dma_semaphore, #tpu.memory_space<semaphore_mem>>)
        %dma_wait3A_54 = tpu.memref_slice %arg3[%mul3A_40] : memref<320000xi32, #tpu.memory_space<hbm>> -> memref<64xi32, #tpu.memory_space<hbm>>
        %dma_wait3A_55 = tpu.memref_slice %arg3[%mul3A_40] : memref<320000xi32, #tpu.memory_space<hbm>> -> memref<64xi32, #tpu.memory_space<hbm>>
        tpu.wait_dma2 semaphore(%run_scoped3A : memref<!tpu.dma_semaphore, #tpu.memory_space<semaphore_mem>>) src(%dma_wait3A_55 : memref<64xi32, #tpu.memory_space<hbm>>) dst(%arg7 : memref<64xi32, #tpu.memory_space<vmem>>)
        tpu.yield
      }) : () -> ()
      "tpu.region"() ({
        %run_scoped3A = tpu.sem_alloc : memref<!tpu.dma_semaphore, #tpu.memory_space<semaphore_mem>>
        %dma_start3A_52 = tpu.memref_slice %arg4[%mul3A_40] : memref<320000xi32, #tpu.memory_space<hbm>> -> memref<64xi32, #tpu.memory_space<hbm>>
        %dma_start3A_53 = tpu.memref_slice %arg4[%mul3A_40] : memref<320000xi32, #tpu.memory_space<hbm>> -> memref<64xi32, #tpu.memory_space<hbm>>
        tpu.enqueue_dma source(%dma_start3A_53 : memref<64xi32, #tpu.memory_space<hbm>>) target(%arg8 : memref<64xi32, #tpu.memory_space<vmem>>) target_semaphore(%run_scoped3A : memref<!tpu.dma_semaphore, #tpu.memory_space<semaphore_mem>>)
        %dma_wait3A_54 = tpu.memref_slice %arg4[%mul3A_40] : memref<320000xi32, #tpu.memory_space<hbm>> -> memref<64xi32, #tpu.memory_space<hbm>>
        %dma_wait3A_55 = tpu.memref_slice %arg4[%mul3A_40] : memref<320000xi32, #tpu.memory_space<hbm>> -> memref<64xi32, #tpu.memory_space<hbm>>
        tpu.wait_dma2 semaphore(%run_scoped3A : memref<!tpu.dma_semaphore, #tpu.memory_space<semaphore_mem>>) src(%dma_wait3A_55 : memref<64xi32, #tpu.memory_space<hbm>>) dst(%arg8 : memref<64xi32, #tpu.memory_space<vmem>>)
        tpu.yield
      }) : () -> ()
      %dma_start3A = arith.constant 0 : i32
      %dma_start3A_41 = arith.constant 0 : i32
      %dma_start3A_42 = tpu.memref_slice %arg2[%dma_start3A, %dma_start3A_41] : memref<10112x128xf32, #tpu.memory_space<hbm>> -> memref<10112x128xf32, #tpu.memory_space<hbm>>
      tpu.enqueue_indirect_dma source(%dma_start3A_42 : memref<10112x128xf32, #tpu.memory_space<hbm>>) target(%arg9 : memref<64x128xf32, #tpu.memory_space<vmem>>) offsets(%arg7 : memref<64xi32, #tpu.memory_space<vmem>>) semaphore(%arg11 : memref<!tpu.dma_semaphore, #tpu.memory_space<semaphore_mem>>)
      %dma_wait3A = arith.constant 0 : i32
      %dma_wait3A_43 = arith.constant 0 : i32
      %dma_wait3A_44 = tpu.memref_slice %arg2[%dma_wait3A, %dma_wait3A_43] : memref<10112x128xf32, #tpu.memory_space<hbm>> -> memref<10112x128xf32, #tpu.memory_space<hbm>>
      tpu.wait_indirect_dma semaphore(%arg11 : memref<!tpu.dma_semaphore, #tpu.memory_space<semaphore_mem>>) src(%dma_wait3A_44 : memref<10112x128xf32, #tpu.memory_space<hbm>>) dst(%arg9 : memref<64x128xf32, #tpu.memory_space<vmem>>)
      %dma_start3A_45 = arith.constant 0 : i32
      %dma_start3A_46 = arith.constant 0 : i32
      %dma_start3A_47 = tpu.memref_slice %arg2[%dma_start3A_45, %dma_start3A_46] : memref<10112x128xf32, #tpu.memory_space<hbm>> -> memref<10112x128xf32, #tpu.memory_space<hbm>>
      tpu.enqueue_indirect_dma source(%dma_start3A_47 : memref<10112x128xf32, #tpu.memory_space<hbm>>) target(%arg10 : memref<64x128xf32, #tpu.memory_space<vmem>>) offsets(%arg8 : memref<64xi32, #tpu.memory_space<vmem>>) semaphore(%arg11 : memref<!tpu.dma_semaphore, #tpu.memory_space<semaphore_mem>>)
      %dma_wait3A_48 = arith.constant 0 : i32
      %dma_wait3A_49 = arith.constant 0 : i32
      %dma_wait3A_50 = tpu.memref_slice %arg2[%dma_wait3A_48, %dma_wait3A_49] : memref<10112x128xf32, #tpu.memory_space<hbm>> -> memref<10112x128xf32, #tpu.memory_space<hbm>>
      tpu.wait_indirect_dma semaphore(%arg11 : memref<!tpu.dma_semaphore, #tpu.memory_space<semaphore_mem>>) src(%dma_wait3A_50 : memref<10112x128xf32, #tpu.memory_space<hbm>>) dst(%arg10 : memref<64x128xf32, #tpu.memory_space<vmem>>)
      "tpu.region"() ({
        %run_scoped3A = tpu.sem_alloc : memref<!tpu.dma_semaphore, #tpu.memory_space<semaphore_mem>>
        %dma_start3A_52 = arith.constant 0 : i32
        %dma_start3A_53 = tpu.memref_slice %arg5[%mul3A_40, %dma_start3A_52] : memref<320000x128xf32, #tpu.memory_space<hbm>> -> memref<64x128xf32, #tpu.memory_space<hbm>>
        %dma_start3A_54 = arith.constant 0 : i32
        %dma_start3A_55 = tpu.memref_slice %arg5[%mul3A_40, %dma_start3A_54] : memref<320000x128xf32, #tpu.memory_space<hbm>> -> memref<64x128xf32, #tpu.memory_space<hbm>>
        tpu.enqueue_dma source(%arg9 : memref<64x128xf32, #tpu.memory_space<vmem>>) target(%dma_start3A_55 : memref<64x128xf32, #tpu.memory_space<hbm>>) target_semaphore(%run_scoped3A : memref<!tpu.dma_semaphore, #tpu.memory_space<semaphore_mem>>)
        %dma_wait3A_56 = arith.constant 0 : i32
        %dma_wait3A_57 = tpu.memref_slice %arg5[%mul3A_40, %dma_wait3A_56] : memref<320000x128xf32, #tpu.memory_space<hbm>> -> memref<64x128xf32, #tpu.memory_space<hbm>>
        %dma_wait3A_58 = arith.constant 0 : i32
        %dma_wait3A_59 = tpu.memref_slice %arg5[%mul3A_40, %dma_wait3A_58] : memref<320000x128xf32, #tpu.memory_space<hbm>> -> memref<64x128xf32, #tpu.memory_space<hbm>>
        tpu.wait_dma2 semaphore(%run_scoped3A : memref<!tpu.dma_semaphore, #tpu.memory_space<semaphore_mem>>) src(%arg9 : memref<64x128xf32, #tpu.memory_space<vmem>>) dst(%dma_wait3A_59 : memref<64x128xf32, #tpu.memory_space<hbm>>)
        tpu.yield
      }) : () -> ()
      "tpu.region"() ({
        %run_scoped3A = tpu.sem_alloc : memref<!tpu.dma_semaphore, #tpu.memory_space<semaphore_mem>>
        %dma_start3A_52 = arith.constant 0 : i32
        %dma_start3A_53 = tpu.memref_slice %arg6[%mul3A_40, %dma_start3A_52] : memref<320000x128xf32, #tpu.memory_space<hbm>> -> memref<64x128xf32, #tpu.memory_space<hbm>>
        %dma_start3A_54 = arith.constant 0 : i32
        %dma_start3A_55 = tpu.memref_slice %arg6[%mul3A_40, %dma_start3A_54] : memref<320000x128xf32, #tpu.memory_space<hbm>> -> memref<64x128xf32, #tpu.memory_space<hbm>>
        tpu.enqueue_dma source(%arg10 : memref<64x128xf32, #tpu.memory_space<vmem>>) target(%dma_start3A_55 : memref<64x128xf32, #tpu.memory_space<hbm>>) target_semaphore(%run_scoped3A : memref<!tpu.dma_semaphore, #tpu.memory_space<semaphore_mem>>)
        %dma_wait3A_56 = arith.constant 0 : i32
        %dma_wait3A_57 = tpu.memref_slice %arg6[%mul3A_40, %dma_wait3A_56] : memref<320000x128xf32, #tpu.memory_space<hbm>> -> memref<64x128xf32, #tpu.memory_space<hbm>>
        %dma_wait3A_58 = arith.constant 0 : i32
        %dma_wait3A_59 = tpu.memref_slice %arg6[%mul3A_40, %dma_wait3A_58] : memref<320000x128xf32, #tpu.memory_space<hbm>> -> memref<64x128xf32, #tpu.memory_space<hbm>>
        tpu.wait_dma2 semaphore(%run_scoped3A : memref<!tpu.dma_semaphore, #tpu.memory_space<semaphore_mem>>) src(%arg10 : memref<64x128xf32, #tpu.memory_space<vmem>>) dst(%dma_wait3A_59 : memref<64x128xf32, #tpu.memory_space<hbm>>)
        tpu.yield
      }) : () -> ()
      %while3A_51 = arith.constant 0 : i32
      scf.yield %while3A_51 : i32
    }
    %while3A_32 = arith.constant 1 : i32
    %while3A_33 = scf.for %while3A_34 = %while3A_29 to %while3A_25 step %while3A_32 iter_args(%while3A_35 = %while3A_31) -> (i32)  : i32 {
      %mul3A_36 = arith.constant 32 : i32
      %mul3A_37 = arith.muli %while3A_34, %mul3A_36 : i32
      %add3A_38 = arith.addi %add3A, %mul3A_37 : i32
      %mul3A_39 = arith.constant 64 : i32
      %mul3A_40 = arith.muli %add3A_38, %mul3A_39 : i32
      "tpu.region"() ({
        %run_scoped3A = tpu.sem_alloc : memref<!tpu.dma_semaphore, #tpu.memory_space<semaphore_mem>>
        %dma_start3A_52 = tpu.memref_slice %arg3[%mul3A_40] : memref<320000xi32, #tpu.memory_space<hbm>> -> memref<64xi32, #tpu.memory_space<hbm>>
        %dma_start3A_53 = tpu.memref_slice %arg3[%mul3A_40] : memref<320000xi32, #tpu.memory_space<hbm>> -> memref<64xi32, #tpu.memory_space<hbm>>
        tpu.enqueue_dma source(%dma_start3A_53 : memref<64xi32, #tpu.memory_space<hbm>>) target(%arg7 : memref<64xi32, #tpu.memory_space<vmem>>) target_semaphore(%run_scoped3A : memref<!tpu.dma_semaphore, #tpu.memory_space<semaphore_mem>>)
        %dma_wait3A_54 = tpu.memref_slice %arg3[%mul3A_40] : memref<320000xi32, #tpu.memory_space<hbm>> -> memref<64xi32, #tpu.memory_space<hbm>>
        %dma_wait3A_55 = tpu.memref_slice %arg3[%mul3A_40] : memref<320000xi32, #tpu.memory_space<hbm>> -> memref<64xi32, #tpu.memory_space<hbm>>
        tpu.wait_dma2 semaphore(%run_scoped3A : memref<!tpu.dma_semaphore, #tpu.memory_space<semaphore_mem>>) src(%dma_wait3A_55 : memref<64xi32, #tpu.memory_space<hbm>>) dst(%arg7 : memref<64xi32, #tpu.memory_space<vmem>>)
        tpu.yield
      }) : () -> ()
      "tpu.region"() ({
        %run_scoped3A = tpu.sem_alloc : memref<!tpu.dma_semaphore, #tpu.memory_space<semaphore_mem>>
        %dma_start3A_52 = tpu.memref_slice %arg4[%mul3A_40] : memref<320000xi32, #tpu.memory_space<hbm>> -> memref<64xi32, #tpu.memory_space<hbm>>
        %dma_start3A_53 = tpu.memref_slice %arg4[%mul3A_40] : memref<320000xi32, #tpu.memory_space<hbm>> -> memref<64xi32, #tpu.memory_space<hbm>>
        tpu.enqueue_dma source(%dma_start3A_53 : memref<64xi32, #tpu.memory_space<hbm>>) target(%arg8 : memref<64xi32, #tpu.memory_space<vmem>>) target_semaphore(%run_scoped3A : memref<!tpu.dma_semaphore, #tpu.memory_space<semaphore_mem>>)
        %dma_wait3A_54 = tpu.memref_slice %arg4[%mul3A_40] : memref<320000xi32, #tpu.memory_space<hbm>> -> memref<64xi32, #tpu.memory_space<hbm>>
        %dma_wait3A_55 = tpu.memref_slice %arg4[%mul3A_40] : memref<320000xi32, #tpu.memory_space<hbm>> -> memref<64xi32, #tpu.memory_space<hbm>>
        tpu.wait_dma2 semaphore(%run_scoped3A : memref<!tpu.dma_semaphore, #tpu.memory_space<semaphore_mem>>) src(%dma_wait3A_55 : memref<64xi32, #tpu.memory_space<hbm>>) dst(%arg8 : memref<64xi32, #tpu.memory_space<vmem>>)
        tpu.yield
      }) : () -> ()
      %dma_start3A = arith.constant 0 : i32
      %dma_start3A_41 = arith.constant 0 : i32
      %dma_start3A_42 = tpu.memref_slice %arg2[%dma_start3A, %dma_start3A_41] : memref<10112x128xf32, #tpu.memory_space<hbm>> -> memref<10112x128xf32, #tpu.memory_space<hbm>>
      tpu.enqueue_indirect_dma source(%dma_start3A_42 : memref<10112x128xf32, #tpu.memory_space<hbm>>) target(%arg9 : memref<64x128xf32, #tpu.memory_space<vmem>>) offsets(%arg7 : memref<64xi32, #tpu.memory_space<vmem>>) semaphore(%arg11 : memref<!tpu.dma_semaphore, #tpu.memory_space<semaphore_mem>>)
      %dma_wait3A = arith.constant 0 : i32
      %dma_wait3A_43 = arith.constant 0 : i32
      %dma_wait3A_44 = tpu.memref_slice %arg2[%dma_wait3A, %dma_wait3A_43] : memref<10112x128xf32, #tpu.memory_space<hbm>> -> memref<10112x128xf32, #tpu.memory_space<hbm>>
      tpu.wait_indirect_dma semaphore(%arg11 : memref<!tpu.dma_semaphore, #tpu.memory_space<semaphore_mem>>) src(%dma_wait3A_44 : memref<10112x128xf32, #tpu.memory_space<hbm>>) dst(%arg9 : memref<64x128xf32, #tpu.memory_space<vmem>>)
      %dma_start3A_45 = arith.constant 0 : i32
      %dma_start3A_46 = arith.constant 0 : i32
      %dma_start3A_47 = tpu.memref_slice %arg2[%dma_start3A_45, %dma_start3A_46] : memref<10112x128xf32, #tpu.memory_space<hbm>> -> memref<10112x128xf32, #tpu.memory_space<hbm>>
      tpu.enqueue_indirect_dma source(%dma_start3A_47 : memref<10112x128xf32, #tpu.memory_space<hbm>>) target(%arg10 : memref<64x128xf32, #tpu.memory_space<vmem>>) offsets(%arg8 : memref<64xi32, #tpu.memory_space<vmem>>) semaphore(%arg11 : memref<!tpu.dma_semaphore, #tpu.memory_space<semaphore_mem>>)
      %dma_wait3A_48 = arith.constant 0 : i32
      %dma_wait3A_49 = arith.constant 0 : i32
      %dma_wait3A_50 = tpu.memref_slice %arg2[%dma_wait3A_48, %dma_wait3A_49] : memref<10112x128xf32, #tpu.memory_space<hbm>> -> memref<10112x128xf32, #tpu.memory_space<hbm>>
      tpu.wait_indirect_dma semaphore(%arg11 : memref<!tpu.dma_semaphore, #tpu.memory_space<semaphore_mem>>) src(%dma_wait3A_50 : memref<10112x128xf32, #tpu.memory_space<hbm>>) dst(%arg10 : memref<64x128xf32, #tpu.memory_space<vmem>>)
      "tpu.region"() ({
        %run_scoped3A = tpu.sem_alloc : memref<!tpu.dma_semaphore, #tpu.memory_space<semaphore_mem>>
        %dma_start3A_52 = arith.constant 0 : i32
        %dma_start3A_53 = tpu.memref_slice %arg5[%mul3A_40, %dma_start3A_52] : memref<320000x128xf32, #tpu.memory_space<hbm>> -> memref<64x128xf32, #tpu.memory_space<hbm>>
        %dma_start3A_54 = arith.constant 0 : i32
        %dma_start3A_55 = tpu.memref_slice %arg5[%mul3A_40, %dma_start3A_54] : memref<320000x128xf32, #tpu.memory_space<hbm>> -> memref<64x128xf32, #tpu.memory_space<hbm>>
        tpu.enqueue_dma source(%arg9 : memref<64x128xf32, #tpu.memory_space<vmem>>) target(%dma_start3A_55 : memref<64x128xf32, #tpu.memory_space<hbm>>) target_semaphore(%run_scoped3A : memref<!tpu.dma_semaphore, #tpu.memory_space<semaphore_mem>>)
        %dma_wait3A_56 = arith.constant 0 : i32
        %dma_wait3A_57 = tpu.memref_slice %arg5[%mul3A_40, %dma_wait3A_56] : memref<320000x128xf32, #tpu.memory_space<hbm>> -> memref<64x128xf32, #tpu.memory_space<hbm>>
        %dma_wait3A_58 = arith.constant 0 : i32
        %dma_wait3A_59 = tpu.memref_slice %arg5[%mul3A_40, %dma_wait3A_58] : memref<320000x128xf32, #tpu.memory_space<hbm>> -> memref<64x128xf32, #tpu.memory_space<hbm>>
        tpu.wait_dma2 semaphore(%run_scoped3A : memref<!tpu.dma_semaphore, #tpu.memory_space<semaphore_mem>>) src(%arg9 : memref<64x128xf32, #tpu.memory_space<vmem>>) dst(%dma_wait3A_59 : memref<64x128xf32, #tpu.memory_space<hbm>>)
        tpu.yield
      }) : () -> ()
      "tpu.region"() ({
        %run_scoped3A = tpu.sem_alloc : memref<!tpu.dma_semaphore, #tpu.memory_space<semaphore_mem>>
        %dma_start3A_52 = arith.constant 0 : i32
        %dma_start3A_53 = tpu.memref_slice %arg6[%mul3A_40, %dma_start3A_52] : memref<320000x128xf32, #tpu.memory_space<hbm>> -> memref<64x128xf32, #tpu.memory_space<hbm>>
        %dma_start3A_54 = arith.constant 0 : i32
        %dma_start3A_55 = tpu.memref_slice %arg6[%mul3A_40, %dma_start3A_54] : memref<320000x128xf32, #tpu.memory_space<hbm>> -> memref<64x128xf32, #tpu.memory_space<hbm>>
        tpu.enqueue_dma source(%arg10 : memref<64x128xf32, #tpu.memory_space<vmem>>) target(%dma_start3A_55 : memref<64x128xf32, #tpu.memory_space<hbm>>) target_semaphore(%run_scoped3A : memref<!tpu.dma_semaphore, #tpu.memory_space<semaphore_mem>>)
        %dma_wait3A_56 = arith.constant 0 : i32
        %dma_wait3A_57 = tpu.memref_slice %arg6[%mul3A_40, %dma_wait3A_56] : memref<320000x128xf32, #tpu.memory_space<hbm>> -> memref<64x128xf32, #tpu.memory_space<hbm>>
        %dma_wait3A_58 = arith.constant 0 : i32
        %dma_wait3A_59 = tpu.memref_slice %arg6[%mul3A_40, %dma_wait3A_58] : memref<320000x128xf32, #tpu.memory_space<hbm>> -> memref<64x128xf32, #tpu.memory_space<hbm>>
        tpu.wait_dma2 semaphore(%run_scoped3A : memref<!tpu.dma_semaphore, #tpu.memory_space<semaphore_mem>>) src(%arg10 : memref<64x128xf32, #tpu.memory_space<vmem>>) dst(%dma_wait3A_59 : memref<64x128xf32, #tpu.memory_space<hbm>>)
        tpu.yield
      }) : () -> ()
      %while3A_51 = arith.constant 0 : i32
      scf.yield %while3A_51 : i32
    }
    return
  }
}

#map = affine_map<(d0, d1) -> (0)>
#map1 = affine_map<(d0, d1) -> (0, 0)>
module attributes {stable_mosaic.version = 14 : i64} {
  func.func @_sc_scatter_f_body(%arg0: i32, %arg1: i32, %arg2: memref<5120000xf32, #tpu.memory_space<hbm>>, %arg3: memref<320000xi32, #tpu.memory_space<hbm>>, %arg4: memref<2x161792xf32, #tpu.memory_space<hbm>>, %arg5: memref<2000xi32, #tpu.memory_space<vmem>>, %arg6: memref<32000xf32, #tpu.memory_space<vmem>>, %arg7: memref<2016xi32, #tpu.memory_space<vmem>>, %arg8: memref<2016xi32, #tpu.memory_space<vmem>>, %arg9: memref<10112xf32, #tpu.memory_space<vmem>>) attributes {dimension_semantics = [#tpu.dimension_semantics<core_parallel>, #tpu.dimension_semantics<subcore_parallel>], iteration_bounds = array<i64: 2, 16>, scalar_prefetch = 0 : i64, scratch_operands = 5 : i64, tpu.core_type = #tpu.core_type<sc_vector_subcore>, window_params = [{transform_indices = #map}, {transform_indices = #map}, {transform_indices = #map1}]} {
    %mul3A = arith.constant 632 : i32
    %mul3A_0 = arith.muli %arg1, %mul3A : i32
    %mul3A_1 = arith.constant 160000 : i32
    %mul3A_2 = arith.muli %arg0, %mul3A_1 : i32
    %broadcast_in_dim3A = arith.constant 0.000000e+00 : f32
    %broadcast_in_dim3A_3 = vector.broadcast %broadcast_in_dim3A : f32 to vector<16xf32>
    %iota3A = tpu.iota {dimensions = array<i32: 0>} : vector<16xi32>
    %scan3A = arith.constant 0 : i32
    %scan3A_4 = arith.constant 0 : i32
    %scan3A_5 = arith.constant 632 : i32
    %scan3A_6 = arith.addi %scan3A_4, %scan3A_5 : i32
    %scan3A_7 = arith.constant 1 : i32
    %scan3A_8 = scf.for %scan3A_19 = %scan3A_4 to %scan3A_6 step %scan3A_7 iter_args(%scan3A_20 = %scan3A) -> (i32)  : i32 {
      %mul3A_21 = arith.constant 16 : i32
      %mul3A_22 = arith.muli %scan3A_19, %mul3A_21 : i32
      %swap3A = arith.index_cast %mul3A_22 : i32 to index
      %swap3A_23 = tpu.vector_load %arg9[%swap3A] {strides = array<i32>} : memref<10112xf32, #tpu.memory_space<vmem>>, vector<16xf32>,
      tpu.vector_store %arg9[%swap3A], %broadcast_in_dim3A_3 {strides = array<i32>} : memref<10112xf32, #tpu.memory_space<vmem>>, vector<16xf32>,
      %scan3A_24 = arith.constant 0 : i32
      scf.yield %scan3A_24 : i32
    }
    %scan3A_9 = arith.constant 632 : i32
    %scan3A_10 = arith.constant 0 : i32
    %scan3A_11 = arith.constant 0 : i32
    %scan3A_12 = arith.constant 80 : i32
    %scan3A_13 = arith.addi %scan3A_11, %scan3A_12 : i32
    %scan3A_14 = arith.constant 1 : i32
    %scan3A_15 = scf.for %scan3A_19 = %scan3A_11 to %scan3A_13 step %scan3A_14 iter_args(%scan3A_20 = %scan3A_10) -> (i32)  : i32 {
      %mul3A_21 = arith.constant 2000 : i32
      %mul3A_22 = arith.muli %scan3A_19, %mul3A_21 : i32
      %add3A = arith.addi %mul3A_2, %mul3A_22 : i32
      "tpu.region"() ({
        %run_scoped3A = tpu.sem_alloc : memref<!tpu.dma_semaphore, #tpu.memory_space<semaphore_mem>>
        %dma_start3A = tpu.memref_slice %arg3[%add3A] : memref<320000xi32, #tpu.memory_space<hbm>> -> memref<2000xi32, #tpu.memory_space<hbm>>
        %dma_start3A_44 = tpu.memref_slice %arg3[%add3A] : memref<320000xi32, #tpu.memory_space<hbm>> -> memref<2000xi32, #tpu.memory_space<hbm>>
        tpu.enqueue_dma source(%dma_start3A_44 : memref<2000xi32, #tpu.memory_space<hbm>>) target(%arg5 : memref<2000xi32, #tpu.memory_space<vmem>>) target_semaphore(%run_scoped3A : memref<!tpu.dma_semaphore, #tpu.memory_space<semaphore_mem>>)
        %dma_wait3A = tpu.memref_slice %arg3[%add3A] : memref<320000xi32, #tpu.memory_space<hbm>> -> memref<2000xi32, #tpu.memory_space<hbm>>
        %dma_wait3A_45 = tpu.memref_slice %arg3[%add3A] : memref<320000xi32, #tpu.memory_space<hbm>> -> memref<2000xi32, #tpu.memory_space<hbm>>
        tpu.wait_dma2 semaphore(%run_scoped3A : memref<!tpu.dma_semaphore, #tpu.memory_space<semaphore_mem>>) src(%dma_wait3A_45 : memref<2000xi32, #tpu.memory_space<hbm>>) dst(%arg5 : memref<2000xi32, #tpu.memory_space<vmem>>)
        tpu.yield
      }) : () -> ()
      %mul3A_23 = arith.constant 16 : i32
      %mul3A_24 = arith.muli %add3A, %mul3A_23 : i32
      "tpu.region"() ({
        %run_scoped3A = tpu.sem_alloc : memref<!tpu.dma_semaphore, #tpu.memory_space<semaphore_mem>>
        %dma_start3A = tpu.memref_slice %arg2[%mul3A_24] : memref<5120000xf32, #tpu.memory_space<hbm>> -> memref<32000xf32, #tpu.memory_space<hbm>>
        %dma_start3A_44 = tpu.memref_slice %arg2[%mul3A_24] : memref<5120000xf32, #tpu.memory_space<hbm>> -> memref<32000xf32, #tpu.memory_space<hbm>>
        tpu.enqueue_dma source(%dma_start3A_44 : memref<32000xf32, #tpu.memory_space<hbm>>) target(%arg6 : memref<32000xf32, #tpu.memory_space<vmem>>) target_semaphore(%run_scoped3A : memref<!tpu.dma_semaphore, #tpu.memory_space<semaphore_mem>>)
        %dma_wait3A = tpu.memref_slice %arg2[%mul3A_24] : memref<5120000xf32, #tpu.memory_space<hbm>> -> memref<32000xf32, #tpu.memory_space<hbm>>
        %dma_wait3A_45 = tpu.memref_slice %arg2[%mul3A_24] : memref<5120000xf32, #tpu.memory_space<hbm>> -> memref<32000xf32, #tpu.memory_space<hbm>>
        tpu.wait_dma2 semaphore(%run_scoped3A : memref<!tpu.dma_semaphore, #tpu.memory_space<semaphore_mem>>) src(%dma_wait3A_45 : memref<32000xf32, #tpu.memory_space<hbm>>) dst(%arg6 : memref<32000xf32, #tpu.memory_space<vmem>>)
        tpu.yield
      }) : () -> ()
      %scan3A_25 = arith.constant 0 : i32
      %scan3A_26 = arith.constant 0 : i32
      %scan3A_27 = arith.constant 125 : i32
      %scan3A_28 = arith.addi %scan3A_26, %scan3A_27 : i32
      %scan3A_29 = arith.constant 1 : i32
      %scan3A_30 = scf.for %scan3A_44 = %scan3A_26 to %scan3A_28 step %scan3A_29 iter_args(%scan3A_45 = %scan3A_25) -> (i32)  : i32 {
        %mul3A_46 = arith.constant 16 : i32
        %mul3A_47 = arith.muli %scan3A_44, %mul3A_46 : i32
        %get3A = arith.index_cast %mul3A_47 : i32 to index
        %get3A_48 = tpu.vector_load %arg5[%get3A] {strides = array<i32>} : memref<2000xi32, #tpu.memory_space<vmem>>, vector<16xi32>,
        %ge3A = vector.broadcast %mul3A_0 : i32 to vector<16xi32>
        %ge3A_49 = arith.cmpi sge, %get3A_48, %ge3A : vector<16xi32>
        %add3A_50 = arith.constant 632 : i32
        %add3A_51 = arith.addi %mul3A_0, %add3A_50 : i32
        %lt3A = vector.broadcast %add3A_51 : i32 to vector<16xi32>
        %lt3A_52 = arith.cmpi slt, %get3A_48, %lt3A : vector<16xi32>
        %and3A = arith.andi %ge3A_49, %lt3A_52 : vector<16xi1>
        %mul3A_53 = arith.constant 16 : i32
        %mul3A_54 = arith.muli %scan3A_44, %mul3A_53 : i32
        %add3A_55 = vector.broadcast %mul3A_54 : i32 to vector<16xi32>
        %add3A_56 = arith.addi %add3A_55, %iota3A : vector<16xi32>
        %swap3A = arith.index_cast %scan3A_45 : i32 to index
        %swap3A_57 = tpu.vector_load %arg7[%swap3A] masked %and3A {strides = array<i32>} : memref<2016xi32, #tpu.memory_space<vmem>>, vector<16xi32>, vector<16xi1>
        tpu.vector_store %arg7[%swap3A], %add3A_56 masked %and3A {strides = array<i32>} : memref<2016xi32, #tpu.memory_space<vmem>>, vector<16xi32>, vector<16xi1>
        %swap3A_58 = arith.index_cast %scan3A_45 : i32 to index
        %swap3A_59 = tpu.vector_load %arg8[%swap3A_58] masked %and3A {strides = array<i32>} : memref<2016xi32, #tpu.memory_space<vmem>>, vector<16xi32>, vector<16xi1>
        tpu.vector_store %arg8[%swap3A_58], %get3A_48 masked %and3A {strides = array<i32>} : memref<2016xi32, #tpu.memory_space<vmem>>, vector<16xi32>, vector<16xi1>
        %convert_element_type3A = arith.extui %and3A : vector<16xi1> to vector<16xi32>
        %reduce_sum3A = arith.constant true
        %reduce_sum3A_60 = vector.broadcast %reduce_sum3A : i1 to vector<16xi1>
        %reduce_sum3A_61 = tpu.scan <sum>, %convert_element_type3A masked %reduce_sum3A_60 : vector<16xi32>, vector<16xi1> -> vector<16xi32>
        %reduce_sum3A_62 = vector.extract %reduce_sum3A_61[15] : i32 from vector<16xi32>
        %add3A_63 = arith.addi %scan3A_45, %reduce_sum3A_62 : i32
        scf.yield %add3A_63 : i32
      }
      %scan3A_31 = arith.constant 125 : i32
      %while3A = arith.constant 0 : i32
      %while3A_32 = arith.constant 0 : i32
      %while3A_33 = arith.subi %scan3A_30, %while3A : i32
      %while3A_34 = arith.addi %while3A, %while3A_33 : i32
      %while3A_35 = arith.constant 1 : i32
      %while3A_36 = arith.divsi %while3A_33, %while3A_35 : i32
      %while3A_37 = arith.muli %while3A_36, %while3A_35 : i32
      %while3A_38 = arith.addi %while3A, %while3A_37 : i32
      %while3A_39 = arith.constant 1 : i32
      %while3A_40 = scf.for %while3A_44 = %while3A to %while3A_38 step %while3A_39 iter_args(%while3A_45 = %while3A_32) -> (i32)  : i32 {
        %get3A = arith.index_cast %while3A_44 : i32 to index
        %get3A_46 = tpu.vector_load %arg7[%get3A] {strides = array<i32>} : memref<2016xi32, #tpu.memory_space<vmem>>, vector<16xi32>,
        %slice3A = vector.extract_strided_slice %get3A_46 {offsets = [0], sizes = [1], strides = [1]} : vector<16xi32> to vector<1xi32>
        %squeeze3A = vector.extract %slice3A[0] : i32 from vector<1xi32>
        %get3A_47 = arith.index_cast %while3A_44 : i32 to index
        %get3A_48 = tpu.vector_load %arg8[%get3A_47] {strides = array<i32>} : memref<2016xi32, #tpu.memory_space<vmem>>, vector<16xi32>,
        %slice3A_49 = vector.extract_strided_slice %get3A_48 {offsets = [0], sizes = [1], strides = [1]} : vector<16xi32> to vector<1xi32>
        %squeeze3A_50 = vector.extract %slice3A_49[0] : i32 from vector<1xi32>
        %sub3A = arith.subi %squeeze3A_50, %mul3A_0 : i32
        %mul3A_51 = arith.constant 16 : i32
        %mul3A_52 = arith.muli %sub3A, %mul3A_51 : i32
        %get3A_53 = arith.index_cast %mul3A_52 : i32 to index
        %get3A_54 = tpu.vector_load %arg9[%get3A_53] {strides = array<i32>} : memref<10112xf32, #tpu.memory_space<vmem>>, vector<16xf32>,
        %mul3A_55 = arith.constant 16 : i32
        %mul3A_56 = arith.muli %squeeze3A, %mul3A_55 : i32
        %get3A_57 = arith.index_cast %mul3A_56 : i32 to index
        %get3A_58 = tpu.vector_load %arg6[%get3A_57] {strides = array<i32>} : memref<32000xf32, #tpu.memory_space<vmem>>, vector<16xf32>,
        %add3A_59 = arith.addf %get3A_54, %get3A_58 : vector<16xf32>
        %mul3A_60 = arith.constant 16 : i32
        %mul3A_61 = arith.muli %sub3A, %mul3A_60 : i32
        %swap3A = arith.index_cast %mul3A_61 : i32 to index
        %swap3A_62 = tpu.vector_load %arg9[%swap3A] {strides = array<i32>} : memref<10112xf32, #tpu.memory_space<vmem>>, vector<16xf32>,
        tpu.vector_store %arg9[%swap3A], %add3A_59 {strides = array<i32>} : memref<10112xf32, #tpu.memory_space<vmem>>, vector<16xf32>,
        %while3A_63 = arith.constant 0 : i32
        scf.yield %while3A_63 : i32
      }
      %while3A_41 = arith.constant 1 : i32
      %while3A_42 = scf.for %while3A_44 = %while3A_38 to %while3A_34 step %while3A_41 iter_args(%while3A_45 = %while3A_40) -> (i32)  : i32 {
        %get3A = arith.index_cast %while3A_44 : i32 to index
        %get3A_46 = tpu.vector_load %arg7[%get3A] {strides = array<i32>} : memref<2016xi32, #tpu.memory_space<vmem>>, vector<16xi32>,
        %slice3A = vector.extract_strided_slice %get3A_46 {offsets = [0], sizes = [1], strides = [1]} : vector<16xi32> to vector<1xi32>
        %squeeze3A = vector.extract %slice3A[0] : i32 from vector<1xi32>
        %get3A_47 = arith.index_cast %while3A_44 : i32 to index
        %get3A_48 = tpu.vector_load %arg8[%get3A_47] {strides = array<i32>} : memref<2016xi32, #tpu.memory_space<vmem>>, vector<16xi32>,
        %slice3A_49 = vector.extract_strided_slice %get3A_48 {offsets = [0], sizes = [1], strides = [1]} : vector<16xi32> to vector<1xi32>
        %squeeze3A_50 = vector.extract %slice3A_49[0] : i32 from vector<1xi32>
        %sub3A = arith.subi %squeeze3A_50, %mul3A_0 : i32
        %mul3A_51 = arith.constant 16 : i32
        %mul3A_52 = arith.muli %sub3A, %mul3A_51 : i32
        %get3A_53 = arith.index_cast %mul3A_52 : i32 to index
        %get3A_54 = tpu.vector_load %arg9[%get3A_53] {strides = array<i32>} : memref<10112xf32, #tpu.memory_space<vmem>>, vector<16xf32>,
        %mul3A_55 = arith.constant 16 : i32
        %mul3A_56 = arith.muli %squeeze3A, %mul3A_55 : i32
        %get3A_57 = arith.index_cast %mul3A_56 : i32 to index
        %get3A_58 = tpu.vector_load %arg6[%get3A_57] {strides = array<i32>} : memref<32000xf32, #tpu.memory_space<vmem>>, vector<16xf32>,
        %add3A_59 = arith.addf %get3A_54, %get3A_58 : vector<16xf32>
        %mul3A_60 = arith.constant 16 : i32
        %mul3A_61 = arith.muli %sub3A, %mul3A_60 : i32
        %swap3A = arith.index_cast %mul3A_61 : i32 to index
        %swap3A_62 = tpu.vector_load %arg9[%swap3A] {strides = array<i32>} : memref<10112xf32, #tpu.memory_space<vmem>>, vector<16xf32>,
        tpu.vector_store %arg9[%swap3A], %add3A_59 {strides = array<i32>} : memref<10112xf32, #tpu.memory_space<vmem>>, vector<16xf32>,
        %while3A_63 = arith.constant 0 : i32
        scf.yield %while3A_63 : i32
      }
      %scan3A_43 = arith.constant 0 : i32
      scf.yield %scan3A_43 : i32
    }
    %scan3A_16 = arith.constant 80 : i32
    %mul3A_17 = arith.constant 16 : i32
    %mul3A_18 = arith.muli %mul3A_0, %mul3A_17 : i32
    "tpu.region"() ({
      %run_scoped3A = tpu.sem_alloc : memref<!tpu.dma_semaphore, #tpu.memory_space<semaphore_mem>>
      %dma_start3A = tpu.memref_slice %arg4[%arg0, %mul3A_18] : memref<2x161792xf32, #tpu.memory_space<hbm>> -> memref<1x10112xf32, #tpu.memory_space<hbm>>
      %dma_start3A_19 = tpu.memref_squeeze %dma_start3A : memref<1x10112xf32, #tpu.memory_space<hbm>> -> memref<10112xf32, #tpu.memory_space<hbm>>
      %dma_start3A_20 = tpu.memref_slice %arg4[%arg0, %mul3A_18] : memref<2x161792xf32, #tpu.memory_space<hbm>> -> memref<1x10112xf32, #tpu.memory_space<hbm>>
      %dma_start3A_21 = tpu.memref_squeeze %dma_start3A_20 : memref<1x10112xf32, #tpu.memory_space<hbm>> -> memref<10112xf32, #tpu.memory_space<hbm>>
      tpu.enqueue_dma source(%arg9 : memref<10112xf32, #tpu.memory_space<vmem>>) target(%dma_start3A_21 : memref<10112xf32, #tpu.memory_space<hbm>>) target_semaphore(%run_scoped3A : memref<!tpu.dma_semaphore, #tpu.memory_space<semaphore_mem>>)
      %dma_wait3A = tpu.memref_slice %arg4[%arg0, %mul3A_18] : memref<2x161792xf32, #tpu.memory_space<hbm>> -> memref<1x10112xf32, #tpu.memory_space<hbm>>
      %dma_wait3A_22 = tpu.memref_squeeze %dma_wait3A : memref<1x10112xf32, #tpu.memory_space<hbm>> -> memref<10112xf32, #tpu.memory_space<hbm>>
      %dma_wait3A_23 = tpu.memref_slice %arg4[%arg0, %mul3A_18] : memref<2x161792xf32, #tpu.memory_space<hbm>> -> memref<1x10112xf32, #tpu.memory_space<hbm>>
      %dma_wait3A_24 = tpu.memref_squeeze %dma_wait3A_23 : memref<1x10112xf32, #tpu.memory_space<hbm>> -> memref<10112xf32, #tpu.memory_space<hbm>>
      tpu.wait_dma2 semaphore(%run_scoped3A : memref<!tpu.dma_semaphore, #tpu.memory_space<semaphore_mem>>) src(%arg9 : memref<10112xf32, #tpu.memory_space<vmem>>) dst(%dma_wait3A_24 : memref<10112xf32, #tpu.memory_space<hbm>>)
      tpu.yield
    }) : () -> ()
    return
  }
}

#map = affine_map<(d0, d1) -> (0, 0)>
#map1 = affine_map<(d0, d1) -> (0)>
#map2 = affine_map<(d0, d1) -> (0, 0, 0)>
module attributes {stable_mosaic.version = 14 : i64} {
  func.func @_sc_scatter_g_body(%arg0: i32, %arg1: i32, %arg2: memref<10112x128xf32, #tpu.memory_space<hbm>>, %arg3: memref<320000xi32, #tpu.memory_space<hbm>>, %arg4: memref<320000xi32, #tpu.memory_space<hbm>>, %arg5: memref<2x10112x128xf32, #tpu.memory_space<hbm>>, %arg6: memref<2000xi32, #tpu.memory_space<vmem>>, %arg7: memref<2000xi32, #tpu.memory_space<vmem>>, %arg8: memref<144xi32, #tpu.memory_space<vmem>>, %arg9: memref<144xi32, #tpu.memory_space<vmem>>, %arg10: memref<128xi32, #tpu.memory_space<vmem>>, %arg11: memref<144xi32, #tpu.memory_space<vmem>>, %arg12: memref<128x128xf32, #tpu.memory_space<vmem>>, %arg13: memref<632x128xf32, #tpu.memory_space<vmem>>, %arg14: memref<!tpu.dma_semaphore, #tpu.memory_space<semaphore_mem>>) attributes {dimension_semantics = [#tpu.dimension_semantics<core_parallel>, #tpu.dimension_semantics<subcore_parallel>], iteration_bounds = array<i64: 2, 16>, scalar_prefetch = 0 : i64, scratch_operands = 9 : i64, tpu.core_type = #tpu.core_type<sc_vector_subcore>, window_params = [{transform_indices = #map}, {transform_indices = #map1}, {transform_indices = #map1}, {transform_indices = #map2}]} {
    %mul3A = arith.constant 632 : i32
    %mul3A_0 = arith.muli %arg1, %mul3A : i32
    %mul3A_1 = arith.constant 160000 : i32
    %mul3A_2 = arith.muli %arg0, %mul3A_1 : i32
    %broadcast_in_dim3A = arith.constant 0.000000e+00 : f32
    %broadcast_in_dim3A_3 = vector.broadcast %broadcast_in_dim3A : f32 to vector<16xf32>
    %broadcast_in_dim3A_4 = arith.constant 0 : i32
    %broadcast_in_dim3A_5 = vector.broadcast %broadcast_in_dim3A_4 : i32 to vector<16xi32>
    %scan3A = arith.constant 0 : i32
    %scan3A_6 = arith.constant 0 : i32
    %scan3A_7 = arith.constant 5056 : i32
    %scan3A_8 = arith.addi %scan3A_6, %scan3A_7 : i32
    %scan3A_9 = arith.constant 1 : i32
    %scan3A_10 = scf.for %scan3A_132 = %scan3A_6 to %scan3A_8 step %scan3A_9 iter_args(%scan3A_133 = %scan3A) -> (i32)  : i32 {
      %jit3A = arith.constant 8 : i32
      %div3A = arith.divsi %scan3A_132, %jit3A : i32
      %sign3A = arith.constant 0 : i32
      %sign3A_134 = arith.cmpi sgt, %scan3A_132, %sign3A : i32
      %sign3A_135 = arith.extui %sign3A_134 : i1 to i32
      %sign3A_136 = arith.constant 0 : i32
      %sign3A_137 = arith.cmpi slt, %scan3A_132, %sign3A_136 : i32
      %sign3A_138 = arith.extui %sign3A_137 : i1 to i32
      %sign3A_139 = arith.subi %sign3A_135, %sign3A_138 : i32
      %sign3A_140 = arith.constant 0 : i32
      %sign3A_141 = arith.cmpi sgt, %jit3A, %sign3A_140 : i32
      %sign3A_142 = arith.extui %sign3A_141 : i1 to i32
      %sign3A_143 = arith.constant 0 : i32
      %sign3A_144 = arith.cmpi slt, %jit3A, %sign3A_143 : i32
      %sign3A_145 = arith.extui %sign3A_144 : i1 to i32
      %sign3A_146 = arith.subi %sign3A_142, %sign3A_145 : i32
      %ne3A = arith.cmpi ne, %sign3A_139, %sign3A_146 : i32
      %rem3A = arith.remsi %scan3A_132, %jit3A : i32
      %ne3A_147 = arith.constant 0 : i32
      %ne3A_148 = arith.cmpi ne, %rem3A, %ne3A_147 : i32
      %and3A = arith.andi %ne3A, %ne3A_148 : i1
      %sub3A = arith.constant 1 : i32
      %sub3A_149 = arith.subi %div3A, %sub3A : i32
      %select_n3A = arith.select %and3A, %sub3A_149, %div3A : i32
      %mul3A_150 = arith.constant 8 : i32
      %mul3A_151 = arith.muli %select_n3A, %mul3A_150 : i32
      %sub3A_152 = arith.subi %scan3A_132, %mul3A_151 : i32
      %mul3A_153 = arith.constant 16 : i32
      %mul3A_154 = arith.muli %sub3A_152, %mul3A_153 : i32
      %swap3A_155 = arith.index_cast %select_n3A : i32 to index
      %swap3A_156 = arith.index_cast %mul3A_154 : i32 to index
      %swap3A_157 = tpu.vector_load %arg13[%swap3A_155, %swap3A_156] {strides = array<i32>} : memref<632x128xf32, #tpu.memory_space<vmem>>, vector<16xf32>,
      tpu.vector_store %arg13[%swap3A_155, %swap3A_156], %broadcast_in_dim3A_3 {strides = array<i32>} : memref<632x128xf32, #tpu.memory_space<vmem>>, vector<16xf32>,
      %scan3A_158 = arith.constant 0 : i32
      scf.yield %scan3A_158 : i32
    }
    %scan3A_11 = arith.constant 5056 : i32
    %swap3A = arith.constant 0 : index
    %swap3A_12 = tpu.vector_load %arg8[%swap3A] {strides = array<i32>} : memref<144xi32, #tpu.memory_space<vmem>>, vector<16xi32>,
    tpu.vector_store %arg8[%swap3A], %broadcast_in_dim3A_5 {strides = array<i32>} : memref<144xi32, #tpu.memory_space<vmem>>, vector<16xi32>,
    %swap3A_13 = arith.constant 0 : index
    %swap3A_14 = tpu.vector_load %arg9[%swap3A_13] {strides = array<i32>} : memref<144xi32, #tpu.memory_space<vmem>>, vector<16xi32>,
    tpu.vector_store %arg9[%swap3A_13], %broadcast_in_dim3A_5 {strides = array<i32>} : memref<144xi32, #tpu.memory_space<vmem>>, vector<16xi32>,
    %swap3A_15 = arith.constant 16 : index
    %swap3A_16 = tpu.vector_load %arg8[%swap3A_15] {strides = array<i32>} : memref<144xi32, #tpu.memory_space<vmem>>, vector<16xi32>,
    tpu.vector_store %arg8[%swap3A_15], %broadcast_in_dim3A_5 {strides = array<i32>} : memref<144xi32, #tpu.memory_space<vmem>>, vector<16xi32>,
    %swap3A_17 = arith.constant 16 : index
    %swap3A_18 = tpu.vector_load %arg9[%swap3A_17] {strides = array<i32>} : memref<144xi32, #tpu.memory_space<vmem>>, vector<16xi32>,
    tpu.vector_store %arg9[%swap3A_17], %broadcast_in_dim3A_5 {strides = array<i32>} : memref<144xi32, #tpu.memory_space<vmem>>, vector<16xi32>,
    %swap3A_19 = arith.constant 32 : index
    %swap3A_20 = tpu.vector_load %arg8[%swap3A_19] {strides = array<i32>} : memref<144xi32, #tpu.memory_space<vmem>>, vector<16xi32>,
    tpu.vector_store %arg8[%swap3A_19], %broadcast_in_dim3A_5 {strides = array<i32>} : memref<144xi32, #tpu.memory_space<vmem>>, vector<16xi32>,
    %swap3A_21 = arith.constant 32 : index
    %swap3A_22 = tpu.vector_load %arg9[%swap3A_21] {strides = array<i32>} : memref<144xi32, #tpu.memory_space<vmem>>, vector<16xi32>,
    tpu.vector_store %arg9[%swap3A_21], %broadcast_in_dim3A_5 {strides = array<i32>} : memref<144xi32, #tpu.memory_space<vmem>>, vector<16xi32>,
    %swap3A_23 = arith.constant 48 : index
    %swap3A_24 = tpu.vector_load %arg8[%swap3A_23] {strides = array<i32>} : memref<144xi32, #tpu.memory_space<vmem>>, vector<16xi32>,
    tpu.vector_store %arg8[%swap3A_23], %broadcast_in_dim3A_5 {strides = array<i32>} : memref<144xi32, #tpu.memory_space<vmem>>, vector<16xi32>,
    %swap3A_25 = arith.constant 48 : index
    %swap3A_26 = tpu.vector_load %arg9[%swap3A_25] {strides = array<i32>} : memref<144xi32, #tpu.memory_space<vmem>>, vector<16xi32>,
    tpu.vector_store %arg9[%swap3A_25], %broadcast_in_dim3A_5 {strides = array<i32>} : memref<144xi32, #tpu.memory_space<vmem>>, vector<16xi32>,
    %swap3A_27 = arith.constant 64 : index
    %swap3A_28 = tpu.vector_load %arg8[%swap3A_27] {strides = array<i32>} : memref<144xi32, #tpu.memory_space<vmem>>, vector<16xi32>,
    tpu.vector_store %arg8[%swap3A_27], %broadcast_in_dim3A_5 {strides = array<i32>} : memref<144xi32, #tpu.memory_space<vmem>>, vector<16xi32>,
    %swap3A_29 = arith.constant 64 : index
    %swap3A_30 = tpu.vector_load %arg9[%swap3A_29] {strides = array<i32>} : memref<144xi32, #tpu.memory_space<vmem>>, vector<16xi32>,
    tpu.vector_store %arg9[%swap3A_29], %broadcast_in_dim3A_5 {strides = array<i32>} : memref<144xi32, #tpu.memory_space<vmem>>, vector<16xi32>,
    %swap3A_31 = arith.constant 80 : index
    %swap3A_32 = tpu.vector_load %arg8[%swap3A_31] {strides = array<i32>} : memref<144xi32, #tpu.memory_space<vmem>>, vector<16xi32>,
    tpu.vector_store %arg8[%swap3A_31], %broadcast_in_dim3A_5 {strides = array<i32>} : memref<144xi32, #tpu.memory_space<vmem>>, vector<16xi32>,
    %swap3A_33 = arith.constant 80 : index
    %swap3A_34 = tpu.vector_load %arg9[%swap3A_33] {strides = array<i32>} : memref<144xi32, #tpu.memory_space<vmem>>, vector<16xi32>,
    tpu.vector_store %arg9[%swap3A_33], %broadcast_in_dim3A_5 {strides = array<i32>} : memref<144xi32, #tpu.memory_space<vmem>>, vector<16xi32>,
    %swap3A_35 = arith.constant 96 : index
    %swap3A_36 = tpu.vector_load %arg8[%swap3A_35] {strides = array<i32>} : memref<144xi32, #tpu.memory_space<vmem>>, vector<16xi32>,
    tpu.vector_store %arg8[%swap3A_35], %broadcast_in_dim3A_5 {strides = array<i32>} : memref<144xi32, #tpu.memory_space<vmem>>, vector<16xi32>,
    %swap3A_37 = arith.constant 96 : index
    %swap3A_38 = tpu.vector_load %arg9[%swap3A_37] {strides = array<i32>} : memref<144xi32, #tpu.memory_space<vmem>>, vector<16xi32>,
    tpu.vector_store %arg9[%swap3A_37], %broadcast_in_dim3A_5 {strides = array<i32>} : memref<144xi32, #tpu.memory_space<vmem>>, vector<16xi32>,
    %swap3A_39 = arith.constant 112 : index
    %swap3A_40 = tpu.vector_load %arg8[%swap3A_39] {strides = array<i32>} : memref<144xi32, #tpu.memory_space<vmem>>, vector<16xi32>,
    tpu.vector_store %arg8[%swap3A_39], %broadcast_in_dim3A_5 {strides = array<i32>} : memref<144xi32, #tpu.memory_space<vmem>>, vector<16xi32>,
    %swap3A_41 = arith.constant 112 : index
    %swap3A_42 = tpu.vector_load %arg9[%swap3A_41] {strides = array<i32>} : memref<144xi32, #tpu.memory_space<vmem>>, vector<16xi32>,
    tpu.vector_store %arg9[%swap3A_41], %broadcast_in_dim3A_5 {strides = array<i32>} : memref<144xi32, #tpu.memory_space<vmem>>, vector<16xi32>,
    %swap3A_43 = arith.constant 128 : index
    %swap3A_44 = tpu.vector_load %arg8[%swap3A_43] {strides = array<i32>} : memref<144xi32, #tpu.memory_space<vmem>>, vector<16xi32>,
    tpu.vector_store %arg8[%swap3A_43], %broadcast_in_dim3A_5 {strides = array<i32>} : memref<144xi32, #tpu.memory_space<vmem>>, vector<16xi32>,
    %swap3A_45 = arith.constant 128 : index
    %swap3A_46 = tpu.vector_load %arg9[%swap3A_45] {strides = array<i32>} : memref<144xi32, #tpu.memory_space<vmem>>, vector<16xi32>,
    tpu.vector_store %arg9[%swap3A_45], %broadcast_in_dim3A_5 {strides = array<i32>} : memref<144xi32, #tpu.memory_space<vmem>>, vector<16xi32>,
    %scan3A_47 = arith.constant 0 : i32
    %scan3A_48 = arith.constant 0 : i32
    %scan3A_49 = arith.constant 80 : i32
    %scan3A_50 = arith.addi %scan3A_48, %scan3A_49 : i32
    %scan3A_51 = arith.constant 1 : i32
    %scan3A_52 = scf.for %scan3A_132 = %scan3A_48 to %scan3A_50 step %scan3A_51 iter_args(%scan3A_133 = %scan3A_47) -> (i32)  : i32 {
      %mul3A_134 = arith.constant 2000 : i32
      %mul3A_135 = arith.muli %scan3A_132, %mul3A_134 : i32
      %add3A = arith.addi %mul3A_2, %mul3A_135 : i32
      "tpu.region"() ({
        %run_scoped3A = tpu.sem_alloc : memref<!tpu.dma_semaphore, #tpu.memory_space<semaphore_mem>>
        %dma_start3A_142 = tpu.memref_slice %arg3[%add3A] : memref<320000xi32, #tpu.memory_space<hbm>> -> memref<2000xi32, #tpu.memory_space<hbm>>
        %dma_start3A_143 = tpu.memref_slice %arg3[%add3A] : memref<320000xi32, #tpu.memory_space<hbm>> -> memref<2000xi32, #tpu.memory_space<hbm>>
        tpu.enqueue_dma source(%dma_start3A_143 : memref<2000xi32, #tpu.memory_space<hbm>>) target(%arg6 : memref<2000xi32, #tpu.memory_space<vmem>>) target_semaphore(%run_scoped3A : memref<!tpu.dma_semaphore, #tpu.memory_space<semaphore_mem>>)
        %dma_wait3A_144 = tpu.memref_slice %arg3[%add3A] : memref<320000xi32, #tpu.memory_space<hbm>> -> memref<2000xi32, #tpu.memory_space<hbm>>
        %dma_wait3A_145 = tpu.memref_slice %arg3[%add3A] : memref<320000xi32, #tpu.memory_space<hbm>> -> memref<2000xi32, #tpu.memory_space<hbm>>
        tpu.wait_dma2 semaphore(%run_scoped3A : memref<!tpu.dma_semaphore, #tpu.memory_space<semaphore_mem>>) src(%dma_wait3A_145 : memref<2000xi32, #tpu.memory_space<hbm>>) dst(%arg6 : memref<2000xi32, #tpu.memory_space<vmem>>)
        tpu.yield
      }) : () -> ()
      "tpu.region"() ({
        %run_scoped3A = tpu.sem_alloc : memref<!tpu.dma_semaphore, #tpu.memory_space<semaphore_mem>>
        %dma_start3A_142 = tpu.memref_slice %arg4[%add3A] : memref<320000xi32, #tpu.memory_space<hbm>> -> memref<2000xi32, #tpu.memory_space<hbm>>
        %dma_start3A_143 = tpu.memref_slice %arg4[%add3A] : memref<320000xi32, #tpu.memory_space<hbm>> -> memref<2000xi32, #tpu.memory_space<hbm>>
        tpu.enqueue_dma source(%dma_start3A_143 : memref<2000xi32, #tpu.memory_space<hbm>>) target(%arg7 : memref<2000xi32, #tpu.memory_space<vmem>>) target_semaphore(%run_scoped3A : memref<!tpu.dma_semaphore, #tpu.memory_space<semaphore_mem>>)
        %dma_wait3A_144 = tpu.memref_slice %arg4[%add3A] : memref<320000xi32, #tpu.memory_space<hbm>> -> memref<2000xi32, #tpu.memory_space<hbm>>
        %dma_wait3A_145 = tpu.memref_slice %arg4[%add3A] : memref<320000xi32, #tpu.memory_space<hbm>> -> memref<2000xi32, #tpu.memory_space<hbm>>
        tpu.wait_dma2 semaphore(%run_scoped3A : memref<!tpu.dma_semaphore, #tpu.memory_space<semaphore_mem>>) src(%dma_wait3A_145 : memref<2000xi32, #tpu.memory_space<hbm>>) dst(%arg7 : memref<2000xi32, #tpu.memory_space<vmem>>)
        tpu.yield
      }) : () -> ()
      %scan3A_136 = arith.constant 0 : i32
      %scan3A_137 = arith.constant 125 : i32
      %scan3A_138 = arith.addi %scan3A_136, %scan3A_137 : i32
      %scan3A_139 = arith.constant 1 : i32
      %scan3A_140 = scf.for %scan3A_142 = %scan3A_136 to %scan3A_138 step %scan3A_139 iter_args(%scan3A_143 = %scan3A_133) -> (i32)  : i32 {
        %mul3A_144 = arith.constant 16 : i32
        %mul3A_145 = arith.muli %scan3A_142, %mul3A_144 : i32
        %get3A_146 = arith.index_cast %mul3A_145 : i32 to index
        %get3A_147 = tpu.vector_load %arg7[%get3A_146] {strides = array<i32>} : memref<2000xi32, #tpu.memory_space<vmem>>, vector<16xi32>,
        %mul3A_148 = arith.constant 16 : i32
        %mul3A_149 = arith.muli %scan3A_142, %mul3A_148 : i32
        %get3A_150 = arith.index_cast %mul3A_149 : i32 to index
        %get3A_151 = tpu.vector_load %arg6[%get3A_150] {strides = array<i32>} : memref<2000xi32, #tpu.memory_space<vmem>>, vector<16xi32>,
        %ge3A = vector.broadcast %mul3A_0 : i32 to vector<16xi32>
        %ge3A_152 = arith.cmpi sge, %get3A_147, %ge3A : vector<16xi32>
        %add3A_153 = arith.constant 632 : i32
        %add3A_154 = arith.addi %mul3A_0, %add3A_153 : i32
        %lt3A = vector.broadcast %add3A_154 : i32 to vector<16xi32>
        %lt3A_155 = arith.cmpi slt, %get3A_147, %lt3A : vector<16xi32>
        %and3A = arith.andi %ge3A_152, %lt3A_155 : vector<16xi1>
        %swap3A_156 = arith.index_cast %scan3A_143 : i32 to index
        %swap3A_157 = tpu.vector_load %arg8[%swap3A_156] masked %and3A {strides = array<i32>} : memref<144xi32, #tpu.memory_space<vmem>>, vector<16xi32>, vector<16xi1>
        tpu.vector_store %arg8[%swap3A_156], %get3A_151 masked %and3A {strides = array<i32>} : memref<144xi32, #tpu.memory_space<vmem>>, vector<16xi32>, vector<16xi1>
        %swap3A_158 = arith.index_cast %scan3A_143 : i32 to index
        %swap3A_159 = tpu.vector_load %arg9[%swap3A_158] masked %and3A {strides = array<i32>} : memref<144xi32, #tpu.memory_space<vmem>>, vector<16xi32>, vector<16xi1>
        tpu.vector_store %arg9[%swap3A_158], %get3A_147 masked %and3A {strides = array<i32>} : memref<144xi32, #tpu.memory_space<vmem>>, vector<16xi32>, vector<16xi1>
        %convert_element_type3A = arith.extui %and3A : vector<16xi1> to vector<16xi32>
        %reduce_sum3A = arith.constant true
        %reduce_sum3A_160 = vector.broadcast %reduce_sum3A : i1 to vector<16xi1>
        %reduce_sum3A_161 = tpu.scan <sum>, %convert_element_type3A masked %reduce_sum3A_160 : vector<16xi32>, vector<16xi1> -> vector<16xi32>
        %reduce_sum3A_162 = vector.extract %reduce_sum3A_161[15] : i32 from vector<16xi32>
        %add3A_163 = arith.addi %scan3A_143, %reduce_sum3A_162 : i32
        %ge3A_164 = arith.constant 128 : i32
        %ge3A_165 = arith.cmpi sge, %add3A_163, %ge3A_164 : i32
        %convert_element_type3A_166 = arith.extui %ge3A_165 : i1 to i32
        %cond3A = arith.constant 0 : i32
        %cond3A_167 = arith.cmpi ne, %convert_element_type3A_166, %cond3A : i32
        scf.if %cond3A_167 {
          %get3A_171 = arith.constant 0 : index
          %get3A_172 = tpu.vector_load %arg8[%get3A_171] {strides = array<i32>} : memref<144xi32, #tpu.memory_space<vmem>>, vector<16xi32>,
          %swap3A_173 = arith.constant 0 : index
          %swap3A_174 = tpu.vector_load %arg10[%swap3A_173] {strides = array<i32>} : memref<128xi32, #tpu.memory_space<vmem>>, vector<16xi32>,
          tpu.vector_store %arg10[%swap3A_173], %get3A_172 {strides = array<i32>} : memref<128xi32, #tpu.memory_space<vmem>>, vector<16xi32>,
          %get3A_175 = arith.constant 0 : index
          %get3A_176 = tpu.vector_load %arg9[%get3A_175] {strides = array<i32>} : memref<144xi32, #tpu.memory_space<vmem>>, vector<16xi32>,
          %swap3A_177 = arith.constant 0 : index
          %swap3A_178 = tpu.vector_load %arg11[%swap3A_177] {strides = array<i32>} : memref<144xi32, #tpu.memory_space<vmem>>, vector<16xi32>,
          tpu.vector_store %arg11[%swap3A_177], %get3A_176 {strides = array<i32>} : memref<144xi32, #tpu.memory_space<vmem>>, vector<16xi32>,
          %get3A_179 = arith.constant 16 : index
          %get3A_180 = tpu.vector_load %arg8[%get3A_179] {strides = array<i32>} : memref<144xi32, #tpu.memory_space<vmem>>, vector<16xi32>,
          %swap3A_181 = arith.constant 16 : index
          %swap3A_182 = tpu.vector_load %arg10[%swap3A_181] {strides = array<i32>} : memref<128xi32, #tpu.memory_space<vmem>>, vector<16xi32>,
          tpu.vector_store %arg10[%swap3A_181], %get3A_180 {strides = array<i32>} : memref<128xi32, #tpu.memory_space<vmem>>, vector<16xi32>,
          %get3A_183 = arith.constant 16 : index
          %get3A_184 = tpu.vector_load %arg9[%get3A_183] {strides = array<i32>} : memref<144xi32, #tpu.memory_space<vmem>>, vector<16xi32>,
          %swap3A_185 = arith.constant 16 : index
          %swap3A_186 = tpu.vector_load %arg11[%swap3A_185] {strides = array<i32>} : memref<144xi32, #tpu.memory_space<vmem>>, vector<16xi32>,
          tpu.vector_store %arg11[%swap3A_185], %get3A_184 {strides = array<i32>} : memref<144xi32, #tpu.memory_space<vmem>>, vector<16xi32>,
          %get3A_187 = arith.constant 32 : index
          %get3A_188 = tpu.vector_load %arg8[%get3A_187] {strides = array<i32>} : memref<144xi32, #tpu.memory_space<vmem>>, vector<16xi32>,
          %swap3A_189 = arith.constant 32 : index
          %swap3A_190 = tpu.vector_load %arg10[%swap3A_189] {strides = array<i32>} : memref<128xi32, #tpu.memory_space<vmem>>, vector<16xi32>,
          tpu.vector_store %arg10[%swap3A_189], %get3A_188 {strides = array<i32>} : memref<128xi32, #tpu.memory_space<vmem>>, vector<16xi32>,
          %get3A_191 = arith.constant 32 : index
          %get3A_192 = tpu.vector_load %arg9[%get3A_191] {strides = array<i32>} : memref<144xi32, #tpu.memory_space<vmem>>, vector<16xi32>,
          %swap3A_193 = arith.constant 32 : index
          %swap3A_194 = tpu.vector_load %arg11[%swap3A_193] {strides = array<i32>} : memref<144xi32, #tpu.memory_space<vmem>>, vector<16xi32>,
          tpu.vector_store %arg11[%swap3A_193], %get3A_192 {strides = array<i32>} : memref<144xi32, #tpu.memory_space<vmem>>, vector<16xi32>,
          %get3A_195 = arith.constant 48 : index
          %get3A_196 = tpu.vector_load %arg8[%get3A_195] {strides = array<i32>} : memref<144xi32, #tpu.memory_space<vmem>>, vector<16xi32>,
          %swap3A_197 = arith.constant 48 : index
          %swap3A_198 = tpu.vector_load %arg10[%swap3A_197] {strides = array<i32>} : memref<128xi32, #tpu.memory_space<vmem>>, vector<16xi32>,
          tpu.vector_store %arg10[%swap3A_197], %get3A_196 {strides = array<i32>} : memref<128xi32, #tpu.memory_space<vmem>>, vector<16xi32>,
          %get3A_199 = arith.constant 48 : index
          %get3A_200 = tpu.vector_load %arg9[%get3A_199] {strides = array<i32>} : memref<144xi32, #tpu.memory_space<vmem>>, vector<16xi32>,
          %swap3A_201 = arith.constant 48 : index
          %swap3A_202 = tpu.vector_load %arg11[%swap3A_201] {strides = array<i32>} : memref<144xi32, #tpu.memory_space<vmem>>, vector<16xi32>,
          tpu.vector_store %arg11[%swap3A_201], %get3A_200 {strides = array<i32>} : memref<144xi32, #tpu.memory_space<vmem>>, vector<16xi32>,
          %get3A_203 = arith.constant 64 : index
          %get3A_204 = tpu.vector_load %arg8[%get3A_203] {strides = array<i32>} : memref<144xi32, #tpu.memory_space<vmem>>, vector<16xi32>,
          %swap3A_205 = arith.constant 64 : index
          %swap3A_206 = tpu.vector_load %arg10[%swap3A_205] {strides = array<i32>} : memref<128xi32, #tpu.memory_space<vmem>>, vector<16xi32>,
          tpu.vector_store %arg10[%swap3A_205], %get3A_204 {strides = array<i32>} : memref<128xi32, #tpu.memory_space<vmem>>, vector<16xi32>,
          %get3A_207 = arith.constant 64 : index
          %get3A_208 = tpu.vector_load %arg9[%get3A_207] {strides = array<i32>} : memref<144xi32, #tpu.memory_space<vmem>>, vector<16xi32>,
          %swap3A_209 = arith.constant 64 : index
          %swap3A_210 = tpu.vector_load %arg11[%swap3A_209] {strides = array<i32>} : memref<144xi32, #tpu.memory_space<vmem>>, vector<16xi32>,
          tpu.vector_store %arg11[%swap3A_209], %get3A_208 {strides = array<i32>} : memref<144xi32, #tpu.memory_space<vmem>>, vector<16xi32>,
          %get3A_211 = arith.constant 80 : index
          %get3A_212 = tpu.vector_load %arg8[%get3A_211] {strides = array<i32>} : memref<144xi32, #tpu.memory_space<vmem>>, vector<16xi32>,
          %swap3A_213 = arith.constant 80 : index
          %swap3A_214 = tpu.vector_load %arg10[%swap3A_213] {strides = array<i32>} : memref<128xi32, #tpu.memory_space<vmem>>, vector<16xi32>,
          tpu.vector_store %arg10[%swap3A_213], %get3A_212 {strides = array<i32>} : memref<128xi32, #tpu.memory_space<vmem>>, vector<16xi32>,
          %get3A_215 = arith.constant 80 : index
          %get3A_216 = tpu.vector_load %arg9[%get3A_215] {strides = array<i32>} : memref<144xi32, #tpu.memory_space<vmem>>, vector<16xi32>,
          %swap3A_217 = arith.constant 80 : index
          %swap3A_218 = tpu.vector_load %arg11[%swap3A_217] {strides = array<i32>} : memref<144xi32, #tpu.memory_space<vmem>>, vector<16xi32>,
          tpu.vector_store %arg11[%swap3A_217], %get3A_216 {strides = array<i32>} : memref<144xi32, #tpu.memory_space<vmem>>, vector<16xi32>,
          %get3A_219 = arith.constant 96 : index
          %get3A_220 = tpu.vector_load %arg8[%get3A_219] {strides = array<i32>} : memref<144xi32, #tpu.memory_space<vmem>>, vector<16xi32>,
          %swap3A_221 = arith.constant 96 : index
          %swap3A_222 = tpu.vector_load %arg10[%swap3A_221] {strides = array<i32>} : memref<128xi32, #tpu.memory_space<vmem>>, vector<16xi32>,
          tpu.vector_store %arg10[%swap3A_221], %get3A_220 {strides = array<i32>} : memref<128xi32, #tpu.memory_space<vmem>>, vector<16xi32>,
          %get3A_223 = arith.constant 96 : index
          %get3A_224 = tpu.vector_load %arg9[%get3A_223] {strides = array<i32>} : memref<144xi32, #tpu.memory_space<vmem>>, vector<16xi32>,
          %swap3A_225 = arith.constant 96 : index
          %swap3A_226 = tpu.vector_load %arg11[%swap3A_225] {strides = array<i32>} : memref<144xi32, #tpu.memory_space<vmem>>, vector<16xi32>,
          tpu.vector_store %arg11[%swap3A_225], %get3A_224 {strides = array<i32>} : memref<144xi32, #tpu.memory_space<vmem>>, vector<16xi32>,
          %get3A_227 = arith.constant 112 : index
          %get3A_228 = tpu.vector_load %arg8[%get3A_227] {strides = array<i32>} : memref<144xi32, #tpu.memory_space<vmem>>, vector<16xi32>,
          %swap3A_229 = arith.constant 112 : index
          %swap3A_230 = tpu.vector_load %arg10[%swap3A_229] {strides = array<i32>} : memref<128xi32, #tpu.memory_space<vmem>>, vector<16xi32>,
          tpu.vector_store %arg10[%swap3A_229], %get3A_228 {strides = array<i32>} : memref<128xi32, #tpu.memory_space<vmem>>, vector<16xi32>,
          %get3A_231 = arith.constant 112 : index
          %get3A_232 = tpu.vector_load %arg9[%get3A_231] {strides = array<i32>} : memref<144xi32, #tpu.memory_space<vmem>>, vector<16xi32>,
          %swap3A_233 = arith.constant 112 : index
          %swap3A_234 = tpu.vector_load %arg11[%swap3A_233] {strides = array<i32>} : memref<144xi32, #tpu.memory_space<vmem>>, vector<16xi32>,
          tpu.vector_store %arg11[%swap3A_233], %get3A_232 {strides = array<i32>} : memref<144xi32, #tpu.memory_space<vmem>>, vector<16xi32>,
          %dma_start3A_235 = arith.constant 0 : i32
          %dma_start3A_236 = arith.constant 0 : i32
          %dma_start3A_237 = tpu.memref_slice %arg2[%dma_start3A_235, %dma_start3A_236] : memref<10112x128xf32, #tpu.memory_space<hbm>> -> memref<10112x128xf32, #tpu.memory_space<hbm>>
          tpu.enqueue_indirect_dma source(%dma_start3A_237 : memref<10112x128xf32, #tpu.memory_space<hbm>>) target(%arg12 : memref<128x128xf32, #tpu.memory_space<vmem>>) offsets(%arg10 : memref<128xi32, #tpu.memory_space<vmem>>) semaphore(%arg14 : memref<!tpu.dma_semaphore, #tpu.memory_space<semaphore_mem>>)
          %dma_wait3A_238 = arith.constant 0 : i32
          %dma_wait3A_239 = arith.constant 0 : i32
          %dma_wait3A_240 = tpu.memref_slice %arg2[%dma_wait3A_238, %dma_wait3A_239] : memref<10112x128xf32, #tpu.memory_space<hbm>> -> memref<10112x128xf32, #tpu.memory_space<hbm>>
          tpu.wait_indirect_dma semaphore(%arg14 : memref<!tpu.dma_semaphore, #tpu.memory_space<semaphore_mem>>) src(%dma_wait3A_240 : memref<10112x128xf32, #tpu.memory_space<hbm>>) dst(%arg12 : memref<128x128xf32, #tpu.memory_space<vmem>>)
          %scan3A_241 = arith.constant 0 : i32
          %scan3A_242 = arith.constant 0 : i32
          %scan3A_243 = arith.constant 128 : i32
          %scan3A_244 = arith.addi %scan3A_242, %scan3A_243 : i32
          %scan3A_245 = arith.constant 1 : i32
          %scan3A_246 = scf.for %scan3A_256 = %scan3A_242 to %scan3A_244 step %scan3A_245 iter_args(%scan3A_257 = %scan3A_241) -> (i32)  : i32 {
            %get3A_258 = arith.index_cast %scan3A_256 : i32 to index
            %get3A_259 = tpu.vector_load %arg11[%get3A_258] {strides = array<i32>} : memref<144xi32, #tpu.memory_space<vmem>>, vector<16xi32>,
            %slice3A = vector.extract_strided_slice %get3A_259 {offsets = [0], sizes = [1], strides = [1]} : vector<16xi32> to vector<1xi32>
            %squeeze3A = vector.extract %slice3A[0] : i32 from vector<1xi32>
            %sub3A_260 = arith.subi %squeeze3A, %mul3A_0 : i32
            %get3A_261 = arith.index_cast %sub3A_260 : i32 to index
            %get3A_262 = arith.constant 0 : index
            %get3A_263 = tpu.vector_load %arg13[%get3A_261, %get3A_262] {strides = array<i32>} : memref<632x128xf32, #tpu.memory_space<vmem>>, vector<16xf32>,
            %get3A_264 = arith.index_cast %scan3A_256 : i32 to index
            %get3A_265 = arith.constant 0 : index
            %get3A_266 = tpu.vector_load %arg12[%get3A_264, %get3A_265] {strides = array<i32>} : memref<128x128xf32, #tpu.memory_space<vmem>>, vector<16xf32>,
            %add3A_267 = arith.addf %get3A_263, %get3A_266 : vector<16xf32>
            %swap3A_268 = arith.index_cast %sub3A_260 : i32 to index
            %swap3A_269 = arith.constant 0 : index
            %swap3A_270 = tpu.vector_load %arg13[%swap3A_268, %swap3A_269] {strides = array<i32>} : memref<632x128xf32, #tpu.memory_space<vmem>>, vector<16xf32>,
            tpu.vector_store %arg13[%swap3A_268, %swap3A_269], %add3A_267 {strides = array<i32>} : memref<632x128xf32, #tpu.memory_space<vmem>>, vector<16xf32>,
            %get3A_271 = arith.index_cast %sub3A_260 : i32 to index
            %get3A_272 = arith.constant 16 : index
            %get3A_273 = tpu.vector_load %arg13[%get3A_271, %get3A_272] {strides = array<i32>} : memref<632x128xf32, #tpu.memory_space<vmem>>, vector<16xf32>,
            %get3A_274 = arith.index_cast %scan3A_256 : i32 to index
            %get3A_275 = arith.constant 16 : index
            %get3A_276 = tpu.vector_load %arg12[%get3A_274, %get3A_275] {strides = array<i32>} : memref<128x128xf32, #tpu.memory_space<vmem>>, vector<16xf32>,
            %add3A_277 = arith.addf %get3A_273, %get3A_276 : vector<16xf32>
            %swap3A_278 = arith.index_cast %sub3A_260 : i32 to index
            %swap3A_279 = arith.constant 16 : index
            %swap3A_280 = tpu.vector_load %arg13[%swap3A_278, %swap3A_279] {strides = array<i32>} : memref<632x128xf32, #tpu.memory_space<vmem>>, vector<16xf32>,
            tpu.vector_store %arg13[%swap3A_278, %swap3A_279], %add3A_277 {strides = array<i32>} : memref<632x128xf32, #tpu.memory_space<vmem>>, vector<16xf32>,
            %get3A_281 = arith.index_cast %sub3A_260 : i32 to index
            %get3A_282 = arith.constant 32 : index
            %get3A_283 = tpu.vector_load %arg13[%get3A_281, %get3A_282] {strides = array<i32>} : memref<632x128xf32, #tpu.memory_space<vmem>>, vector<16xf32>,
            %get3A_284 = arith.index_cast %scan3A_256 : i32 to index
            %get3A_285 = arith.constant 32 : index
            %get3A_286 = tpu.vector_load %arg12[%get3A_284, %get3A_285] {strides = array<i32>} : memref<128x128xf32, #tpu.memory_space<vmem>>, vector<16xf32>,
            %add3A_287 = arith.addf %get3A_283, %get3A_286 : vector<16xf32>
            %swap3A_288 = arith.index_cast %sub3A_260 : i32 to index
            %swap3A_289 = arith.constant 32 : index
            %swap3A_290 = tpu.vector_load %arg13[%swap3A_288, %swap3A_289] {strides = array<i32>} : memref<632x128xf32, #tpu.memory_space<vmem>>, vector<16xf32>,
            tpu.vector_store %arg13[%swap3A_288, %swap3A_289], %add3A_287 {strides = array<i32>} : memref<632x128xf32, #tpu.memory_space<vmem>>, vector<16xf32>,
            %get3A_291 = arith.index_cast %sub3A_260 : i32 to index
            %get3A_292 = arith.constant 48 : index
            %get3A_293 = tpu.vector_load %arg13[%get3A_291, %get3A_292] {strides = array<i32>} : memref<632x128xf32, #tpu.memory_space<vmem>>, vector<16xf32>,
            %get3A_294 = arith.index_cast %scan3A_256 : i32 to index
            %get3A_295 = arith.constant 48 : index
            %get3A_296 = tpu.vector_load %arg12[%get3A_294, %get3A_295] {strides = array<i32>} : memref<128x128xf32, #tpu.memory_space<vmem>>, vector<16xf32>,
            %add3A_297 = arith.addf %get3A_293, %get3A_296 : vector<16xf32>
            %swap3A_298 = arith.index_cast %sub3A_260 : i32 to index
            %swap3A_299 = arith.constant 48 : index
            %swap3A_300 = tpu.vector_load %arg13[%swap3A_298, %swap3A_299] {strides = array<i32>} : memref<632x128xf32, #tpu.memory_space<vmem>>, vector<16xf32>,
            tpu.vector_store %arg13[%swap3A_298, %swap3A_299], %add3A_297 {strides = array<i32>} : memref<632x128xf32, #tpu.memory_space<vmem>>, vector<16xf32>,
            %get3A_301 = arith.index_cast %sub3A_260 : i32 to index
            %get3A_302 = arith.constant 64 : index
            %get3A_303 = tpu.vector_load %arg13[%get3A_301, %get3A_302] {strides = array<i32>} : memref<632x128xf32, #tpu.memory_space<vmem>>, vector<16xf32>,
            %get3A_304 = arith.index_cast %scan3A_256 : i32 to index
            %get3A_305 = arith.constant 64 : index
            %get3A_306 = tpu.vector_load %arg12[%get3A_304, %get3A_305] {strides = array<i32>} : memref<128x128xf32, #tpu.memory_space<vmem>>, vector<16xf32>,
            %add3A_307 = arith.addf %get3A_303, %get3A_306 : vector<16xf32>
            %swap3A_308 = arith.index_cast %sub3A_260 : i32 to index
            %swap3A_309 = arith.constant 64 : index
            %swap3A_310 = tpu.vector_load %arg13[%swap3A_308, %swap3A_309] {strides = array<i32>} : memref<632x128xf32, #tpu.memory_space<vmem>>, vector<16xf32>,
            tpu.vector_store %arg13[%swap3A_308, %swap3A_309], %add3A_307 {strides = array<i32>} : memref<632x128xf32, #tpu.memory_space<vmem>>, vector<16xf32>,
            %get3A_311 = arith.index_cast %sub3A_260 : i32 to index
            %get3A_312 = arith.constant 80 : index
            %get3A_313 = tpu.vector_load %arg13[%get3A_311, %get3A_312] {strides = array<i32>} : memref<632x128xf32, #tpu.memory_space<vmem>>, vector<16xf32>,
            %get3A_314 = arith.index_cast %scan3A_256 : i32 to index
            %get3A_315 = arith.constant 80 : index
            %get3A_316 = tpu.vector_load %arg12[%get3A_314, %get3A_315] {strides = array<i32>} : memref<128x128xf32, #tpu.memory_space<vmem>>, vector<16xf32>,
            %add3A_317 = arith.addf %get3A_313, %get3A_316 : vector<16xf32>
            %swap3A_318 = arith.index_cast %sub3A_260 : i32 to index
            %swap3A_319 = arith.constant 80 : index
            %swap3A_320 = tpu.vector_load %arg13[%swap3A_318, %swap3A_319] {strides = array<i32>} : memref<632x128xf32, #tpu.memory_space<vmem>>, vector<16xf32>,
            tpu.vector_store %arg13[%swap3A_318, %swap3A_319], %add3A_317 {strides = array<i32>} : memref<632x128xf32, #tpu.memory_space<vmem>>, vector<16xf32>,
            %get3A_321 = arith.index_cast %sub3A_260 : i32 to index
            %get3A_322 = arith.constant 96 : index
            %get3A_323 = tpu.vector_load %arg13[%get3A_321, %get3A_322] {strides = array<i32>} : memref<632x128xf32, #tpu.memory_space<vmem>>, vector<16xf32>,
            %get3A_324 = arith.index_cast %scan3A_256 : i32 to index
            %get3A_325 = arith.constant 96 : index
            %get3A_326 = tpu.vector_load %arg12[%get3A_324, %get3A_325] {strides = array<i32>} : memref<128x128xf32, #tpu.memory_space<vmem>>, vector<16xf32>,
            %add3A_327 = arith.addf %get3A_323, %get3A_326 : vector<16xf32>
            %swap3A_328 = arith.index_cast %sub3A_260 : i32 to index
            %swap3A_329 = arith.constant 96 : index
            %swap3A_330 = tpu.vector_load %arg13[%swap3A_328, %swap3A_329] {strides = array<i32>} : memref<632x128xf32, #tpu.memory_space<vmem>>, vector<16xf32>,
            tpu.vector_store %arg13[%swap3A_328, %swap3A_329], %add3A_327 {strides = array<i32>} : memref<632x128xf32, #tpu.memory_space<vmem>>, vector<16xf32>,
            %get3A_331 = arith.index_cast %sub3A_260 : i32 to index
            %get3A_332 = arith.constant 112 : index
            %get3A_333 = tpu.vector_load %arg13[%get3A_331, %get3A_332] {strides = array<i32>} : memref<632x128xf32, #tpu.memory_space<vmem>>, vector<16xf32>,
            %get3A_334 = arith.index_cast %scan3A_256 : i32 to index
            %get3A_335 = arith.constant 112 : index
            %get3A_336 = tpu.vector_load %arg12[%get3A_334, %get3A_335] {strides = array<i32>} : memref<128x128xf32, #tpu.memory_space<vmem>>, vector<16xf32>,
            %add3A_337 = arith.addf %get3A_333, %get3A_336 : vector<16xf32>
            %swap3A_338 = arith.index_cast %sub3A_260 : i32 to index
            %swap3A_339 = arith.constant 112 : index
            %swap3A_340 = tpu.vector_load %arg13[%swap3A_338, %swap3A_339] {strides = array<i32>} : memref<632x128xf32, #tpu.memory_space<vmem>>, vector<16xf32>,
            tpu.vector_store %arg13[%swap3A_338, %swap3A_339], %add3A_337 {strides = array<i32>} : memref<632x128xf32, #tpu.memory_space<vmem>>, vector<16xf32>,
            %scan3A_341 = arith.constant 0 : i32
            scf.yield %scan3A_341 : i32
          }
          %scan3A_247 = arith.constant 128 : i32
          %get3A_248 = arith.constant 128 : index
          %get3A_249 = tpu.vector_load %arg8[%get3A_248] {strides = array<i32>} : memref<144xi32, #tpu.memory_space<vmem>>, vector<16xi32>,
          %swap3A_250 = arith.constant 0 : index
          %swap3A_251 = tpu.vector_load %arg8[%swap3A_250] {strides = array<i32>} : memref<144xi32, #tpu.memory_space<vmem>>, vector<16xi32>,
          tpu.vector_store %arg8[%swap3A_250], %get3A_249 {strides = array<i32>} : memref<144xi32, #tpu.memory_space<vmem>>, vector<16xi32>,
          %get3A_252 = arith.constant 128 : index
          %get3A_253 = tpu.vector_load %arg9[%get3A_252] {strides = array<i32>} : memref<144xi32, #tpu.memory_space<vmem>>, vector<16xi32>,
          %swap3A_254 = arith.constant 0 : index
          %swap3A_255 = tpu.vector_load %arg9[%swap3A_254] {strides = array<i32>} : memref<144xi32, #tpu.memory_space<vmem>>, vector<16xi32>,
          tpu.vector_store %arg9[%swap3A_254], %get3A_253 {strides = array<i32>} : memref<144xi32, #tpu.memory_space<vmem>>, vector<16xi32>,
        } else {
        }
        %ge3A_168 = arith.constant 128 : i32
        %ge3A_169 = arith.cmpi sge, %add3A_163, %ge3A_168 : i32
        %sub3A = arith.constant 128 : i32
        %sub3A_170 = arith.subi %add3A_163, %sub3A : i32
        %select_n3A = arith.select %ge3A_169, %sub3A_170, %add3A_163 : i32
        scf.yield %select_n3A : i32
      }
      %scan3A_141 = arith.constant 125 : i32
      scf.yield %scan3A_140 : i32
    }
    %scan3A_53 = arith.constant 80 : i32
    %get3A = arith.constant 0 : index
    %get3A_54 = tpu.vector_load %arg8[%get3A] {strides = array<i32>} : memref<144xi32, #tpu.memory_space<vmem>>, vector<16xi32>,
    %swap3A_55 = arith.constant 0 : index
    %swap3A_56 = tpu.vector_load %arg10[%swap3A_55] {strides = array<i32>} : memref<128xi32, #tpu.memory_space<vmem>>, vector<16xi32>,
    tpu.vector_store %arg10[%swap3A_55], %get3A_54 {strides = array<i32>} : memref<128xi32, #tpu.memory_space<vmem>>, vector<16xi32>,
    %get3A_57 = arith.constant 0 : index
    %get3A_58 = tpu.vector_load %arg9[%get3A_57] {strides = array<i32>} : memref<144xi32, #tpu.memory_space<vmem>>, vector<16xi32>,
    %swap3A_59 = arith.constant 0 : index
    %swap3A_60 = tpu.vector_load %arg11[%swap3A_59] {strides = array<i32>} : memref<144xi32, #tpu.memory_space<vmem>>, vector<16xi32>,
    tpu.vector_store %arg11[%swap3A_59], %get3A_58 {strides = array<i32>} : memref<144xi32, #tpu.memory_space<vmem>>, vector<16xi32>,
    %get3A_61 = arith.constant 16 : index
    %get3A_62 = tpu.vector_load %arg8[%get3A_61] {strides = array<i32>} : memref<144xi32, #tpu.memory_space<vmem>>, vector<16xi32>,
    %swap3A_63 = arith.constant 16 : index
    %swap3A_64 = tpu.vector_load %arg10[%swap3A_63] {strides = array<i32>} : memref<128xi32, #tpu.memory_space<vmem>>, vector<16xi32>,
    tpu.vector_store %arg10[%swap3A_63], %get3A_62 {strides = array<i32>} : memref<128xi32, #tpu.memory_space<vmem>>, vector<16xi32>,
    %get3A_65 = arith.constant 16 : index
    %get3A_66 = tpu.vector_load %arg9[%get3A_65] {strides = array<i32>} : memref<144xi32, #tpu.memory_space<vmem>>, vector<16xi32>,
    %swap3A_67 = arith.constant 16 : index
    %swap3A_68 = tpu.vector_load %arg11[%swap3A_67] {strides = array<i32>} : memref<144xi32, #tpu.memory_space<vmem>>, vector<16xi32>,
    tpu.vector_store %arg11[%swap3A_67], %get3A_66 {strides = array<i32>} : memref<144xi32, #tpu.memory_space<vmem>>, vector<16xi32>,
    %get3A_69 = arith.constant 32 : index
    %get3A_70 = tpu.vector_load %arg8[%get3A_69] {strides = array<i32>} : memref<144xi32, #tpu.memory_space<vmem>>, vector<16xi32>,
    %swap3A_71 = arith.constant 32 : index
    %swap3A_72 = tpu.vector_load %arg10[%swap3A_71] {strides = array<i32>} : memref<128xi32, #tpu.memory_space<vmem>>, vector<16xi32>,
    tpu.vector_store %arg10[%swap3A_71], %get3A_70 {strides = array<i32>} : memref<128xi32, #tpu.memory_space<vmem>>, vector<16xi32>,
    %get3A_73 = arith.constant 32 : index
    %get3A_74 = tpu.vector_load %arg9[%get3A_73] {strides = array<i32>} : memref<144xi32, #tpu.memory_space<vmem>>, vector<16xi32>,
    %swap3A_75 = arith.constant 32 : index
    %swap3A_76 = tpu.vector_load %arg11[%swap3A_75] {strides = array<i32>} : memref<144xi32, #tpu.memory_space<vmem>>, vector<16xi32>,
    tpu.vector_store %arg11[%swap3A_75], %get3A_74 {strides = array<i32>} : memref<144xi32, #tpu.memory_space<vmem>>, vector<16xi32>,
    %get3A_77 = arith.constant 48 : index
    %get3A_78 = tpu.vector_load %arg8[%get3A_77] {strides = array<i32>} : memref<144xi32, #tpu.memory_space<vmem>>, vector<16xi32>,
    %swap3A_79 = arith.constant 48 : index
    %swap3A_80 = tpu.vector_load %arg10[%swap3A_79] {strides = array<i32>} : memref<128xi32, #tpu.memory_space<vmem>>, vector<16xi32>,
    tpu.vector_store %arg10[%swap3A_79], %get3A_78 {strides = array<i32>} : memref<128xi32, #tpu.memory_space<vmem>>, vector<16xi32>,
    %get3A_81 = arith.constant 48 : index
    %get3A_82 = tpu.vector_load %arg9[%get3A_81] {strides = array<i32>} : memref<144xi32, #tpu.memory_space<vmem>>, vector<16xi32>,
    %swap3A_83 = arith.constant 48 : index
    %swap3A_84 = tpu.vector_load %arg11[%swap3A_83] {strides = array<i32>} : memref<144xi32, #tpu.memory_space<vmem>>, vector<16xi32>,
    tpu.vector_store %arg11[%swap3A_83], %get3A_82 {strides = array<i32>} : memref<144xi32, #tpu.memory_space<vmem>>, vector<16xi32>,
    %get3A_85 = arith.constant 64 : index
    %get3A_86 = tpu.vector_load %arg8[%get3A_85] {strides = array<i32>} : memref<144xi32, #tpu.memory_space<vmem>>, vector<16xi32>,
    %swap3A_87 = arith.constant 64 : index
    %swap3A_88 = tpu.vector_load %arg10[%swap3A_87] {strides = array<i32>} : memref<128xi32, #tpu.memory_space<vmem>>, vector<16xi32>,
    tpu.vector_store %arg10[%swap3A_87], %get3A_86 {strides = array<i32>} : memref<128xi32, #tpu.memory_space<vmem>>, vector<16xi32>,
    %get3A_89 = arith.constant 64 : index
    %get3A_90 = tpu.vector_load %arg9[%get3A_89] {strides = array<i32>} : memref<144xi32, #tpu.memory_space<vmem>>, vector<16xi32>,
    %swap3A_91 = arith.constant 64 : index
    %swap3A_92 = tpu.vector_load %arg11[%swap3A_91] {strides = array<i32>} : memref<144xi32, #tpu.memory_space<vmem>>, vector<16xi32>,
    tpu.vector_store %arg11[%swap3A_91], %get3A_90 {strides = array<i32>} : memref<144xi32, #tpu.memory_space<vmem>>, vector<16xi32>,
    %get3A_93 = arith.constant 80 : index
    %get3A_94 = tpu.vector_load %arg8[%get3A_93] {strides = array<i32>} : memref<144xi32, #tpu.memory_space<vmem>>, vector<16xi32>,
    %swap3A_95 = arith.constant 80 : index
    %swap3A_96 = tpu.vector_load %arg10[%swap3A_95] {strides = array<i32>} : memref<128xi32, #tpu.memory_space<vmem>>, vector<16xi32>,
    tpu.vector_store %arg10[%swap3A_95], %get3A_94 {strides = array<i32>} : memref<128xi32, #tpu.memory_space<vmem>>, vector<16xi32>,
    %get3A_97 = arith.constant 80 : index
    %get3A_98 = tpu.vector_load %arg9[%get3A_97] {strides = array<i32>} : memref<144xi32, #tpu.memory_space<vmem>>, vector<16xi32>,
    %swap3A_99 = arith.constant 80 : index
    %swap3A_100 = tpu.vector_load %arg11[%swap3A_99] {strides = array<i32>} : memref<144xi32, #tpu.memory_space<vmem>>, vector<16xi32>,
    tpu.vector_store %arg11[%swap3A_99], %get3A_98 {strides = array<i32>} : memref<144xi32, #tpu.memory_space<vmem>>, vector<16xi32>,
    %get3A_101 = arith.constant 96 : index
    %get3A_102 = tpu.vector_load %arg8[%get3A_101] {strides = array<i32>} : memref<144xi32, #tpu.memory_space<vmem>>, vector<16xi32>,
    %swap3A_103 = arith.constant 96 : index
    %swap3A_104 = tpu.vector_load %arg10[%swap3A_103] {strides = array<i32>} : memref<128xi32, #tpu.memory_space<vmem>>, vector<16xi32>,
    tpu.vector_store %arg10[%swap3A_103], %get3A_102 {strides = array<i32>} : memref<128xi32, #tpu.memory_space<vmem>>, vector<16xi32>,
    %get3A_105 = arith.constant 96 : index
    %get3A_106 = tpu.vector_load %arg9[%get3A_105] {strides = array<i32>} : memref<144xi32, #tpu.memory_space<vmem>>, vector<16xi32>,
    %swap3A_107 = arith.constant 96 : index
    %swap3A_108 = tpu.vector_load %arg11[%swap3A_107] {strides = array<i32>} : memref<144xi32, #tpu.memory_space<vmem>>, vector<16xi32>,
    tpu.vector_store %arg11[%swap3A_107], %get3A_106 {strides = array<i32>} : memref<144xi32, #tpu.memory_space<vmem>>, vector<16xi32>,
    %get3A_109 = arith.constant 112 : index
    %get3A_110 = tpu.vector_load %arg8[%get3A_109] {strides = array<i32>} : memref<144xi32, #tpu.memory_space<vmem>>, vector<16xi32>,
    %swap3A_111 = arith.constant 112 : index
    %swap3A_112 = tpu.vector_load %arg10[%swap3A_111] {strides = array<i32>} : memref<128xi32, #tpu.memory_space<vmem>>, vector<16xi32>,
    tpu.vector_store %arg10[%swap3A_111], %get3A_110 {strides = array<i32>} : memref<128xi32, #tpu.memory_space<vmem>>, vector<16xi32>,
    %get3A_113 = arith.constant 112 : index
    %get3A_114 = tpu.vector_load %arg9[%get3A_113] {strides = array<i32>} : memref<144xi32, #tpu.memory_space<vmem>>, vector<16xi32>,
    %swap3A_115 = arith.constant 112 : index
    %swap3A_116 = tpu.vector_load %arg11[%swap3A_115] {strides = array<i32>} : memref<144xi32, #tpu.memory_space<vmem>>, vector<16xi32>,
    tpu.vector_store %arg11[%swap3A_115], %get3A_114 {strides = array<i32>} : memref<144xi32, #tpu.memory_space<vmem>>, vector<16xi32>,
    %dma_start3A = arith.constant 0 : i32
    %dma_start3A_117 = arith.constant 0 : i32
    %dma_start3A_118 = tpu.memref_slice %arg2[%dma_start3A, %dma_start3A_117] : memref<10112x128xf32, #tpu.memory_space<hbm>> -> memref<10112x128xf32, #tpu.memory_space<hbm>>
    tpu.enqueue_indirect_dma source(%dma_start3A_118 : memref<10112x128xf32, #tpu.memory_space<hbm>>) target(%arg12 : memref<128x128xf32, #tpu.memory_space<vmem>>) offsets(%arg10 : memref<128xi32, #tpu.memory_space<vmem>>) semaphore(%arg14 : memref<!tpu.dma_semaphore, #tpu.memory_space<semaphore_mem>>)
    %dma_wait3A = arith.constant 0 : i32
    %dma_wait3A_119 = arith.constant 0 : i32
    %dma_wait3A_120 = tpu.memref_slice %arg2[%dma_wait3A, %dma_wait3A_119] : memref<10112x128xf32, #tpu.memory_space<hbm>> -> memref<10112x128xf32, #tpu.memory_space<hbm>>
    tpu.wait_indirect_dma semaphore(%arg14 : memref<!tpu.dma_semaphore, #tpu.memory_space<semaphore_mem>>) src(%dma_wait3A_120 : memref<10112x128xf32, #tpu.memory_space<hbm>>) dst(%arg12 : memref<128x128xf32, #tpu.memory_space<vmem>>)
    %while3A = arith.constant 0 : i32
    %while3A_121 = arith.constant 0 : i32
    %while3A_122 = arith.subi %scan3A_52, %while3A : i32
    %while3A_123 = arith.addi %while3A, %while3A_122 : i32
    %while3A_124 = arith.constant 1 : i32
    %while3A_125 = arith.divsi %while3A_122, %while3A_124 : i32
    %while3A_126 = arith.muli %while3A_125, %while3A_124 : i32
    %while3A_127 = arith.addi %while3A, %while3A_126 : i32
    %while3A_128 = arith.constant 1 : i32
    %while3A_129 = scf.for %while3A_132 = %while3A to %while3A_127 step %while3A_128 iter_args(%while3A_133 = %while3A_121) -> (i32)  : i32 {
      %get3A_134 = arith.index_cast %while3A_132 : i32 to index
      %get3A_135 = tpu.vector_load %arg11[%get3A_134] {strides = array<i32>} : memref<144xi32, #tpu.memory_space<vmem>>, vector<16xi32>,
      %slice3A = vector.extract_strided_slice %get3A_135 {offsets = [0], sizes = [1], strides = [1]} : vector<16xi32> to vector<1xi32>
      %squeeze3A = vector.extract %slice3A[0] : i32 from vector<1xi32>
      %sub3A = arith.subi %squeeze3A, %mul3A_0 : i32
      %get3A_136 = arith.index_cast %sub3A : i32 to index
      %get3A_137 = arith.constant 0 : index
      %get3A_138 = tpu.vector_load %arg13[%get3A_136, %get3A_137] {strides = array<i32>} : memref<632x128xf32, #tpu.memory_space<vmem>>, vector<16xf32>,
      %get3A_139 = arith.index_cast %while3A_132 : i32 to index
      %get3A_140 = arith.constant 0 : index
      %get3A_141 = tpu.vector_load %arg12[%get3A_139, %get3A_140] {strides = array<i32>} : memref<128x128xf32, #tpu.memory_space<vmem>>, vector<16xf32>,
      %add3A = arith.addf %get3A_138, %get3A_141 : vector<16xf32>
      %swap3A_142 = arith.index_cast %sub3A : i32 to index
      %swap3A_143 = arith.constant 0 : index
      %swap3A_144 = tpu.vector_load %arg13[%swap3A_142, %swap3A_143] {strides = array<i32>} : memref<632x128xf32, #tpu.memory_space<vmem>>, vector<16xf32>,
      tpu.vector_store %arg13[%swap3A_142, %swap3A_143], %add3A {strides = array<i32>} : memref<632x128xf32, #tpu.memory_space<vmem>>, vector<16xf32>,
      %get3A_145 = arith.index_cast %sub3A : i32 to index
      %get3A_146 = arith.constant 16 : index
      %get3A_147 = tpu.vector_load %arg13[%get3A_145, %get3A_146] {strides = array<i32>} : memref<632x128xf32, #tpu.memory_space<vmem>>, vector<16xf32>,
      %get3A_148 = arith.index_cast %while3A_132 : i32 to index
      %get3A_149 = arith.constant 16 : index
      %get3A_150 = tpu.vector_load %arg12[%get3A_148, %get3A_149] {strides = array<i32>} : memref<128x128xf32, #tpu.memory_space<vmem>>, vector<16xf32>,
      %add3A_151 = arith.addf %get3A_147, %get3A_150 : vector<16xf32>
      %swap3A_152 = arith.index_cast %sub3A : i32 to index
      %swap3A_153 = arith.constant 16 : index
      %swap3A_154 = tpu.vector_load %arg13[%swap3A_152, %swap3A_153] {strides = array<i32>} : memref<632x128xf32, #tpu.memory_space<vmem>>, vector<16xf32>,
      tpu.vector_store %arg13[%swap3A_152, %swap3A_153], %add3A_151 {strides = array<i32>} : memref<632x128xf32, #tpu.memory_space<vmem>>, vector<16xf32>,
      %get3A_155 = arith.index_cast %sub3A : i32 to index
      %get3A_156 = arith.constant 32 : index
      %get3A_157 = tpu.vector_load %arg13[%get3A_155, %get3A_156] {strides = array<i32>} : memref<632x128xf32, #tpu.memory_space<vmem>>, vector<16xf32>,
      %get3A_158 = arith.index_cast %while3A_132 : i32 to index
      %get3A_159 = arith.constant 32 : index
      %get3A_160 = tpu.vector_load %arg12[%get3A_158, %get3A_159] {strides = array<i32>} : memref<128x128xf32, #tpu.memory_space<vmem>>, vector<16xf32>,
      %add3A_161 = arith.addf %get3A_157, %get3A_160 : vector<16xf32>
      %swap3A_162 = arith.index_cast %sub3A : i32 to index
      %swap3A_163 = arith.constant 32 : index
      %swap3A_164 = tpu.vector_load %arg13[%swap3A_162, %swap3A_163] {strides = array<i32>} : memref<632x128xf32, #tpu.memory_space<vmem>>, vector<16xf32>,
      tpu.vector_store %arg13[%swap3A_162, %swap3A_163], %add3A_161 {strides = array<i32>} : memref<632x128xf32, #tpu.memory_space<vmem>>, vector<16xf32>,
      %get3A_165 = arith.index_cast %sub3A : i32 to index
      %get3A_166 = arith.constant 48 : index
      %get3A_167 = tpu.vector_load %arg13[%get3A_165, %get3A_166] {strides = array<i32>} : memref<632x128xf32, #tpu.memory_space<vmem>>, vector<16xf32>,
      %get3A_168 = arith.index_cast %while3A_132 : i32 to index
      %get3A_169 = arith.constant 48 : index
      %get3A_170 = tpu.vector_load %arg12[%get3A_168, %get3A_169] {strides = array<i32>} : memref<128x128xf32, #tpu.memory_space<vmem>>, vector<16xf32>,
      %add3A_171 = arith.addf %get3A_167, %get3A_170 : vector<16xf32>
      %swap3A_172 = arith.index_cast %sub3A : i32 to index
      %swap3A_173 = arith.constant 48 : index
      %swap3A_174 = tpu.vector_load %arg13[%swap3A_172, %swap3A_173] {strides = array<i32>} : memref<632x128xf32, #tpu.memory_space<vmem>>, vector<16xf32>,
      tpu.vector_store %arg13[%swap3A_172, %swap3A_173], %add3A_171 {strides = array<i32>} : memref<632x128xf32, #tpu.memory_space<vmem>>, vector<16xf32>,
      %get3A_175 = arith.index_cast %sub3A : i32 to index
      %get3A_176 = arith.constant 64 : index
      %get3A_177 = tpu.vector_load %arg13[%get3A_175, %get3A_176] {strides = array<i32>} : memref<632x128xf32, #tpu.memory_space<vmem>>, vector<16xf32>,
      %get3A_178 = arith.index_cast %while3A_132 : i32 to index
      %get3A_179 = arith.constant 64 : index
      %get3A_180 = tpu.vector_load %arg12[%get3A_178, %get3A_179] {strides = array<i32>} : memref<128x128xf32, #tpu.memory_space<vmem>>, vector<16xf32>,
      %add3A_181 = arith.addf %get3A_177, %get3A_180 : vector<16xf32>
      %swap3A_182 = arith.index_cast %sub3A : i32 to index
      %swap3A_183 = arith.constant 64 : index
      %swap3A_184 = tpu.vector_load %arg13[%swap3A_182, %swap3A_183] {strides = array<i32>} : memref<632x128xf32, #tpu.memory_space<vmem>>, vector<16xf32>,
      tpu.vector_store %arg13[%swap3A_182, %swap3A_183], %add3A_181 {strides = array<i32>} : memref<632x128xf32, #tpu.memory_space<vmem>>, vector<16xf32>,
      %get3A_185 = arith.index_cast %sub3A : i32 to index
      %get3A_186 = arith.constant 80 : index
      %get3A_187 = tpu.vector_load %arg13[%get3A_185, %get3A_186] {strides = array<i32>} : memref<632x128xf32, #tpu.memory_space<vmem>>, vector<16xf32>,
      %get3A_188 = arith.index_cast %while3A_132 : i32 to index
      %get3A_189 = arith.constant 80 : index
      %get3A_190 = tpu.vector_load %arg12[%get3A_188, %get3A_189] {strides = array<i32>} : memref<128x128xf32, #tpu.memory_space<vmem>>, vector<16xf32>,
      %add3A_191 = arith.addf %get3A_187, %get3A_190 : vector<16xf32>
      %swap3A_192 = arith.index_cast %sub3A : i32 to index
      %swap3A_193 = arith.constant 80 : index
      %swap3A_194 = tpu.vector_load %arg13[%swap3A_192, %swap3A_193] {strides = array<i32>} : memref<632x128xf32, #tpu.memory_space<vmem>>, vector<16xf32>,
      tpu.vector_store %arg13[%swap3A_192, %swap3A_193], %add3A_191 {strides = array<i32>} : memref<632x128xf32, #tpu.memory_space<vmem>>, vector<16xf32>,
      %get3A_195 = arith.index_cast %sub3A : i32 to index
      %get3A_196 = arith.constant 96 : index
      %get3A_197 = tpu.vector_load %arg13[%get3A_195, %get3A_196] {strides = array<i32>} : memref<632x128xf32, #tpu.memory_space<vmem>>, vector<16xf32>,
      %get3A_198 = arith.index_cast %while3A_132 : i32 to index
      %get3A_199 = arith.constant 96 : index
      %get3A_200 = tpu.vector_load %arg12[%get3A_198, %get3A_199] {strides = array<i32>} : memref<128x128xf32, #tpu.memory_space<vmem>>, vector<16xf32>,
      %add3A_201 = arith.addf %get3A_197, %get3A_200 : vector<16xf32>
      %swap3A_202 = arith.index_cast %sub3A : i32 to index
      %swap3A_203 = arith.constant 96 : index
      %swap3A_204 = tpu.vector_load %arg13[%swap3A_202, %swap3A_203] {strides = array<i32>} : memref<632x128xf32, #tpu.memory_space<vmem>>, vector<16xf32>,
      tpu.vector_store %arg13[%swap3A_202, %swap3A_203], %add3A_201 {strides = array<i32>} : memref<632x128xf32, #tpu.memory_space<vmem>>, vector<16xf32>,
      %get3A_205 = arith.index_cast %sub3A : i32 to index
      %get3A_206 = arith.constant 112 : index
      %get3A_207 = tpu.vector_load %arg13[%get3A_205, %get3A_206] {strides = array<i32>} : memref<632x128xf32, #tpu.memory_space<vmem>>, vector<16xf32>,
      %get3A_208 = arith.index_cast %while3A_132 : i32 to index
      %get3A_209 = arith.constant 112 : index
      %get3A_210 = tpu.vector_load %arg12[%get3A_208, %get3A_209] {strides = array<i32>} : memref<128x128xf32, #tpu.memory_space<vmem>>, vector<16xf32>,
      %add3A_211 = arith.addf %get3A_207, %get3A_210 : vector<16xf32>
      %swap3A_212 = arith.index_cast %sub3A : i32 to index
      %swap3A_213 = arith.constant 112 : index
      %swap3A_214 = tpu.vector_load %arg13[%swap3A_212, %swap3A_213] {strides = array<i32>} : memref<632x128xf32, #tpu.memory_space<vmem>>, vector<16xf32>,
      tpu.vector_store %arg13[%swap3A_212, %swap3A_213], %add3A_211 {strides = array<i32>} : memref<632x128xf32, #tpu.memory_space<vmem>>, vector<16xf32>,
      %while3A_215 = arith.constant 0 : i32
      scf.yield %while3A_215 : i32
    }
    %while3A_130 = arith.constant 1 : i32
    %while3A_131 = scf.for %while3A_132 = %while3A_127 to %while3A_123 step %while3A_130 iter_args(%while3A_133 = %while3A_129) -> (i32)  : i32 {
      %get3A_134 = arith.index_cast %while3A_132 : i32 to index
      %get3A_135 = tpu.vector_load %arg11[%get3A_134] {strides = array<i32>} : memref<144xi32, #tpu.memory_space<vmem>>, vector<16xi32>,
      %slice3A = vector.extract_strided_slice %get3A_135 {offsets = [0], sizes = [1], strides = [1]} : vector<16xi32> to vector<1xi32>
      %squeeze3A = vector.extract %slice3A[0] : i32 from vector<1xi32>
      %sub3A = arith.subi %squeeze3A, %mul3A_0 : i32
      %get3A_136 = arith.index_cast %sub3A : i32 to index
      %get3A_137 = arith.constant 0 : index
      %get3A_138 = tpu.vector_load %arg13[%get3A_136, %get3A_137] {strides = array<i32>} : memref<632x128xf32, #tpu.memory_space<vmem>>, vector<16xf32>,
      %get3A_139 = arith.index_cast %while3A_132 : i32 to index
      %get3A_140 = arith.constant 0 : index
      %get3A_141 = tpu.vector_load %arg12[%get3A_139, %get3A_140] {strides = array<i32>} : memref<128x128xf32, #tpu.memory_space<vmem>>, vector<16xf32>,
      %add3A = arith.addf %get3A_138, %get3A_141 : vector<16xf32>
      %swap3A_142 = arith.index_cast %sub3A : i32 to index
      %swap3A_143 = arith.constant 0 : index
      %swap3A_144 = tpu.vector_load %arg13[%swap3A_142, %swap3A_143] {strides = array<i32>} : memref<632x128xf32, #tpu.memory_space<vmem>>, vector<16xf32>,
      tpu.vector_store %arg13[%swap3A_142, %swap3A_143], %add3A {strides = array<i32>} : memref<632x128xf32, #tpu.memory_space<vmem>>, vector<16xf32>,
      %get3A_145 = arith.index_cast %sub3A : i32 to index
      %get3A_146 = arith.constant 16 : index
      %get3A_147 = tpu.vector_load %arg13[%get3A_145, %get3A_146] {strides = array<i32>} : memref<632x128xf32, #tpu.memory_space<vmem>>, vector<16xf32>,
      %get3A_148 = arith.index_cast %while3A_132 : i32 to index
      %get3A_149 = arith.constant 16 : index
      %get3A_150 = tpu.vector_load %arg12[%get3A_148, %get3A_149] {strides = array<i32>} : memref<128x128xf32, #tpu.memory_space<vmem>>, vector<16xf32>,
      %add3A_151 = arith.addf %get3A_147, %get3A_150 : vector<16xf32>
      %swap3A_152 = arith.index_cast %sub3A : i32 to index
      %swap3A_153 = arith.constant 16 : index
      %swap3A_154 = tpu.vector_load %arg13[%swap3A_152, %swap3A_153] {strides = array<i32>} : memref<632x128xf32, #tpu.memory_space<vmem>>, vector<16xf32>,
      tpu.vector_store %arg13[%swap3A_152, %swap3A_153], %add3A_151 {strides = array<i32>} : memref<632x128xf32, #tpu.memory_space<vmem>>, vector<16xf32>,
      %get3A_155 = arith.index_cast %sub3A : i32 to index
      %get3A_156 = arith.constant 32 : index
      %get3A_157 = tpu.vector_load %arg13[%get3A_155, %get3A_156] {strides = array<i32>} : memref<632x128xf32, #tpu.memory_space<vmem>>, vector<16xf32>,
      %get3A_158 = arith.index_cast %while3A_132 : i32 to index
      %get3A_159 = arith.constant 32 : index
      %get3A_160 = tpu.vector_load %arg12[%get3A_158, %get3A_159] {strides = array<i32>} : memref<128x128xf32, #tpu.memory_space<vmem>>, vector<16xf32>,
      %add3A_161 = arith.addf %get3A_157, %get3A_160 : vector<16xf32>
      %swap3A_162 = arith.index_cast %sub3A : i32 to index
      %swap3A_163 = arith.constant 32 : index
      %swap3A_164 = tpu.vector_load %arg13[%swap3A_162, %swap3A_163] {strides = array<i32>} : memref<632x128xf32, #tpu.memory_space<vmem>>, vector<16xf32>,
      tpu.vector_store %arg13[%swap3A_162, %swap3A_163], %add3A_161 {strides = array<i32>} : memref<632x128xf32, #tpu.memory_space<vmem>>, vector<16xf32>,
      %get3A_165 = arith.index_cast %sub3A : i32 to index
      %get3A_166 = arith.constant 48 : index
      %get3A_167 = tpu.vector_load %arg13[%get3A_165, %get3A_166] {strides = array<i32>} : memref<632x128xf32, #tpu.memory_space<vmem>>, vector<16xf32>,
      %get3A_168 = arith.index_cast %while3A_132 : i32 to index
      %get3A_169 = arith.constant 48 : index
      %get3A_170 = tpu.vector_load %arg12[%get3A_168, %get3A_169] {strides = array<i32>} : memref<128x128xf32, #tpu.memory_space<vmem>>, vector<16xf32>,
      %add3A_171 = arith.addf %get3A_167, %get3A_170 : vector<16xf32>
      %swap3A_172 = arith.index_cast %sub3A : i32 to index
      %swap3A_173 = arith.constant 48 : index
      %swap3A_174 = tpu.vector_load %arg13[%swap3A_172, %swap3A_173] {strides = array<i32>} : memref<632x128xf32, #tpu.memory_space<vmem>>, vector<16xf32>,
      tpu.vector_store %arg13[%swap3A_172, %swap3A_173], %add3A_171 {strides = array<i32>} : memref<632x128xf32, #tpu.memory_space<vmem>>, vector<16xf32>,
      %get3A_175 = arith.index_cast %sub3A : i32 to index
      %get3A_176 = arith.constant 64 : index
      %get3A_177 = tpu.vector_load %arg13[%get3A_175, %get3A_176] {strides = array<i32>} : memref<632x128xf32, #tpu.memory_space<vmem>>, vector<16xf32>,
      %get3A_178 = arith.index_cast %while3A_132 : i32 to index
      %get3A_179 = arith.constant 64 : index
      %get3A_180 = tpu.vector_load %arg12[%get3A_178, %get3A_179] {strides = array<i32>} : memref<128x128xf32, #tpu.memory_space<vmem>>, vector<16xf32>,
      %add3A_181 = arith.addf %get3A_177, %get3A_180 : vector<16xf32>
      %swap3A_182 = arith.index_cast %sub3A : i32 to index
      %swap3A_183 = arith.constant 64 : index
      %swap3A_184 = tpu.vector_load %arg13[%swap3A_182, %swap3A_183] {strides = array<i32>} : memref<632x128xf32, #tpu.memory_space<vmem>>, vector<16xf32>,
      tpu.vector_store %arg13[%swap3A_182, %swap3A_183], %add3A_181 {strides = array<i32>} : memref<632x128xf32, #tpu.memory_space<vmem>>, vector<16xf32>,
      %get3A_185 = arith.index_cast %sub3A : i32 to index
      %get3A_186 = arith.constant 80 : index
      %get3A_187 = tpu.vector_load %arg13[%get3A_185, %get3A_186] {strides = array<i32>} : memref<632x128xf32, #tpu.memory_space<vmem>>, vector<16xf32>,
      %get3A_188 = arith.index_cast %while3A_132 : i32 to index
      %get3A_189 = arith.constant 80 : index
      %get3A_190 = tpu.vector_load %arg12[%get3A_188, %get3A_189] {strides = array<i32>} : memref<128x128xf32, #tpu.memory_space<vmem>>, vector<16xf32>,
      %add3A_191 = arith.addf %get3A_187, %get3A_190 : vector<16xf32>
      %swap3A_192 = arith.index_cast %sub3A : i32 to index
      %swap3A_193 = arith.constant 80 : index
      %swap3A_194 = tpu.vector_load %arg13[%swap3A_192, %swap3A_193] {strides = array<i32>} : memref<632x128xf32, #tpu.memory_space<vmem>>, vector<16xf32>,
      tpu.vector_store %arg13[%swap3A_192, %swap3A_193], %add3A_191 {strides = array<i32>} : memref<632x128xf32, #tpu.memory_space<vmem>>, vector<16xf32>,
      %get3A_195 = arith.index_cast %sub3A : i32 to index
      %get3A_196 = arith.constant 96 : index
      %get3A_197 = tpu.vector_load %arg13[%get3A_195, %get3A_196] {strides = array<i32>} : memref<632x128xf32, #tpu.memory_space<vmem>>, vector<16xf32>,
      %get3A_198 = arith.index_cast %while3A_132 : i32 to index
      %get3A_199 = arith.constant 96 : index
      %get3A_200 = tpu.vector_load %arg12[%get3A_198, %get3A_199] {strides = array<i32>} : memref<128x128xf32, #tpu.memory_space<vmem>>, vector<16xf32>,
      %add3A_201 = arith.addf %get3A_197, %get3A_200 : vector<16xf32>
      %swap3A_202 = arith.index_cast %sub3A : i32 to index
      %swap3A_203 = arith.constant 96 : index
      %swap3A_204 = tpu.vector_load %arg13[%swap3A_202, %swap3A_203] {strides = array<i32>} : memref<632x128xf32, #tpu.memory_space<vmem>>, vector<16xf32>,
      tpu.vector_store %arg13[%swap3A_202, %swap3A_203], %add3A_201 {strides = array<i32>} : memref<632x128xf32, #tpu.memory_space<vmem>>, vector<16xf32>,
      %get3A_205 = arith.index_cast %sub3A : i32 to index
      %get3A_206 = arith.constant 112 : index
      %get3A_207 = tpu.vector_load %arg13[%get3A_205, %get3A_206] {strides = array<i32>} : memref<632x128xf32, #tpu.memory_space<vmem>>, vector<16xf32>,
      %get3A_208 = arith.index_cast %while3A_132 : i32 to index
      %get3A_209 = arith.constant 112 : index
      %get3A_210 = tpu.vector_load %arg12[%get3A_208, %get3A_209] {strides = array<i32>} : memref<128x128xf32, #tpu.memory_space<vmem>>, vector<16xf32>,
      %add3A_211 = arith.addf %get3A_207, %get3A_210 : vector<16xf32>
      %swap3A_212 = arith.index_cast %sub3A : i32 to index
      %swap3A_213 = arith.constant 112 : index
      %swap3A_214 = tpu.vector_load %arg13[%swap3A_212, %swap3A_213] {strides = array<i32>} : memref<632x128xf32, #tpu.memory_space<vmem>>, vector<16xf32>,
      tpu.vector_store %arg13[%swap3A_212, %swap3A_213], %add3A_211 {strides = array<i32>} : memref<632x128xf32, #tpu.memory_space<vmem>>, vector<16xf32>,
      %while3A_215 = arith.constant 0 : i32
      scf.yield %while3A_215 : i32
    }
    "tpu.region"() ({
      %run_scoped3A = tpu.sem_alloc : memref<!tpu.dma_semaphore, #tpu.memory_space<semaphore_mem>>
      %dma_start3A_132 = arith.constant 0 : i32
      %dma_start3A_133 = tpu.memref_slice %arg5[%arg0, %mul3A_0, %dma_start3A_132] : memref<2x10112x128xf32, #tpu.memory_space<hbm>> -> memref<1x632x128xf32, #tpu.memory_space<hbm>>
      %dma_start3A_134 = tpu.memref_squeeze %dma_start3A_133 : memref<1x632x128xf32, #tpu.memory_space<hbm>> -> memref<632x128xf32, #tpu.memory_space<hbm>>
      %dma_start3A_135 = arith.constant 0 : i32
      %dma_start3A_136 = tpu.memref_slice %arg5[%arg0, %mul3A_0, %dma_start3A_135] : memref<2x10112x128xf32, #tpu.memory_space<hbm>> -> memref<1x632x128xf32, #tpu.memory_space<hbm>>
      %dma_start3A_137 = tpu.memref_squeeze %dma_start3A_136 : memref<1x632x128xf32, #tpu.memory_space<hbm>> -> memref<632x128xf32, #tpu.memory_space<hbm>>
      tpu.enqueue_dma source(%arg13 : memref<632x128xf32, #tpu.memory_space<vmem>>) target(%dma_start3A_137 : memref<632x128xf32, #tpu.memory_space<hbm>>) target_semaphore(%run_scoped3A : memref<!tpu.dma_semaphore, #tpu.memory_space<semaphore_mem>>)
      %dma_wait3A_138 = arith.constant 0 : i32
      %dma_wait3A_139 = tpu.memref_slice %arg5[%arg0, %mul3A_0, %dma_wait3A_138] : memref<2x10112x128xf32, #tpu.memory_space<hbm>> -> memref<1x632x128xf32, #tpu.memory_space<hbm>>
      %dma_wait3A_140 = tpu.memref_squeeze %dma_wait3A_139 : memref<1x632x128xf32, #tpu.memory_space<hbm>> -> memref<632x128xf32, #tpu.memory_space<hbm>>
      %dma_wait3A_141 = arith.constant 0 : i32
      %dma_wait3A_142 = tpu.memref_slice %arg5[%arg0, %mul3A_0, %dma_wait3A_141] : memref<2x10112x128xf32, #tpu.memory_space<hbm>> -> memref<1x632x128xf32, #tpu.memory_space<hbm>>
      %dma_wait3A_143 = tpu.memref_squeeze %dma_wait3A_142 : memref<1x632x128xf32, #tpu.memory_space<hbm>> -> memref<632x128xf32, #tpu.memory_space<hbm>>
      tpu.wait_dma2 semaphore(%run_scoped3A : memref<!tpu.dma_semaphore, #tpu.memory_space<semaphore_mem>>) src(%arg13 : memref<632x128xf32, #tpu.memory_space<vmem>>) dst(%dma_wait3A_143 : memref<632x128xf32, #tpu.memory_space<hbm>>)
      tpu.yield
    }) : () -> ()
    return
  }
}

#map = affine_map<(d0, d1) -> (0)>
#map1 = affine_map<(d0, d1) -> (0, 0)>
module attributes {stable_mosaic.version = 14 : i64} {
  func.func @_sc_scatter_f_body(%arg0: i32, %arg1: i32, %arg2: memref<5120000xf32, #tpu.memory_space<hbm>>, %arg3: memref<320000xi32, #tpu.memory_space<hbm>>, %arg4: memref<2x161792xf32, #tpu.memory_space<hbm>>, %arg5: memref<2000xi32, #tpu.memory_space<vmem>>, %arg6: memref<32000xf32, #tpu.memory_space<vmem>>, %arg7: memref<2016xi32, #tpu.memory_space<vmem>>, %arg8: memref<2016xi32, #tpu.memory_space<vmem>>, %arg9: memref<10112xf32, #tpu.memory_space<vmem>>) attributes {dimension_semantics = [#tpu.dimension_semantics<core_parallel>, #tpu.dimension_semantics<subcore_parallel>], iteration_bounds = array<i64: 2, 16>, scalar_prefetch = 0 : i64, scratch_operands = 5 : i64, tpu.core_type = #tpu.core_type<sc_vector_subcore>, window_params = [{transform_indices = #map}, {transform_indices = #map}, {transform_indices = #map1}]} {
    %mul3A = arith.constant 632 : i32
    %mul3A_0 = arith.muli %arg1, %mul3A : i32
    %mul3A_1 = arith.constant 160000 : i32
    %mul3A_2 = arith.muli %arg0, %mul3A_1 : i32
    %broadcast_in_dim3A = arith.constant 0.000000e+00 : f32
    %broadcast_in_dim3A_3 = vector.broadcast %broadcast_in_dim3A : f32 to vector<16xf32>
    %iota3A = tpu.iota {dimensions = array<i32: 0>} : vector<16xi32>
    %scan3A = arith.constant 0 : i32
    %scan3A_4 = arith.constant 0 : i32
    %scan3A_5 = arith.constant 632 : i32
    %scan3A_6 = arith.addi %scan3A_4, %scan3A_5 : i32
    %scan3A_7 = arith.constant 1 : i32
    %scan3A_8 = scf.for %scan3A_19 = %scan3A_4 to %scan3A_6 step %scan3A_7 iter_args(%scan3A_20 = %scan3A) -> (i32)  : i32 {
      %mul3A_21 = arith.constant 16 : i32
      %mul3A_22 = arith.muli %scan3A_19, %mul3A_21 : i32
      %swap3A = arith.index_cast %mul3A_22 : i32 to index
      %swap3A_23 = tpu.vector_load %arg9[%swap3A] {strides = array<i32>} : memref<10112xf32, #tpu.memory_space<vmem>>, vector<16xf32>,
      tpu.vector_store %arg9[%swap3A], %broadcast_in_dim3A_3 {strides = array<i32>} : memref<10112xf32, #tpu.memory_space<vmem>>, vector<16xf32>,
      %scan3A_24 = arith.constant 0 : i32
      scf.yield %scan3A_24 : i32
    }
    %scan3A_9 = arith.constant 632 : i32
    %scan3A_10 = arith.constant 0 : i32
    %scan3A_11 = arith.constant 0 : i32
    %scan3A_12 = arith.constant 80 : i32
    %scan3A_13 = arith.addi %scan3A_11, %scan3A_12 : i32
    %scan3A_14 = arith.constant 1 : i32
    %scan3A_15 = scf.for %scan3A_19 = %scan3A_11 to %scan3A_13 step %scan3A_14 iter_args(%scan3A_20 = %scan3A_10) -> (i32)  : i32 {
      %mul3A_21 = arith.constant 2000 : i32
      %mul3A_22 = arith.muli %scan3A_19, %mul3A_21 : i32
      %add3A = arith.addi %mul3A_2, %mul3A_22 : i32
      "tpu.region"() ({
        %run_scoped3A = tpu.sem_alloc : memref<!tpu.dma_semaphore, #tpu.memory_space<semaphore_mem>>
        %dma_start3A = tpu.memref_slice %arg3[%add3A] : memref<320000xi32, #tpu.memory_space<hbm>> -> memref<2000xi32, #tpu.memory_space<hbm>>
        %dma_start3A_44 = tpu.memref_slice %arg3[%add3A] : memref<320000xi32, #tpu.memory_space<hbm>> -> memref<2000xi32, #tpu.memory_space<hbm>>
        tpu.enqueue_dma source(%dma_start3A_44 : memref<2000xi32, #tpu.memory_space<hbm>>) target(%arg5 : memref<2000xi32, #tpu.memory_space<vmem>>) target_semaphore(%run_scoped3A : memref<!tpu.dma_semaphore, #tpu.memory_space<semaphore_mem>>)
        %dma_wait3A = tpu.memref_slice %arg3[%add3A] : memref<320000xi32, #tpu.memory_space<hbm>> -> memref<2000xi32, #tpu.memory_space<hbm>>
        %dma_wait3A_45 = tpu.memref_slice %arg3[%add3A] : memref<320000xi32, #tpu.memory_space<hbm>> -> memref<2000xi32, #tpu.memory_space<hbm>>
        tpu.wait_dma2 semaphore(%run_scoped3A : memref<!tpu.dma_semaphore, #tpu.memory_space<semaphore_mem>>) src(%dma_wait3A_45 : memref<2000xi32, #tpu.memory_space<hbm>>) dst(%arg5 : memref<2000xi32, #tpu.memory_space<vmem>>)
        tpu.yield
      }) : () -> ()
      %mul3A_23 = arith.constant 16 : i32
      %mul3A_24 = arith.muli %add3A, %mul3A_23 : i32
      "tpu.region"() ({
        %run_scoped3A = tpu.sem_alloc : memref<!tpu.dma_semaphore, #tpu.memory_space<semaphore_mem>>
        %dma_start3A = tpu.memref_slice %arg2[%mul3A_24] : memref<5120000xf32, #tpu.memory_space<hbm>> -> memref<32000xf32, #tpu.memory_space<hbm>>
        %dma_start3A_44 = tpu.memref_slice %arg2[%mul3A_24] : memref<5120000xf32, #tpu.memory_space<hbm>> -> memref<32000xf32, #tpu.memory_space<hbm>>
        tpu.enqueue_dma source(%dma_start3A_44 : memref<32000xf32, #tpu.memory_space<hbm>>) target(%arg6 : memref<32000xf32, #tpu.memory_space<vmem>>) target_semaphore(%run_scoped3A : memref<!tpu.dma_semaphore, #tpu.memory_space<semaphore_mem>>)
        %dma_wait3A = tpu.memref_slice %arg2[%mul3A_24] : memref<5120000xf32, #tpu.memory_space<hbm>> -> memref<32000xf32, #tpu.memory_space<hbm>>
        %dma_wait3A_45 = tpu.memref_slice %arg2[%mul3A_24] : memref<5120000xf32, #tpu.memory_space<hbm>> -> memref<32000xf32, #tpu.memory_space<hbm>>
        tpu.wait_dma2 semaphore(%run_scoped3A : memref<!tpu.dma_semaphore, #tpu.memory_space<semaphore_mem>>) src(%dma_wait3A_45 : memref<32000xf32, #tpu.memory_space<hbm>>) dst(%arg6 : memref<32000xf32, #tpu.memory_space<vmem>>)
        tpu.yield
      }) : () -> ()
      %scan3A_25 = arith.constant 0 : i32
      %scan3A_26 = arith.constant 0 : i32
      %scan3A_27 = arith.constant 125 : i32
      %scan3A_28 = arith.addi %scan3A_26, %scan3A_27 : i32
      %scan3A_29 = arith.constant 1 : i32
      %scan3A_30 = scf.for %scan3A_44 = %scan3A_26 to %scan3A_28 step %scan3A_29 iter_args(%scan3A_45 = %scan3A_25) -> (i32)  : i32 {
        %mul3A_46 = arith.constant 16 : i32
        %mul3A_47 = arith.muli %scan3A_44, %mul3A_46 : i32
        %get3A = arith.index_cast %mul3A_47 : i32 to index
        %get3A_48 = tpu.vector_load %arg5[%get3A] {strides = array<i32>} : memref<2000xi32, #tpu.memory_space<vmem>>, vector<16xi32>,
        %ge3A = vector.broadcast %mul3A_0 : i32 to vector<16xi32>
        %ge3A_49 = arith.cmpi sge, %get3A_48, %ge3A : vector<16xi32>
        %add3A_50 = arith.constant 632 : i32
        %add3A_51 = arith.addi %mul3A_0, %add3A_50 : i32
        %lt3A = vector.broadcast %add3A_51 : i32 to vector<16xi32>
        %lt3A_52 = arith.cmpi slt, %get3A_48, %lt3A : vector<16xi32>
        %and3A = arith.andi %ge3A_49, %lt3A_52 : vector<16xi1>
        %mul3A_53 = arith.constant 16 : i32
        %mul3A_54 = arith.muli %scan3A_44, %mul3A_53 : i32
        %add3A_55 = vector.broadcast %mul3A_54 : i32 to vector<16xi32>
        %add3A_56 = arith.addi %add3A_55, %iota3A : vector<16xi32>
        %swap3A = arith.index_cast %scan3A_45 : i32 to index
        %swap3A_57 = tpu.vector_load %arg7[%swap3A] masked %and3A {strides = array<i32>} : memref<2016xi32, #tpu.memory_space<vmem>>, vector<16xi32>, vector<16xi1>
        tpu.vector_store %arg7[%swap3A], %add3A_56 masked %and3A {strides = array<i32>} : memref<2016xi32, #tpu.memory_space<vmem>>, vector<16xi32>, vector<16xi1>
        %swap3A_58 = arith.index_cast %scan3A_45 : i32 to index
        %swap3A_59 = tpu.vector_load %arg8[%swap3A_58] masked %and3A {strides = array<i32>} : memref<2016xi32, #tpu.memory_space<vmem>>, vector<16xi32>, vector<16xi1>
        tpu.vector_store %arg8[%swap3A_58], %get3A_48 masked %and3A {strides = array<i32>} : memref<2016xi32, #tpu.memory_space<vmem>>, vector<16xi32>, vector<16xi1>
        %convert_element_type3A = arith.extui %and3A : vector<16xi1> to vector<16xi32>
        %reduce_sum3A = arith.constant true
        %reduce_sum3A_60 = vector.broadcast %reduce_sum3A : i1 to vector<16xi1>
        %reduce_sum3A_61 = tpu.scan <sum>, %convert_element_type3A masked %reduce_sum3A_60 : vector<16xi32>, vector<16xi1> -> vector<16xi32>
        %reduce_sum3A_62 = vector.extract %reduce_sum3A_61[15] : i32 from vector<16xi32>
        %add3A_63 = arith.addi %scan3A_45, %reduce_sum3A_62 : i32
        scf.yield %add3A_63 : i32
      }
      %scan3A_31 = arith.constant 125 : i32
      %while3A = arith.constant 0 : i32
      %while3A_32 = arith.constant 0 : i32
      %while3A_33 = arith.subi %scan3A_30, %while3A : i32
      %while3A_34 = arith.addi %while3A, %while3A_33 : i32
      %while3A_35 = arith.constant 1 : i32
      %while3A_36 = arith.divsi %while3A_33, %while3A_35 : i32
      %while3A_37 = arith.muli %while3A_36, %while3A_35 : i32
      %while3A_38 = arith.addi %while3A, %while3A_37 : i32
      %while3A_39 = arith.constant 1 : i32
      %while3A_40 = scf.for %while3A_44 = %while3A to %while3A_38 step %while3A_39 iter_args(%while3A_45 = %while3A_32) -> (i32)  : i32 {
        %get3A = arith.index_cast %while3A_44 : i32 to index
        %get3A_46 = tpu.vector_load %arg7[%get3A] {strides = array<i32>} : memref<2016xi32, #tpu.memory_space<vmem>>, vector<16xi32>,
        %slice3A = vector.extract_strided_slice %get3A_46 {offsets = [0], sizes = [1], strides = [1]} : vector<16xi32> to vector<1xi32>
        %squeeze3A = vector.extract %slice3A[0] : i32 from vector<1xi32>
        %get3A_47 = arith.index_cast %while3A_44 : i32 to index
        %get3A_48 = tpu.vector_load %arg8[%get3A_47] {strides = array<i32>} : memref<2016xi32, #tpu.memory_space<vmem>>, vector<16xi32>,
        %slice3A_49 = vector.extract_strided_slice %get3A_48 {offsets = [0], sizes = [1], strides = [1]} : vector<16xi32> to vector<1xi32>
        %squeeze3A_50 = vector.extract %slice3A_49[0] : i32 from vector<1xi32>
        %sub3A = arith.subi %squeeze3A_50, %mul3A_0 : i32
        %mul3A_51 = arith.constant 16 : i32
        %mul3A_52 = arith.muli %sub3A, %mul3A_51 : i32
        %get3A_53 = arith.index_cast %mul3A_52 : i32 to index
        %get3A_54 = tpu.vector_load %arg9[%get3A_53] {strides = array<i32>} : memref<10112xf32, #tpu.memory_space<vmem>>, vector<16xf32>,
        %mul3A_55 = arith.constant 16 : i32
        %mul3A_56 = arith.muli %squeeze3A, %mul3A_55 : i32
        %get3A_57 = arith.index_cast %mul3A_56 : i32 to index
        %get3A_58 = tpu.vector_load %arg6[%get3A_57] {strides = array<i32>} : memref<32000xf32, #tpu.memory_space<vmem>>, vector<16xf32>,
        %add3A_59 = arith.addf %get3A_54, %get3A_58 : vector<16xf32>
        %mul3A_60 = arith.constant 16 : i32
        %mul3A_61 = arith.muli %sub3A, %mul3A_60 : i32
        %swap3A = arith.index_cast %mul3A_61 : i32 to index
        %swap3A_62 = tpu.vector_load %arg9[%swap3A] {strides = array<i32>} : memref<10112xf32, #tpu.memory_space<vmem>>, vector<16xf32>,
        tpu.vector_store %arg9[%swap3A], %add3A_59 {strides = array<i32>} : memref<10112xf32, #tpu.memory_space<vmem>>, vector<16xf32>,
        %while3A_63 = arith.constant 0 : i32
        scf.yield %while3A_63 : i32
      }
      %while3A_41 = arith.constant 1 : i32
      %while3A_42 = scf.for %while3A_44 = %while3A_38 to %while3A_34 step %while3A_41 iter_args(%while3A_45 = %while3A_40) -> (i32)  : i32 {
        %get3A = arith.index_cast %while3A_44 : i32 to index
        %get3A_46 = tpu.vector_load %arg7[%get3A] {strides = array<i32>} : memref<2016xi32, #tpu.memory_space<vmem>>, vector<16xi32>,
        %slice3A = vector.extract_strided_slice %get3A_46 {offsets = [0], sizes = [1], strides = [1]} : vector<16xi32> to vector<1xi32>
        %squeeze3A = vector.extract %slice3A[0] : i32 from vector<1xi32>
        %get3A_47 = arith.index_cast %while3A_44 : i32 to index
        %get3A_48 = tpu.vector_load %arg8[%get3A_47] {strides = array<i32>} : memref<2016xi32, #tpu.memory_space<vmem>>, vector<16xi32>,
        %slice3A_49 = vector.extract_strided_slice %get3A_48 {offsets = [0], sizes = [1], strides = [1]} : vector<16xi32> to vector<1xi32>
        %squeeze3A_50 = vector.extract %slice3A_49[0] : i32 from vector<1xi32>
        %sub3A = arith.subi %squeeze3A_50, %mul3A_0 : i32
        %mul3A_51 = arith.constant 16 : i32
        %mul3A_52 = arith.muli %sub3A, %mul3A_51 : i32
        %get3A_53 = arith.index_cast %mul3A_52 : i32 to index
        %get3A_54 = tpu.vector_load %arg9[%get3A_53] {strides = array<i32>} : memref<10112xf32, #tpu.memory_space<vmem>>, vector<16xf32>,
        %mul3A_55 = arith.constant 16 : i32
        %mul3A_56 = arith.muli %squeeze3A, %mul3A_55 : i32
        %get3A_57 = arith.index_cast %mul3A_56 : i32 to index
        %get3A_58 = tpu.vector_load %arg6[%get3A_57] {strides = array<i32>} : memref<32000xf32, #tpu.memory_space<vmem>>, vector<16xf32>,
        %add3A_59 = arith.addf %get3A_54, %get3A_58 : vector<16xf32>
        %mul3A_60 = arith.constant 16 : i32
        %mul3A_61 = arith.muli %sub3A, %mul3A_60 : i32
        %swap3A = arith.index_cast %mul3A_61 : i32 to index
        %swap3A_62 = tpu.vector_load %arg9[%swap3A] {strides = array<i32>} : memref<10112xf32, #tpu.memory_space<vmem>>, vector<16xf32>,
        tpu.vector_store %arg9[%swap3A], %add3A_59 {strides = array<i32>} : memref<10112xf32, #tpu.memory_space<vmem>>, vector<16xf32>,
        %while3A_63 = arith.constant 0 : i32
        scf.yield %while3A_63 : i32
      }
      %scan3A_43 = arith.constant 0 : i32
      scf.yield %scan3A_43 : i32
    }
    %scan3A_16 = arith.constant 80 : i32
    %mul3A_17 = arith.constant 16 : i32
    %mul3A_18 = arith.muli %mul3A_0, %mul3A_17 : i32
    "tpu.region"() ({
      %run_scoped3A = tpu.sem_alloc : memref<!tpu.dma_semaphore, #tpu.memory_space<semaphore_mem>>
      %dma_start3A = tpu.memref_slice %arg4[%arg0, %mul3A_18] : memref<2x161792xf32, #tpu.memory_space<hbm>> -> memref<1x10112xf32, #tpu.memory_space<hbm>>
      %dma_start3A_19 = tpu.memref_squeeze %dma_start3A : memref<1x10112xf32, #tpu.memory_space<hbm>> -> memref<10112xf32, #tpu.memory_space<hbm>>
      %dma_start3A_20 = tpu.memref_slice %arg4[%arg0, %mul3A_18] : memref<2x161792xf32, #tpu.memory_space<hbm>> -> memref<1x10112xf32, #tpu.memory_space<hbm>>
      %dma_start3A_21 = tpu.memref_squeeze %dma_start3A_20 : memref<1x10112xf32, #tpu.memory_space<hbm>> -> memref<10112xf32, #tpu.memory_space<hbm>>
      tpu.enqueue_dma source(%arg9 : memref<10112xf32, #tpu.memory_space<vmem>>) target(%dma_start3A_21 : memref<10112xf32, #tpu.memory_space<hbm>>) target_semaphore(%run_scoped3A : memref<!tpu.dma_semaphore, #tpu.memory_space<semaphore_mem>>)
      %dma_wait3A = tpu.memref_slice %arg4[%arg0, %mul3A_18] : memref<2x161792xf32, #tpu.memory_space<hbm>> -> memref<1x10112xf32, #tpu.memory_space<hbm>>
      %dma_wait3A_22 = tpu.memref_squeeze %dma_wait3A : memref<1x10112xf32, #tpu.memory_space<hbm>> -> memref<10112xf32, #tpu.memory_space<hbm>>
      %dma_wait3A_23 = tpu.memref_slice %arg4[%arg0, %mul3A_18] : memref<2x161792xf32, #tpu.memory_space<hbm>> -> memref<1x10112xf32, #tpu.memory_space<hbm>>
      %dma_wait3A_24 = tpu.memref_squeeze %dma_wait3A_23 : memref<1x10112xf32, #tpu.memory_space<hbm>> -> memref<10112xf32, #tpu.memory_space<hbm>>
      tpu.wait_dma2 semaphore(%run_scoped3A : memref<!tpu.dma_semaphore, #tpu.memory_space<semaphore_mem>>) src(%arg9 : memref<10112xf32, #tpu.memory_space<vmem>>) dst(%dma_wait3A_24 : memref<10112xf32, #tpu.memory_space<hbm>>)
      tpu.yield
    }) : () -> ()
    return
  }
}

#map = affine_map<(d0, d1) -> (0, 0)>
#map1 = affine_map<(d0, d1) -> (0)>
module attributes {stable_mosaic.version = 14 : i64} {
  func.func @_sc_edge_body(%arg0: i32, %arg1: i32, %arg2: memref<10112x128xf32, #tpu.memory_space<hbm>>, %arg3: memref<320000xi32, #tpu.memory_space<hbm>>, %arg4: memref<320000xi32, #tpu.memory_space<hbm>>, %arg5: memref<320000x128xf32, #tpu.memory_space<hbm>>, %arg6: memref<320000x128xf32, #tpu.memory_space<hbm>>, %arg7: memref<64xi32, #tpu.memory_space<vmem>>, %arg8: memref<64xi32, #tpu.memory_space<vmem>>, %arg9: memref<64x128xf32, #tpu.memory_space<vmem>>, %arg10: memref<64x128xf32, #tpu.memory_space<vmem>>, %arg11: memref<!tpu.dma_semaphore, #tpu.memory_space<semaphore_mem>>) attributes {dimension_semantics = [#tpu.dimension_semantics<core_parallel>, #tpu.dimension_semantics<subcore_parallel>], iteration_bounds = array<i64: 2, 16>, scalar_prefetch = 0 : i64, scratch_operands = 5 : i64, tpu.core_type = #tpu.core_type<sc_vector_subcore>, window_params = [{transform_indices = #map}, {transform_indices = #map1}, {transform_indices = #map1}, {transform_indices = #map}, {transform_indices = #map}]} {
    %mul3A = arith.constant 2 : i32
    %mul3A_0 = arith.muli %arg1, %mul3A : i32
    %add3A = arith.addi %mul3A_0, %arg0 : i32
    %sub3A = arith.constant 5000 : i32
    %sub3A_1 = arith.subi %sub3A, %add3A : i32
    %add3A_2 = arith.constant 32 : i32
    %add3A_3 = arith.addi %sub3A_1, %add3A_2 : i32
    %sub3A_4 = arith.constant 1 : i32
    %sub3A_5 = arith.subi %add3A_3, %sub3A_4 : i32
    %jit3A = arith.constant 32 : i32
    %div3A = arith.divsi %sub3A_5, %jit3A : i32
    %sign3A = arith.constant 0 : i32
    %sign3A_6 = arith.cmpi sgt, %sub3A_5, %sign3A : i32
    %sign3A_7 = arith.extui %sign3A_6 : i1 to i32
    %sign3A_8 = arith.constant 0 : i32
    %sign3A_9 = arith.cmpi slt, %sub3A_5, %sign3A_8 : i32
    %sign3A_10 = arith.extui %sign3A_9 : i1 to i32
    %sign3A_11 = arith.subi %sign3A_7, %sign3A_10 : i32
    %sign3A_12 = arith.constant 0 : i32
    %sign3A_13 = arith.cmpi sgt, %jit3A, %sign3A_12 : i32
    %sign3A_14 = arith.extui %sign3A_13 : i1 to i32
    %sign3A_15 = arith.constant 0 : i32
    %sign3A_16 = arith.cmpi slt, %jit3A, %sign3A_15 : i32
    %sign3A_17 = arith.extui %sign3A_16 : i1 to i32
    %sign3A_18 = arith.subi %sign3A_14, %sign3A_17 : i32
    %ne3A = arith.cmpi ne, %sign3A_11, %sign3A_18 : i32
    %rem3A = arith.remsi %sub3A_5, %jit3A : i32
    %ne3A_19 = arith.constant 0 : i32
    %ne3A_20 = arith.cmpi ne, %rem3A, %ne3A_19 : i32
    %and3A = arith.andi %ne3A, %ne3A_20 : i1
    %sub3A_21 = arith.constant 1 : i32
    %sub3A_22 = arith.subi %div3A, %sub3A_21 : i32
    %select_n3A = arith.select %and3A, %sub3A_22, %div3A : i32
    %while3A = arith.constant 0 : i32
    %while3A_23 = arith.constant 0 : i32
    %while3A_24 = arith.subi %select_n3A, %while3A : i32
    %while3A_25 = arith.addi %while3A, %while3A_24 : i32
    %while3A_26 = arith.constant 1 : i32
    %while3A_27 = arith.divsi %while3A_24, %while3A_26 : i32
    %while3A_28 = arith.muli %while3A_27, %while3A_26 : i32
    %while3A_29 = arith.addi %while3A, %while3A_28 : i32
    %while3A_30 = arith.constant 1 : i32
    %while3A_31 = scf.for %while3A_34 = %while3A to %while3A_29 step %while3A_30 iter_args(%while3A_35 = %while3A_23) -> (i32)  : i32 {
      %mul3A_36 = arith.constant 32 : i32
      %mul3A_37 = arith.muli %while3A_34, %mul3A_36 : i32
      %add3A_38 = arith.addi %add3A, %mul3A_37 : i32
      %mul3A_39 = arith.constant 64 : i32
      %mul3A_40 = arith.muli %add3A_38, %mul3A_39 : i32
      "tpu.region"() ({
        %run_scoped3A = tpu.sem_alloc : memref<!tpu.dma_semaphore, #tpu.memory_space<semaphore_mem>>
        %dma_start3A_52 = tpu.memref_slice %arg3[%mul3A_40] : memref<320000xi32, #tpu.memory_space<hbm>> -> memref<64xi32, #tpu.memory_space<hbm>>
        %dma_start3A_53 = tpu.memref_slice %arg3[%mul3A_40] : memref<320000xi32, #tpu.memory_space<hbm>> -> memref<64xi32, #tpu.memory_space<hbm>>
        tpu.enqueue_dma source(%dma_start3A_53 : memref<64xi32, #tpu.memory_space<hbm>>) target(%arg7 : memref<64xi32, #tpu.memory_space<vmem>>) target_semaphore(%run_scoped3A : memref<!tpu.dma_semaphore, #tpu.memory_space<semaphore_mem>>)
        %dma_wait3A_54 = tpu.memref_slice %arg3[%mul3A_40] : memref<320000xi32, #tpu.memory_space<hbm>> -> memref<64xi32, #tpu.memory_space<hbm>>
        %dma_wait3A_55 = tpu.memref_slice %arg3[%mul3A_40] : memref<320000xi32, #tpu.memory_space<hbm>> -> memref<64xi32, #tpu.memory_space<hbm>>
        tpu.wait_dma2 semaphore(%run_scoped3A : memref<!tpu.dma_semaphore, #tpu.memory_space<semaphore_mem>>) src(%dma_wait3A_55 : memref<64xi32, #tpu.memory_space<hbm>>) dst(%arg7 : memref<64xi32, #tpu.memory_space<vmem>>)
        tpu.yield
      }) : () -> ()
      "tpu.region"() ({
        %run_scoped3A = tpu.sem_alloc : memref<!tpu.dma_semaphore, #tpu.memory_space<semaphore_mem>>
        %dma_start3A_52 = tpu.memref_slice %arg4[%mul3A_40] : memref<320000xi32, #tpu.memory_space<hbm>> -> memref<64xi32, #tpu.memory_space<hbm>>
        %dma_start3A_53 = tpu.memref_slice %arg4[%mul3A_40] : memref<320000xi32, #tpu.memory_space<hbm>> -> memref<64xi32, #tpu.memory_space<hbm>>
        tpu.enqueue_dma source(%dma_start3A_53 : memref<64xi32, #tpu.memory_space<hbm>>) target(%arg8 : memref<64xi32, #tpu.memory_space<vmem>>) target_semaphore(%run_scoped3A : memref<!tpu.dma_semaphore, #tpu.memory_space<semaphore_mem>>)
        %dma_wait3A_54 = tpu.memref_slice %arg4[%mul3A_40] : memref<320000xi32, #tpu.memory_space<hbm>> -> memref<64xi32, #tpu.memory_space<hbm>>
        %dma_wait3A_55 = tpu.memref_slice %arg4[%mul3A_40] : memref<320000xi32, #tpu.memory_space<hbm>> -> memref<64xi32, #tpu.memory_space<hbm>>
        tpu.wait_dma2 semaphore(%run_scoped3A : memref<!tpu.dma_semaphore, #tpu.memory_space<semaphore_mem>>) src(%dma_wait3A_55 : memref<64xi32, #tpu.memory_space<hbm>>) dst(%arg8 : memref<64xi32, #tpu.memory_space<vmem>>)
        tpu.yield
      }) : () -> ()
      %dma_start3A = arith.constant 0 : i32
      %dma_start3A_41 = arith.constant 0 : i32
      %dma_start3A_42 = tpu.memref_slice %arg2[%dma_start3A, %dma_start3A_41] : memref<10112x128xf32, #tpu.memory_space<hbm>> -> memref<10112x128xf32, #tpu.memory_space<hbm>>
      tpu.enqueue_indirect_dma source(%dma_start3A_42 : memref<10112x128xf32, #tpu.memory_space<hbm>>) target(%arg9 : memref<64x128xf32, #tpu.memory_space<vmem>>) offsets(%arg7 : memref<64xi32, #tpu.memory_space<vmem>>) semaphore(%arg11 : memref<!tpu.dma_semaphore, #tpu.memory_space<semaphore_mem>>)
      %dma_wait3A = arith.constant 0 : i32
      %dma_wait3A_43 = arith.constant 0 : i32
      %dma_wait3A_44 = tpu.memref_slice %arg2[%dma_wait3A, %dma_wait3A_43] : memref<10112x128xf32, #tpu.memory_space<hbm>> -> memref<10112x128xf32, #tpu.memory_space<hbm>>
      tpu.wait_indirect_dma semaphore(%arg11 : memref<!tpu.dma_semaphore, #tpu.memory_space<semaphore_mem>>) src(%dma_wait3A_44 : memref<10112x128xf32, #tpu.memory_space<hbm>>) dst(%arg9 : memref<64x128xf32, #tpu.memory_space<vmem>>)
      %dma_start3A_45 = arith.constant 0 : i32
      %dma_start3A_46 = arith.constant 0 : i32
      %dma_start3A_47 = tpu.memref_slice %arg2[%dma_start3A_45, %dma_start3A_46] : memref<10112x128xf32, #tpu.memory_space<hbm>> -> memref<10112x128xf32, #tpu.memory_space<hbm>>
      tpu.enqueue_indirect_dma source(%dma_start3A_47 : memref<10112x128xf32, #tpu.memory_space<hbm>>) target(%arg10 : memref<64x128xf32, #tpu.memory_space<vmem>>) offsets(%arg8 : memref<64xi32, #tpu.memory_space<vmem>>) semaphore(%arg11 : memref<!tpu.dma_semaphore, #tpu.memory_space<semaphore_mem>>)
      %dma_wait3A_48 = arith.constant 0 : i32
      %dma_wait3A_49 = arith.constant 0 : i32
      %dma_wait3A_50 = tpu.memref_slice %arg2[%dma_wait3A_48, %dma_wait3A_49] : memref<10112x128xf32, #tpu.memory_space<hbm>> -> memref<10112x128xf32, #tpu.memory_space<hbm>>
      tpu.wait_indirect_dma semaphore(%arg11 : memref<!tpu.dma_semaphore, #tpu.memory_space<semaphore_mem>>) src(%dma_wait3A_50 : memref<10112x128xf32, #tpu.memory_space<hbm>>) dst(%arg10 : memref<64x128xf32, #tpu.memory_space<vmem>>)
      "tpu.region"() ({
        %run_scoped3A = tpu.sem_alloc : memref<!tpu.dma_semaphore, #tpu.memory_space<semaphore_mem>>
        %dma_start3A_52 = arith.constant 0 : i32
        %dma_start3A_53 = tpu.memref_slice %arg5[%mul3A_40, %dma_start3A_52] : memref<320000x128xf32, #tpu.memory_space<hbm>> -> memref<64x128xf32, #tpu.memory_space<hbm>>
        %dma_start3A_54 = arith.constant 0 : i32
        %dma_start3A_55 = tpu.memref_slice %arg5[%mul3A_40, %dma_start3A_54] : memref<320000x128xf32, #tpu.memory_space<hbm>> -> memref<64x128xf32, #tpu.memory_space<hbm>>
        tpu.enqueue_dma source(%arg9 : memref<64x128xf32, #tpu.memory_space<vmem>>) target(%dma_start3A_55 : memref<64x128xf32, #tpu.memory_space<hbm>>) target_semaphore(%run_scoped3A : memref<!tpu.dma_semaphore, #tpu.memory_space<semaphore_mem>>)
        %dma_wait3A_56 = arith.constant 0 : i32
        %dma_wait3A_57 = tpu.memref_slice %arg5[%mul3A_40, %dma_wait3A_56] : memref<320000x128xf32, #tpu.memory_space<hbm>> -> memref<64x128xf32, #tpu.memory_space<hbm>>
        %dma_wait3A_58 = arith.constant 0 : i32
        %dma_wait3A_59 = tpu.memref_slice %arg5[%mul3A_40, %dma_wait3A_58] : memref<320000x128xf32, #tpu.memory_space<hbm>> -> memref<64x128xf32, #tpu.memory_space<hbm>>
        tpu.wait_dma2 semaphore(%run_scoped3A : memref<!tpu.dma_semaphore, #tpu.memory_space<semaphore_mem>>) src(%arg9 : memref<64x128xf32, #tpu.memory_space<vmem>>) dst(%dma_wait3A_59 : memref<64x128xf32, #tpu.memory_space<hbm>>)
        tpu.yield
      }) : () -> ()
      "tpu.region"() ({
        %run_scoped3A = tpu.sem_alloc : memref<!tpu.dma_semaphore, #tpu.memory_space<semaphore_mem>>
        %dma_start3A_52 = arith.constant 0 : i32
        %dma_start3A_53 = tpu.memref_slice %arg6[%mul3A_40, %dma_start3A_52] : memref<320000x128xf32, #tpu.memory_space<hbm>> -> memref<64x128xf32, #tpu.memory_space<hbm>>
        %dma_start3A_54 = arith.constant 0 : i32
        %dma_start3A_55 = tpu.memref_slice %arg6[%mul3A_40, %dma_start3A_54] : memref<320000x128xf32, #tpu.memory_space<hbm>> -> memref<64x128xf32, #tpu.memory_space<hbm>>
        tpu.enqueue_dma source(%arg10 : memref<64x128xf32, #tpu.memory_space<vmem>>) target(%dma_start3A_55 : memref<64x128xf32, #tpu.memory_space<hbm>>) target_semaphore(%run_scoped3A : memref<!tpu.dma_semaphore, #tpu.memory_space<semaphore_mem>>)
        %dma_wait3A_56 = arith.constant 0 : i32
        %dma_wait3A_57 = tpu.memref_slice %arg6[%mul3A_40, %dma_wait3A_56] : memref<320000x128xf32, #tpu.memory_space<hbm>> -> memref<64x128xf32, #tpu.memory_space<hbm>>
        %dma_wait3A_58 = arith.constant 0 : i32
        %dma_wait3A_59 = tpu.memref_slice %arg6[%mul3A_40, %dma_wait3A_58] : memref<320000x128xf32, #tpu.memory_space<hbm>> -> memref<64x128xf32, #tpu.memory_space<hbm>>
        tpu.wait_dma2 semaphore(%run_scoped3A : memref<!tpu.dma_semaphore, #tpu.memory_space<semaphore_mem>>) src(%arg10 : memref<64x128xf32, #tpu.memory_space<vmem>>) dst(%dma_wait3A_59 : memref<64x128xf32, #tpu.memory_space<hbm>>)
        tpu.yield
      }) : () -> ()
      %while3A_51 = arith.constant 0 : i32
      scf.yield %while3A_51 : i32
    }
    %while3A_32 = arith.constant 1 : i32
    %while3A_33 = scf.for %while3A_34 = %while3A_29 to %while3A_25 step %while3A_32 iter_args(%while3A_35 = %while3A_31) -> (i32)  : i32 {
      %mul3A_36 = arith.constant 32 : i32
      %mul3A_37 = arith.muli %while3A_34, %mul3A_36 : i32
      %add3A_38 = arith.addi %add3A, %mul3A_37 : i32
      %mul3A_39 = arith.constant 64 : i32
      %mul3A_40 = arith.muli %add3A_38, %mul3A_39 : i32
      "tpu.region"() ({
        %run_scoped3A = tpu.sem_alloc : memref<!tpu.dma_semaphore, #tpu.memory_space<semaphore_mem>>
        %dma_start3A_52 = tpu.memref_slice %arg3[%mul3A_40] : memref<320000xi32, #tpu.memory_space<hbm>> -> memref<64xi32, #tpu.memory_space<hbm>>
        %dma_start3A_53 = tpu.memref_slice %arg3[%mul3A_40] : memref<320000xi32, #tpu.memory_space<hbm>> -> memref<64xi32, #tpu.memory_space<hbm>>
        tpu.enqueue_dma source(%dma_start3A_53 : memref<64xi32, #tpu.memory_space<hbm>>) target(%arg7 : memref<64xi32, #tpu.memory_space<vmem>>) target_semaphore(%run_scoped3A : memref<!tpu.dma_semaphore, #tpu.memory_space<semaphore_mem>>)
        %dma_wait3A_54 = tpu.memref_slice %arg3[%mul3A_40] : memref<320000xi32, #tpu.memory_space<hbm>> -> memref<64xi32, #tpu.memory_space<hbm>>
        %dma_wait3A_55 = tpu.memref_slice %arg3[%mul3A_40] : memref<320000xi32, #tpu.memory_space<hbm>> -> memref<64xi32, #tpu.memory_space<hbm>>
        tpu.wait_dma2 semaphore(%run_scoped3A : memref<!tpu.dma_semaphore, #tpu.memory_space<semaphore_mem>>) src(%dma_wait3A_55 : memref<64xi32, #tpu.memory_space<hbm>>) dst(%arg7 : memref<64xi32, #tpu.memory_space<vmem>>)
        tpu.yield
      }) : () -> ()
      "tpu.region"() ({
        %run_scoped3A = tpu.sem_alloc : memref<!tpu.dma_semaphore, #tpu.memory_space<semaphore_mem>>
        %dma_start3A_52 = tpu.memref_slice %arg4[%mul3A_40] : memref<320000xi32, #tpu.memory_space<hbm>> -> memref<64xi32, #tpu.memory_space<hbm>>
        %dma_start3A_53 = tpu.memref_slice %arg4[%mul3A_40] : memref<320000xi32, #tpu.memory_space<hbm>> -> memref<64xi32, #tpu.memory_space<hbm>>
        tpu.enqueue_dma source(%dma_start3A_53 : memref<64xi32, #tpu.memory_space<hbm>>) target(%arg8 : memref<64xi32, #tpu.memory_space<vmem>>) target_semaphore(%run_scoped3A : memref<!tpu.dma_semaphore, #tpu.memory_space<semaphore_mem>>)
        %dma_wait3A_54 = tpu.memref_slice %arg4[%mul3A_40] : memref<320000xi32, #tpu.memory_space<hbm>> -> memref<64xi32, #tpu.memory_space<hbm>>
        %dma_wait3A_55 = tpu.memref_slice %arg4[%mul3A_40] : memref<320000xi32, #tpu.memory_space<hbm>> -> memref<64xi32, #tpu.memory_space<hbm>>
        tpu.wait_dma2 semaphore(%run_scoped3A : memref<!tpu.dma_semaphore, #tpu.memory_space<semaphore_mem>>) src(%dma_wait3A_55 : memref<64xi32, #tpu.memory_space<hbm>>) dst(%arg8 : memref<64xi32, #tpu.memory_space<vmem>>)
        tpu.yield
      }) : () -> ()
      %dma_start3A = arith.constant 0 : i32
      %dma_start3A_41 = arith.constant 0 : i32
      %dma_start3A_42 = tpu.memref_slice %arg2[%dma_start3A, %dma_start3A_41] : memref<10112x128xf32, #tpu.memory_space<hbm>> -> memref<10112x128xf32, #tpu.memory_space<hbm>>
      tpu.enqueue_indirect_dma source(%dma_start3A_42 : memref<10112x128xf32, #tpu.memory_space<hbm>>) target(%arg9 : memref<64x128xf32, #tpu.memory_space<vmem>>) offsets(%arg7 : memref<64xi32, #tpu.memory_space<vmem>>) semaphore(%arg11 : memref<!tpu.dma_semaphore, #tpu.memory_space<semaphore_mem>>)
      %dma_wait3A = arith.constant 0 : i32
      %dma_wait3A_43 = arith.constant 0 : i32
      %dma_wait3A_44 = tpu.memref_slice %arg2[%dma_wait3A, %dma_wait3A_43] : memref<10112x128xf32, #tpu.memory_space<hbm>> -> memref<10112x128xf32, #tpu.memory_space<hbm>>
      tpu.wait_indirect_dma semaphore(%arg11 : memref<!tpu.dma_semaphore, #tpu.memory_space<semaphore_mem>>) src(%dma_wait3A_44 : memref<10112x128xf32, #tpu.memory_space<hbm>>) dst(%arg9 : memref<64x128xf32, #tpu.memory_space<vmem>>)
      %dma_start3A_45 = arith.constant 0 : i32
      %dma_start3A_46 = arith.constant 0 : i32
      %dma_start3A_47 = tpu.memref_slice %arg2[%dma_start3A_45, %dma_start3A_46] : memref<10112x128xf32, #tpu.memory_space<hbm>> -> memref<10112x128xf32, #tpu.memory_space<hbm>>
      tpu.enqueue_indirect_dma source(%dma_start3A_47 : memref<10112x128xf32, #tpu.memory_space<hbm>>) target(%arg10 : memref<64x128xf32, #tpu.memory_space<vmem>>) offsets(%arg8 : memref<64xi32, #tpu.memory_space<vmem>>) semaphore(%arg11 : memref<!tpu.dma_semaphore, #tpu.memory_space<semaphore_mem>>)
      %dma_wait3A_48 = arith.constant 0 : i32
      %dma_wait3A_49 = arith.constant 0 : i32
      %dma_wait3A_50 = tpu.memref_slice %arg2[%dma_wait3A_48, %dma_wait3A_49] : memref<10112x128xf32, #tpu.memory_space<hbm>> -> memref<10112x128xf32, #tpu.memory_space<hbm>>
      tpu.wait_indirect_dma semaphore(%arg11 : memref<!tpu.dma_semaphore, #tpu.memory_space<semaphore_mem>>) src(%dma_wait3A_50 : memref<10112x128xf32, #tpu.memory_space<hbm>>) dst(%arg10 : memref<64x128xf32, #tpu.memory_space<vmem>>)
      "tpu.region"() ({
        %run_scoped3A = tpu.sem_alloc : memref<!tpu.dma_semaphore, #tpu.memory_space<semaphore_mem>>
        %dma_start3A_52 = arith.constant 0 : i32
        %dma_start3A_53 = tpu.memref_slice %arg5[%mul3A_40, %dma_start3A_52] : memref<320000x128xf32, #tpu.memory_space<hbm>> -> memref<64x128xf32, #tpu.memory_space<hbm>>
        %dma_start3A_54 = arith.constant 0 : i32
        %dma_start3A_55 = tpu.memref_slice %arg5[%mul3A_40, %dma_start3A_54] : memref<320000x128xf32, #tpu.memory_space<hbm>> -> memref<64x128xf32, #tpu.memory_space<hbm>>
        tpu.enqueue_dma source(%arg9 : memref<64x128xf32, #tpu.memory_space<vmem>>) target(%dma_start3A_55 : memref<64x128xf32, #tpu.memory_space<hbm>>) target_semaphore(%run_scoped3A : memref<!tpu.dma_semaphore, #tpu.memory_space<semaphore_mem>>)
        %dma_wait3A_56 = arith.constant 0 : i32
        %dma_wait3A_57 = tpu.memref_slice %arg5[%mul3A_40, %dma_wait3A_56] : memref<320000x128xf32, #tpu.memory_space<hbm>> -> memref<64x128xf32, #tpu.memory_space<hbm>>
        %dma_wait3A_58 = arith.constant 0 : i32
        %dma_wait3A_59 = tpu.memref_slice %arg5[%mul3A_40, %dma_wait3A_58] : memref<320000x128xf32, #tpu.memory_space<hbm>> -> memref<64x128xf32, #tpu.memory_space<hbm>>
        tpu.wait_dma2 semaphore(%run_scoped3A : memref<!tpu.dma_semaphore, #tpu.memory_space<semaphore_mem>>) src(%arg9 : memref<64x128xf32, #tpu.memory_space<vmem>>) dst(%dma_wait3A_59 : memref<64x128xf32, #tpu.memory_space<hbm>>)
        tpu.yield
      }) : () -> ()
      "tpu.region"() ({
        %run_scoped3A = tpu.sem_alloc : memref<!tpu.dma_semaphore, #tpu.memory_space<semaphore_mem>>
        %dma_start3A_52 = arith.constant 0 : i32
        %dma_start3A_53 = tpu.memref_slice %arg6[%mul3A_40, %dma_start3A_52] : memref<320000x128xf32, #tpu.memory_space<hbm>> -> memref<64x128xf32, #tpu.memory_space<hbm>>
        %dma_start3A_54 = arith.constant 0 : i32
        %dma_start3A_55 = tpu.memref_slice %arg6[%mul3A_40, %dma_start3A_54] : memref<320000x128xf32, #tpu.memory_space<hbm>> -> memref<64x128xf32, #tpu.memory_space<hbm>>
        tpu.enqueue_dma source(%arg10 : memref<64x128xf32, #tpu.memory_space<vmem>>) target(%dma_start3A_55 : memref<64x128xf32, #tpu.memory_space<hbm>>) target_semaphore(%run_scoped3A : memref<!tpu.dma_semaphore, #tpu.memory_space<semaphore_mem>>)
        %dma_wait3A_56 = arith.constant 0 : i32
        %dma_wait3A_57 = tpu.memref_slice %arg6[%mul3A_40, %dma_wait3A_56] : memref<320000x128xf32, #tpu.memory_space<hbm>> -> memref<64x128xf32, #tpu.memory_space<hbm>>
        %dma_wait3A_58 = arith.constant 0 : i32
        %dma_wait3A_59 = tpu.memref_slice %arg6[%mul3A_40, %dma_wait3A_58] : memref<320000x128xf32, #tpu.memory_space<hbm>> -> memref<64x128xf32, #tpu.memory_space<hbm>>
        tpu.wait_dma2 semaphore(%run_scoped3A : memref<!tpu.dma_semaphore, #tpu.memory_space<semaphore_mem>>) src(%arg10 : memref<64x128xf32, #tpu.memory_space<vmem>>) dst(%dma_wait3A_59 : memref<64x128xf32, #tpu.memory_space<hbm>>)
        tpu.yield
      }) : () -> ()
      %while3A_51 = arith.constant 0 : i32
      scf.yield %while3A_51 : i32
    }
    return
  }
}

module attributes {stable_mosaic.version = 14 : i64} {
  func.func @_tc_node_body(%arg0: i32, %arg1: memref<632x128xf32, #tpu.memory_space<vmem>>, %arg2: memref<632x128xf32, #tpu.memory_space<vmem>>, %arg3: memref<632x128xf32, #tpu.memory_space<vmem>>, %arg4: memref<632x16xf32, #tpu.memory_space<vmem>>, %arg5: memref<632x16xf32, #tpu.memory_space<vmem>>, %arg6: memref<128x128xf32, #tpu.memory_space<vmem>>, %arg7: memref<128x128xf32, #tpu.memory_space<vmem>>, %arg8: memref<16x128xf32, #tpu.memory_space<vmem>>, %arg9: memref<1x128xf32, #tpu.memory_space<vmem>>, %arg10: memref<632x128xf32, #tpu.memory_space<vmem>>, %arg11: memref<632x128xf32, #tpu.memory_space<vmem>>) attributes {dimension_semantics = [#tpu.dimension_semantics<arbitrary>], iteration_bounds = array<i64: 16>, scalar_prefetch = 0 : i64, scratch_operands = 0 : i64, tpu.core_type = #tpu.core_type<tc>, window_params = [{transform_indices = @transform_0, window_bounds = array<i64: 632, 128>}, {transform_indices = @transform_1, window_bounds = array<i64: 632, 128>}, {transform_indices = @transform_2, window_bounds = array<i64: 632, 128>}, {transform_indices = @transform_3, window_bounds = array<i64: 632, 16>}, {transform_indices = @transform_4, window_bounds = array<i64: 632, 16>}, {pipeline_mode = #tpu.pipeline_mode<synchronous>, transform_indices = @transform_5, window_bounds = array<i64: 128, 128>}, {pipeline_mode = #tpu.pipeline_mode<synchronous>, transform_indices = @transform_6, window_bounds = array<i64: 128, 128>}, {pipeline_mode = #tpu.pipeline_mode<synchronous>, transform_indices = @transform_7, window_bounds = array<i64: 16, 128>}, {pipeline_mode = #tpu.pipeline_mode<synchronous>, transform_indices = @transform_8, window_bounds = array<i64: 1, 128>}, {transform_indices = @transform_9, window_bounds = array<i64: 632, 128>}, {transform_indices = @transform_10, window_bounds = array<i64: 632, 128>}]} {
    %get3A = arith.constant 0 : index
    %get3A_0 = arith.constant 0 : index
    %get3A_1 = vector.load %arg1[%get3A, %get3A_0] : memref<632x128xf32, #tpu.memory_space<vmem>>, vector<632x128xf32>
    %get3A_2 = arith.constant 0 : index
    %get3A_3 = arith.constant 0 : index
    %get3A_4 = vector.load %arg2[%get3A_2, %get3A_3] : memref<632x128xf32, #tpu.memory_space<vmem>>, vector<632x128xf32>
    %get3A_5 = arith.constant 0 : index
    %get3A_6 = arith.constant 0 : index
    %get3A_7 = vector.load %arg3[%get3A_5, %get3A_6] : memref<632x128xf32, #tpu.memory_space<vmem>>, vector<632x128xf32>
    %add3A = arith.addf %get3A_4, %get3A_7 : vector<632x128xf32>
    %get3A_8 = arith.constant 0 : index
    %get3A_9 = arith.constant 0 : index
    %get3A_10 = vector.load %arg4[%get3A_8, %get3A_9] : memref<632x16xf32, #tpu.memory_space<vmem>>, vector<632x16xf32>
    %get3A_11 = arith.constant 0 : index
    %get3A_12 = arith.constant 0 : index
    %get3A_13 = vector.load %arg5[%get3A_11, %get3A_12] : memref<632x16xf32, #tpu.memory_space<vmem>>, vector<632x16xf32>
    %add3A_14 = arith.addf %get3A_10, %get3A_13 : vector<632x16xf32>
    %get3A_15 = arith.constant 0 : index
    %get3A_16 = arith.constant 0 : index
    %get3A_17 = vector.load %arg6[%get3A_15, %get3A_16] : memref<128x128xf32, #tpu.memory_space<vmem>>, vector<128x128xf32>
    %dot_general3A = arith.constant dense<0.000000e+00> : vector<632x128xf32>
    %dot_general3A_18 = tpu.matmul %get3A_1, %get3A_17, %dot_general3A {dimension_numbers = #tpu.dot_dimension_numbers<[1], [0], [0], [1], [0, 0, 1, 1], [], []>, precision = #tpu.contract_precision<fp32>, transpose_lhs_hint = false} : vector<632x128xf32>, vector<128x128xf32>, vector<632x128xf32> -> vector<632x128xf32>
    %get3A_19 = arith.constant 0 : index
    %get3A_20 = arith.constant 0 : index
    %get3A_21 = vector.load %arg7[%get3A_19, %get3A_20] : memref<128x128xf32, #tpu.memory_space<vmem>>, vector<128x128xf32>
    %dot_general3A_22 = arith.constant dense<0.000000e+00> : vector<632x128xf32>
    %dot_general3A_23 = tpu.matmul %add3A, %get3A_21, %dot_general3A_22 {dimension_numbers = #tpu.dot_dimension_numbers<[1], [0], [0], [1], [0, 0, 1, 1], [], []>, precision = #tpu.contract_precision<fp32>, transpose_lhs_hint = false} : vector<632x128xf32>, vector<128x128xf32>, vector<632x128xf32> -> vector<632x128xf32>
    %add3A_24 = arith.addf %dot_general3A_18, %dot_general3A_23 : vector<632x128xf32>
    %get3A_25 = arith.constant 0 : index
    %get3A_26 = arith.constant 0 : index
    %get3A_27 = vector.load %arg8[%get3A_25, %get3A_26] : memref<16x128xf32, #tpu.memory_space<vmem>>, vector<16x128xf32>
    %dot_general3A_28 = arith.constant dense<0.000000e+00> : vector<632x128xf32>
    %dot_general3A_29 = tpu.matmul %add3A_14, %get3A_27, %dot_general3A_28 {dimension_numbers = #tpu.dot_dimension_numbers<[1], [0], [0], [1], [0, 0, 1, 1], [], []>, precision = #tpu.contract_precision<fp32>, transpose_lhs_hint = false} : vector<632x16xf32>, vector<16x128xf32>, vector<632x128xf32> -> vector<632x128xf32>
    %add3A_30 = arith.addf %add3A_24, %dot_general3A_29 : vector<632x128xf32>
    %get3A_31 = arith.constant 0 : index
    %get3A_32 = arith.constant 0 : index
    %get3A_33 = vector.load %arg9[%get3A_31, %get3A_32] : memref<1x128xf32, #tpu.memory_space<vmem>>, vector<1x128xf32>
    %add3A_34 = vector.broadcast %get3A_33 : vector<1x128xf32> to vector<632x128xf32>
    %add3A_35 = arith.addf %add3A_30, %add3A_34 : vector<632x128xf32>
    %swap3A = arith.constant 0 : index
    %swap3A_36 = arith.constant 0 : index
    %swap3A_37 = vector.load %arg10[%swap3A, %swap3A_36] : memref<632x128xf32, #tpu.memory_space<vmem>>, vector<632x128xf32>
    tpu.vector_store %arg10[%swap3A, %swap3A_36], %add3A_35 {strides = array<i32>} : memref<632x128xf32, #tpu.memory_space<vmem>>, vector<632x128xf32>,
    %max3A = arith.constant 0.000000e+00 : f32
    %max3A_38 = vector.broadcast %max3A : f32 to vector<632x128xf32>
    %max3A_39 = arith.maximumf %add3A_35, %max3A_38 : vector<632x128xf32>
    %swap3A_40 = arith.constant 0 : index
    %swap3A_41 = arith.constant 0 : index
    %swap3A_42 = vector.load %arg11[%swap3A_40, %swap3A_41] : memref<632x128xf32, #tpu.memory_space<vmem>>, vector<632x128xf32>
    tpu.vector_store %arg11[%swap3A_40, %swap3A_41], %max3A_39 {strides = array<i32>} : memref<632x128xf32, #tpu.memory_space<vmem>>, vector<632x128xf32>,
    return
  }
  func.func @transform_0(%arg0: i32) -> (i32, i32) {
    %c0_i32 = arith.constant 0 : i32
    %c0_i32_0 = arith.constant 0 : i32
    return %arg0, %c0_i32 : i32, i32
  }
  func.func @transform_1(%arg0: i32) -> (i32, i32) {
    %c0_i32 = arith.constant 0 : i32
    %c0_i32_0 = arith.constant 0 : i32
    return %arg0, %c0_i32 : i32, i32
  }
  func.func @transform_2(%arg0: i32) -> (i32, i32) {
    %c0_i32 = arith.constant 0 : i32
    %c0_i32_0 = arith.constant 0 : i32
    return %arg0, %c0_i32 : i32, i32
  }
  func.func @transform_3(%arg0: i32) -> (i32, i32) {
    %c0_i32 = arith.constant 0 : i32
    %c0_i32_0 = arith.constant 0 : i32
    return %arg0, %c0_i32 : i32, i32
  }
  func.func @transform_4(%arg0: i32) -> (i32, i32) {
    %c0_i32 = arith.constant 0 : i32
    %c0_i32_0 = arith.constant 0 : i32
    return %arg0, %c0_i32 : i32, i32
  }
  func.func @transform_5(%arg0: i32) -> (i32, i32) {
    %c0_i32 = arith.constant 0 : i32
    %c0_i32_0 = arith.constant 0 : i32
    %c0_i32_1 = arith.constant 0 : i32
    return %c0_i32, %c0_i32_0 : i32, i32
  }
  func.func @transform_6(%arg0: i32) -> (i32, i32) {
    %c0_i32 = arith.constant 0 : i32
    %c0_i32_0 = arith.constant 0 : i32
    %c0_i32_1 = arith.constant 0 : i32
    return %c0_i32, %c0_i32_0 : i32, i32
  }
  func.func @transform_7(%arg0: i32) -> (i32, i32) {
    %c0_i32 = arith.constant 0 : i32
    %c0_i32_0 = arith.constant 0 : i32
    %c0_i32_1 = arith.constant 0 : i32
    return %c0_i32, %c0_i32_0 : i32, i32
  }
  func.func @transform_8(%arg0: i32) -> (i32, i32) {
    %c0_i32 = arith.constant 0 : i32
    %c0_i32_0 = arith.constant 0 : i32
    %c0_i32_1 = arith.constant 0 : i32
    return %c0_i32, %c0_i32_0 : i32, i32
  }
  func.func @transform_9(%arg0: i32) -> (i32, i32) {
    %c0_i32 = arith.constant 0 : i32
    %c0_i32_0 = arith.constant 0 : i32
    return %arg0, %c0_i32 : i32, i32
  }
  func.func @transform_10(%arg0: i32) -> (i32, i32) {
    %c0_i32 = arith.constant 0 : i32
    %c0_i32_0 = arith.constant 0 : i32
    return %arg0, %c0_i32 : i32, i32
  }
}

module attributes {stable_mosaic.version = 14 : i64} {
  func.func @_tc_edge_body(%arg0: i32, %arg1: memref<3200x128xf32, #tpu.memory_space<vmem>>, %arg2: memref<3200x128xf32, #tpu.memory_space<vmem>>, %arg3: memref<3200x16xf32, #tpu.memory_space<vmem>>, %arg4: memref<16x16xf32, #tpu.memory_space<vmem>>, %arg5: memref<128x16xf32, #tpu.memory_space<vmem>>, %arg6: memref<128x16xf32, #tpu.memory_space<vmem>>, %arg7: memref<128x16xf32, #tpu.memory_space<vmem>>, %arg8: memref<1x16xf32, #tpu.memory_space<vmem>>, %arg9: memref<1x16xf32, #tpu.memory_space<vmem>>, %arg10: memref<3200x16xf32, #tpu.memory_space<vmem>>) attributes {dimension_semantics = [#tpu.dimension_semantics<arbitrary>], iteration_bounds = array<i64: 100>, scalar_prefetch = 0 : i64, scratch_operands = 0 : i64, tpu.core_type = #tpu.core_type<tc>, window_params = [{transform_indices = @transform_0, window_bounds = array<i64: 3200, 128>}, {transform_indices = @transform_1, window_bounds = array<i64: 3200, 128>}, {transform_indices = @transform_2, window_bounds = array<i64: 3200, 16>}, {pipeline_mode = #tpu.pipeline_mode<synchronous>, transform_indices = @transform_3, window_bounds = array<i64: 16, 16>}, {pipeline_mode = #tpu.pipeline_mode<synchronous>, transform_indices = @transform_4, window_bounds = array<i64: 128, 16>}, {pipeline_mode = #tpu.pipeline_mode<synchronous>, transform_indices = @transform_5, window_bounds = array<i64: 128, 16>}, {pipeline_mode = #tpu.pipeline_mode<synchronous>, transform_indices = @transform_6, window_bounds = array<i64: 128, 16>}, {pipeline_mode = #tpu.pipeline_mode<synchronous>, transform_indices = @transform_7, window_bounds = array<i64: 1, 16>}, {pipeline_mode = #tpu.pipeline_mode<synchronous>, transform_indices = @transform_8, window_bounds = array<i64: 1, 16>}, {transform_indices = @transform_9, window_bounds = array<i64: 3200, 16>}]} {
    %get3A = arith.constant 0 : index
    %get3A_0 = arith.constant 0 : index
    %get3A_1 = vector.load %arg1[%get3A, %get3A_0] : memref<3200x128xf32, #tpu.memory_space<vmem>>, vector<3200x128xf32>
    %get3A_2 = arith.constant 0 : index
    %get3A_3 = arith.constant 0 : index
    %get3A_4 = vector.load %arg2[%get3A_2, %get3A_3] : memref<3200x128xf32, #tpu.memory_space<vmem>>, vector<3200x128xf32>
    %sub3A = arith.subf %get3A_1, %get3A_4 : vector<3200x128xf32>
    %abs3A = math.absf %sub3A : vector<3200x128xf32>
    %mul3A = arith.mulf %get3A_1, %get3A_4 : vector<3200x128xf32>
    %reduce_sum3A = arith.constant dense<0.000000e+00> : vector<3200xf32>
    %reduce_sum3A_5 = vector.multi_reduction <add>, %mul3A, %reduce_sum3A [1] : vector<3200x128xf32> to vector<3200xf32>
    %broadcast_in_dim3A = vector.shape_cast %reduce_sum3A_5 : vector<3200xf32> to vector<3200x1xf32>
    %mul3A_6 = arith.mulf %get3A_1, %get3A_1 : vector<3200x128xf32>
    %reduce_sum3A_7 = arith.constant dense<0.000000e+00> : vector<3200xf32>
    %reduce_sum3A_8 = vector.multi_reduction <add>, %mul3A_6, %reduce_sum3A_7 [1] : vector<3200x128xf32> to vector<3200xf32>
    %broadcast_in_dim3A_9 = vector.shape_cast %reduce_sum3A_8 : vector<3200xf32> to vector<3200x1xf32>
    %sqrt3A = math.sqrt %broadcast_in_dim3A_9 : vector<3200x1xf32>
    %max3A = arith.constant 9.99999993E-9 : f32
    %max3A_10 = vector.broadcast %max3A : f32 to vector<3200x1xf32>
    %max3A_11 = arith.maximumf %sqrt3A, %max3A_10 : vector<3200x1xf32>
    %mul3A_12 = arith.mulf %get3A_4, %get3A_4 : vector<3200x128xf32>
    %reduce_sum3A_13 = arith.constant dense<0.000000e+00> : vector<3200xf32>
    %reduce_sum3A_14 = vector.multi_reduction <add>, %mul3A_12, %reduce_sum3A_13 [1] : vector<3200x128xf32> to vector<3200xf32>
    %broadcast_in_dim3A_15 = vector.shape_cast %reduce_sum3A_14 : vector<3200xf32> to vector<3200x1xf32>
    %sqrt3A_16 = math.sqrt %broadcast_in_dim3A_15 : vector<3200x1xf32>
    %max3A_17 = arith.constant 9.99999993E-9 : f32
    %max3A_18 = vector.broadcast %max3A_17 : f32 to vector<3200x1xf32>
    %max3A_19 = arith.maximumf %sqrt3A_16, %max3A_18 : vector<3200x1xf32>
    %mul3A_20 = arith.mulf %max3A_11, %max3A_19 : vector<3200x1xf32>
    %div3A = arith.divf %broadcast_in_dim3A, %mul3A_20 : vector<3200x1xf32>
    %get3A_21 = arith.constant 0 : index
    %get3A_22 = arith.constant 0 : index
    %get3A_23 = vector.load %arg3[%get3A_21, %get3A_22] : memref<3200x16xf32, #tpu.memory_space<vmem>>, vector<3200x16xf32>
    %get3A_24 = arith.constant 0 : index
    %get3A_25 = arith.constant 0 : index
    %get3A_26 = vector.load %arg4[%get3A_24, %get3A_25] : memref<16x16xf32, #tpu.memory_space<vmem>>, vector<16x16xf32>
    %dot_general3A = arith.constant dense<0.000000e+00> : vector<3200x16xf32>
    %dot_general3A_27 = tpu.matmul %get3A_23, %get3A_26, %dot_general3A {dimension_numbers = #tpu.dot_dimension_numbers<[1], [0], [0], [1], [0, 0, 1, 1], [], []>, precision = #tpu.contract_precision<fp32>, transpose_lhs_hint = false} : vector<3200x16xf32>, vector<16x16xf32>, vector<3200x16xf32> -> vector<3200x16xf32>
    %get3A_28 = arith.constant 0 : index
    %get3A_29 = arith.constant 0 : index
    %get3A_30 = vector.load %arg5[%get3A_28, %get3A_29] : memref<128x16xf32, #tpu.memory_space<vmem>>, vector<128x16xf32>
    %dot_general3A_31 = arith.constant dense<0.000000e+00> : vector<3200x16xf32>
    %dot_general3A_32 = tpu.matmul %get3A_1, %get3A_30, %dot_general3A_31 {dimension_numbers = #tpu.dot_dimension_numbers<[1], [0], [0], [1], [0, 0, 1, 1], [], []>, precision = #tpu.contract_precision<fp32>, transpose_lhs_hint = false} : vector<3200x128xf32>, vector<128x16xf32>, vector<3200x16xf32> -> vector<3200x16xf32>
    %add3A = arith.addf %dot_general3A_27, %dot_general3A_32 : vector<3200x16xf32>
    %get3A_33 = arith.constant 0 : index
    %get3A_34 = arith.constant 0 : index
    %get3A_35 = vector.load %arg6[%get3A_33, %get3A_34] : memref<128x16xf32, #tpu.memory_space<vmem>>, vector<128x16xf32>
    %dot_general3A_36 = arith.constant dense<0.000000e+00> : vector<3200x16xf32>
    %dot_general3A_37 = tpu.matmul %get3A_4, %get3A_35, %dot_general3A_36 {dimension_numbers = #tpu.dot_dimension_numbers<[1], [0], [0], [1], [0, 0, 1, 1], [], []>, precision = #tpu.contract_precision<fp32>, transpose_lhs_hint = false} : vector<3200x128xf32>, vector<128x16xf32>, vector<3200x16xf32> -> vector<3200x16xf32>
    %add3A_38 = arith.addf %add3A, %dot_general3A_37 : vector<3200x16xf32>
    %get3A_39 = arith.constant 0 : index
    %get3A_40 = arith.constant 0 : index
    %get3A_41 = vector.load %arg7[%get3A_39, %get3A_40] : memref<128x16xf32, #tpu.memory_space<vmem>>, vector<128x16xf32>
    %dot_general3A_42 = arith.constant dense<0.000000e+00> : vector<3200x16xf32>
    %dot_general3A_43 = tpu.matmul %abs3A, %get3A_41, %dot_general3A_42 {dimension_numbers = #tpu.dot_dimension_numbers<[1], [0], [0], [1], [0, 0, 1, 1], [], []>, precision = #tpu.contract_precision<fp32>, transpose_lhs_hint = false} : vector<3200x128xf32>, vector<128x16xf32>, vector<3200x16xf32> -> vector<3200x16xf32>
    %add3A_44 = arith.addf %add3A_38, %dot_general3A_43 : vector<3200x16xf32>
    %get3A_45 = arith.constant 0 : index
    %get3A_46 = arith.constant 0 : index
    %get3A_47 = vector.load %arg8[%get3A_45, %get3A_46] : memref<1x16xf32, #tpu.memory_space<vmem>>, vector<1x16xf32>
    %mul3A_48 = vector.broadcast %div3A : vector<3200x1xf32> to vector<3200x16xf32>
    %mul3A_49 = vector.broadcast %get3A_47 : vector<1x16xf32> to vector<3200x16xf32>
    %mul3A_50 = arith.mulf %mul3A_48, %mul3A_49 : vector<3200x16xf32>
    %add3A_51 = arith.addf %add3A_44, %mul3A_50 : vector<3200x16xf32>
    %get3A_52 = arith.constant 0 : index
    %get3A_53 = arith.constant 0 : index
    %get3A_54 = vector.load %arg9[%get3A_52, %get3A_53] : memref<1x16xf32, #tpu.memory_space<vmem>>, vector<1x16xf32>
    %add3A_55 = vector.broadcast %get3A_54 : vector<1x16xf32> to vector<3200x16xf32>
    %add3A_56 = arith.addf %add3A_51, %add3A_55 : vector<3200x16xf32>
    %swap3A = arith.constant 0 : index
    %swap3A_57 = arith.constant 0 : index
    %swap3A_58 = vector.load %arg10[%swap3A, %swap3A_57] : memref<3200x16xf32, #tpu.memory_space<vmem>>, vector<3200x16xf32>
    tpu.vector_store %arg10[%swap3A, %swap3A_57], %add3A_56 {strides = array<i32>} : memref<3200x16xf32, #tpu.memory_space<vmem>>, vector<3200x16xf32>,
    return
  }
  func.func @transform_0(%arg0: i32) -> (i32, i32) {
    %c0_i32 = arith.constant 0 : i32
    %c0_i32_0 = arith.constant 0 : i32
    return %arg0, %c0_i32 : i32, i32
  }
  func.func @transform_1(%arg0: i32) -> (i32, i32) {
    %c0_i32 = arith.constant 0 : i32
    %c0_i32_0 = arith.constant 0 : i32
    return %arg0, %c0_i32 : i32, i32
  }
  func.func @transform_2(%arg0: i32) -> (i32, i32) {
    %c0_i32 = arith.constant 0 : i32
    %c0_i32_0 = arith.constant 0 : i32
    return %arg0, %c0_i32 : i32, i32
  }
  func.func @transform_3(%arg0: i32) -> (i32, i32) {
    %c0_i32 = arith.constant 0 : i32
    %c0_i32_0 = arith.constant 0 : i32
    %c0_i32_1 = arith.constant 0 : i32
    return %c0_i32, %c0_i32_0 : i32, i32
  }
  func.func @transform_4(%arg0: i32) -> (i32, i32) {
    %c0_i32 = arith.constant 0 : i32
    %c0_i32_0 = arith.constant 0 : i32
    %c0_i32_1 = arith.constant 0 : i32
    return %c0_i32, %c0_i32_0 : i32, i32
  }
  func.func @transform_5(%arg0: i32) -> (i32, i32) {
    %c0_i32 = arith.constant 0 : i32
    %c0_i32_0 = arith.constant 0 : i32
    %c0_i32_1 = arith.constant 0 : i32
    return %c0_i32, %c0_i32_0 : i32, i32
  }
  func.func @transform_6(%arg0: i32) -> (i32, i32) {
    %c0_i32 = arith.constant 0 : i32
    %c0_i32_0 = arith.constant 0 : i32
    %c0_i32_1 = arith.constant 0 : i32
    return %c0_i32, %c0_i32_0 : i32, i32
  }
  func.func @transform_7(%arg0: i32) -> (i32, i32) {
    %c0_i32 = arith.constant 0 : i32
    %c0_i32_0 = arith.constant 0 : i32
    %c0_i32_1 = arith.constant 0 : i32
    return %c0_i32, %c0_i32_0 : i32, i32
  }
  func.func @transform_8(%arg0: i32) -> (i32, i32) {
    %c0_i32 = arith.constant 0 : i32
    %c0_i32_0 = arith.constant 0 : i32
    %c0_i32_1 = arith.constant 0 : i32
    return %c0_i32, %c0_i32_0 : i32, i32
  }
  func.func @transform_9(%arg0: i32) -> (i32, i32) {
    %c0_i32 = arith.constant 0 : i32
    %c0_i32_0 = arith.constant 0 : i32
    return %arg0, %c0_i32 : i32, i32
  }
}

module attributes {stable_mosaic.version = 14 : i64} {
  func.func @_tc_node_body(%arg0: i32, %arg1: memref<632x128xf32, #tpu.memory_space<vmem>>, %arg2: memref<632x128xf32, #tpu.memory_space<vmem>>, %arg3: memref<632x128xf32, #tpu.memory_space<vmem>>, %arg4: memref<632x16xf32, #tpu.memory_space<vmem>>, %arg5: memref<632x16xf32, #tpu.memory_space<vmem>>, %arg6: memref<128x128xf32, #tpu.memory_space<vmem>>, %arg7: memref<128x128xf32, #tpu.memory_space<vmem>>, %arg8: memref<16x128xf32, #tpu.memory_space<vmem>>, %arg9: memref<1x128xf32, #tpu.memory_space<vmem>>, %arg10: memref<632x128xf32, #tpu.memory_space<vmem>>, %arg11: memref<632x128xf32, #tpu.memory_space<vmem>>) attributes {dimension_semantics = [#tpu.dimension_semantics<arbitrary>], iteration_bounds = array<i64: 16>, scalar_prefetch = 0 : i64, scratch_operands = 0 : i64, tpu.core_type = #tpu.core_type<tc>, window_params = [{transform_indices = @transform_0, window_bounds = array<i64: 632, 128>}, {transform_indices = @transform_1, window_bounds = array<i64: 632, 128>}, {transform_indices = @transform_2, window_bounds = array<i64: 632, 128>}, {transform_indices = @transform_3, window_bounds = array<i64: 632, 16>}, {transform_indices = @transform_4, window_bounds = array<i64: 632, 16>}, {pipeline_mode = #tpu.pipeline_mode<synchronous>, transform_indices = @transform_5, window_bounds = array<i64: 128, 128>}, {pipeline_mode = #tpu.pipeline_mode<synchronous>, transform_indices = @transform_6, window_bounds = array<i64: 128, 128>}, {pipeline_mode = #tpu.pipeline_mode<synchronous>, transform_indices = @transform_7, window_bounds = array<i64: 16, 128>}, {pipeline_mode = #tpu.pipeline_mode<synchronous>, transform_indices = @transform_8, window_bounds = array<i64: 1, 128>}, {transform_indices = @transform_9, window_bounds = array<i64: 632, 128>}, {transform_indices = @transform_10, window_bounds = array<i64: 632, 128>}]} {
    %get3A = arith.constant 0 : index
    %get3A_0 = arith.constant 0 : index
    %get3A_1 = vector.load %arg1[%get3A, %get3A_0] : memref<632x128xf32, #tpu.memory_space<vmem>>, vector<632x128xf32>
    %get3A_2 = arith.constant 0 : index
    %get3A_3 = arith.constant 0 : index
    %get3A_4 = vector.load %arg2[%get3A_2, %get3A_3] : memref<632x128xf32, #tpu.memory_space<vmem>>, vector<632x128xf32>
    %get3A_5 = arith.constant 0 : index
    %get3A_6 = arith.constant 0 : index
    %get3A_7 = vector.load %arg3[%get3A_5, %get3A_6] : memref<632x128xf32, #tpu.memory_space<vmem>>, vector<632x128xf32>
    %add3A = arith.addf %get3A_4, %get3A_7 : vector<632x128xf32>
    %get3A_8 = arith.constant 0 : index
    %get3A_9 = arith.constant 0 : index
    %get3A_10 = vector.load %arg4[%get3A_8, %get3A_9] : memref<632x16xf32, #tpu.memory_space<vmem>>, vector<632x16xf32>
    %get3A_11 = arith.constant 0 : index
    %get3A_12 = arith.constant 0 : index
    %get3A_13 = vector.load %arg5[%get3A_11, %get3A_12] : memref<632x16xf32, #tpu.memory_space<vmem>>, vector<632x16xf32>
    %add3A_14 = arith.addf %get3A_10, %get3A_13 : vector<632x16xf32>
    %get3A_15 = arith.constant 0 : index
    %get3A_16 = arith.constant 0 : index
    %get3A_17 = vector.load %arg6[%get3A_15, %get3A_16] : memref<128x128xf32, #tpu.memory_space<vmem>>, vector<128x128xf32>
    %dot_general3A = arith.constant dense<0.000000e+00> : vector<632x128xf32>
    %dot_general3A_18 = tpu.matmul %get3A_1, %get3A_17, %dot_general3A {dimension_numbers = #tpu.dot_dimension_numbers<[1], [0], [0], [1], [0, 0, 1, 1], [], []>, precision = #tpu.contract_precision<fp32>, transpose_lhs_hint = false} : vector<632x128xf32>, vector<128x128xf32>, vector<632x128xf32> -> vector<632x128xf32>
    %get3A_19 = arith.constant 0 : index
    %get3A_20 = arith.constant 0 : index
    %get3A_21 = vector.load %arg7[%get3A_19, %get3A_20] : memref<128x128xf32, #tpu.memory_space<vmem>>, vector<128x128xf32>
    %dot_general3A_22 = arith.constant dense<0.000000e+00> : vector<632x128xf32>
    %dot_general3A_23 = tpu.matmul %add3A, %get3A_21, %dot_general3A_22 {dimension_numbers = #tpu.dot_dimension_numbers<[1], [0], [0], [1], [0, 0, 1, 1], [], []>, precision = #tpu.contract_precision<fp32>, transpose_lhs_hint = false} : vector<632x128xf32>, vector<128x128xf32>, vector<632x128xf32> -> vector<632x128xf32>
    %add3A_24 = arith.addf %dot_general3A_18, %dot_general3A_23 : vector<632x128xf32>
    %get3A_25 = arith.constant 0 : index
    %get3A_26 = arith.constant 0 : index
    %get3A_27 = vector.load %arg8[%get3A_25, %get3A_26] : memref<16x128xf32, #tpu.memory_space<vmem>>, vector<16x128xf32>
    %dot_general3A_28 = arith.constant dense<0.000000e+00> : vector<632x128xf32>
    %dot_general3A_29 = tpu.matmul %add3A_14, %get3A_27, %dot_general3A_28 {dimension_numbers = #tpu.dot_dimension_numbers<[1], [0], [0], [1], [0, 0, 1, 1], [], []>, precision = #tpu.contract_precision<fp32>, transpose_lhs_hint = false} : vector<632x16xf32>, vector<16x128xf32>, vector<632x128xf32> -> vector<632x128xf32>
    %add3A_30 = arith.addf %add3A_24, %dot_general3A_29 : vector<632x128xf32>
    %get3A_31 = arith.constant 0 : index
    %get3A_32 = arith.constant 0 : index
    %get3A_33 = vector.load %arg9[%get3A_31, %get3A_32] : memref<1x128xf32, #tpu.memory_space<vmem>>, vector<1x128xf32>
    %add3A_34 = vector.broadcast %get3A_33 : vector<1x128xf32> to vector<632x128xf32>
    %add3A_35 = arith.addf %add3A_30, %add3A_34 : vector<632x128xf32>
    %swap3A = arith.constant 0 : index
    %swap3A_36 = arith.constant 0 : index
    %swap3A_37 = vector.load %arg10[%swap3A, %swap3A_36] : memref<632x128xf32, #tpu.memory_space<vmem>>, vector<632x128xf32>
    tpu.vector_store %arg10[%swap3A, %swap3A_36], %add3A_35 {strides = array<i32>} : memref<632x128xf32, #tpu.memory_space<vmem>>, vector<632x128xf32>,
    %max3A = arith.constant 0.000000e+00 : f32
    %max3A_38 = vector.broadcast %max3A : f32 to vector<632x128xf32>
    %max3A_39 = arith.maximumf %add3A_35, %max3A_38 : vector<632x128xf32>
    %swap3A_40 = arith.constant 0 : index
    %swap3A_41 = arith.constant 0 : index
    %swap3A_42 = vector.load %arg11[%swap3A_40, %swap3A_41] : memref<632x128xf32, #tpu.memory_space<vmem>>, vector<632x128xf32>
    tpu.vector_store %arg11[%swap3A_40, %swap3A_41], %max3A_39 {strides = array<i32>} : memref<632x128xf32, #tpu.memory_space<vmem>>, vector<632x128xf32>,
    return
  }
  func.func @transform_0(%arg0: i32) -> (i32, i32) {
    %c0_i32 = arith.constant 0 : i32
    %c0_i32_0 = arith.constant 0 : i32
    return %arg0, %c0_i32 : i32, i32
  }
  func.func @transform_1(%arg0: i32) -> (i32, i32) {
    %c0_i32 = arith.constant 0 : i32
    %c0_i32_0 = arith.constant 0 : i32
    return %arg0, %c0_i32 : i32, i32
  }
  func.func @transform_2(%arg0: i32) -> (i32, i32) {
    %c0_i32 = arith.constant 0 : i32
    %c0_i32_0 = arith.constant 0 : i32
    return %arg0, %c0_i32 : i32, i32
  }
  func.func @transform_3(%arg0: i32) -> (i32, i32) {
    %c0_i32 = arith.constant 0 : i32
    %c0_i32_0 = arith.constant 0 : i32
    return %arg0, %c0_i32 : i32, i32
  }
  func.func @transform_4(%arg0: i32) -> (i32, i32) {
    %c0_i32 = arith.constant 0 : i32
    %c0_i32_0 = arith.constant 0 : i32
    return %arg0, %c0_i32 : i32, i32
  }
  func.func @transform_5(%arg0: i32) -> (i32, i32) {
    %c0_i32 = arith.constant 0 : i32
    %c0_i32_0 = arith.constant 0 : i32
    %c0_i32_1 = arith.constant 0 : i32
    return %c0_i32, %c0_i32_0 : i32, i32
  }
  func.func @transform_6(%arg0: i32) -> (i32, i32) {
    %c0_i32 = arith.constant 0 : i32
    %c0_i32_0 = arith.constant 0 : i32
    %c0_i32_1 = arith.constant 0 : i32
    return %c0_i32, %c0_i32_0 : i32, i32
  }
  func.func @transform_7(%arg0: i32) -> (i32, i32) {
    %c0_i32 = arith.constant 0 : i32
    %c0_i32_0 = arith.constant 0 : i32
    %c0_i32_1 = arith.constant 0 : i32
    return %c0_i32, %c0_i32_0 : i32, i32
  }
  func.func @transform_8(%arg0: i32) -> (i32, i32) {
    %c0_i32 = arith.constant 0 : i32
    %c0_i32_0 = arith.constant 0 : i32
    %c0_i32_1 = arith.constant 0 : i32
    return %c0_i32, %c0_i32_0 : i32, i32
  }
  func.func @transform_9(%arg0: i32) -> (i32, i32) {
    %c0_i32 = arith.constant 0 : i32
    %c0_i32_0 = arith.constant 0 : i32
    return %arg0, %c0_i32 : i32, i32
  }
  func.func @transform_10(%arg0: i32) -> (i32, i32) {
    %c0_i32 = arith.constant 0 : i32
    %c0_i32_0 = arith.constant 0 : i32
    return %arg0, %c0_i32 : i32, i32
  }
}

</mosaic_0001>

<sc_bundles>
// kernel: kernel.12.cloned.1.call-start
scs
__scs_entry_jumppad:
0x0: {  	(pc) =	sbr.rel $0x88, $3  }
0x1: {  	(tag) =	ssettag $0x0;
	lr =	simm.s32 $0x1  }
0x2: {  	[smem:$0x3F98] =	sst lr;
	_ =	strace $0xD0000000  }
0x3: {  	_ = 	snop  }
0x4: {  	_ = 	snop  }
0x5: {  	_ = 	snop  }
0x6: {  	_ = 	snop  }
0x7: {  	_ = 	snop  }
__scs_overlays_trampoline_lowered:
0x8: {  	[smem:$0x3FA7] =	sst s0  }
0x9: {  	[smem:$0x3FA8] =	sst s1  }
0xa: {  	[smem:$0x3FA9] =	sst s2  }
0xb: {  	[smem:$0x3FAA] =	sst s3  }
0xc: {  	[smem:$0x3FAB] =	sst s4  }
0xd: {  	[smem:$0x3FAC] =	sst s5  }
0xe: {  	[smem:$0x3FAD] =	sst s6  }
0xf: {  	[smem:$0x3FAE] =	sst s7  }
0x10: {  	[smem:$0x3FAF] =	sst s8  }
0x11: {  	[smem:$0x3FB0] =	sst s9;
	s0 =	simm.s32 @!p0 $0x0  }
0x12: {  	s1 =	sld [smem:$0x3F96];
	s0 =	simm.s32 @p0 $0x1  }
0x13: {  	[smem:$0x3FB1] =	sst s0;
	s0 =	simm.s32 @!p1 $0x0  }
0x14: {  	s2 =	sld [smem:$0x3F95];
	s0 =	simm.s32 @p1 $0x1  }
0x15: {  	[smem:$0x3FB2] =	sst s0;
	s0 =	simm.s32 @!p2 $0x0  }
0x16: {  	s3 =	sld [smem:$0x3FDB];
	s0 =	simm.s32 @p2 $0x1  }
0x17: {  	s4 =	simm.s32 $0x1BF5;
	[smem:$0x3FB4] =	sst s0  }
0x18: {  	s0 =	sld [smem:$0x3F97];
	_ =	swait.ge [sflag:s4], $0x0  }
0x19: {  	s7 =	sld [smem:$0x3F98]  }
0x1a: {  	s8 =	sadd.s32 $0xFFFFE003, lr  }
0x1b: {  	s9 =	sadd.s32 $0xFFFFFEF7, lr;
	s5 =	simm.s32 $0xFFFFFFFF;
	p2 =	slt.u32 s8, $0xFFFFF086  }
0x1c: {  	p1 =	slt.u32 s9, $0xF7A;
	s5 =	simm.s32 @!p2 $0x0  }
0x1d: {  	s5 =	simm.s32 @p1 $0x1;
	p0 =	seq.s32 s7, s2  }
0x1e: {  	s7 =	smul.u32 @!p0 $0xF7A, s2;
	p2 =	seq.s32 @!p0 s5, $0x0  }
0x1f: {  	s9 =	smul.u32 $0xF7A, s1;
	s8 =	simm.s32 @!p0 $0x1BF5;
	p2 =	por !p2, p0  }
0x20: {  	[sflag:s8] =	ssyncset.s32 @!p0 $0xFFFFF086;
	s6 =	sadd.s32 @!p0 s3, s7;
	s7 =	simm.s32 @!p0 $0x108  }
0x21: {  	s3 =	sadd.s32 s3, s9;
	s6 =	sadd.s32 @!p0 $0x88, s6;
	s7 =	simm.s32 @p2 $0x1082  }
0x22: {  	[simem:s7], [sflag:s8] =	dma.local @!p0 [hbm:s6], $0xF7A  }
0x23: {  	s9 =	sor.u32 $0xD0000000, s2;
	s6 =	simm.s32 $0x108;
	_ =	swait.ge @!p0 [sflag:s8], $0x0  }
0x24: {  	s3 =	sadd.s32 $0x88, s3;
	s6 =	simm.s32 @!p1 $0x1082;
	[sflag:s4] =	ssyncset.s32 $0xFFFFF086  }
0x25: {  	[simem:s6], [sflag:s4] =	dma.local [hbm:s3], $0xF7A  }
0x26: {  	[smem:$0x3F98] =	sst s1;
	(tag) =	ssettag s2;
	_ =	strace s9  }
0x27: {  	s1 =	sld [smem:$0x3FA8]  }
0x28: {  	s2 =	sld [smem:$0x3FA9]  }
0x29: {  	s4 =	sld [smem:$0x3FAB]  }
0x2a: {  	p0 =	seq.s32 s5, $0x0;
	s5 =	sld [smem:$0x3FAC]  }
0x2b: {  	s6 =	sld [smem:$0x3FAD]  }
0x2c: {  	s7 =	sld [smem:$0x3FAE]  }
0x2d: {  	s3 =	simm.s32 $0x108;
	s8 =	sld [smem:$0x3FAF]  }
0x2e: {  	s3 =	simm.s32 @!p0 $0x1082;
	s9 =	sld [smem:$0x3FB0]  }
0x2f: {  	lr =	sadd.s32 s0, s3;
	s0 =	sld [smem:$0x3FA7]  }
0x30: {  	s3 =	sld [smem:$0x3FAA]  }
0x31: {  	[smem:$0x3FB3] =	sst s10  }
0x32: {  	s10 =	sld [smem:$0x3FB1];
	_ =	sdelay $0x3  }
0x33: {  	p0 =	seq.s32 s10, $0x1;
	s10 =	sld [smem:$0x3FB3];
	_ =	sdelay $0x3  }
0x34: {  	[smem:$0x3FB3] =	sst s10  }
0x35: {  	s10 =	sld [smem:$0x3FB2];
	_ =	sdelay $0x3  }
0x36: {  	p1 =	seq.s32 s10, $0x1;
	s10 =	sld [smem:$0x3FB3];
	_ =	sdelay $0x3  }
0x37: {  	[smem:$0x3FB3] =	sst s10  }
0x38: {  	s10 =	sld [smem:$0x3FB4]  }
0x39: {  	_ = 	snop;
	(pc) =	sbr.ind lr, $3  }
0x3a: {  	_ = 	snop  }
0x3b: {  	_ = 	snop  }
0x3c: {  	p2 =	seq.s32 s10, $0x1;
	s10 =	sld [smem:$0x3FB3]  }
0x3d: {  	_ =	shalt  }
0x3e: {  	_ =	shalt  }
0x3f: {  	_ =	shalt  }
0x40: {  	_ =	shalt  }
0x41: {  	_ =	shalt  }
0x42: {  	_ =	shalt  }
0x43: {  	_ =	shalt  }
0x44: {  	_ =	shalt  }
0x45: {  	_ =	shalt  }
0x46: {  	_ =	shalt  }
0x47: {  	_ =	shalt  }
0x48: {  	_ =	shalt  }
0x49: {  	_ =	shalt  }
0x4a: {  	_ =	shalt  }
0x4b: {  	_ =	shalt  }
0x4c: {  	_ =	shalt  }
0x4d: {  	_ =	shalt  }
0x4e: {  	_ =	shalt  }
0x4f: {  	_ =	shalt  }
0x50: {  	_ =	shalt  }
0x51: {  	_ =	shalt  }
0x52: {  	_ =	shalt  }
0x53: {  	_ =	shalt  }
0x54: {  	_ =	shalt  }
0x55: {  	_ =	shalt  }
0x56: {  	_ =	shalt  }
0x57: {  	_ =	shalt  }
0x58: {  	_ =	shalt  }
0x59: {  	_ =	shalt  }
0x5a: {  	_ =	shalt  }
0x5b: {  	_ =	shalt  }
0x5c: {  	_ =	shalt  }
0x5d: {  	_ =	shalt  }
0x5e: {  	_ =	shalt  }
0x5f: {  	_ =	shalt  }
0x60: {  	_ =	shalt  }
0x61: {  	_ =	shalt  }
0x62: {  	_ =	shalt  }
0x63: {  	_ =	shalt  }
0x64: {  	_ =	shalt  }
0x65: {  	_ =	shalt  }
0x66: {  	_ =	shalt  }
0x67: {  	_ =	shalt  }
0x68: {  	_ =	shalt  }
0x69: {  	_ =	shalt  }
0x6a: {  	_ =	shalt  }
0x6b: {  	_ =	shalt  }
0x6c: {  	_ =	shalt  }
0x6d: {  	_ =	shalt  }
0x6e: {  	_ =	shalt  }
0x6f: {  	_ =	shalt  }
0x70: {  	_ =	shalt  }
0x71: {  	_ =	shalt  }
0x72: {  	_ =	shalt  }
0x73: {  	_ =	shalt  }
0x74: {  	_ =	shalt  }
0x75: {  	_ =	shalt  }
0x76: {  	_ =	shalt  }
0x77: {  	_ =	shalt  }
0x78: {  	_ =	shalt  }
0x79: {  	_ =	shalt  }
0x7a: {  	_ =	shalt  }
0x7b: {  	_ =	shalt  }
0x7c: {  	_ =	shalt  }
0x7d: {  	_ =	shalt  }
0x7e: {  	_ =	shalt  }
0x7f: {  	_ =	shalt  }
0x80: {  	_ =	shalt  }
0x81: {  	_ =	shalt  }
0x82: {  	_ =	shalt  }
0x83: {  	_ =	shalt  }
0x84: {  	_ =	shalt  }
0x85: {  	_ =	shalt  }
0x86: {  	_ =	shalt  }
0x87: {  	_ =	shalt  }
.Lfunc_end0:
.L_simem_size_0:
called_computation_lowered:
.L_overlay_start_0:
0x88: {  	s2 =	sld [smem:$0x3FD9]  }
0x89: {  	s3 =	sld [smem:$0x3FFE];
	_ =	sdelay $0x1  }
0x8a: {  	s1 =	srdreg.scid  }
0x8b: {  	s0 =	sand.u32 $0x1, s1  }
0x8c: {  	s17 =	sshll.u32 s0, $0xA;
	s2 =	sadd.s32 s3, s2  }
0x8d: {  	s2 =	sadd.s32 s2, s17  }
0x8e: {  	[smem:$0x3FBF] =	sst s2  }
0x8f: {  	_ = 	snop  }
0x90: {  	(tm) =	ssettm $0x1  }
0x91: {  	s18 =	sld [smem:$0x3FFB];
	_ =	sdelay $0x3  }
0x92: {  	_ =	strace s18  }
0x93: {  	s2 =	sld [smem:$0x3FFC];
	_ =	sdelay $0x3  }
0x94: {  	_ =	strace s2  }
0x95: {  	s2 =	sld [smem:$0x3FFD];
	_ =	sdelay $0x3  }
0x96: {  	_ =	strace s2  }
0x97: {  	_ =	strace $0x8FFFFFFF  }
0x98: {  	s19 =	sld [smem:$0x3FDB];
	_ =	sdelay $0x1  }
0x99: {  	s20 =	simm.s32 $_scs_section_size  }
0x9a: {  	s4 =	simm.s32 $_size__tile_overlayer_lowered;
	s5 =	simm.s32 $_tile_overlayer_lowered  }
0x9b: {  	s6 =	simm.s32 $0x1BFF;
	s21 =	sshll.u32 s5, $0x1;
	s3 =	sadd.s32 s20, s19  }
0x9c: {  	s22 =	simm.s32 $0x0;
	s4 =	sshll.u32 s4, $0x1;
	s5 =	sadd.s32 s21, s3  }
0x9d: {  	[timem:s22], [sflag:s6] =	dma.local [hbm:s5], s4  }
0x9e: {  	_ =	swait.ge [sflag:s6], s4  }
0x9f: {  	s4 =	ssub.s32 $0x0, s4;
	[sflag:s6] =	ssyncset.done $0x0  }
0xa0: {  	[sflag:s6] =	ssyncadd.s32 s4;
	_ =	sdelay $0x1  }
0xa1: {  	s23 =	simm.s32 $0x1B8B  }
0xa2: {  	_ =	swait.ge [sflag:s23], $0x1  }
0xa3: {  	[sflag:s23] =	ssyncset.done $0x0  }
0xa4: {  	[sflag:s23] =	ssyncadd.s32 $0xFFFFFFFF  }
0xa5: {  	s4 =	sld [smem:$0x0]  }
0xa6: {  	s5 =	sand.u32 $0xFFFFFFFE, s1  }
0xa7: {  	p0 =	sne.s32 s1, s5  }
0xa8: {  	s5 =	sshll.u32 @p0 s5, $0xE  }
0xa9: {  	s5 =	sadd.s32 @p0 $0x11B8D, s5;
	s6 =	sshll.u32 @p0 s4, $0x11  }
0xaa: {  	s5 =	sor.u32 @p0 s6, s5  }
0xab: {  	[sflag:s5] =	ssyncadd.remote.s32 @p0 $0x1;
	_ =	sdelay $0x1  }
0xac: {  	s5 =	simm.s32 @p0 $0x1B8D  }
0xad: {  	_ =	swait.eq @p0 [sflag:s5], $0x1  }
0xae: {  	[sflag:s5] =	ssyncadd.s32 @p0 $0xFFFFFFFF  }
0xaf: {  	s6 =	sshll.u32 @!p0 s1, $0xE  }
0xb0: {  	s6 =	sor.u32 @!p0 $0x4000, s6;
	s5 =	simm.s32 @!p0 $0x1B8D  }
0xb1: {  	s4 =	sshll.u32 @!p0 s4, $0x11;
	s6 =	sadd.s32 @!p0 $0x11B8D, s6;
	_ =	swait.eq @!p0 [sflag:s5], $0x1  }
0xb2: {  	s4 =	sor.u32 @!p0 s4, s6;
	[sflag:s5] =	ssyncadd.s32 @!p0 $0xFFFFFFFF  }
0xb3: {  	s25 =	simm.s32 $0x1B8E;
	s24 =	sld [smem:$0x3FFE];
	[sflag:s4] =	ssyncadd.remote.s32 @!p0 $0x1  }
0xb4: {  	s26 =	simm.s32 $execute0_lowered;
	[smem:$0x3FD2] =	sst s25  }
0xb5: {  	s5 =	sshll.u32 s26, $0x1;
	_ =	strace $0x80000049;
	[dreg:$0x1] =	wrdreg $0xFFFFFFFF  }
0xb6: {  	s28 =	simm.s32 $_size_execute0_lowered;
	s3 =	sadd.s32 s3, s5;
	[dreg:$0x0] =	wrdreg $0x0  }
0xb7: {  	s5 =	sshll.u32 s28, $0x1;
	[dreg:$0x2] =	wrdreg s3  }
0xb8: {  	[dreg:$0x3] =	wrdreg s5  }
0xb9: {  	[dreg:$0x4] =	wrdreg $0xC0  }
0xba: {  	_ =	task [dreg:s22], $0x5FFFF  }
0xbb: {  	[dreg:$0x1] =	wrdreg $0xFFFFFFFF  }
0xbc: {  	[dreg:$0x0] =	wrdreg $0x60  }
0xbd: {  	[dreg:$0x2] =	wrdreg s24  }
0xbe: {  	[dreg:$0x3] =	wrdreg $0x9  }
0xbf: {  	_ =	task.clear_ibuf [dreg:s22], $0x4FFFF;
	_ =	strace $0x90000049  }
0xc0: {  	s29 =	simm.s32 $0x9;
	_ =	strace $0x8000004B  }
0xc1: {  	_ =	swait.ge [sflag:s29], $0x1  }
0xc2: {  	[sflag:s29] =	ssyncadd.s32 $0xFFFFFFFF  }
0xc3: {  	_ =	strace $0x9000004B  }
0xc4: {  	_ =	sfence  }
0xc5: {  	s30 =	sld [smem:$0x0];
	_ =	sdelay $0x2  }
0xc6: {  	s31 =	sshll.u32 s1, $0xD;
	s1 =	sshrl.u32 s1, $0x2  }
0xc7: {  	s4 =	sand.u32 $0x4000, s31;
	s1 =	sadd.s32 s1, s30  }
0xc8: {  	s0 =	sor.u32 s4, s0;
	s1 =	sshll.u32 s1, $0x11  }
0xc9: {  	s0 =	sor.u32 s1, s0  }
0xca: {  	s0 =	sadd.s32 $0x8F2B, s0  }
0xcb: {  	[sflag:s0] =	ssyncadd.remote.s32 $0x1  }
0xcc: {  	_ =	sfence.sel $0xFFFF  }
0xcd: {  	[dreg:$0x0] =	wrdreg $0xFFFFFFFF;
	(pc) =	sbr.abs _section_cstart, $3  }
0xce: {  	[dreg:$0x1] =	wrdreg $0xFFFFFFFF  }
0xcf: {  	_ =	task.clear_ibuf [dreg:s22], $0x2FFFF;
	_ =	strace $0x9FFFFFFF  }
0xd0: {  	(tm) =	ssettm $0x7FFFFFFF  }
0xd1: {  	_ =	shalt  }
tec
execute0_lowered:
.L_overlay_start_1:
0x0: {  	(tag) =	ssettag $0x1  }
0x1: {  	s7 =	rddreg [dreg:$0x0]  }
0x2: {  	s1 =	srdreg.scid;
	s0 =	rddreg [dreg:$0x1]  }
0x3: {  	s2 =	simm.s32 $0x0;
	s12 =	simm.s32 $0x80;
	s13 =	simm.s32 $0x1200  }
0x4: {  	s14 =	simm.s32 $0x1380;
	s16 =	simm.s32 $0x5380;
	s8 =	sand.u32 $0x1, s1  }
0x5: {  	s17 =	simm.s32 $0x0;
	s1 =	stileid.u32;
	s5 =	smul.u32 $0x13C000, s8  }
0x6: {  	[smem:$0x7FF] =	sst s2;
	s3 =	sadd.s32 $0x505200, s7;
	s6 =	smul.u32 $0x13C00, s1  }
0x7: {  	s4 =	sadd.s32 $0xF600, s7;
	_ =	strace $0x8000004A;
	s9 =	ssub.s32 $0x2, s8  }
.Ltmp0:
0x8: {  	s11 =	sshrl.u32 s9, $0x1;
	s5 =	sadd.s32 s6, s5;
	(pc) =	sbr.rel .LBB2_1-.Ltmp0, $4  }
0x9: {  	s9 =	ssub.s32 s9, s11;
	s10 =	sshrl.u32 s5, $0x3;
	s5 =	smul.u32 $0x278, s1  }
0xa: {  	s6 =	sadd.s32 $0x5800, s7;
	s11 =	simm.s32 $0x800;
	s9 =	smax.u32 s9, $0x1  }
0xb: {  	v2 =	vimm.f32 $0.0e+00;
	s10 =	sadd.s32 s10, s7;
	s7 =	smul.u32 $0x27100, s8;
	s15 =	sadd.s32 $0x278, s5  }
0xc: {  	v3 =	vimm.s32 $0x0;
	s8 =	sadd.s32 $0x52CA00, s10;
	s10 =	simm.s32 $0x2;
	v0 =	vmov s5;
	v1 =	vmov s15;
	s15 =	simm.s32 $0x1  }
.LBB2_14:
0xd: {  	[tilespmem:s21+$0x53F0] =	vst v4  }
.LBB2_15:
0xe: {  	s17 =	sadd.s32 $0x1, s17  }
0xf: {  	p0 =	sne.s32 s17, s9  }
.Ltmp1:
0x10: {  	_ = 	snop;
	(pc) =	sbr.rel @!p0 .LBB2_16-.Ltmp1, $4  }
0x11: {  	[hbm4b:s8+s2] =	stream.linear.scatter [tilespmem:s16], [sflag:$0x2], $0x13C00, $0x38;
	[tilespmem:$0x18F80] =	vst v63  }
0x12: {  	_ =	swait.ge [sflag:s10], $0x13C00  }
0x13: {  	[sflag:s10] =	ssyncset.done $0x0  }
0x14: {  	[sflag:s10] =	ssyncadd.s32 $0xFFFEC400  }
.LBB2_1:
0x15: {  	s18 =	simm.s32 $0x0  }
0x16: {  	s19 =	sand.u32 $0xFFFFFF80, s18  }
0x17: {  	s19 =	ssub.s32 $0x0, s19  }
0x18: {  	s18 =	sand.u32 $0x3FFFFF80, s18;
	s19 =	sand.u32 $0xFFFFFF80, s19  }
0x19: {  	s20 =	sand.u32 $0x70, s2;
	s19 =	sadd.s32 s19, s18  }
0x1a: {  	s18 =	simm.s32 $0x1;
	s20 =	sor.u32 s20, s19;
	s19 =	simm.s32 $0x0  }
.LBB2_2:
0x1b: {  	s21 =	sshll.u32 s18, $0x4;
	p0 =	sne.s32 s18, $0x13BF;
	s18 =	sadd.s32 $0x1, s18;
	[tilespmem:s20+$0x5380] =	vst v2  }
.Ltmp2:
0x1c: {  	s19 =	sadd.s32 $0x10, s19;
	s20 =	sand.u32 $0xFFFFFF80, s21;
	(pc) =	sbr.rel @p0 .LBB2_2-.Ltmp2, $4  }
0x1d: {  	s20 =	ssub.s32 s19, s20  }
0x1e: {  	s21 =	sand.u32 $0x3FFFFF80, s21;
	s20 =	sand.u32 $0xFFFFFF80, s20  }
0x1f: {  	s22 =	sand.u32 $0x70, s19;
	s20 =	sadd.s32 s20, s21  }
0x20: {  	s20 =	sor.u32 s22, s20  }
0x21: {  	[tilespmem:s20+$0x5380] =	vst v2  }
0x22: {  	[tilespmem:$0x1000] =	vst v3  }
0x23: {  	[tilespmem:$0x1100] =	vst v3  }
0x24: {  	[tilespmem:$0x1010] =	vst v3  }
0x25: {  	[tilespmem:$0x1110] =	vst v3  }
0x26: {  	[tilespmem:$0x1020] =	vst v3  }
0x27: {  	[tilespmem:$0x1120] =	vst v3  }
0x28: {  	[tilespmem:$0x1030] =	vst v3  }
0x29: {  	[tilespmem:$0x1130] =	vst v3  }
0x2a: {  	[tilespmem:$0x1040] =	vst v3  }
0x2b: {  	[tilespmem:$0x1140] =	vst v3  }
0x2c: {  	[tilespmem:$0x1050] =	vst v3  }
0x2d: {  	[tilespmem:$0x1150] =	vst v3  }
0x2e: {  	[tilespmem:$0x1060] =	vst v3  }
.Ltmp3:
0x2f: {  	[tilespmem:$0x1160] =	vst v3;
	(pc) =	sbr.rel .LBB2_4-.Ltmp3, $4  }
0x30: {  	[tilespmem:$0x1070] =	vst v3  }
0x31: {  	[tilespmem:$0x1170] =	vst v3  }
0x32: {  	[tilespmem:$0x1080] =	vst v3  }
0x33: {  	s19 =	simm.s32 $0x0;
	s18 =	simm.s32 $0x0;
	s20 =	simm.s32 $0x0;
	[tilespmem:$0x1180] =	vst v3  }
.LBB2_10:
0x34: {  	s20 =	sadd.s32 $0x1, s20  }
0x35: {  	p0 =	sne.s32 s20, $0x50  }
.Ltmp4:
0x36: {  	_ = 	snop;
	(pc) =	sbr.rel @!p0 .LBB2_11-.Ltmp4, $1  }
0x37: {  	_ =	sdelay $0x3  }
.LBB2_4:
0x38: {  	s21 =	smul.u32 $0x7D0, s20;
	_ =	sdelay $0x1  }
0x39: {  	s21 =	sadd.s32 s7, s21  }
0x3a: {  	s21 =	sshrl.u32 s21, $0x3  }
0x3b: {  	s22 =	sadd.s32 s4, s21  }
0x3c: {  	[tilespmem:s19], [sflag:$0x2] =	stream.linear.gather [hbm4b:s22+s19], $0x7D0, $0x38;
	[tilespmem:$0x18F80] =	vst v63  }
0x3d: {  	_ =	swait.ge [sflag:s10], $0x7D0  }
0x3e: {  	[sflag:s10] =	ssyncset.done $0x0  }
.Ltmp5:
0x3f: {  	s21 =	sadd.s32 s6, s21;
	[sflag:s10] =	ssyncadd.s32 $0xFFFFF830;
	(pc) =	sbr.rel .LBB2_5-.Ltmp5, $4  }
0x40: {  	[tilespmem:s11], [sflag:$0x2] =	stream.linear.gather [hbm4b:s21+s19], $0x7D0, $0x38;
	[tilespmem:$0x18F80] =	vst v63  }
0x41: {  	_ =	swait.ge [sflag:s10], $0x7D0  }
0x42: {  	[sflag:s10] =	ssyncset.done $0x0  }
0x43: {  	s21 =	simm.s32 $0x0;
	[sflag:s10] =	ssyncadd.s32 $0xFFFFF830  }
.LBB2_8:
0x44: {  	s24 =	sshra.s32 s24, $0x2;
	[tilespmem:s23+$0x53F0] =	vst v4  }
0x45: {  	v4 =	vld [tilespmem:s24+$0x1280];
	_ =	sdelay $0x4  }
0x46: {  	(v2sf) =	vpush v4, $0x0;
	_ =	sdelay $0xe  }
0x47: {  	s31 =	spop (v2sf)  }
0x48: {  	s23 =	ssub.s32 s31, s5  }
0x49: {  	s22 =	sadd.s32 $0x80, s22;
	s23 =	sshll.u32 s23, $0x9  }
0x4a: {  	v4 =	vld [tilespmem:s22+$0xFFFFFFC0];
	s23 =	sshra.s32 s23, $0x2  }
0x4b: {  	v5 =	vld [tilespmem:s23+$0x5380];
	_ =	sdelay $0x4  }
0x4c: {  	v4 =	vadd.f32 v4, v5;
	_ =	sdelay $0x1  }
0x4d: {  	[tilespmem:s23+$0x5380] =	vst v4;
	v4 =	vld [tilespmem:s23+$0x5390]  }
0x4e: {  	v5 =	vld [tilespmem:s22+$0xFFFFFFD0];
	_ =	sdelay $0x4  }
0x4f: {  	v4 =	vadd.f32 v5, v4;
	_ =	sdelay $0x1  }
0x50: {  	[tilespmem:s23+$0x5390] =	vst v4;
	v4 =	vld [tilespmem:s23+$0x53A0]  }
0x51: {  	v5 =	vld [tilespmem:s22+$0xFFFFFFE0];
	_ =	sdelay $0x4  }
0x52: {  	v4 =	vadd.f32 v5, v4;
	_ =	sdelay $0x1  }
0x53: {  	[tilespmem:s23+$0x53A0] =	vst v4;
	v4 =	vld [tilespmem:s23+$0x53B0]  }
0x54: {  	v5 =	vld [tilespmem:s22+$0xFFFFFFF0];
	_ =	sdelay $0x4  }
0x55: {  	v4 =	vadd.f32 v5, v4;
	_ =	sdelay $0x1  }
0x56: {  	[tilespmem:s23+$0x53B0] =	vst v4;
	v4 =	vld [tilespmem:s23+$0x53C0]  }
0x57: {  	v5 =	vld [tilespmem:s22+$0x0];
	_ =	sdelay $0x4  }
0x58: {  	v4 =	vadd.f32 v5, v4;
	_ =	sdelay $0x1  }
0x59: {  	[tilespmem:s23+$0x53C0] =	vst v4;
	v4 =	vld [tilespmem:s23+$0x53D0]  }
0x5a: {  	v5 =	vld [tilespmem:s22+$0x10];
	_ =	sdelay $0x4  }
0x5b: {  	v4 =	vadd.f32 v5, v4;
	_ =	sdelay $0x1  }
0x5c: {  	[tilespmem:s23+$0x53D0] =	vst v4;
	v4 =	vld [tilespmem:s23+$0x53E0]  }
0x5d: {  	v5 =	vld [tilespmem:s22+$0x20];
	_ =	sdelay $0x4  }
0x5e: {  	v4 =	vadd.f32 v5, v4;
	_ =	sdelay $0x1  }
0x5f: {  	[tilespmem:s23+$0x53E0] =	vst v4;
	v4 =	vld [tilespmem:s23+$0x53F0]  }
0x60: {  	v5 =	vld [tilespmem:s22+$0x30];
	_ =	sdelay $0x4  }
0x61: {  	v4 =	vadd.f32 v5, v4;
	_ =	sdelay $0x1  }
0x62: {  	[tilespmem:s23+$0x53F0] =	vst v4  }
0x63: {  	v4 =	vld [tilespmem:$0x1080]  }
0x64: {  	v5 =	vld [tilespmem:$0x1180];
	_ =	sdelay $0x3  }
0x65: {  	[tilespmem:$0x1000] =	vst v4  }
0x66: {  	[tilespmem:$0x1100] =	vst v5  }
.LBB2_9:
0x67: {  	s21 =	sadd.s32 $0x1, s21  }
0x68: {  	p1 =	sne.s32 s21, $0x7D  }
.Ltmp6:
0x69: {  	_ = 	snop;
	(pc) =	sbr.rel @!p1 .LBB2_10-.Ltmp6, $3  }
0x6a: {  	_ =	sdelay $0x1  }
0x6b: {  	p0 =	sgt.s32 s18, $0x7F;
	s22 =	sadd.s32 $0xFFFFFF80, s18  }
0x6c: {  	s18 =	smov.u32 @p0 s22  }
.LBB2_5:
0x6d: {  	s22 =	sshll.u32 s21, $0x4  }
0x6e: {  	v4 =	vld [tilespmem:s22+$0x800];
	_ =	sdelay $0x4  }
0x6f: {  	vm0 =	vge.s32 v4, v0;
	vm1 =	vlt.s32 v4, v1  }
0x70: {  	vm0 =	vmand vm0, vm1  }
0x71: {  	v5 =	vsel vm0, $0x1, v3  }
0x72: {  	(xrf0) =	vadd.scan.msk.s32 $0xffff, v5;
	_ =	sdelay $0x5  }
0x73: {  	v5, _, _ =	vpop (xrf0)  }
0x74: {  	(v2sf) =	vpush v5, $0xF;
	_ =	sdelay $0x9  }
0x75: {  	v5 =	vld [tilespmem:s22+$0x0];
	_ =	sdelay $0x4  }
0x76: {  	[tilespmem:s18+$0x1000] =	vst.msk vm0, v5;
	s31 =	spop (v2sf)  }
0x77: {  	[tilespmem:s18+$0x1100] =	vst.msk vm0, v4;
	s18 =	sadd.s32 s18, s31  }
0x78: {  	p0 =	slt.s32 s18, $0x80  }
.Ltmp7:
0x79: {  	_ = 	snop;
	(pc) =	sbr.rel @p0 .LBB2_9-.Ltmp7, $1  }
0x7a: {  	_ =	sdelay $0x3  }
0x7b: {  	v4 =	vld [tilespmem:$0x1000]  }
0x7c: {  	v5 =	vld [tilespmem:$0x1100]  }
0x7d: {  	v6 =	vld [tilespmem:$0x1010]  }
0x7e: {  	v7 =	vld [tilespmem:$0x1110]  }
0x7f: {  	v8 =	vld [tilespmem:$0x1020]  }
0x80: {  	[tilespmem:$0x1200] =	vst v4;
	v4 =	vld [tilespmem:$0x1120]  }
0x81: {  	v62 =	vld [tilespmem:$0x1140];
	[tilespmem:$0x1280] =	vst v5  }
0x82: {  	v5 =	vld [tilespmem:$0x1030];
	[tilespmem:$0x1210] =	vst v6  }
0x83: {  	v6 =	vld [tilespmem:$0x1130];
	[tilespmem:$0x1290] =	vst v7  }
0x84: {  	v7 =	vld [tilespmem:$0x1040];
	[tilespmem:$0x1220] =	vst v8  }
0x85: {  	[tilespmem:$0x12A0] =	vst v4;
	v4 =	vld [tilespmem:$0x1050]  }
0x86: {  	v63 =	vld [tilespmem:$0x1070];
	[tilespmem:$0x12C0] =	vst v62  }
0x87: {  	[tilespmem:$0x1230] =	vst v5;
	v5 =	vld [tilespmem:$0x1150]  }
0x88: {  	[tilespmem:$0x12B0] =	vst v6;
	v6 =	vld [tilespmem:$0x1060]  }
0x89: {  	[tilespmem:$0x1240] =	vst v7;
	v7 =	vld [tilespmem:$0x1160]  }
0x8a: {  	[tilespmem:$0x1250] =	vst v4;
	v4 =	vld [tilespmem:$0x1170]  }
0x8b: {  	[tilespmem:$0x1270] =	vst v63  }
0x8c: {  	[tilespmem:$0x12D0] =	vst v5  }
0x8d: {  	[tilespmem:$0x1260] =	vst v6  }
0x8e: {  	[tilespmem:$0x12E0] =	vst v7  }
0x8f: {  	[tilespmem:$0x12F0] =	vst v4  }
0x90: {  	[tilespmem:s14], [sflag:$0x1] =	stream.indirect.gather [hbm4b:s3+s12], $0x80, s13, s12, $0xb8;
	[tilespmem:$0x18F80] =	vst v63  }
0x91: {  	_ =	swait.ge [sflag:s15], $0x4000  }
0x92: {  	[sflag:s15] =	ssyncset.done $0x0  }
0x93: {  	s22 =	simm.s32 $0x0;
	[sflag:s15] =	ssyncadd.s32 $0xFFFFC000  }
0x94: {  	v4 =	vld [tilespmem:s22+$0x1280];
	_ =	sdelay $0x4  }
0x95: {  	(v2sf) =	vpush v4, $0x0;
	_ =	sdelay $0xe  }
0x96: {  	s31 =	spop (v2sf)  }
0x97: {  	s23 =	ssub.s32 s31, s5  }
0x98: {  	s22 =	simm.s32 $0x13C0;
	s23 =	sshll.u32 s23, $0x9  }
0x99: {  	v4 =	vld [tilespmem:s22+$0xFFFFFFC0];
	s23 =	sshra.s32 s23, $0x2  }
0x9a: {  	v5 =	vld [tilespmem:s23+$0x5380];
	_ =	sdelay $0x4  }
0x9b: {  	v4 =	vadd.f32 v4, v5;
	_ =	sdelay $0x1  }
0x9c: {  	[tilespmem:s23+$0x5380] =	vst v4;
	v4 =	vld [tilespmem:s23+$0x5390]  }
0x9d: {  	v5 =	vld [tilespmem:s22+$0xFFFFFFD0];
	_ =	sdelay $0x4  }
0x9e: {  	v4 =	vadd.f32 v5, v4;
	_ =	sdelay $0x1  }
0x9f: {  	[tilespmem:s23+$0x5390] =	vst v4;
	v4 =	vld [tilespmem:s23+$0x53A0]  }
0xa0: {  	v5 =	vld [tilespmem:s22+$0xFFFFFFE0];
	_ =	sdelay $0x4  }
0xa1: {  	v4 =	vadd.f32 v5, v4;
	_ =	sdelay $0x1  }
0xa2: {  	[tilespmem:s23+$0x53A0] =	vst v4;
	v4 =	vld [tilespmem:s23+$0x53B0]  }
0xa3: {  	v5 =	vld [tilespmem:s22+$0xFFFFFFF0];
	_ =	sdelay $0x4  }
0xa4: {  	v4 =	vadd.f32 v5, v4;
	_ =	sdelay $0x1  }
0xa5: {  	[tilespmem:s23+$0x53B0] =	vst v4;
	v4 =	vld [tilespmem:s23+$0x53C0]  }
0xa6: {  	v5 =	vld [tilespmem:s22+$0x0];
	_ =	sdelay $0x4  }
0xa7: {  	v4 =	vadd.f32 v5, v4;
	_ =	sdelay $0x1  }
0xa8: {  	[tilespmem:s23+$0x53C0] =	vst v4;
	v4 =	vld [tilespmem:s23+$0x53D0]  }
0xa9: {  	v5 =	vld [tilespmem:s22+$0x10];
	_ =	sdelay $0x4  }
0xaa: {  	v4 =	vadd.f32 v5, v4;
	_ =	sdelay $0x1  }
0xab: {  	[tilespmem:s23+$0x53D0] =	vst v4;
	v4 =	vld [tilespmem:s23+$0x53E0]  }
0xac: {  	v5 =	vld [tilespmem:s22+$0x20];
	_ =	sdelay $0x4  }
0xad: {  	v4 =	vadd.f32 v5, v4;
	_ =	sdelay $0x1  }
0xae: {  	[tilespmem:s23+$0x53E0] =	vst v4;
	v4 =	vld [tilespmem:s23+$0x53F0]  }
0xaf: {  	v5 =	vld [tilespmem:s22+$0x30];
	_ =	sdelay $0x4  }
0xb0: {  	s24 =	simm.s32 $0x4;
	s26 =	simm.s32 $0x8;
	v4 =	vadd.f32 v5, v4  }
.LBB2_7:
0xb1: {  	s28 =	sshra.s32 s24, $0x2  }
0xb2: {  	[tilespmem:s23+$0x53F0] =	vst v4;
	s22 =	sadd.s32 $0x80, s22;
	s24 =	smov.u32 s26;
	s25 =	sadd.s32 $0x4, s26  }
0xb3: {  	p0 =	sne.s32 s26, $0x1FC;
	v4 =	vld [tilespmem:s28+$0x1280];
	_ =	sdelay $0x4  }
0xb4: {  	(v2sf) =	vpush v4, $0x0;
	_ =	sdelay $0xe  }
0xb5: {  	s23 =	spop (v2sf)  }
0xb6: {  	s23 =	ssub.s32 s23, s5  }
0xb7: {  	s23 =	sshll.u32 s23, $0x9  }
0xb8: {  	s23 =	sshra.s32 s23, $0x2;
	v4 =	vld [tilespmem:s22+$0xFFFFFFC0]  }
0xb9: {  	v5 =	vld [tilespmem:s23+$0x5380];
	_ =	sdelay $0x4  }
0xba: {  	v4 =	vadd.f32 v4, v5;
	_ =	sdelay $0x1  }
0xbb: {  	[tilespmem:s23+$0x5380] =	vst v4;
	v4 =	vld [tilespmem:s23+$0x5390]  }
0xbc: {  	v5 =	vld [tilespmem:s22+$0xFFFFFFD0];
	_ =	sdelay $0x4  }
0xbd: {  	v4 =	vadd.f32 v5, v4;
	_ =	sdelay $0x1  }
0xbe: {  	[tilespmem:s23+$0x5390] =	vst v4;
	v4 =	vld [tilespmem:s23+$0x53A0]  }
0xbf: {  	v5 =	vld [tilespmem:s22+$0xFFFFFFE0];
	_ =	sdelay $0x4  }
0xc0: {  	v4 =	vadd.f32 v5, v4;
	_ =	sdelay $0x1  }
0xc1: {  	[tilespmem:s23+$0x53A0] =	vst v4;
	v4 =	vld [tilespmem:s23+$0x53B0]  }
0xc2: {  	v5 =	vld [tilespmem:s22+$0xFFFFFFF0];
	_ =	sdelay $0x4  }
0xc3: {  	v4 =	vadd.f32 v5, v4;
	_ =	sdelay $0x1  }
0xc4: {  	[tilespmem:s23+$0x53B0] =	vst v4;
	v4 =	vld [tilespmem:s23+$0x53C0]  }
0xc5: {  	v5 =	vld [tilespmem:s22+$0x0];
	_ =	sdelay $0x4  }
0xc6: {  	v4 =	vadd.f32 v5, v4;
	_ =	sdelay $0x1  }
0xc7: {  	[tilespmem:s23+$0x53C0] =	vst v4;
	v4 =	vld [tilespmem:s23+$0x53D0]  }
0xc8: {  	v5 =	vld [tilespmem:s22+$0x10];
	_ =	sdelay $0x4  }
0xc9: {  	v4 =	vadd.f32 v5, v4;
	_ =	sdelay $0x1  }
0xca: {  	[tilespmem:s23+$0x53D0] =	vst v4;
	v4 =	vld [tilespmem:s23+$0x53E0]  }
0xcb: {  	v5 =	vld [tilespmem:s22+$0x20];
	_ =	sdelay $0x4  }
0xcc: {  	v4 =	vadd.f32 v5, v4;
	_ =	sdelay $0x1  }
0xcd: {  	[tilespmem:s23+$0x53E0] =	vst v4;
	v4 =	vld [tilespmem:s23+$0x53F0]  }
0xce: {  	v5 =	vld [tilespmem:s22+$0x30]  }
.Ltmp8:
0xcf: {  	(pc) =	sbr.rel @p0 .LBB2_7-.Ltmp8, $2  }
0xd0: {  	_ =	sdelay $0x2  }
0xd1: {  	s26 =	smov.u32 s25;
	v4 =	vadd.f32 v5, v4  }
.Ltmp9:
0xd2: {  	_ = 	snop;
	(pc) =	sbr.rel .LBB2_8-.Ltmp9, $1  }
0xd3: {  	_ =	sdelay $0x3  }
.LBB2_11:
0xd4: {  	v4 =	vld [tilespmem:$0x1000]  }
0xd5: {  	v5 =	vld [tilespmem:$0x1100]  }
0xd6: {  	v6 =	vld [tilespmem:$0x1010]  }
0xd7: {  	v7 =	vld [tilespmem:$0x1110]  }
0xd8: {  	v8 =	vld [tilespmem:$0x1020]  }
0xd9: {  	[tilespmem:$0x1200] =	vst v4;
	v4 =	vld [tilespmem:$0x1120]  }
0xda: {  	v58 =	vld [tilespmem:$0x1130];
	[tilespmem:$0x1280] =	vst v5  }
0xdb: {  	v59 =	vld [tilespmem:$0x1040];
	[tilespmem:$0x1210] =	vst v6  }
0xdc: {  	v60 =	vld [tilespmem:$0x1140];
	[tilespmem:$0x1290] =	vst v7  }
0xdd: {  	v5 =	vld [tilespmem:$0x1030];
	[tilespmem:$0x1220] =	vst v8  }
0xde: {  	[tilespmem:$0x12A0] =	vst v4;
	v4 =	vld [tilespmem:$0x1050]  }
0xdf: {  	v61 =	vld [tilespmem:$0x1060];
	[tilespmem:$0x12B0] =	vst v58  }
0xe0: {  	v62 =	vld [tilespmem:$0x1160];
	[tilespmem:$0x1240] =	vst v59  }
0xe1: {  	v63 =	vld [tilespmem:$0x1070];
	[tilespmem:$0x12C0] =	vst v60  }
0xe2: {  	[tilespmem:$0x1230] =	vst v5;
	v5 =	vld [tilespmem:$0x1150]  }
0xe3: {  	[tilespmem:$0x1250] =	vst v4;
	v4 =	vld [tilespmem:$0x1170]  }
0xe4: {  	[tilespmem:$0x1260] =	vst v61  }
0xe5: {  	[tilespmem:$0x12E0] =	vst v62  }
0xe6: {  	[tilespmem:$0x1270] =	vst v63  }
0xe7: {  	p0 =	slt.s32 s18, $0x1;
	[tilespmem:$0x12D0] =	vst v5  }
.Ltmp10:
0xe8: {  	[tilespmem:$0x12F0] =	vst v4;
	(pc) =	sbr.rel @p0 .LBB2_15-.Ltmp10, $4  }
0xe9: {  	[tilespmem:s14], [sflag:$0x1] =	stream.indirect.gather [hbm4b:s3+s12], $0x80, s13, s12, $0xb8;
	[tilespmem:$0x18F80] =	vst v63  }
0xea: {  	_ =	swait.ge [sflag:s15], $0x4000  }
0xeb: {  	[sflag:s15] =	ssyncset.done $0x0  }
0xec: {  	[sflag:s15] =	ssyncadd.s32 $0xFFFFC000  }
0xed: {  	s19 =	simm.s32 $0x1280  }
0xee: {  	v4 =	vld [tilespmem:s19+$0x0];
	_ =	sdelay $0x4  }
0xef: {  	(v2sf) =	vpush v4, $0x0;
	_ =	sdelay $0xe  }
0xf0: {  	s20 =	spop (v2sf)  }
0xf1: {  	s21 =	ssub.s32 s20, s5  }
0xf2: {  	s20 =	simm.s32 $0x13C0;
	s21 =	sshll.u32 s21, $0x9  }
0xf3: {  	v4 =	vld [tilespmem:s20+$0xFFFFFFC0];
	s21 =	sshra.s32 s21, $0x2  }
0xf4: {  	v5 =	vld [tilespmem:s21+$0x5380];
	_ =	sdelay $0x4  }
0xf5: {  	v4 =	vadd.f32 v4, v5;
	_ =	sdelay $0x1  }
0xf6: {  	[tilespmem:s21+$0x5380] =	vst v4;
	v4 =	vld [tilespmem:s21+$0x5390]  }
0xf7: {  	v5 =	vld [tilespmem:s20+$0xFFFFFFD0];
	_ =	sdelay $0x4  }
0xf8: {  	v4 =	vadd.f32 v5, v4;
	_ =	sdelay $0x1  }
0xf9: {  	[tilespmem:s21+$0x5390] =	vst v4;
	v4 =	vld [tilespmem:s21+$0x53A0]  }
0xfa: {  	v5 =	vld [tilespmem:s20+$0xFFFFFFE0];
	_ =	sdelay $0x4  }
0xfb: {  	v4 =	vadd.f32 v5, v4;
	_ =	sdelay $0x1  }
0xfc: {  	[tilespmem:s21+$0x53A0] =	vst v4;
	v4 =	vld [tilespmem:s21+$0x53B0]  }
0xfd: {  	v5 =	vld [tilespmem:s20+$0xFFFFFFF0];
	_ =	sdelay $0x4  }
0xfe: {  	v4 =	vadd.f32 v5, v4;
	_ =	sdelay $0x1  }
0xff: {  	[tilespmem:s21+$0x53B0] =	vst v4;
	v4 =	vld [tilespmem:s21+$0x53C0]  }
0x100: {  	v5 =	vld [tilespmem:s20+$0x0];
	_ =	sdelay $0x4  }
0x101: {  	v4 =	vadd.f32 v5, v4;
	_ =	sdelay $0x1  }
0x102: {  	[tilespmem:s21+$0x53C0] =	vst v4;
	v4 =	vld [tilespmem:s21+$0x53D0]  }
0x103: {  	v5 =	vld [tilespmem:s20+$0x10];
	_ =	sdelay $0x4  }
0x104: {  	v4 =	vadd.f32 v5, v4;
	_ =	sdelay $0x1  }
0x105: {  	[tilespmem:s21+$0x53D0] =	vst v4;
	v4 =	vld [tilespmem:s21+$0x53E0]  }
0x106: {  	v5 =	vld [tilespmem:s20+$0x20];
	_ =	sdelay $0x4  }
0x107: {  	v4 =	vadd.f32 v5, v4;
	_ =	sdelay $0x1  }
0x108: {  	[tilespmem:s21+$0x53E0] =	vst v4;
	v4 =	vld [tilespmem:s21+$0x53F0]  }
0x109: {  	v5 =	vld [tilespmem:s20+$0x30]  }
0x10a: {  	p0 =	sne.s32 s18, $0x1  }
.Ltmp11:
0x10b: {  	_ = 	snop;
	(pc) =	sbr.rel @!p0 .LBB2_14-.Ltmp11, $3  }
0x10c: {  	_ =	sdelay $0x1  }
0x10d: {  	v4 =	vadd.f32 v5, v4  }
0x10e: {  	s18 =	sadd.s32 $0xFFFFFFFF, s18  }
.LBB2_13:
0x10f: {  	p0 =	sne.s32 s18, $0x1;
	[tilespmem:s21+$0x53F0] =	vst v4;
	s19 =	sadd.s32 $0x1, s19;
	s20 =	sadd.s32 $0x80, s20  }
0x110: {  	s18 =	sadd.s32 $0xFFFFFFFF, s18;
	v4 =	vld [tilespmem:s19+$0x0];
	_ =	sdelay $0x4  }
0x111: {  	(v2sf) =	vpush v4, $0x0;
	_ =	sdelay $0xe  }
0x112: {  	s21 =	spop (v2sf)  }
0x113: {  	s21 =	ssub.s32 s21, s5  }
0x114: {  	s21 =	sshll.u32 s21, $0x9  }
0x115: {  	s21 =	sshra.s32 s21, $0x2;
	v4 =	vld [tilespmem:s20+$0xFFFFFFC0]  }
0x116: {  	v5 =	vld [tilespmem:s21+$0x5380];
	_ =	sdelay $0x4  }
0x117: {  	v4 =	vadd.f32 v4, v5;
	_ =	sdelay $0x1  }
0x118: {  	[tilespmem:s21+$0x5380] =	vst v4;
	v4 =	vld [tilespmem:s21+$0x5390]  }
0x119: {  	v5 =	vld [tilespmem:s20+$0xFFFFFFD0];
	_ =	sdelay $0x4  }
0x11a: {  	v4 =	vadd.f32 v5, v4;
	_ =	sdelay $0x1  }
0x11b: {  	[tilespmem:s21+$0x5390] =	vst v4;
	v4 =	vld [tilespmem:s21+$0x53A0]  }
0x11c: {  	v5 =	vld [tilespmem:s20+$0xFFFFFFE0];
	_ =	sdelay $0x4  }
0x11d: {  	v4 =	vadd.f32 v5, v4;
	_ =	sdelay $0x1  }
0x11e: {  	[tilespmem:s21+$0x53A0] =	vst v4;
	v4 =	vld [tilespmem:s21+$0x53B0]  }
0x11f: {  	v5 =	vld [tilespmem:s20+$0xFFFFFFF0];
	_ =	sdelay $0x4  }
0x120: {  	v4 =	vadd.f32 v5, v4;
	_ =	sdelay $0x1  }
0x121: {  	[tilespmem:s21+$0x53B0] =	vst v4;
	v4 =	vld [tilespmem:s21+$0x53C0]  }
0x122: {  	v5 =	vld [tilespmem:s20+$0x0];
	_ =	sdelay $0x4  }
0x123: {  	v4 =	vadd.f32 v5, v4;
	_ =	sdelay $0x1  }
0x124: {  	[tilespmem:s21+$0x53C0] =	vst v4;
	v4 =	vld [tilespmem:s21+$0x53D0]  }
0x125: {  	v5 =	vld [tilespmem:s20+$0x10];
	_ =	sdelay $0x4  }
0x126: {  	v4 =	vadd.f32 v5, v4;
	_ =	sdelay $0x1  }
0x127: {  	[tilespmem:s21+$0x53D0] =	vst v4;
	v4 =	vld [tilespmem:s21+$0x53E0]  }
0x128: {  	v5 =	vld [tilespmem:s20+$0x20];
	_ =	sdelay $0x4  }
0x129: {  	v4 =	vadd.f32 v5, v4;
	_ =	sdelay $0x1  }
0x12a: {  	[tilespmem:s21+$0x53E0] =	vst v4;
	v4 =	vld [tilespmem:s21+$0x53F0]  }
0x12b: {  	v5 =	vld [tilespmem:s20+$0x30]  }
.Ltmp12:
0x12c: {  	(pc) =	sbr.rel @p0 .LBB2_13-.Ltmp12, $2  }
0x12d: {  	_ =	sdelay $0x2  }
0x12e: {  	v4 =	vadd.f32 v5, v4  }
.Ltmp13:
0x12f: {  	_ = 	snop;
	(pc) =	sbr.rel .LBB2_14-.Ltmp13, $1  }
0x130: {  	_ =	sdelay $0x3  }
.LBB2_16:
0x131: {  	_ =	sfence.sel $0x180000  }
0x132: {  	[bflag:$0x0] =	sbarrier.arrive $0xFFFF  }
0x133: {  	p0 =	sne.s32 s1, $0x0;
	_ =	strace $0x9000004A  }
0x134: {  	s0 =	sadd.s32 @!p0 $0x100000, s0;
	[bflag:$0x2] =	sbarrier.arrive $0xFFFF  }
0x135: {  	[sflag:s0] =	ssyncadd.tile.s32 @!p0 $0x1;
	_ =	shalt  }
.Lfunc_end2:
_tile_overlayer_lowered:
.L_overlay_start_2:
0x136: {  	(tag) =	ssettag $0x2  }
0x137: {  	s0 =	rddreg [dreg:$0x0];
	s2 =	stileid.u32  }
0x138: {  	s1 =	rddreg [dreg:$0x1];
	p0 =	sne.s32 s2, $0x0  }
0x139: {  	s3 =	rddreg [dreg:$0x2];
	[bflag:$0x3] =	sbarrier.arrive $0xFFFF;
	s2 =	simm.s32 @!p0 $0x1C02  }
0x13a: {  	[timem:s3], [sflag:s2] =	dma.local @!p0 [hbm:s0], s1  }
0x13b: {  	s0 =	simm.s32 @!p0 $0x2  }
0x13c: {  	_ =	swait.ge @!p0 [sflag:s0], s1  }
0x13d: {  	s1 =	ssub.s32 @!p0 $0x0, s1;
	[sflag:s0] =	ssyncset.done @!p0 $0x0  }
0x13e: {  	[sflag:s0] =	ssyncadd.s32 @!p0 s1  }
0x13f: {  	[bflag:$0x3] =	sbarrier.arrive $0xFFFF  }
0x140: {  	_ =	shalt  }

// kernel: kernel.15.cloned.1.call-start
scs
__scs_entry_jumppad:
0x0: {  	(pc) =	sbr.rel $0x88, $3  }
0x1: {  	(tag) =	ssettag $0x0;
	lr =	simm.s32 $0x1  }
0x2: {  	[smem:$0x3F98] =	sst lr;
	_ =	strace $0xD0000000  }
0x3: {  	_ = 	snop  }
0x4: {  	_ = 	snop  }
0x5: {  	_ = 	snop  }
0x6: {  	_ = 	snop  }
0x7: {  	_ = 	snop  }
__scs_overlays_trampoline_lowered:
0x8: {  	[smem:$0x3FA7] =	sst s0  }
0x9: {  	[smem:$0x3FA8] =	sst s1  }
0xa: {  	[smem:$0x3FA9] =	sst s2  }
0xb: {  	[smem:$0x3FAA] =	sst s3  }
0xc: {  	[smem:$0x3FAB] =	sst s4  }
0xd: {  	[smem:$0x3FAC] =	sst s5  }
0xe: {  	[smem:$0x3FAD] =	sst s6  }
0xf: {  	[smem:$0x3FAE] =	sst s7  }
0x10: {  	[smem:$0x3FAF] =	sst s8  }
0x11: {  	[smem:$0x3FB0] =	sst s9;
	s0 =	simm.s32 @!p0 $0x0  }
0x12: {  	s1 =	sld [smem:$0x3F96];
	s0 =	simm.s32 @p0 $0x1  }
0x13: {  	[smem:$0x3FB1] =	sst s0;
	s0 =	simm.s32 @!p1 $0x0  }
0x14: {  	s2 =	sld [smem:$0x3F95];
	s0 =	simm.s32 @p1 $0x1  }
0x15: {  	[smem:$0x3FB2] =	sst s0;
	s0 =	simm.s32 @!p2 $0x0  }
0x16: {  	s3 =	sld [smem:$0x3FDB];
	s0 =	simm.s32 @p2 $0x1  }
0x17: {  	s4 =	simm.s32 $0x1BF5;
	[smem:$0x3FB4] =	sst s0  }
0x18: {  	s0 =	sld [smem:$0x3F97];
	_ =	swait.ge [sflag:s4], $0x0  }
0x19: {  	s7 =	sld [smem:$0x3F98]  }
0x1a: {  	s8 =	sadd.s32 $0xFFFFE003, lr  }
0x1b: {  	s9 =	sadd.s32 $0xFFFFFEF7, lr;
	s5 =	simm.s32 $0xFFFFFFFF;
	p2 =	slt.u32 s8, $0xFFFFF086  }
0x1c: {  	p1 =	slt.u32 s9, $0xF7A;
	s5 =	simm.s32 @!p2 $0x0  }
0x1d: {  	s5 =	simm.s32 @p1 $0x1;
	p0 =	seq.s32 s7, s2  }
0x1e: {  	s7 =	smul.u32 @!p0 $0xF7A, s2;
	p2 =	seq.s32 @!p0 s5, $0x0  }
0x1f: {  	s9 =	smul.u32 $0xF7A, s1;
	s8 =	simm.s32 @!p0 $0x1BF5;
	p2 =	por !p2, p0  }
0x20: {  	[sflag:s8] =	ssyncset.s32 @!p0 $0xFFFFF086;
	s6 =	sadd.s32 @!p0 s3, s7;
	s7 =	simm.s32 @!p0 $0x108  }
0x21: {  	s3 =	sadd.s32 s3, s9;
	s6 =	sadd.s32 @!p0 $0x88, s6;
	s7 =	simm.s32 @p2 $0x1082  }
0x22: {  	[simem:s7], [sflag:s8] =	dma.local @!p0 [hbm:s6], $0xF7A  }
0x23: {  	s9 =	sor.u32 $0xD0000000, s2;
	s6 =	simm.s32 $0x108;
	_ =	swait.ge @!p0 [sflag:s8], $0x0  }
0x24: {  	s3 =	sadd.s32 $0x88, s3;
	s6 =	simm.s32 @!p1 $0x1082;
	[sflag:s4] =	ssyncset.s32 $0xFFFFF086  }
0x25: {  	[simem:s6], [sflag:s4] =	dma.local [hbm:s3], $0xF7A  }
0x26: {  	[smem:$0x3F98] =	sst s1;
	(tag) =	ssettag s2;
	_ =	strace s9  }
0x27: {  	s1 =	sld [smem:$0x3FA8]  }
0x28: {  	s2 =	sld [smem:$0x3FA9]  }
0x29: {  	s4 =	sld [smem:$0x3FAB]  }
0x2a: {  	p0 =	seq.s32 s5, $0x0;
	s5 =	sld [smem:$0x3FAC]  }
0x2b: {  	s6 =	sld [smem:$0x3FAD]  }
0x2c: {  	s7 =	sld [smem:$0x3FAE]  }
0x2d: {  	s3 =	simm.s32 $0x108;
	s8 =	sld [smem:$0x3FAF]  }
0x2e: {  	s3 =	simm.s32 @!p0 $0x1082;
	s9 =	sld [smem:$0x3FB0]  }
0x2f: {  	lr =	sadd.s32 s0, s3;
	s0 =	sld [smem:$0x3FA7]  }
0x30: {  	s3 =	sld [smem:$0x3FAA]  }
0x31: {  	[smem:$0x3FB3] =	sst s10  }
0x32: {  	s10 =	sld [smem:$0x3FB1];
	_ =	sdelay $0x3  }
0x33: {  	p0 =	seq.s32 s10, $0x1;
	s10 =	sld [smem:$0x3FB3];
	_ =	sdelay $0x3  }
0x34: {  	[smem:$0x3FB3] =	sst s10  }
0x35: {  	s10 =	sld [smem:$0x3FB2];
	_ =	sdelay $0x3  }
0x36: {  	p1 =	seq.s32 s10, $0x1;
	s10 =	sld [smem:$0x3FB3];
	_ =	sdelay $0x3  }
0x37: {  	[smem:$0x3FB3] =	sst s10  }
0x38: {  	s10 =	sld [smem:$0x3FB4]  }
0x39: {  	_ = 	snop;
	(pc) =	sbr.ind lr, $3  }
0x3a: {  	_ = 	snop  }
0x3b: {  	_ = 	snop  }
0x3c: {  	p2 =	seq.s32 s10, $0x1;
	s10 =	sld [smem:$0x3FB3]  }
0x3d: {  	_ =	shalt  }
0x3e: {  	_ =	shalt  }
0x3f: {  	_ =	shalt  }
0x40: {  	_ =	shalt  }
0x41: {  	_ =	shalt  }
0x42: {  	_ =	shalt  }
0x43: {  	_ =	shalt  }
0x44: {  	_ =	shalt  }
0x45: {  	_ =	shalt  }
0x46: {  	_ =	shalt  }
0x47: {  	_ =	shalt  }
0x48: {  	_ =	shalt  }
0x49: {  	_ =	shalt  }
0x4a: {  	_ =	shalt  }
0x4b: {  	_ =	shalt  }
0x4c: {  	_ =	shalt  }
0x4d: {  	_ =	shalt  }
0x4e: {  	_ =	shalt  }
0x4f: {  	_ =	shalt  }
0x50: {  	_ =	shalt  }
0x51: {  	_ =	shalt  }
0x52: {  	_ =	shalt  }
0x53: {  	_ =	shalt  }
0x54: {  	_ =	shalt  }
0x55: {  	_ =	shalt  }
0x56: {  	_ =	shalt  }
0x57: {  	_ =	shalt  }
0x58: {  	_ =	shalt  }
0x59: {  	_ =	shalt  }
0x5a: {  	_ =	shalt  }
0x5b: {  	_ =	shalt  }
0x5c: {  	_ =	shalt  }
0x5d: {  	_ =	shalt  }
0x5e: {  	_ =	shalt  }
0x5f: {  	_ =	shalt  }
0x60: {  	_ =	shalt  }
0x61: {  	_ =	shalt  }
0x62: {  	_ =	shalt  }
0x63: {  	_ =	shalt  }
0x64: {  	_ =	shalt  }
0x65: {  	_ =	shalt  }
0x66: {  	_ =	shalt  }
0x67: {  	_ =	shalt  }
0x68: {  	_ =	shalt  }
0x69: {  	_ =	shalt  }
0x6a: {  	_ =	shalt  }
0x6b: {  	_ =	shalt  }
0x6c: {  	_ =	shalt  }
0x6d: {  	_ =	shalt  }
0x6e: {  	_ =	shalt  }
0x6f: {  	_ =	shalt  }
0x70: {  	_ =	shalt  }
0x71: {  	_ =	shalt  }
0x72: {  	_ =	shalt  }
0x73: {  	_ =	shalt  }
0x74: {  	_ =	shalt  }
0x75: {  	_ =	shalt  }
0x76: {  	_ =	shalt  }
0x77: {  	_ =	shalt  }
0x78: {  	_ =	shalt  }
0x79: {  	_ =	shalt  }
0x7a: {  	_ =	shalt  }
0x7b: {  	_ =	shalt  }
0x7c: {  	_ =	shalt  }
0x7d: {  	_ =	shalt  }
0x7e: {  	_ =	shalt  }
0x7f: {  	_ =	shalt  }
0x80: {  	_ =	shalt  }
0x81: {  	_ =	shalt  }
0x82: {  	_ =	shalt  }
0x83: {  	_ =	shalt  }
0x84: {  	_ =	shalt  }
0x85: {  	_ =	shalt  }
0x86: {  	_ =	shalt  }
0x87: {  	_ =	shalt  }
.Lfunc_end0:
.L_simem_size_0:
called_computation.1_lowered:
.L_overlay_start_0:
0x88: {  	s2 =	sld [smem:$0x3FD9]  }
0x89: {  	s3 =	sld [smem:$0x3FFE];
	_ =	sdelay $0x1  }
0x8a: {  	s1 =	srdreg.scid  }
0x8b: {  	s0 =	sand.u32 $0x1, s1  }
0x8c: {  	s17 =	sshll.u32 s0, $0xA;
	s2 =	sadd.s32 s3, s2  }
0x8d: {  	s2 =	sadd.s32 s2, s17  }
0x8e: {  	[smem:$0x3FBF] =	sst s2  }
0x8f: {  	_ = 	snop  }
0x90: {  	s2 =	sld [smem:$0x3FD0];
	(tm) =	ssettm $0x1  }
0x91: {  	s18 =	sld [smem:$0x3FFB];
	_ =	sdelay $0x3  }
0x92: {  	_ =	strace s18  }
0x93: {  	s3 =	sld [smem:$0x3FFC];
	_ =	sdelay $0x3  }
0x94: {  	_ =	strace s3  }
0x95: {  	s3 =	sld [smem:$0x3FFD];
	_ =	sdelay $0x3  }
0x96: {  	_ =	strace s3  }
0x97: {  	_ =	strace $0x8FFFFFFF  }
0x98: {  	s19 =	sld [smem:$0x3FDB];
	_ =	sdelay $0x1  }
0x99: {  	s4 =	simm.s32 $_scs_section_size  }
0x9a: {  	s5 =	simm.s32 $_size__tile_overlayer_lowered;
	s6 =	simm.s32 $_tile_overlayer_lowered  }
0x9b: {  	s22 =	simm.s32 $0x1BFF;
	s21 =	sshll.u32 s6, $0x1;
	s3 =	sadd.s32 s4, s19  }
0x9c: {  	s7 =	simm.s32 $0x0;
	s20 =	sshll.u32 s5, $0x1;
	s5 =	sadd.s32 s21, s3  }
0x9d: {  	[timem:s7], [sflag:s22] =	dma.local [hbm:s5], s20  }
0x9e: {  	_ =	swait.ge [sflag:s22], s20  }
0x9f: {  	s4 =	ssub.s32 $0x0, s20;
	[sflag:s22] =	ssyncset.done $0x0  }
0xa0: {  	[sflag:s22] =	ssyncadd.s32 s4;
	_ =	sdelay $0x1  }
0xa1: {  	s23 =	simm.s32 $0x1B8B  }
0xa2: {  	_ =	swait.ge [sflag:s23], $0x1  }
0xa3: {  	[sflag:s23] =	ssyncset.done $0x0  }
0xa4: {  	s25 =	simm.s32 $0x1B8E;
	s24 =	sld [smem:$0x3FFE];
	[sflag:s23] =	ssyncadd.s32 $0xFFFFFFFF  }
0xa5: {  	s26 =	simm.s32 $execute0_lowered;
	[smem:$0x3FD2] =	sst s25  }
0xa6: {  	s5 =	sshll.u32 s26, $0x1;
	_ =	strace $0x80000046;
	[dreg:$0x1] =	wrdreg $0xFFFFFFFF  }
0xa7: {  	s28 =	simm.s32 $_size_execute0_lowered;
	s3 =	sadd.s32 s3, s5;
	[dreg:$0x0] =	wrdreg $0x0  }
0xa8: {  	s5 =	sshll.u32 s28, $0x1;
	[dreg:$0x2] =	wrdreg s3  }
0xa9: {  	[dreg:$0x3] =	wrdreg s5  }
0xaa: {  	[dreg:$0x4] =	wrdreg $0xC0  }
0xab: {  	_ =	task [dreg:s7], $0x5FFFF  }
0xac: {  	[dreg:$0x1] =	wrdreg $0xFFFFFFFF  }
0xad: {  	[dreg:$0x0] =	wrdreg $0x60  }
0xae: {  	[dreg:$0x2] =	wrdreg s2  }
0xaf: {  	[dreg:$0x3] =	wrdreg s24  }
0xb0: {  	[dreg:$0x4] =	wrdreg $0xA  }
0xb1: {  	_ =	task.clear_ibuf [dreg:s7], $0x5FFFF;
	_ =	strace $0x90000046  }
0xb2: {  	s29 =	simm.s32 $0xA;
	_ =	strace $0x80000048  }
0xb3: {  	_ =	swait.ge [sflag:s29], $0x1  }
0xb4: {  	[sflag:s29] =	ssyncadd.s32 $0xFFFFFFFF  }
0xb5: {  	_ =	strace $0x90000048  }
0xb6: {  	_ =	sfence  }
0xb7: {  	s30 =	sld [smem:$0x0];
	_ =	sdelay $0x2  }
0xb8: {  	s31 =	sshll.u32 s1, $0xD;
	s1 =	sshrl.u32 s1, $0x2  }
0xb9: {  	s3 =	sand.u32 $0x4000, s31;
	s1 =	sadd.s32 s1, s30  }
0xba: {  	s0 =	sor.u32 s3, s0;
	s1 =	sshll.u32 s1, $0x11  }
0xbb: {  	s0 =	sor.u32 s1, s0  }
0xbc: {  	s0 =	sadd.s32 $0x8F2B, s0  }
0xbd: {  	[sflag:s0] =	ssyncadd.remote.s32 $0x1  }
0xbe: {  	_ =	sfence.sel $0xFFFF  }
0xbf: {  	[dreg:$0x0] =	wrdreg $0xFFFFFFFF;
	(pc) =	sbr.abs _section_cstart, $3  }
0xc0: {  	[dreg:$0x1] =	wrdreg $0xFFFFFFFF  }
0xc1: {  	_ =	task.clear_ibuf [dreg:s7], $0x2FFFF;
	_ =	strace $0x9FFFFFFF  }
0xc2: {  	(tm) =	ssettm $0x7FFFFFFF  }
0xc3: {  	_ =	shalt  }
tec
execute0_lowered:
.L_overlay_start_1:
0x0: {  	(tag) =	ssettag $0x1  }
0x1: {  	s2 =	rddreg [dreg:$0x0]  }
0x2: {  	s6 =	rddreg [dreg:$0x1]  }
0x3: {  	s0 =	rddreg [dreg:$0x2]  }
0x4: {  	s4 =	srdreg.scid;
	s1 =	stileid.u32  }
0x5: {  	s3 =	simm.s32 $0x0;
	s11 =	simm.s32 $0x80;
	s12 =	simm.s32 $0x100  }
0x6: {  	s7 =	sand.u32 $0x1, s4;
	s30 =	smul.u32 $0x4F00, s1;
	[smem:$0x7FF] =	sst s3  }
0x7: {  	s13 =	simm.s32 $0x9500;
	s5 =	sshll.u32 s7, $0x7;
	_ =	strace $0x80000047  }
.Ltmp0:
0x8: {  	s8 =	ssub.s32 $0x2, s7;
	s4 =	sor.u32 s5, s30;
	(pc) =	sbr.rel .LBB2_1-.Ltmp0, $4  }
0x9: {  	s10 =	sshrl.u32 s8, $0x1;
	s9 =	sshrl.u32 s4, $0x3;
	s4 =	smul.u32 $0x278, s1  }
0xa: {  	s5 =	sadd.s32 $0x5800, s6;
	s8 =	ssub.s32 s8, s10;
	s10 =	simm.s32 $0x800  }
0xb: {  	v2 =	vimm.f32 $0.0e+00;
	v3 =	vlaneseq.u32;
	s9 =	sadd.s32 s9, s6;
	s6 =	smul.u32 $0x27100, s7;
	s31 =	sadd.s32 $0x278, s4  }
0xc: {  	v4 =	vimm.s32 $0x0;
	s8 =	smax.u32 s8, $0x1;
	s7 =	sadd.s32 $0x4FB400, s9;
	v0 =	vmov s4;
	s9 =	simm.s32 $0x1;
	v1 =	vmov s31  }
.LBB2_11:
0xd: {  	s3 =	sadd.s32 $0x1, s3  }
0xe: {  	p0 =	sne.s32 s3, s8  }
.Ltmp1:
0xf: {  	_ = 	snop;
	(pc) =	sbr.rel @!p0 .LBB2_12-.Ltmp1, $4  }
0x10: {  	[hbm4b:s7+s11] =	stream.strided.scatter [tilespmem:s13], [sflag:$0x1], $0x2780, s12, s11, $0x38;
	[tilespmem:$0xBC80] =	vst v63  }
0x11: {  	_ =	swait.ge [sflag:s9], $0x2780  }
0x12: {  	[sflag:s9] =	ssyncset.done $0x0  }
0x13: {  	[sflag:s9] =	ssyncadd.s32 $0xFFFFD880  }
.LBB2_1:
0x14: {  	s14 =	simm.s32 $0x40;
	s15 =	simm.s32 $0x0  }
.LBB2_2:
0x15: {  	p0 =	sne.s32 s14, $0x9DC0;
	[tilespmem:s15+$0x9500] =	vst v2;
	s15 =	smov.u32 s14;
	s14 =	sadd.s32 $0x40, s14  }
.Ltmp2:
0x16: {  	(pc) =	sbr.rel @p0 .LBB2_2-.Ltmp2, $2  }
0x17: {  	_ =	sdelay $0x2  }
0x18: {  	s15 =	sshra.s32 s15, $0x2  }
.Ltmp3:
0x19: {  	(pc) =	sbr.rel .LBB2_4-.Ltmp3, $2  }
0x1a: {  	_ =	sdelay $0x2  }
0x1b: {  	[tilespmem:s15+$0x9500] =	vst v2;
	s14 =	simm.s32 $0x0;
	s15 =	simm.s32 $0x0  }
.LBB2_9:
0x1c: {  	(v2sf) =	vpush v5, $0x0  }
0x1d: {  	(v2sf) =	vpush v6, $0x0;
	_ =	sdelay $0xd  }
0x1e: {  	s16 =	spop (v2sf)  }
0x1f: {  	s17 =	spop (v2sf)  }
0x20: {  	s16 =	sshll.u32 s16, $0x6;
	s17 =	ssub.s32 s17, s4  }
0x21: {  	s16 =	sshra.s32 s16, $0x2;
	s17 =	sshll.u32 s17, $0x6  }
0x22: {  	v5 =	vld [tilespmem:s16+$0x800];
	s17 =	sshra.s32 s17, $0x2  }
0x23: {  	v6 =	vld [tilespmem:s17+$0x9500];
	_ =	sdelay $0x4  }
0x24: {  	v5 =	vadd.f32 v5, v6;
	_ =	sdelay $0x1  }
0x25: {  	[tilespmem:s17+$0x9500] =	vst v5  }
.LBB2_10:
0x26: {  	s15 =	sadd.s32 $0x1, s15  }
0x27: {  	p0 =	sne.s32 s15, $0x50  }
.Ltmp4:
0x28: {  	_ = 	snop;
	(pc) =	sbr.rel @!p0 .LBB2_11-.Ltmp4, $1  }
0x29: {  	_ =	sdelay $0x3  }
.LBB2_4:
0x2a: {  	s16 =	smul.u32 $0x7D0, s15;
	_ =	sdelay $0x1  }
0x2b: {  	s16 =	sadd.s32 s6, s16  }
0x2c: {  	s17 =	sshrl.u32 s16, $0x3  }
0x2d: {  	s17 =	sadd.s32 s5, s17  }
0x2e: {  	[tilespmem:s14], [sflag:$0x1] =	stream.linear.gather [hbm4b:s17+s14], $0x7D0, $0x38;
	[tilespmem:$0xBC80] =	vst v63  }
0x2f: {  	_ =	swait.ge [sflag:s9], $0x7D0  }
0x30: {  	s16 =	sshll.u32 s16, $0x1;
	[sflag:s9] =	ssyncset.done $0x0  }
0x31: {  	s16 =	sadd.s32 s2, s16;
	[sflag:s9] =	ssyncadd.s32 $0xFFFFF830  }
0x32: {  	[tilespmem:s10], [sflag:$0x1] =	stream.linear.gather [hbm4b:s16+s14], $0x7D00, $0x38;
	[tilespmem:$0xBC80] =	vst v63  }
0x33: {  	_ =	swait.ge [sflag:s9], $0x7D00  }
0x34: {  	[sflag:s9] =	ssyncset.done $0x0  }
0x35: {  	[sflag:s9] =	ssyncadd.s32 $0xFFFF8300  }
0x36: {  	v5 =	vld [tilespmem:s14+$0x0];
	_ =	sdelay $0x4  }
0x37: {  	vm0 =	vge.s32 v5, v0;
	vm1 =	vlt.s32 v5, v1  }
0x38: {  	vm0 =	vmand vm0, vm1  }
0x39: {  	v6 =	vsel vm0, $0x1, v4  }
0x3a: {  	(xrf0) =	vadd.scan.msk.s32 $0xffff, v6;
	_ =	sdelay $0x2  }
0x3b: {  	v6 =	vor.u32 s14, v3;
	_ =	sdelay $0x2  }
0x3c: {  	[tilespmem:s14+$0x8500] =	vst.msk vm0, v6;
	v6, _, _ =	vpop (xrf0)  }
0x3d: {  	(v2sf) =	vpush v6, $0xF  }
0x3e: {  	s16 =	simm.s32 $0x10;
	[tilespmem:s14+$0x8D00] =	vst.msk vm0, v5  }
0x3f: {  	s18 =	simm.s32 $0x20;
	s19 =	simm.s32 $0x10;
	s17 =	simm.s32 $0x0;
	v5 =	vld [tilespmem:s16+$0x0]  }
.LBB2_5:
0x40: {  	p0 =	seq.s32 s18, $0x7C0;
	_ =	sdelay $0x3  }
0x41: {  	vm0 =	vge.s32 v5, v0;
	vm1 =	vlt.s32 v5, v1  }
0x42: {  	vm0 =	vmand vm0, vm1  }
0x43: {  	v6 =	vsel vm0, $0x1, v4  }
0x44: {  	(xrf0) =	vadd.scan.msk.s32 $0xffff, v6;
	_ =	sdelay $0x4  }
.Ltmp5:
0x45: {  	s20 =	spop (v2sf);
	(pc) =	sbr.rel @!p0 .LBB2_5-.Ltmp5, $4  }
0x46: {  	v6 =	vor.u32 s16, v3;
	s16 =	smov.u32 s18;
	v7, _, _ =	vpop (xrf0);
	s17 =	sadd.s32 s17, s20  }
0x47: {  	[tilespmem:s17+$0x8500] =	vst.msk vm0, v6;
	(v2sf) =	vpush v7, $0xF  }
0x48: {  	s19 =	sadd.s32 $0x10, s19;
	[tilespmem:s17+$0x8D00] =	vst.msk vm0, v5  }
0x49: {  	s18 =	sadd.s32 $0x10, s18;
	v5 =	vld [tilespmem:s19+$0x0]  }
0x4a: {  	_ =	sdelay $0x3  }
0x4b: {  	vm0 =	vge.s32 v5, v0;
	vm1 =	vlt.s32 v5, v1  }
0x4c: {  	vm0 =	vmand vm0, vm1  }
0x4d: {  	v6 =	vsel vm0, $0x1, v4  }
0x4e: {  	(xrf0) =	vadd.scan.msk.s32 $0xffff, v6;
	_ =	sdelay $0x5  }
0x4f: {  	v6, _, _ =	vpop (xrf0)  }
0x50: {  	(v2sf) =	vpush v6, $0xF;
	_ =	sdelay $0xd  }
0x51: {  	s18 =	spop (v2sf)  }
0x52: {  	v6 =	vor.u32 s16, v3;
	s16 =	sadd.s32 s17, s18;
	s17 =	spop (v2sf)  }
0x53: {  	s18 =	sadd.s32 s16, s17  }
0x54: {  	p0 =	slt.s32 s18, $0x1  }
.Ltmp6:
0x55: {  	_ = 	snop;
	(pc) =	sbr.rel @p0 .LBB2_10-.Ltmp6, $3  }
0x56: {  	_ =	sdelay $0x1  }
0x57: {  	[tilespmem:s16+$0x8500] =	vst.msk vm0, v6  }
0x58: {  	[tilespmem:s16+$0x8D00] =	vst.msk vm0, v5  }
0x59: {  	s18 =	sadd.s32 s16, s17  }
0x5a: {  	s17 =	simm.s32 $0x8500;
	p0 =	sne.s32 s18, $0x1  }
.Ltmp7:
0x5b: {  	s16 =	simm.s32 $0x8D00;
	v5 =	vld [tilespmem:s17+$0x0];
	(pc) =	sbr.rel @!p0 .LBB2_9-.Ltmp7, $2  }
0x5c: {  	v6 =	vld [tilespmem:s16+$0x0];
	_ =	sdelay $0x2  }
0x5d: {  	s18 =	sadd.s32 $0xFFFFFFFF, s18  }
.LBB2_8:
0x5e: {  	p0 =	sne.s32 s18, $0x1;
	_ =	sdelay $0x2  }
0x5f: {  	(v2sf) =	vpush v5, $0x0  }
0x60: {  	(v2sf) =	vpush v6, $0x0;
	_ =	sdelay $0xd  }
0x61: {  	s19 =	spop (v2sf)  }
0x62: {  	s20 =	spop (v2sf)  }
0x63: {  	s19 =	sshll.u32 s19, $0x6;
	s20 =	ssub.s32 s20, s4  }
0x64: {  	s19 =	sshra.s32 s19, $0x2;
	s20 =	sshll.u32 s20, $0x6  }
0x65: {  	s20 =	sshra.s32 s20, $0x2;
	v5 =	vld [tilespmem:s19+$0x800]  }
0x66: {  	v6 =	vld [tilespmem:s20+$0x9500];
	_ =	sdelay $0x4  }
.Ltmp8:
0x67: {  	v5 =	vadd.f32 v5, v6;
	(pc) =	sbr.rel @p0 .LBB2_8-.Ltmp8, $4  }
0x68: {  	_ = 	snop  }
0x69: {  	s17 =	sadd.s32 $0x1, s17;
	[tilespmem:s20+$0x9500] =	vst v5  }
0x6a: {  	s16 =	sadd.s32 $0x1, s16;
	v5 =	vld [tilespmem:s17+$0x0]  }
0x6b: {  	s18 =	sadd.s32 $0xFFFFFFFF, s18;
	v6 =	vld [tilespmem:s16+$0x0]  }
.Ltmp9:
0x6c: {  	_ = 	snop;
	(pc) =	sbr.rel .LBB2_9-.Ltmp9, $1  }
0x6d: {  	_ =	sdelay $0x3  }
.LBB2_12:
0x6e: {  	_ =	sfence.sel $0x180000  }
0x6f: {  	[bflag:$0x0] =	sbarrier.arrive $0xFFFF  }
0x70: {  	p0 =	sne.s32 s1, $0x0;
	_ =	strace $0x90000047  }
0x71: {  	s0 =	sadd.s32 @!p0 $0x100000, s0;
	[bflag:$0x2] =	sbarrier.arrive $0xFFFF  }
0x72: {  	[sflag:s0] =	ssyncadd.tile.s32 @!p0 $0x1;
	_ =	shalt  }
.Lfunc_end2:
_tile_overlayer_lowered:
.L_overlay_start_2:
0x73: {  	(tag) =	ssettag $0x2  }
0x74: {  	s0 =	rddreg [dreg:$0x0];
	s2 =	stileid.u32  }
0x75: {  	s1 =	rddreg [dreg:$0x1];
	p0 =	sne.s32 s2, $0x0  }
0x76: {  	s3 =	rddreg [dreg:$0x2];
	[bflag:$0x3] =	sbarrier.arrive $0xFFFF;
	s2 =	simm.s32 @!p0 $0x1C01  }
0x77: {  	[timem:s3], [sflag:s2] =	dma.local @!p0 [hbm:s0], s1  }
0x78: {  	s0 =	simm.s32 @!p0 $0x1  }
0x79: {  	_ =	swait.ge @!p0 [sflag:s0], s1  }
0x7a: {  	s1 =	ssub.s32 @!p0 $0x0, s1;
	[sflag:s0] =	ssyncset.done @!p0 $0x0  }
0x7b: {  	[sflag:s0] =	ssyncadd.s32 @!p0 s1  }
0x7c: {  	[bflag:$0x3] =	sbarrier.arrive $0xFFFF  }
0x7d: {  	_ =	shalt  }

// kernel: kernel.18.cloned.1.call-start
scs
__scs_entry_jumppad:
0x0: {  	(pc) =	sbr.rel $0x88, $3  }
0x1: {  	(tag) =	ssettag $0x0;
	lr =	simm.s32 $0x1  }
0x2: {  	[smem:$0x3F98] =	sst lr;
	_ =	strace $0xD0000000  }
0x3: {  	_ = 	snop  }
0x4: {  	_ = 	snop  }
0x5: {  	_ = 	snop  }
0x6: {  	_ = 	snop  }
0x7: {  	_ = 	snop  }
__scs_overlays_trampoline_lowered:
0x8: {  	[smem:$0x3FA7] =	sst s0  }
0x9: {  	[smem:$0x3FA8] =	sst s1  }
0xa: {  	[smem:$0x3FA9] =	sst s2  }
0xb: {  	[smem:$0x3FAA] =	sst s3  }
0xc: {  	[smem:$0x3FAB] =	sst s4  }
0xd: {  	[smem:$0x3FAC] =	sst s5  }
0xe: {  	[smem:$0x3FAD] =	sst s6  }
0xf: {  	[smem:$0x3FAE] =	sst s7  }
0x10: {  	[smem:$0x3FAF] =	sst s8  }
0x11: {  	[smem:$0x3FB0] =	sst s9;
	s0 =	simm.s32 @!p0 $0x0  }
0x12: {  	s1 =	sld [smem:$0x3F96];
	s0 =	simm.s32 @p0 $0x1  }
0x13: {  	[smem:$0x3FB1] =	sst s0;
	s0 =	simm.s32 @!p1 $0x0  }
0x14: {  	s2 =	sld [smem:$0x3F95];
	s0 =	simm.s32 @p1 $0x1  }
0x15: {  	[smem:$0x3FB2] =	sst s0;
	s0 =	simm.s32 @!p2 $0x0  }
0x16: {  	s3 =	sld [smem:$0x3FDB];
	s0 =	simm.s32 @p2 $0x1  }
0x17: {  	s4 =	simm.s32 $0x1BF5;
	[smem:$0x3FB4] =	sst s0  }
0x18: {  	s0 =	sld [smem:$0x3F97];
	_ =	swait.ge [sflag:s4], $0x0  }
0x19: {  	s7 =	sld [smem:$0x3F98]  }
0x1a: {  	s8 =	sadd.s32 $0xFFFFE003, lr  }
0x1b: {  	s9 =	sadd.s32 $0xFFFFFEF7, lr;
	s5 =	simm.s32 $0xFFFFFFFF;
	p2 =	slt.u32 s8, $0xFFFFF086  }
0x1c: {  	p1 =	slt.u32 s9, $0xF7A;
	s5 =	simm.s32 @!p2 $0x0  }
0x1d: {  	s5 =	simm.s32 @p1 $0x1;
	p0 =	seq.s32 s7, s2  }
0x1e: {  	s7 =	smul.u32 @!p0 $0xF7A, s2;
	p2 =	seq.s32 @!p0 s5, $0x0  }
0x1f: {  	s9 =	smul.u32 $0xF7A, s1;
	s8 =	simm.s32 @!p0 $0x1BF5;
	p2 =	por !p2, p0  }
0x20: {  	[sflag:s8] =	ssyncset.s32 @!p0 $0xFFFFF086;
	s6 =	sadd.s32 @!p0 s3, s7;
	s7 =	simm.s32 @!p0 $0x108  }
0x21: {  	s3 =	sadd.s32 s3, s9;
	s6 =	sadd.s32 @!p0 $0x88, s6;
	s7 =	simm.s32 @p2 $0x1082  }
0x22: {  	[simem:s7], [sflag:s8] =	dma.local @!p0 [hbm:s6], $0xF7A  }
0x23: {  	s9 =	sor.u32 $0xD0000000, s2;
	s6 =	simm.s32 $0x108;
	_ =	swait.ge @!p0 [sflag:s8], $0x0  }
0x24: {  	s3 =	sadd.s32 $0x88, s3;
	s6 =	simm.s32 @!p1 $0x1082;
	[sflag:s4] =	ssyncset.s32 $0xFFFFF086  }
0x25: {  	[simem:s6], [sflag:s4] =	dma.local [hbm:s3], $0xF7A  }
0x26: {  	[smem:$0x3F98] =	sst s1;
	(tag) =	ssettag s2;
	_ =	strace s9  }
0x27: {  	s1 =	sld [smem:$0x3FA8]  }
0x28: {  	s2 =	sld [smem:$0x3FA9]  }
0x29: {  	s4 =	sld [smem:$0x3FAB]  }
0x2a: {  	p0 =	seq.s32 s5, $0x0;
	s5 =	sld [smem:$0x3FAC]  }
0x2b: {  	s6 =	sld [smem:$0x3FAD]  }
0x2c: {  	s7 =	sld [smem:$0x3FAE]  }
0x2d: {  	s3 =	simm.s32 $0x108;
	s8 =	sld [smem:$0x3FAF]  }
0x2e: {  	s3 =	simm.s32 @!p0 $0x1082;
	s9 =	sld [smem:$0x3FB0]  }
0x2f: {  	lr =	sadd.s32 s0, s3;
	s0 =	sld [smem:$0x3FA7]  }
0x30: {  	s3 =	sld [smem:$0x3FAA]  }
0x31: {  	[smem:$0x3FB3] =	sst s10  }
0x32: {  	s10 =	sld [smem:$0x3FB1];
	_ =	sdelay $0x3  }
0x33: {  	p0 =	seq.s32 s10, $0x1;
	s10 =	sld [smem:$0x3FB3];
	_ =	sdelay $0x3  }
0x34: {  	[smem:$0x3FB3] =	sst s10  }
0x35: {  	s10 =	sld [smem:$0x3FB2];
	_ =	sdelay $0x3  }
0x36: {  	p1 =	seq.s32 s10, $0x1;
	s10 =	sld [smem:$0x3FB3];
	_ =	sdelay $0x3  }
0x37: {  	[smem:$0x3FB3] =	sst s10  }
0x38: {  	s10 =	sld [smem:$0x3FB4]  }
0x39: {  	_ = 	snop;
	(pc) =	sbr.ind lr, $3  }
0x3a: {  	_ = 	snop  }
0x3b: {  	_ = 	snop  }
0x3c: {  	p2 =	seq.s32 s10, $0x1;
	s10 =	sld [smem:$0x3FB3]  }
0x3d: {  	_ =	shalt  }
0x3e: {  	_ =	shalt  }
0x3f: {  	_ =	shalt  }
0x40: {  	_ =	shalt  }
0x41: {  	_ =	shalt  }
0x42: {  	_ =	shalt  }
0x43: {  	_ =	shalt  }
0x44: {  	_ =	shalt  }
0x45: {  	_ =	shalt  }
0x46: {  	_ =	shalt  }
0x47: {  	_ =	shalt  }
0x48: {  	_ =	shalt  }
0x49: {  	_ =	shalt  }
0x4a: {  	_ =	shalt  }
0x4b: {  	_ =	shalt  }
0x4c: {  	_ =	shalt  }
0x4d: {  	_ =	shalt  }
0x4e: {  	_ =	shalt  }
0x4f: {  	_ =	shalt  }
0x50: {  	_ =	shalt  }
0x51: {  	_ =	shalt  }
0x52: {  	_ =	shalt  }
0x53: {  	_ =	shalt  }
0x54: {  	_ =	shalt  }
0x55: {  	_ =	shalt  }
0x56: {  	_ =	shalt  }
0x57: {  	_ =	shalt  }
0x58: {  	_ =	shalt  }
0x59: {  	_ =	shalt  }
0x5a: {  	_ =	shalt  }
0x5b: {  	_ =	shalt  }
0x5c: {  	_ =	shalt  }
0x5d: {  	_ =	shalt  }
0x5e: {  	_ =	shalt  }
0x5f: {  	_ =	shalt  }
0x60: {  	_ =	shalt  }
0x61: {  	_ =	shalt  }
0x62: {  	_ =	shalt  }
0x63: {  	_ =	shalt  }
0x64: {  	_ =	shalt  }
0x65: {  	_ =	shalt  }
0x66: {  	_ =	shalt  }
0x67: {  	_ =	shalt  }
0x68: {  	_ =	shalt  }
0x69: {  	_ =	shalt  }
0x6a: {  	_ =	shalt  }
0x6b: {  	_ =	shalt  }
0x6c: {  	_ =	shalt  }
0x6d: {  	_ =	shalt  }
0x6e: {  	_ =	shalt  }
0x6f: {  	_ =	shalt  }
0x70: {  	_ =	shalt  }
0x71: {  	_ =	shalt  }
0x72: {  	_ =	shalt  }
0x73: {  	_ =	shalt  }
0x74: {  	_ =	shalt  }
0x75: {  	_ =	shalt  }
0x76: {  	_ =	shalt  }
0x77: {  	_ =	shalt  }
0x78: {  	_ =	shalt  }
0x79: {  	_ =	shalt  }
0x7a: {  	_ =	shalt  }
0x7b: {  	_ =	shalt  }
0x7c: {  	_ =	shalt  }
0x7d: {  	_ =	shalt  }
0x7e: {  	_ =	shalt  }
0x7f: {  	_ =	shalt  }
0x80: {  	_ =	shalt  }
0x81: {  	_ =	shalt  }
0x82: {  	_ =	shalt  }
0x83: {  	_ =	shalt  }
0x84: {  	_ =	shalt  }
0x85: {  	_ =	shalt  }
0x86: {  	_ =	shalt  }
0x87: {  	_ =	shalt  }
.Lfunc_end0:
.L_simem_size_0:
called_computation.2_lowered:
.L_overlay_start_0:
0x88: {  	s2 =	sld [smem:$0x3FD9]  }
0x89: {  	s3 =	sld [smem:$0x3FFE];
	_ =	sdelay $0x1  }
0x8a: {  	s1 =	srdreg.scid  }
0x8b: {  	s0 =	sand.u32 $0x1, s1  }
0x8c: {  	s17 =	sshll.u32 s0, $0xA;
	s2 =	sadd.s32 s3, s2  }
0x8d: {  	s2 =	sadd.s32 s2, s17  }
0x8e: {  	[smem:$0x3FBF] =	sst s2  }
0x8f: {  	_ = 	snop  }
0x90: {  	s2 =	sld [smem:$0x3FD0];
	(tm) =	ssettm $0x1  }
0x91: {  	s18 =	sld [smem:$0x3FFB];
	_ =	sdelay $0x3  }
0x92: {  	_ =	strace s18  }
0x93: {  	s3 =	sld [smem:$0x3FFC];
	_ =	sdelay $0x3  }
0x94: {  	_ =	strace s3  }
0x95: {  	s3 =	sld [smem:$0x3FFD];
	_ =	sdelay $0x3  }
0x96: {  	_ =	strace s3  }
0x97: {  	_ =	strace $0x8FFFFFFF  }
0x98: {  	s19 =	sld [smem:$0x3FDB];
	_ =	sdelay $0x1  }
0x99: {  	s4 =	simm.s32 $_scs_section_size  }
0x9a: {  	s5 =	simm.s32 $_size__tile_overlayer_lowered;
	s6 =	simm.s32 $_tile_overlayer_lowered  }
0x9b: {  	s22 =	simm.s32 $0x1BFF;
	s21 =	sshll.u32 s6, $0x1;
	s3 =	sadd.s32 s4, s19  }
0x9c: {  	s7 =	simm.s32 $0x0;
	s20 =	sshll.u32 s5, $0x1;
	s5 =	sadd.s32 s21, s3  }
0x9d: {  	[timem:s7], [sflag:s22] =	dma.local [hbm:s5], s20  }
0x9e: {  	_ =	swait.ge [sflag:s22], s20  }
0x9f: {  	s4 =	ssub.s32 $0x0, s20;
	[sflag:s22] =	ssyncset.done $0x0  }
0xa0: {  	[sflag:s22] =	ssyncadd.s32 s4;
	_ =	sdelay $0x1  }
0xa1: {  	s23 =	simm.s32 $0x1B8B  }
0xa2: {  	_ =	swait.ge [sflag:s23], $0x1  }
0xa3: {  	[sflag:s23] =	ssyncset.done $0x0  }
0xa4: {  	s25 =	simm.s32 $0x1B8E;
	s24 =	sld [smem:$0x3FFE];
	[sflag:s23] =	ssyncadd.s32 $0xFFFFFFFF  }
0xa5: {  	s26 =	simm.s32 $execute0_lowered;
	[smem:$0x3FD2] =	sst s25  }
0xa6: {  	s5 =	sshll.u32 s26, $0x1;
	_ =	strace $0x8000004C;
	[dreg:$0x1] =	wrdreg $0xFFFFFFFF  }
0xa7: {  	s28 =	simm.s32 $_size_execute0_lowered;
	s3 =	sadd.s32 s3, s5;
	[dreg:$0x0] =	wrdreg $0x0  }
0xa8: {  	s5 =	sshll.u32 s28, $0x1;
	[dreg:$0x2] =	wrdreg s3  }
0xa9: {  	[dreg:$0x3] =	wrdreg s5  }
0xaa: {  	[dreg:$0x4] =	wrdreg $0xC0  }
0xab: {  	_ =	task [dreg:s7], $0x5FFFF  }
0xac: {  	[dreg:$0x1] =	wrdreg $0xFFFFFFFF  }
0xad: {  	[dreg:$0x0] =	wrdreg $0x60  }
0xae: {  	[dreg:$0x2] =	wrdreg s2  }
0xaf: {  	[dreg:$0x3] =	wrdreg s24  }
0xb0: {  	[dreg:$0x4] =	wrdreg $0xA  }
0xb1: {  	_ =	task.clear_ibuf [dreg:s7], $0x5FFFF;
	_ =	strace $0x9000004C  }
0xb2: {  	s29 =	simm.s32 $0xA;
	_ =	strace $0x8000004E  }
0xb3: {  	_ =	swait.ge [sflag:s29], $0x1  }
0xb4: {  	[sflag:s29] =	ssyncadd.s32 $0xFFFFFFFF  }
0xb5: {  	_ =	strace $0x9000004E  }
0xb6: {  	_ =	sfence  }
0xb7: {  	s30 =	sld [smem:$0x0];
	_ =	sdelay $0x2  }
0xb8: {  	s31 =	sshll.u32 s1, $0xD;
	s1 =	sshrl.u32 s1, $0x2  }
0xb9: {  	s3 =	sand.u32 $0x4000, s31;
	s1 =	sadd.s32 s1, s30  }
0xba: {  	s0 =	sor.u32 s3, s0;
	s1 =	sshll.u32 s1, $0x11  }
0xbb: {  	s0 =	sor.u32 s1, s0  }
0xbc: {  	s0 =	sadd.s32 $0x8F2B, s0  }
0xbd: {  	[sflag:s0] =	ssyncadd.remote.s32 $0x1  }
0xbe: {  	_ =	sfence.sel $0xFFFF  }
0xbf: {  	[dreg:$0x0] =	wrdreg $0xFFFFFFFF;
	(pc) =	sbr.abs _section_cstart, $3  }
0xc0: {  	[dreg:$0x1] =	wrdreg $0xFFFFFFFF  }
0xc1: {  	_ =	task.clear_ibuf [dreg:s7], $0x2FFFF;
	_ =	strace $0x9FFFFFFF  }
0xc2: {  	(tm) =	ssettm $0x7FFFFFFF  }
0xc3: {  	_ =	shalt  }
tec
execute0_lowered:
.L_overlay_start_1:
0x0: {  	(tag) =	ssettag $0x1  }
0x1: {  	s1 =	rddreg [dreg:$0x0]  }
0x2: {  	s6 =	rddreg [dreg:$0x1]  }
0x3: {  	s0 =	rddreg [dreg:$0x2];
	s2 =	simm.s32 $0x0;
	s3 =	srdreg.scid  }
0x4: {  	s13 =	simm.s32 $0x40;
	s14 =	simm.s32 $0x100;
	s15 =	simm.s32 $0x1  }
0x5: {  	s16 =	simm.s32 $0x2100;
	s17 =	simm.s32 $0x0;
	[smem:$0x7FF] =	sst s2  }
0x6: {  	s7 =	sand.u32 $0x1, s3;
	s4 =	sadd.s32 $0xF600, s6;
	s3 =	stileid.u32  }
0x7: {  	s5 =	sadd.s32 $0x5800, s6;
	_ =	strace $0x8000004D;
	s8 =	ssub.s32 $0x2, s7  }
0x8: {  	s10 =	sshll.u32 s3, $0x1;
	s11 =	sshll.u32 s3, $0xB;
	s30 =	sshll.u32 s3, $0x7  }
0x9: {  	s31 =	sshll.u32 s7, $0x6;
	s12 =	sshll.u32 s7, $0xA;
	s9 =	sshrl.u32 s8, $0x1  }
0xa: {  	s26 =	sor.u32 s10, s7;
	s28 =	sadd.s32 s11, s6;
	s11 =	simm.s32 $0x2  }
0xb: {  	s8 =	ssub.s32 s8, s9;
	s29 =	ssub.s32 $0x13A7, s26;
	s10 =	sadd.s32 s12, s28  }
0xc: {  	s12 =	simm.s32 $0x80;
	s6 =	smax.u32 s8, $0x1;
	s7 =	sshrl.u32 s29, $0x5  }
0xd: {  	s8 =	sor.u32 s31, s30;
	s9 =	sadd.s32 $0x57CE00, s10;
	s10 =	sadd.s32 $0xA5EE00, s10  }
.LBB2_1:
0xe: {  	p1 =	sne.s32 s7, $0x1  }
.Ltmp0:
0xf: {  	_ = 	snop;
	(pc) =	sbr.rel @!p1 .LBB2_2-.Ltmp0, $2  }
0x10: {  	_ =	sdelay $0x2  }
0x11: {  	s18 =	sadd.s32 $0xFFFFFFFF, s7;
	s22 =	sshrl.u32 s8, $0x3;
	p0 =	por $0x0, $0x0  }
0x12: {  	s19 =	sadd.s32 s4, s22  }
0x13: {  	[tilespmem:s2], [sflag:$0x2] =	stream.linear.gather [hbm4b:s19+s2], $0x40, $0x38;
	[tilespmem:$0x4100] =	vst v63  }
0x14: {  	_ =	swait.ge [sflag:s11], $0x40  }
0x15: {  	[sflag:s11] =	ssyncset.done $0x0  }
0x16: {  	s31 =	sadd.s32 s5, s22;
	[sflag:s11] =	ssyncadd.s32 $0xFFFFFFC0  }
0x17: {  	[tilespmem:s12], [sflag:$0x2] =	stream.linear.gather [hbm4b:s31+s2], $0x40, $0x38;
	[tilespmem:$0x4100] =	vst v63  }
0x18: {  	_ =	swait.ge [sflag:s11], $0x40  }
0x19: {  	[sflag:s11] =	ssyncset.done $0x0  }
0x1a: {  	[sflag:s11] =	ssyncadd.s32 $0xFFFFFFC0  }
0x1b: {  	[tilespmem:s14], [sflag:$0x1] =	stream.indirect.gather [hbm4b:s1+s13], $0x80, s2, s13, $0xb8;
	[tilespmem:$0x4100] =	vst v63  }
0x1c: {  	_ =	swait.ge [sflag:s15], $0x2000  }
0x1d: {  	[sflag:s15] =	ssyncset.done $0x0  }
0x1e: {  	[sflag:s15] =	ssyncadd.s32 $0xFFFFE000  }
0x1f: {  	[tilespmem:s16], [sflag:$0x1] =	stream.indirect.gather [hbm4b:s1+s13], $0x80, s12, s13, $0xb8;
	[tilespmem:$0x4100] =	vst v63  }
0x20: {  	_ =	swait.ge [sflag:s15], $0x2000  }
0x21: {  	[sflag:s15] =	ssyncset.done $0x0  }
0x22: {  	[sflag:s15] =	ssyncadd.s32 $0xFFFFE000  }
0x23: {  	[hbm4b:s9+s2] =	stream.linear.scatter [tilespmem:s14], [sflag:$0x2], $0x2000, $0x38;
	[tilespmem:$0x4100] =	vst v63  }
0x24: {  	p1 =	sne.s32 s18, $0x1;
	_ =	swait.ge [sflag:s11], $0x2000  }
.Ltmp1:
0x25: {  	[sflag:s11] =	ssyncset.done $0x0;
	(pc) =	sbr.rel @!p1 .LBB2_4-.Ltmp1, $4  }
0x26: {  	s20 =	sadd.s32 $0x800, s8;
	s21 =	sadd.s32 $0xFFFFFFFF, s18;
	[sflag:s11] =	ssyncadd.s32 $0xFFFFE000  }
0x27: {  	[hbm4b:s10+s2] =	stream.linear.scatter [tilespmem:s16], [sflag:$0x2], $0x2000, $0x38;
	[tilespmem:$0x4100] =	vst v63  }
0x28: {  	s18 =	sadd.s32 $0x8000, s10;
	p0 =	por $0x1, $0x1;
	_ =	swait.ge [sflag:s11], $0x2000  }
0x29: {  	s22 =	sshrl.u32 s20, $0x3;
	s19 =	smov.u32 s9;
	[sflag:s11] =	ssyncset.done $0x0  }
.LBB2_5:
0x2a: {  	s23 =	sadd.s32 s4, s22;
	[sflag:s11] =	ssyncadd.s32 $0xFFFFE000;
	s19 =	sadd.s32 $0x8000, s19  }
0x2b: {  	[tilespmem:s2], [sflag:$0x2] =	stream.linear.gather [hbm4b:s23+s2], $0x40, $0x38;
	[tilespmem:$0x4100] =	vst v63  }
0x2c: {  	p1 =	sne.s32 s21, $0x1;
	s21 =	sadd.s32 $0xFFFFFFFF, s21;
	_ =	swait.ge [sflag:s11], $0x40  }
0x2d: {  	[sflag:s11] =	ssyncset.done $0x0  }
0x2e: {  	s22 =	sadd.s32 s5, s22;
	[sflag:s11] =	ssyncadd.s32 $0xFFFFFFC0  }
0x2f: {  	[tilespmem:s12], [sflag:$0x2] =	stream.linear.gather [hbm4b:s22+s2], $0x40, $0x38;
	[tilespmem:$0x4100] =	vst v63  }
0x30: {  	_ =	swait.ge [sflag:s11], $0x40  }
0x31: {  	[sflag:s11] =	ssyncset.done $0x0  }
0x32: {  	[sflag:s11] =	ssyncadd.s32 $0xFFFFFFC0  }
0x33: {  	[tilespmem:s14], [sflag:$0x1] =	stream.indirect.gather [hbm4b:s1+s13], $0x80, s2, s13, $0xb8;
	[tilespmem:$0x4100] =	vst v63  }
0x34: {  	_ =	swait.ge [sflag:s15], $0x2000  }
0x35: {  	[sflag:s15] =	ssyncset.done $0x0  }
0x36: {  	[sflag:s15] =	ssyncadd.s32 $0xFFFFE000  }
0x37: {  	[tilespmem:s16], [sflag:$0x1] =	stream.indirect.gather [hbm4b:s1+s13], $0x80, s12, s13, $0xb8;
	[tilespmem:$0x4100] =	vst v63  }
0x38: {  	_ =	swait.ge [sflag:s15], $0x2000  }
0x39: {  	[sflag:s15] =	ssyncset.done $0x0  }
0x3a: {  	[sflag:s15] =	ssyncadd.s32 $0xFFFFE000  }
0x3b: {  	[hbm4b:s19+s2] =	stream.linear.scatter [tilespmem:s14], [sflag:$0x2], $0x2000, $0x38;
	[tilespmem:$0x4100] =	vst v63  }
0x3c: {  	_ =	swait.ge [sflag:s11], $0x2000  }
.Ltmp2:
0x3d: {  	[sflag:s11] =	ssyncset.done $0x0;
	(pc) =	sbr.rel @p1 .LBB2_5-.Ltmp2, $4  }
0x3e: {  	[sflag:s11] =	ssyncadd.s32 $0xFFFFE000  }
0x3f: {  	[hbm4b:s18+s2] =	stream.linear.scatter [tilespmem:s16], [sflag:$0x2], $0x2000, $0x38;
	[tilespmem:$0x4100] =	vst v63  }
0x40: {  	s20 =	sadd.s32 $0x800, s20;
	_ =	swait.ge [sflag:s11], $0x2000  }
0x41: {  	s22 =	sshrl.u32 s20, $0x3;
	s18 =	sadd.s32 $0x8000, s18;
	[sflag:s11] =	ssyncset.done $0x0  }
.LBB2_6:
0x42: {  	s20 =	sadd.s32 s4, s22;
	[sflag:s11] =	ssyncadd.s32 @p0 $0xFFFFE000  }
0x43: {  	[tilespmem:s2], [sflag:$0x2] =	stream.linear.gather [hbm4b:s20+s2], $0x40, $0x38;
	[tilespmem:$0x4100] =	vst v63  }
0x44: {  	_ =	swait.ge [sflag:s11], $0x40  }
0x45: {  	[sflag:s11] =	ssyncset.done $0x0  }
0x46: {  	s31 =	sadd.s32 s5, s22;
	[sflag:s11] =	ssyncadd.s32 $0xFFFFFFC0  }
0x47: {  	[tilespmem:s12], [sflag:$0x2] =	stream.linear.gather [hbm4b:s31+s2], $0x40, $0x38;
	[tilespmem:$0x4100] =	vst v63  }
0x48: {  	_ =	swait.ge [sflag:s11], $0x40  }
0x49: {  	[sflag:s11] =	ssyncset.done $0x0  }
0x4a: {  	[sflag:s11] =	ssyncadd.s32 $0xFFFFFFC0  }
0x4b: {  	[tilespmem:s14], [sflag:$0x1] =	stream.indirect.gather [hbm4b:s1+s13], $0x80, s2, s13, $0xb8;
	[tilespmem:$0x4100] =	vst v63  }
0x4c: {  	_ =	swait.ge [sflag:s15], $0x2000  }
0x4d: {  	[sflag:s15] =	ssyncset.done $0x0  }
0x4e: {  	[sflag:s15] =	ssyncadd.s32 $0xFFFFE000  }
0x4f: {  	[tilespmem:s16], [sflag:$0x1] =	stream.indirect.gather [hbm4b:s1+s13], $0x80, s12, s13, $0xb8;
	[tilespmem:$0x4100] =	vst v63  }
0x50: {  	_ =	swait.ge [sflag:s15], $0x2000  }
0x51: {  	s19 =	sadd.s32 @p0 $0x8000, s19;
	s20 =	smov.u32 s9;
	[sflag:s15] =	ssyncset.done $0x0  }
0x52: {  	s20 =	smov.u32 @p0 s19;
	[sflag:s15] =	ssyncadd.s32 $0xFFFFE000  }
0x53: {  	[hbm4b:s20+s2] =	stream.linear.scatter [tilespmem:s14], [sflag:$0x2], $0x2000, $0x38;
	[tilespmem:$0x4100] =	vst v63  }
0x54: {  	_ =	swait.ge [sflag:s11], $0x2000  }
0x55: {  	s17 =	sadd.s32 $0x1, s17;
	[sflag:s11] =	ssyncset.done $0x0  }
0x56: {  	p0 =	sne.s32 s17, s6;
	[sflag:s11] =	ssyncadd.s32 $0xFFFFE000  }
0x57: {  	[hbm4b:s18+s2] =	stream.linear.scatter [tilespmem:s16], [sflag:$0x2], $0x2000, $0x38;
	[tilespmem:$0x4100] =	vst v63  }
.Ltmp3:
0x58: {  	_ = 	snop;
	(pc) =	sbr.rel @p0 .LBB2_1-.Ltmp3, $4  }
.Ltmp4:
0x59: {  	_ = 	snop;
	(pc) =	sbr.rel @!p0 .LBB2_7-.Ltmp4, $4  }
0x5a: {  	_ =	swait.ge [sflag:s11], $0x2000  }
0x5b: {  	[sflag:s11] =	ssyncset.done $0x0  }
0x5c: {  	[sflag:s11] =	ssyncadd.s32 $0xFFFFE000  }
0x5d: {  	_ = 	snop  }
.LBB2_2:
.Ltmp5:
0x5e: {  	(pc) =	sbr.rel .LBB2_6-.Ltmp5, $2  }
0x5f: {  	_ =	sdelay $0x2  }
0x60: {  	s19 =	smov.u32 s9;
	s18 =	smov.u32 s10  }
.LBB2_4:
.Ltmp6:
0x61: {  	(pc) =	sbr.rel .LBB2_6-.Ltmp6, $2  }
0x62: {  	_ =	sdelay $0x2  }
0x63: {  	s19 =	smov.u32 s9  }
.LBB2_7:
0x64: {  	_ =	sfence.sel $0x180000  }
0x65: {  	[bflag:$0x0] =	sbarrier.arrive $0xFFFF  }
0x66: {  	p0 =	sne.s32 s3, $0x0;
	_ =	strace $0x9000004D  }
0x67: {  	s0 =	sadd.s32 @!p0 $0x100000, s0;
	[bflag:$0x2] =	sbarrier.arrive $0xFFFF  }
0x68: {  	[sflag:s0] =	ssyncadd.tile.s32 @!p0 $0x1;
	_ =	shalt  }
.Lfunc_end2:
_tile_overlayer_lowered:
.L_overlay_start_2:
0x69: {  	(tag) =	ssettag $0x2  }
0x6a: {  	s0 =	rddreg [dreg:$0x0];
	s2 =	stileid.u32  }
0x6b: {  	s1 =	rddreg [dreg:$0x1];
	p0 =	sne.s32 s2, $0x0  }
0x6c: {  	s3 =	rddreg [dreg:$0x2];
	[bflag:$0x3] =	sbarrier.arrive $0xFFFF;
	s2 =	simm.s32 @!p0 $0x1C02  }
0x6d: {  	[timem:s3], [sflag:s2] =	dma.local @!p0 [hbm:s0], s1  }
0x6e: {  	s0 =	simm.s32 @!p0 $0x2  }
0x6f: {  	_ =	swait.ge @!p0 [sflag:s0], s1  }
0x70: {  	s1 =	ssub.s32 @!p0 $0x0, s1;
	[sflag:s0] =	ssyncset.done @!p0 $0x0  }
0x71: {  	[sflag:s0] =	ssyncadd.s32 @!p0 s1  }
0x72: {  	[bflag:$0x3] =	sbarrier.arrive $0xFFFF  }
0x73: {  	_ =	shalt  }

// kernel: kernel.21.cloned.1.call-start
scs
__scs_entry_jumppad:
0x0: {  	(pc) =	sbr.rel $0x88, $3  }
0x1: {  	(tag) =	ssettag $0x0;
	lr =	simm.s32 $0x1  }
0x2: {  	[smem:$0x3F98] =	sst lr;
	_ =	strace $0xD0000000  }
0x3: {  	_ = 	snop  }
0x4: {  	_ = 	snop  }
0x5: {  	_ = 	snop  }
0x6: {  	_ = 	snop  }
0x7: {  	_ = 	snop  }
__scs_overlays_trampoline_lowered:
0x8: {  	[smem:$0x3FA7] =	sst s0  }
0x9: {  	[smem:$0x3FA8] =	sst s1  }
0xa: {  	[smem:$0x3FA9] =	sst s2  }
0xb: {  	[smem:$0x3FAA] =	sst s3  }
0xc: {  	[smem:$0x3FAB] =	sst s4  }
0xd: {  	[smem:$0x3FAC] =	sst s5  }
0xe: {  	[smem:$0x3FAD] =	sst s6  }
0xf: {  	[smem:$0x3FAE] =	sst s7  }
0x10: {  	[smem:$0x3FAF] =	sst s8  }
0x11: {  	[smem:$0x3FB0] =	sst s9;
	s0 =	simm.s32 @!p0 $0x0  }
0x12: {  	s1 =	sld [smem:$0x3F96];
	s0 =	simm.s32 @p0 $0x1  }
0x13: {  	[smem:$0x3FB1] =	sst s0;
	s0 =	simm.s32 @!p1 $0x0  }
0x14: {  	s2 =	sld [smem:$0x3F95];
	s0 =	simm.s32 @p1 $0x1  }
0x15: {  	[smem:$0x3FB2] =	sst s0;
	s0 =	simm.s32 @!p2 $0x0  }
0x16: {  	s3 =	sld [smem:$0x3FDB];
	s0 =	simm.s32 @p2 $0x1  }
0x17: {  	s4 =	simm.s32 $0x1BF5;
	[smem:$0x3FB4] =	sst s0  }
0x18: {  	s0 =	sld [smem:$0x3F97];
	_ =	swait.ge [sflag:s4], $0x0  }
0x19: {  	s7 =	sld [smem:$0x3F98]  }
0x1a: {  	s8 =	sadd.s32 $0xFFFFE003, lr  }
0x1b: {  	s9 =	sadd.s32 $0xFFFFFEF7, lr;
	s5 =	simm.s32 $0xFFFFFFFF;
	p2 =	slt.u32 s8, $0xFFFFF086  }
0x1c: {  	p1 =	slt.u32 s9, $0xF7A;
	s5 =	simm.s32 @!p2 $0x0  }
0x1d: {  	s5 =	simm.s32 @p1 $0x1;
	p0 =	seq.s32 s7, s2  }
0x1e: {  	s7 =	smul.u32 @!p0 $0xF7A, s2;
	p2 =	seq.s32 @!p0 s5, $0x0  }
0x1f: {  	s9 =	smul.u32 $0xF7A, s1;
	s8 =	simm.s32 @!p0 $0x1BF5;
	p2 =	por !p2, p0  }
0x20: {  	[sflag:s8] =	ssyncset.s32 @!p0 $0xFFFFF086;
	s6 =	sadd.s32 @!p0 s3, s7;
	s7 =	simm.s32 @!p0 $0x108  }
0x21: {  	s3 =	sadd.s32 s3, s9;
	s6 =	sadd.s32 @!p0 $0x88, s6;
	s7 =	simm.s32 @p2 $0x1082  }
0x22: {  	[simem:s7], [sflag:s8] =	dma.local @!p0 [hbm:s6], $0xF7A  }
0x23: {  	s9 =	sor.u32 $0xD0000000, s2;
	s6 =	simm.s32 $0x108;
	_ =	swait.ge @!p0 [sflag:s8], $0x0  }
0x24: {  	s3 =	sadd.s32 $0x88, s3;
	s6 =	simm.s32 @!p1 $0x1082;
	[sflag:s4] =	ssyncset.s32 $0xFFFFF086  }
0x25: {  	[simem:s6], [sflag:s4] =	dma.local [hbm:s3], $0xF7A  }
0x26: {  	[smem:$0x3F98] =	sst s1;
	(tag) =	ssettag s2;
	_ =	strace s9  }
0x27: {  	s1 =	sld [smem:$0x3FA8]  }
0x28: {  	s2 =	sld [smem:$0x3FA9]  }
0x29: {  	s4 =	sld [smem:$0x3FAB]  }
0x2a: {  	p0 =	seq.s32 s5, $0x0;
	s5 =	sld [smem:$0x3FAC]  }
0x2b: {  	s6 =	sld [smem:$0x3FAD]  }
0x2c: {  	s7 =	sld [smem:$0x3FAE]  }
0x2d: {  	s3 =	simm.s32 $0x108;
	s8 =	sld [smem:$0x3FAF]  }
0x2e: {  	s3 =	simm.s32 @!p0 $0x1082;
	s9 =	sld [smem:$0x3FB0]  }
0x2f: {  	lr =	sadd.s32 s0, s3;
	s0 =	sld [smem:$0x3FA7]  }
0x30: {  	s3 =	sld [smem:$0x3FAA]  }
0x31: {  	[smem:$0x3FB3] =	sst s10  }
0x32: {  	s10 =	sld [smem:$0x3FB1];
	_ =	sdelay $0x3  }
0x33: {  	p0 =	seq.s32 s10, $0x1;
	s10 =	sld [smem:$0x3FB3];
	_ =	sdelay $0x3  }
0x34: {  	[smem:$0x3FB3] =	sst s10  }
0x35: {  	s10 =	sld [smem:$0x3FB2];
	_ =	sdelay $0x3  }
0x36: {  	p1 =	seq.s32 s10, $0x1;
	s10 =	sld [smem:$0x3FB3];
	_ =	sdelay $0x3  }
0x37: {  	[smem:$0x3FB3] =	sst s10  }
0x38: {  	s10 =	sld [smem:$0x3FB4]  }
0x39: {  	_ = 	snop;
	(pc) =	sbr.ind lr, $3  }
0x3a: {  	_ = 	snop  }
0x3b: {  	_ = 	snop  }
0x3c: {  	p2 =	seq.s32 s10, $0x1;
	s10 =	sld [smem:$0x3FB3]  }
0x3d: {  	_ =	shalt  }
0x3e: {  	_ =	shalt  }
0x3f: {  	_ =	shalt  }
0x40: {  	_ =	shalt  }
0x41: {  	_ =	shalt  }
0x42: {  	_ =	shalt  }
0x43: {  	_ =	shalt  }
0x44: {  	_ =	shalt  }
0x45: {  	_ =	shalt  }
0x46: {  	_ =	shalt  }
0x47: {  	_ =	shalt  }
0x48: {  	_ =	shalt  }
0x49: {  	_ =	shalt  }
0x4a: {  	_ =	shalt  }
0x4b: {  	_ =	shalt  }
0x4c: {  	_ =	shalt  }
0x4d: {  	_ =	shalt  }
0x4e: {  	_ =	shalt  }
0x4f: {  	_ =	shalt  }
0x50: {  	_ =	shalt  }
0x51: {  	_ =	shalt  }
0x52: {  	_ =	shalt  }
0x53: {  	_ =	shalt  }
0x54: {  	_ =	shalt  }
0x55: {  	_ =	shalt  }
0x56: {  	_ =	shalt  }
0x57: {  	_ =	shalt  }
0x58: {  	_ =	shalt  }
0x59: {  	_ =	shalt  }
0x5a: {  	_ =	shalt  }
0x5b: {  	_ =	shalt  }
0x5c: {  	_ =	shalt  }
0x5d: {  	_ =	shalt  }
0x5e: {  	_ =	shalt  }
0x5f: {  	_ =	shalt  }
0x60: {  	_ =	shalt  }
0x61: {  	_ =	shalt  }
0x62: {  	_ =	shalt  }
0x63: {  	_ =	shalt  }
0x64: {  	_ =	shalt  }
0x65: {  	_ =	shalt  }
0x66: {  	_ =	shalt  }
0x67: {  	_ =	shalt  }
0x68: {  	_ =	shalt  }
0x69: {  	_ =	shalt  }
0x6a: {  	_ =	shalt  }
0x6b: {  	_ =	shalt  }
0x6c: {  	_ =	shalt  }
0x6d: {  	_ =	shalt  }
0x6e: {  	_ =	shalt  }
0x6f: {  	_ =	shalt  }
0x70: {  	_ =	shalt  }
0x71: {  	_ =	shalt  }
0x72: {  	_ =	shalt  }
0x73: {  	_ =	shalt  }
0x74: {  	_ =	shalt  }
0x75: {  	_ =	shalt  }
0x76: {  	_ =	shalt  }
0x77: {  	_ =	shalt  }
0x78: {  	_ =	shalt  }
0x79: {  	_ =	shalt  }
0x7a: {  	_ =	shalt  }
0x7b: {  	_ =	shalt  }
0x7c: {  	_ =	shalt  }
0x7d: {  	_ =	shalt  }
0x7e: {  	_ =	shalt  }
0x7f: {  	_ =	shalt  }
0x80: {  	_ =	shalt  }
0x81: {  	_ =	shalt  }
0x82: {  	_ =	shalt  }
0x83: {  	_ =	shalt  }
0x84: {  	_ =	shalt  }
0x85: {  	_ =	shalt  }
0x86: {  	_ =	shalt  }
0x87: {  	_ =	shalt  }
.Lfunc_end0:
.L_simem_size_0:
called_computation.3_lowered:
.L_overlay_start_0:
0x88: {  	s2 =	sld [smem:$0x3FD9]  }
0x89: {  	s3 =	sld [smem:$0x3FFE];
	_ =	sdelay $0x1  }
0x8a: {  	s1 =	srdreg.scid  }
0x8b: {  	s0 =	sand.u32 $0x1, s1  }
0x8c: {  	s17 =	sshll.u32 s0, $0xA;
	s2 =	sadd.s32 s3, s2  }
0x8d: {  	s2 =	sadd.s32 s2, s17  }
0x8e: {  	[smem:$0x3FBF] =	sst s2  }
0x8f: {  	_ = 	snop  }
0x90: {  	(tm) =	ssettm $0x1  }
0x91: {  	s18 =	sld [smem:$0x3FFB];
	_ =	sdelay $0x3  }
0x92: {  	_ =	strace s18  }
0x93: {  	s2 =	sld [smem:$0x3FFC];
	_ =	sdelay $0x3  }
0x94: {  	_ =	strace s2  }
0x95: {  	s2 =	sld [smem:$0x3FFD];
	_ =	sdelay $0x3  }
0x96: {  	_ =	strace s2  }
0x97: {  	_ =	strace $0x8FFFFFFF  }
0x98: {  	s19 =	sld [smem:$0x3FDB];
	_ =	sdelay $0x1  }
0x99: {  	s20 =	simm.s32 $_scs_section_size  }
0x9a: {  	s4 =	simm.s32 $_size__tile_overlayer_lowered;
	s5 =	simm.s32 $_tile_overlayer_lowered  }
0x9b: {  	s6 =	simm.s32 $0x1BFF;
	s21 =	sshll.u32 s5, $0x1;
	s3 =	sadd.s32 s20, s19  }
0x9c: {  	s22 =	simm.s32 $0x0;
	s4 =	sshll.u32 s4, $0x1;
	s5 =	sadd.s32 s21, s3  }
0x9d: {  	[timem:s22], [sflag:s6] =	dma.local [hbm:s5], s4  }
0x9e: {  	_ =	swait.ge [sflag:s6], s4  }
0x9f: {  	s4 =	ssub.s32 $0x0, s4;
	[sflag:s6] =	ssyncset.done $0x0  }
0xa0: {  	[sflag:s6] =	ssyncadd.s32 s4;
	_ =	sdelay $0x1  }
0xa1: {  	s23 =	simm.s32 $0x1B8B  }
0xa2: {  	_ =	swait.ge [sflag:s23], $0x1  }
0xa3: {  	[sflag:s23] =	ssyncset.done $0x0  }
0xa4: {  	[sflag:s23] =	ssyncadd.s32 $0xFFFFFFFF  }
0xa5: {  	s4 =	sld [smem:$0x0]  }
0xa6: {  	s5 =	sand.u32 $0xFFFFFFFE, s1  }
0xa7: {  	p0 =	sne.s32 s1, s5  }
0xa8: {  	s5 =	sshll.u32 @p0 s5, $0xE  }
0xa9: {  	s5 =	sadd.s32 @p0 $0x11B8D, s5;
	s6 =	sshll.u32 @p0 s4, $0x11  }
0xaa: {  	s5 =	sor.u32 @p0 s6, s5  }
0xab: {  	[sflag:s5] =	ssyncadd.remote.s32 @p0 $0x1;
	_ =	sdelay $0x1  }
0xac: {  	s5 =	simm.s32 @p0 $0x1B8D  }
0xad: {  	_ =	swait.eq @p0 [sflag:s5], $0x1  }
0xae: {  	[sflag:s5] =	ssyncadd.s32 @p0 $0xFFFFFFFF  }
0xaf: {  	s6 =	sshll.u32 @!p0 s1, $0xE  }
0xb0: {  	s6 =	sor.u32 @!p0 $0x4000, s6;
	s5 =	simm.s32 @!p0 $0x1B8D  }
0xb1: {  	s4 =	sshll.u32 @!p0 s4, $0x11;
	s6 =	sadd.s32 @!p0 $0x11B8D, s6;
	_ =	swait.eq @!p0 [sflag:s5], $0x1  }
0xb2: {  	s4 =	sor.u32 @!p0 s4, s6;
	[sflag:s5] =	ssyncadd.s32 @!p0 $0xFFFFFFFF  }
0xb3: {  	s25 =	simm.s32 $0x1B8E;
	s24 =	sld [smem:$0x3FFE];
	[sflag:s4] =	ssyncadd.remote.s32 @!p0 $0x1  }
0xb4: {  	s26 =	simm.s32 $execute0_lowered;
	[smem:$0x3FD2] =	sst s25  }
0xb5: {  	s5 =	sshll.u32 s26, $0x1;
	_ =	strace $0x8000004F;
	[dreg:$0x1] =	wrdreg $0xFFFFFFFF  }
0xb6: {  	s28 =	simm.s32 $_size_execute0_lowered;
	s3 =	sadd.s32 s3, s5;
	[dreg:$0x0] =	wrdreg $0x0  }
0xb7: {  	s5 =	sshll.u32 s28, $0x1;
	[dreg:$0x2] =	wrdreg s3  }
0xb8: {  	[dreg:$0x3] =	wrdreg s5  }
0xb9: {  	[dreg:$0x4] =	wrdreg $0xC0  }
0xba: {  	_ =	task [dreg:s22], $0x5FFFF  }
0xbb: {  	[dreg:$0x1] =	wrdreg $0xFFFFFFFF  }
0xbc: {  	[dreg:$0x0] =	wrdreg $0x60  }
0xbd: {  	[dreg:$0x2] =	wrdreg s24  }
0xbe: {  	[dreg:$0x3] =	wrdreg $0x9  }
0xbf: {  	_ =	task.clear_ibuf [dreg:s22], $0x4FFFF;
	_ =	strace $0x9000004F  }
0xc0: {  	s29 =	simm.s32 $0x9;
	_ =	strace $0x80000051  }
0xc1: {  	_ =	swait.ge [sflag:s29], $0x1  }
0xc2: {  	[sflag:s29] =	ssyncadd.s32 $0xFFFFFFFF  }
0xc3: {  	_ =	strace $0x90000051  }
0xc4: {  	_ =	sfence  }
0xc5: {  	s30 =	sld [smem:$0x0];
	_ =	sdelay $0x2  }
0xc6: {  	s31 =	sshll.u32 s1, $0xD;
	s1 =	sshrl.u32 s1, $0x2  }
0xc7: {  	s4 =	sand.u32 $0x4000, s31;
	s1 =	sadd.s32 s1, s30  }
0xc8: {  	s0 =	sor.u32 s4, s0;
	s1 =	sshll.u32 s1, $0x11  }
0xc9: {  	s0 =	sor.u32 s1, s0  }
0xca: {  	s0 =	sadd.s32 $0x8F2B, s0  }
0xcb: {  	[sflag:s0] =	ssyncadd.remote.s32 $0x1  }
0xcc: {  	_ =	sfence.sel $0xFFFF  }
0xcd: {  	[dreg:$0x0] =	wrdreg $0xFFFFFFFF;
	(pc) =	sbr.abs _section_cstart, $3  }
0xce: {  	[dreg:$0x1] =	wrdreg $0xFFFFFFFF  }
0xcf: {  	_ =	task.clear_ibuf [dreg:s22], $0x2FFFF;
	_ =	strace $0x9FFFFFFF  }
0xd0: {  	(tm) =	ssettm $0x7FFFFFFF  }
0xd1: {  	_ =	shalt  }
tec
execute0_lowered:
.L_overlay_start_1:
0x0: {  	(tag) =	ssettag $0x1  }
0x1: {  	s7 =	rddreg [dreg:$0x0]  }
0x2: {  	s1 =	srdreg.scid;
	s0 =	rddreg [dreg:$0x1]  }
0x3: {  	s2 =	simm.s32 $0x0;
	s12 =	simm.s32 $0x80;
	s13 =	simm.s32 $0x1200  }
0x4: {  	s14 =	simm.s32 $0x1380;
	s16 =	simm.s32 $0x5380;
	s8 =	sand.u32 $0x1, s1  }
0x5: {  	s17 =	simm.s32 $0x0;
	s1 =	stileid.u32;
	s5 =	smul.u32 $0x13C000, s8  }
0x6: {  	[smem:$0x7FF] =	sst s2;
	s3 =	sadd.s32 $0x4FB400, s7;
	s6 =	smul.u32 $0x13C00, s1  }
0x7: {  	s4 =	sadd.s32 $0xF600, s7;
	_ =	strace $0x80000050;
	s9 =	ssub.s32 $0x2, s8  }
.Ltmp0:
0x8: {  	s11 =	sshrl.u32 s9, $0x1;
	s5 =	sadd.s32 s6, s5;
	(pc) =	sbr.rel .LBB2_1-.Ltmp0, $4  }
0x9: {  	s9 =	ssub.s32 s9, s11;
	s10 =	sshrl.u32 s5, $0x3;
	s5 =	smul.u32 $0x278, s1  }
0xa: {  	s6 =	sadd.s32 $0x5800, s7;
	s11 =	simm.s32 $0x800;
	s9 =	smax.u32 s9, $0x1  }
0xb: {  	v2 =	vimm.f32 $0.0e+00;
	s10 =	sadd.s32 s10, s7;
	s7 =	smul.u32 $0x27100, s8;
	s15 =	sadd.s32 $0x278, s5  }
0xc: {  	v3 =	vimm.s32 $0x0;
	s8 =	sadd.s32 $0x522C00, s10;
	s10 =	simm.s32 $0x2;
	v0 =	vmov s5;
	v1 =	vmov s15;
	s15 =	simm.s32 $0x1  }
.LBB2_14:
0xd: {  	[tilespmem:s21+$0x53F0] =	vst v4  }
.LBB2_15:
0xe: {  	s17 =	sadd.s32 $0x1, s17  }
0xf: {  	p0 =	sne.s32 s17, s9  }
.Ltmp1:
0x10: {  	_ = 	snop;
	(pc) =	sbr.rel @!p0 .LBB2_16-.Ltmp1, $4  }
0x11: {  	[hbm4b:s8+s2] =	stream.linear.scatter [tilespmem:s16], [sflag:$0x2], $0x13C00, $0x38;
	[tilespmem:$0x18F80] =	vst v63  }
0x12: {  	_ =	swait.ge [sflag:s10], $0x13C00  }
0x13: {  	[sflag:s10] =	ssyncset.done $0x0  }
0x14: {  	[sflag:s10] =	ssyncadd.s32 $0xFFFEC400  }
.LBB2_1:
0x15: {  	s18 =	simm.s32 $0x0  }
0x16: {  	s19 =	sand.u32 $0xFFFFFF80, s18  }
0x17: {  	s19 =	ssub.s32 $0x0, s19  }
0x18: {  	s18 =	sand.u32 $0x3FFFFF80, s18;
	s19 =	sand.u32 $0xFFFFFF80, s19  }
0x19: {  	s20 =	sand.u32 $0x70, s2;
	s19 =	sadd.s32 s19, s18  }
0x1a: {  	s18 =	simm.s32 $0x1;
	s20 =	sor.u32 s20, s19;
	s19 =	simm.s32 $0x0  }
.LBB2_2:
0x1b: {  	s21 =	sshll.u32 s18, $0x4;
	p0 =	sne.s32 s18, $0x13BF;
	s18 =	sadd.s32 $0x1, s18;
	[tilespmem:s20+$0x5380] =	vst v2  }
.Ltmp2:
0x1c: {  	s19 =	sadd.s32 $0x10, s19;
	s20 =	sand.u32 $0xFFFFFF80, s21;
	(pc) =	sbr.rel @p0 .LBB2_2-.Ltmp2, $4  }
0x1d: {  	s20 =	ssub.s32 s19, s20  }
0x1e: {  	s21 =	sand.u32 $0x3FFFFF80, s21;
	s20 =	sand.u32 $0xFFFFFF80, s20  }
0x1f: {  	s22 =	sand.u32 $0x70, s19;
	s20 =	sadd.s32 s20, s21  }
0x20: {  	s20 =	sor.u32 s22, s20  }
0x21: {  	[tilespmem:s20+$0x5380] =	vst v2  }
0x22: {  	[tilespmem:$0x1000] =	vst v3  }
0x23: {  	[tilespmem:$0x1100] =	vst v3  }
0x24: {  	[tilespmem:$0x1010] =	vst v3  }
0x25: {  	[tilespmem:$0x1110] =	vst v3  }
0x26: {  	[tilespmem:$0x1020] =	vst v3  }
0x27: {  	[tilespmem:$0x1120] =	vst v3  }
0x28: {  	[tilespmem:$0x1030] =	vst v3  }
0x29: {  	[tilespmem:$0x1130] =	vst v3  }
0x2a: {  	[tilespmem:$0x1040] =	vst v3  }
0x2b: {  	[tilespmem:$0x1140] =	vst v3  }
0x2c: {  	[tilespmem:$0x1050] =	vst v3  }
0x2d: {  	[tilespmem:$0x1150] =	vst v3  }
0x2e: {  	[tilespmem:$0x1060] =	vst v3  }
.Ltmp3:
0x2f: {  	[tilespmem:$0x1160] =	vst v3;
	(pc) =	sbr.rel .LBB2_4-.Ltmp3, $4  }
0x30: {  	[tilespmem:$0x1070] =	vst v3  }
0x31: {  	[tilespmem:$0x1170] =	vst v3  }
0x32: {  	[tilespmem:$0x1080] =	vst v3  }
0x33: {  	s19 =	simm.s32 $0x0;
	s18 =	simm.s32 $0x0;
	s20 =	simm.s32 $0x0;
	[tilespmem:$0x1180] =	vst v3  }
.LBB2_10:
0x34: {  	s20 =	sadd.s32 $0x1, s20  }
0x35: {  	p0 =	sne.s32 s20, $0x50  }
.Ltmp4:
0x36: {  	_ = 	snop;
	(pc) =	sbr.rel @!p0 .LBB2_11-.Ltmp4, $1  }
0x37: {  	_ =	sdelay $0x3  }
.LBB2_4:
0x38: {  	s21 =	smul.u32 $0x7D0, s20;
	_ =	sdelay $0x1  }
0x39: {  	s21 =	sadd.s32 s7, s21  }
0x3a: {  	s21 =	sshrl.u32 s21, $0x3  }
0x3b: {  	s22 =	sadd.s32 s4, s21  }
0x3c: {  	[tilespmem:s19], [sflag:$0x2] =	stream.linear.gather [hbm4b:s22+s19], $0x7D0, $0x38;
	[tilespmem:$0x18F80] =	vst v63  }
0x3d: {  	_ =	swait.ge [sflag:s10], $0x7D0  }
0x3e: {  	[sflag:s10] =	ssyncset.done $0x0  }
.Ltmp5:
0x3f: {  	s21 =	sadd.s32 s6, s21;
	[sflag:s10] =	ssyncadd.s32 $0xFFFFF830;
	(pc) =	sbr.rel .LBB2_5-.Ltmp5, $4  }
0x40: {  	[tilespmem:s11], [sflag:$0x2] =	stream.linear.gather [hbm4b:s21+s19], $0x7D0, $0x38;
	[tilespmem:$0x18F80] =	vst v63  }
0x41: {  	_ =	swait.ge [sflag:s10], $0x7D0  }
0x42: {  	[sflag:s10] =	ssyncset.done $0x0  }
0x43: {  	s21 =	simm.s32 $0x0;
	[sflag:s10] =	ssyncadd.s32 $0xFFFFF830  }
.LBB2_8:
0x44: {  	s24 =	sshra.s32 s24, $0x2;
	[tilespmem:s23+$0x53F0] =	vst v4  }
0x45: {  	v4 =	vld [tilespmem:s24+$0x1280];
	_ =	sdelay $0x4  }
0x46: {  	(v2sf) =	vpush v4, $0x0;
	_ =	sdelay $0xe  }
0x47: {  	s31 =	spop (v2sf)  }
0x48: {  	s23 =	ssub.s32 s31, s5  }
0x49: {  	s22 =	sadd.s32 $0x80, s22;
	s23 =	sshll.u32 s23, $0x9  }
0x4a: {  	v4 =	vld [tilespmem:s22+$0xFFFFFFC0];
	s23 =	sshra.s32 s23, $0x2  }
0x4b: {  	v5 =	vld [tilespmem:s23+$0x5380];
	_ =	sdelay $0x4  }
0x4c: {  	v4 =	vadd.f32 v4, v5;
	_ =	sdelay $0x1  }
0x4d: {  	[tilespmem:s23+$0x5380] =	vst v4;
	v4 =	vld [tilespmem:s23+$0x5390]  }
0x4e: {  	v5 =	vld [tilespmem:s22+$0xFFFFFFD0];
	_ =	sdelay $0x4  }
0x4f: {  	v4 =	vadd.f32 v5, v4;
	_ =	sdelay $0x1  }
0x50: {  	[tilespmem:s23+$0x5390] =	vst v4;
	v4 =	vld [tilespmem:s23+$0x53A0]  }
0x51: {  	v5 =	vld [tilespmem:s22+$0xFFFFFFE0];
	_ =	sdelay $0x4  }
0x52: {  	v4 =	vadd.f32 v5, v4;
	_ =	sdelay $0x1  }
0x53: {  	[tilespmem:s23+$0x53A0] =	vst v4;
	v4 =	vld [tilespmem:s23+$0x53B0]  }
0x54: {  	v5 =	vld [tilespmem:s22+$0xFFFFFFF0];
	_ =	sdelay $0x4  }
0x55: {  	v4 =	vadd.f32 v5, v4;
	_ =	sdelay $0x1  }
0x56: {  	[tilespmem:s23+$0x53B0] =	vst v4;
	v4 =	vld [tilespmem:s23+$0x53C0]  }
0x57: {  	v5 =	vld [tilespmem:s22+$0x0];
	_ =	sdelay $0x4  }
0x58: {  	v4 =	vadd.f32 v5, v4;
	_ =	sdelay $0x1  }
0x59: {  	[tilespmem:s23+$0x53C0] =	vst v4;
	v4 =	vld [tilespmem:s23+$0x53D0]  }
0x5a: {  	v5 =	vld [tilespmem:s22+$0x10];
	_ =	sdelay $0x4  }
0x5b: {  	v4 =	vadd.f32 v5, v4;
	_ =	sdelay $0x1  }
0x5c: {  	[tilespmem:s23+$0x53D0] =	vst v4;
	v4 =	vld [tilespmem:s23+$0x53E0]  }
0x5d: {  	v5 =	vld [tilespmem:s22+$0x20];
	_ =	sdelay $0x4  }
0x5e: {  	v4 =	vadd.f32 v5, v4;
	_ =	sdelay $0x1  }
0x5f: {  	[tilespmem:s23+$0x53E0] =	vst v4;
	v4 =	vld [tilespmem:s23+$0x53F0]  }
0x60: {  	v5 =	vld [tilespmem:s22+$0x30];
	_ =	sdelay $0x4  }
0x61: {  	v4 =	vadd.f32 v5, v4;
	_ =	sdelay $0x1  }
0x62: {  	[tilespmem:s23+$0x53F0] =	vst v4  }
0x63: {  	v4 =	vld [tilespmem:$0x1080]  }
0x64: {  	v5 =	vld [tilespmem:$0x1180];
	_ =	sdelay $0x3  }
0x65: {  	[tilespmem:$0x1000] =	vst v4  }
0x66: {  	[tilespmem:$0x1100] =	vst v5  }
.LBB2_9:
0x67: {  	s21 =	sadd.s32 $0x1, s21  }
0x68: {  	p1 =	sne.s32 s21, $0x7D  }
.Ltmp6:
0x69: {  	_ = 	snop;
	(pc) =	sbr.rel @!p1 .LBB2_10-.Ltmp6, $3  }
0x6a: {  	_ =	sdelay $0x1  }
0x6b: {  	p0 =	sgt.s32 s18, $0x7F;
	s22 =	sadd.s32 $0xFFFFFF80, s18  }
0x6c: {  	s18 =	smov.u32 @p0 s22  }
.LBB2_5:
0x6d: {  	s22 =	sshll.u32 s21, $0x4  }
0x6e: {  	v4 =	vld [tilespmem:s22+$0x800];
	_ =	sdelay $0x4  }
0x6f: {  	vm0 =	vge.s32 v4, v0;
	vm1 =	vlt.s32 v4, v1  }
0x70: {  	vm0 =	vmand vm0, vm1  }
0x71: {  	v5 =	vsel vm0, $0x1, v3  }
0x72: {  	(xrf0) =	vadd.scan.msk.s32 $0xffff, v5;
	_ =	sdelay $0x5  }
0x73: {  	v5, _, _ =	vpop (xrf0)  }
0x74: {  	(v2sf) =	vpush v5, $0xF;
	_ =	sdelay $0x9  }
0x75: {  	v5 =	vld [tilespmem:s22+$0x0];
	_ =	sdelay $0x4  }
0x76: {  	[tilespmem:s18+$0x1000] =	vst.msk vm0, v5;
	s31 =	spop (v2sf)  }
0x77: {  	[tilespmem:s18+$0x1100] =	vst.msk vm0, v4;
	s18 =	sadd.s32 s18, s31  }
0x78: {  	p0 =	slt.s32 s18, $0x80  }
.Ltmp7:
0x79: {  	_ = 	snop;
	(pc) =	sbr.rel @p0 .LBB2_9-.Ltmp7, $1  }
0x7a: {  	_ =	sdelay $0x3  }
0x7b: {  	v4 =	vld [tilespmem:$0x1000]  }
0x7c: {  	v5 =	vld [tilespmem:$0x1100]  }
0x7d: {  	v6 =	vld [tilespmem:$0x1010]  }
0x7e: {  	v7 =	vld [tilespmem:$0x1110]  }
0x7f: {  	v8 =	vld [tilespmem:$0x1020]  }
0x80: {  	[tilespmem:$0x1200] =	vst v4;
	v4 =	vld [tilespmem:$0x1120]  }
0x81: {  	v62 =	vld [tilespmem:$0x1140];
	[tilespmem:$0x1280] =	vst v5  }
0x82: {  	v5 =	vld [tilespmem:$0x1030];
	[tilespmem:$0x1210] =	vst v6  }
0x83: {  	v6 =	vld [tilespmem:$0x1130];
	[tilespmem:$0x1290] =	vst v7  }
0x84: {  	v7 =	vld [tilespmem:$0x1040];
	[tilespmem:$0x1220] =	vst v8  }
0x85: {  	[tilespmem:$0x12A0] =	vst v4;
	v4 =	vld [tilespmem:$0x1050]  }
0x86: {  	v63 =	vld [tilespmem:$0x1070];
	[tilespmem:$0x12C0] =	vst v62  }
0x87: {  	[tilespmem:$0x1230] =	vst v5;
	v5 =	vld [tilespmem:$0x1150]  }
0x88: {  	[tilespmem:$0x12B0] =	vst v6;
	v6 =	vld [tilespmem:$0x1060]  }
0x89: {  	[tilespmem:$0x1240] =	vst v7;
	v7 =	vld [tilespmem:$0x1160]  }
0x8a: {  	[tilespmem:$0x1250] =	vst v4;
	v4 =	vld [tilespmem:$0x1170]  }
0x8b: {  	[tilespmem:$0x1270] =	vst v63  }
0x8c: {  	[tilespmem:$0x12D0] =	vst v5  }
0x8d: {  	[tilespmem:$0x1260] =	vst v6  }
0x8e: {  	[tilespmem:$0x12E0] =	vst v7  }
0x8f: {  	[tilespmem:$0x12F0] =	vst v4  }
0x90: {  	[tilespmem:s14], [sflag:$0x1] =	stream.indirect.gather [hbm4b:s3+s12], $0x80, s13, s12, $0xb8;
	[tilespmem:$0x18F80] =	vst v63  }
0x91: {  	_ =	swait.ge [sflag:s15], $0x4000  }
0x92: {  	[sflag:s15] =	ssyncset.done $0x0  }
0x93: {  	s22 =	simm.s32 $0x0;
	[sflag:s15] =	ssyncadd.s32 $0xFFFFC000  }
0x94: {  	v4 =	vld [tilespmem:s22+$0x1280];
	_ =	sdelay $0x4  }
0x95: {  	(v2sf) =	vpush v4, $0x0;
	_ =	sdelay $0xe  }
0x96: {  	s31 =	spop (v2sf)  }
0x97: {  	s23 =	ssub.s32 s31, s5  }
0x98: {  	s22 =	simm.s32 $0x13C0;
	s23 =	sshll.u32 s23, $0x9  }
0x99: {  	v4 =	vld [tilespmem:s22+$0xFFFFFFC0];
	s23 =	sshra.s32 s23, $0x2  }
0x9a: {  	v5 =	vld [tilespmem:s23+$0x5380];
	_ =	sdelay $0x4  }
0x9b: {  	v4 =	vadd.f32 v4, v5;
	_ =	sdelay $0x1  }
0x9c: {  	[tilespmem:s23+$0x5380] =	vst v4;
	v4 =	vld [tilespmem:s23+$0x5390]  }
0x9d: {  	v5 =	vld [tilespmem:s22+$0xFFFFFFD0];
	_ =	sdelay $0x4  }
0x9e: {  	v4 =	vadd.f32 v5, v4;
	_ =	sdelay $0x1  }
0x9f: {  	[tilespmem:s23+$0x5390] =	vst v4;
	v4 =	vld [tilespmem:s23+$0x53A0]  }
0xa0: {  	v5 =	vld [tilespmem:s22+$0xFFFFFFE0];
	_ =	sdelay $0x4  }
0xa1: {  	v4 =	vadd.f32 v5, v4;
	_ =	sdelay $0x1  }
0xa2: {  	[tilespmem:s23+$0x53A0] =	vst v4;
	v4 =	vld [tilespmem:s23+$0x53B0]  }
0xa3: {  	v5 =	vld [tilespmem:s22+$0xFFFFFFF0];
	_ =	sdelay $0x4  }
0xa4: {  	v4 =	vadd.f32 v5, v4;
	_ =	sdelay $0x1  }
0xa5: {  	[tilespmem:s23+$0x53B0] =	vst v4;
	v4 =	vld [tilespmem:s23+$0x53C0]  }
0xa6: {  	v5 =	vld [tilespmem:s22+$0x0];
	_ =	sdelay $0x4  }
0xa7: {  	v4 =	vadd.f32 v5, v4;
	_ =	sdelay $0x1  }
0xa8: {  	[tilespmem:s23+$0x53C0] =	vst v4;
	v4 =	vld [tilespmem:s23+$0x53D0]  }
0xa9: {  	v5 =	vld [tilespmem:s22+$0x10];
	_ =	sdelay $0x4  }
0xaa: {  	v4 =	vadd.f32 v5, v4;
	_ =	sdelay $0x1  }
0xab: {  	[tilespmem:s23+$0x53D0] =	vst v4;
	v4 =	vld [tilespmem:s23+$0x53E0]  }
0xac: {  	v5 =	vld [tilespmem:s22+$0x20];
	_ =	sdelay $0x4  }
0xad: {  	v4 =	vadd.f32 v5, v4;
	_ =	sdelay $0x1  }
0xae: {  	[tilespmem:s23+$0x53E0] =	vst v4;
	v4 =	vld [tilespmem:s23+$0x53F0]  }
0xaf: {  	v5 =	vld [tilespmem:s22+$0x30];
	_ =	sdelay $0x4  }
0xb0: {  	s24 =	simm.s32 $0x4;
	s26 =	simm.s32 $0x8;
	v4 =	vadd.f32 v5, v4  }
.LBB2_7:
0xb1: {  	s28 =	sshra.s32 s24, $0x2  }
0xb2: {  	[tilespmem:s23+$0x53F0] =	vst v4;
	s22 =	sadd.s32 $0x80, s22;
	s24 =	smov.u32 s26;
	s25 =	sadd.s32 $0x4, s26  }
0xb3: {  	p0 =	sne.s32 s26, $0x1FC;
	v4 =	vld [tilespmem:s28+$0x1280];
	_ =	sdelay $0x4  }
0xb4: {  	(v2sf) =	vpush v4, $0x0;
	_ =	sdelay $0xe  }
0xb5: {  	s23 =	spop (v2sf)  }
0xb6: {  	s23 =	ssub.s32 s23, s5  }
0xb7: {  	s23 =	sshll.u32 s23, $0x9  }
0xb8: {  	s23 =	sshra.s32 s23, $0x2;
	v4 =	vld [tilespmem:s22+$0xFFFFFFC0]  }
0xb9: {  	v5 =	vld [tilespmem:s23+$0x5380];
	_ =	sdelay $0x4  }
0xba: {  	v4 =	vadd.f32 v4, v5;
	_ =	sdelay $0x1  }
0xbb: {  	[tilespmem:s23+$0x5380] =	vst v4;
	v4 =	vld [tilespmem:s23+$0x5390]  }
0xbc: {  	v5 =	vld [tilespmem:s22+$0xFFFFFFD0];
	_ =	sdelay $0x4  }
0xbd: {  	v4 =	vadd.f32 v5, v4;
	_ =	sdelay $0x1  }
0xbe: {  	[tilespmem:s23+$0x5390] =	vst v4;
	v4 =	vld [tilespmem:s23+$0x53A0]  }
0xbf: {  	v5 =	vld [tilespmem:s22+$0xFFFFFFE0];
	_ =	sdelay $0x4  }
0xc0: {  	v4 =	vadd.f32 v5, v4;
	_ =	sdelay $0x1  }
0xc1: {  	[tilespmem:s23+$0x53A0] =	vst v4;
	v4 =	vld [tilespmem:s23+$0x53B0]  }
0xc2: {  	v5 =	vld [tilespmem:s22+$0xFFFFFFF0];
	_ =	sdelay $0x4  }
0xc3: {  	v4 =	vadd.f32 v5, v4;
	_ =	sdelay $0x1  }
0xc4: {  	[tilespmem:s23+$0x53B0] =	vst v4;
	v4 =	vld [tilespmem:s23+$0x53C0]  }
0xc5: {  	v5 =	vld [tilespmem:s22+$0x0];
	_ =	sdelay $0x4  }
0xc6: {  	v4 =	vadd.f32 v5, v4;
	_ =	sdelay $0x1  }
0xc7: {  	[tilespmem:s23+$0x53C0] =	vst v4;
	v4 =	vld [tilespmem:s23+$0x53D0]  }
0xc8: {  	v5 =	vld [tilespmem:s22+$0x10];
	_ =	sdelay $0x4  }
0xc9: {  	v4 =	vadd.f32 v5, v4;
	_ =	sdelay $0x1  }
0xca: {  	[tilespmem:s23+$0x53D0] =	vst v4;
	v4 =	vld [tilespmem:s23+$0x53E0]  }
0xcb: {  	v5 =	vld [tilespmem:s22+$0x20];
	_ =	sdelay $0x4  }
0xcc: {  	v4 =	vadd.f32 v5, v4;
	_ =	sdelay $0x1  }
0xcd: {  	[tilespmem:s23+$0x53E0] =	vst v4;
	v4 =	vld [tilespmem:s23+$0x53F0]  }
0xce: {  	v5 =	vld [tilespmem:s22+$0x30]  }
.Ltmp8:
0xcf: {  	(pc) =	sbr.rel @p0 .LBB2_7-.Ltmp8, $2  }
0xd0: {  	_ =	sdelay $0x2  }
0xd1: {  	s26 =	smov.u32 s25;
	v4 =	vadd.f32 v5, v4  }
.Ltmp9:
0xd2: {  	_ = 	snop;
	(pc) =	sbr.rel .LBB2_8-.Ltmp9, $1  }
0xd3: {  	_ =	sdelay $0x3  }
.LBB2_11:
0xd4: {  	v4 =	vld [tilespmem:$0x1000]  }
0xd5: {  	v5 =	vld [tilespmem:$0x1100]  }
0xd6: {  	v6 =	vld [tilespmem:$0x1010]  }
0xd7: {  	v7 =	vld [tilespmem:$0x1110]  }
0xd8: {  	v8 =	vld [tilespmem:$0x1020]  }
0xd9: {  	[tilespmem:$0x1200] =	vst v4;
	v4 =	vld [tilespmem:$0x1120]  }
0xda: {  	v58 =	vld [tilespmem:$0x1130];
	[tilespmem:$0x1280] =	vst v5  }
0xdb: {  	v59 =	vld [tilespmem:$0x1040];
	[tilespmem:$0x1210] =	vst v6  }
0xdc: {  	v60 =	vld [tilespmem:$0x1140];
	[tilespmem:$0x1290] =	vst v7  }
0xdd: {  	v5 =	vld [tilespmem:$0x1030];
	[tilespmem:$0x1220] =	vst v8  }
0xde: {  	[tilespmem:$0x12A0] =	vst v4;
	v4 =	vld [tilespmem:$0x1050]  }
0xdf: {  	v61 =	vld [tilespmem:$0x1060];
	[tilespmem:$0x12B0] =	vst v58  }
0xe0: {  	v62 =	vld [tilespmem:$0x1160];
	[tilespmem:$0x1240] =	vst v59  }
0xe1: {  	v63 =	vld [tilespmem:$0x1070];
	[tilespmem:$0x12C0] =	vst v60  }
0xe2: {  	[tilespmem:$0x1230] =	vst v5;
	v5 =	vld [tilespmem:$0x1150]  }
0xe3: {  	[tilespmem:$0x1250] =	vst v4;
	v4 =	vld [tilespmem:$0x1170]  }
0xe4: {  	[tilespmem:$0x1260] =	vst v61  }
0xe5: {  	[tilespmem:$0x12E0] =	vst v62  }
0xe6: {  	[tilespmem:$0x1270] =	vst v63  }
0xe7: {  	p0 =	slt.s32 s18, $0x1;
	[tilespmem:$0x12D0] =	vst v5  }
.Ltmp10:
0xe8: {  	[tilespmem:$0x12F0] =	vst v4;
	(pc) =	sbr.rel @p0 .LBB2_15-.Ltmp10, $4  }
0xe9: {  	[tilespmem:s14], [sflag:$0x1] =	stream.indirect.gather [hbm4b:s3+s12], $0x80, s13, s12, $0xb8;
	[tilespmem:$0x18F80] =	vst v63  }
0xea: {  	_ =	swait.ge [sflag:s15], $0x4000  }
0xeb: {  	[sflag:s15] =	ssyncset.done $0x0  }
0xec: {  	[sflag:s15] =	ssyncadd.s32 $0xFFFFC000  }
0xed: {  	s19 =	simm.s32 $0x1280  }
0xee: {  	v4 =	vld [tilespmem:s19+$0x0];
	_ =	sdelay $0x4  }
0xef: {  	(v2sf) =	vpush v4, $0x0;
	_ =	sdelay $0xe  }
0xf0: {  	s20 =	spop (v2sf)  }
0xf1: {  	s21 =	ssub.s32 s20, s5  }
0xf2: {  	s20 =	simm.s32 $0x13C0;
	s21 =	sshll.u32 s21, $0x9  }
0xf3: {  	v4 =	vld [tilespmem:s20+$0xFFFFFFC0];
	s21 =	sshra.s32 s21, $0x2  }
0xf4: {  	v5 =	vld [tilespmem:s21+$0x5380];
	_ =	sdelay $0x4  }
0xf5: {  	v4 =	vadd.f32 v4, v5;
	_ =	sdelay $0x1  }
0xf6: {  	[tilespmem:s21+$0x5380] =	vst v4;
	v4 =	vld [tilespmem:s21+$0x5390]  }
0xf7: {  	v5 =	vld [tilespmem:s20+$0xFFFFFFD0];
	_ =	sdelay $0x4  }
0xf8: {  	v4 =	vadd.f32 v5, v4;
	_ =	sdelay $0x1  }
0xf9: {  	[tilespmem:s21+$0x5390] =	vst v4;
	v4 =	vld [tilespmem:s21+$0x53A0]  }
0xfa: {  	v5 =	vld [tilespmem:s20+$0xFFFFFFE0];
	_ =	sdelay $0x4  }
0xfb: {  	v4 =	vadd.f32 v5, v4;
	_ =	sdelay $0x1  }
0xfc: {  	[tilespmem:s21+$0x53A0] =	vst v4;
	v4 =	vld [tilespmem:s21+$0x53B0]  }
0xfd: {  	v5 =	vld [tilespmem:s20+$0xFFFFFFF0];
	_ =	sdelay $0x4  }
0xfe: {  	v4 =	vadd.f32 v5, v4;
	_ =	sdelay $0x1  }
0xff: {  	[tilespmem:s21+$0x53B0] =	vst v4;
	v4 =	vld [tilespmem:s21+$0x53C0]  }
0x100: {  	v5 =	vld [tilespmem:s20+$0x0];
	_ =	sdelay $0x4  }
0x101: {  	v4 =	vadd.f32 v5, v4;
	_ =	sdelay $0x1  }
0x102: {  	[tilespmem:s21+$0x53C0] =	vst v4;
	v4 =	vld [tilespmem:s21+$0x53D0]  }
0x103: {  	v5 =	vld [tilespmem:s20+$0x10];
	_ =	sdelay $0x4  }
0x104: {  	v4 =	vadd.f32 v5, v4;
	_ =	sdelay $0x1  }
0x105: {  	[tilespmem:s21+$0x53D0] =	vst v4;
	v4 =	vld [tilespmem:s21+$0x53E0]  }
0x106: {  	v5 =	vld [tilespmem:s20+$0x20];
	_ =	sdelay $0x4  }
0x107: {  	v4 =	vadd.f32 v5, v4;
	_ =	sdelay $0x1  }
0x108: {  	[tilespmem:s21+$0x53E0] =	vst v4;
	v4 =	vld [tilespmem:s21+$0x53F0]  }
0x109: {  	v5 =	vld [tilespmem:s20+$0x30]  }
0x10a: {  	p0 =	sne.s32 s18, $0x1  }
.Ltmp11:
0x10b: {  	_ = 	snop;
	(pc) =	sbr.rel @!p0 .LBB2_14-.Ltmp11, $3  }
0x10c: {  	_ =	sdelay $0x1  }
0x10d: {  	v4 =	vadd.f32 v5, v4  }
0x10e: {  	s18 =	sadd.s32 $0xFFFFFFFF, s18  }
.LBB2_13:
0x10f: {  	p0 =	sne.s32 s18, $0x1;
	[tilespmem:s21+$0x53F0] =	vst v4;
	s19 =	sadd.s32 $0x1, s19;
	s20 =	sadd.s32 $0x80, s20  }
0x110: {  	s18 =	sadd.s32 $0xFFFFFFFF, s18;
	v4 =	vld [tilespmem:s19+$0x0];
	_ =	sdelay $0x4  }
0x111: {  	(v2sf) =	vpush v4, $0x0;
	_ =	sdelay $0xe  }
0x112: {  	s21 =	spop (v2sf)  }
0x113: {  	s21 =	ssub.s32 s21, s5  }
0x114: {  	s21 =	sshll.u32 s21, $0x9  }
0x115: {  	s21 =	sshra.s32 s21, $0x2;
	v4 =	vld [tilespmem:s20+$0xFFFFFFC0]  }
0x116: {  	v5 =	vld [tilespmem:s21+$0x5380];
	_ =	sdelay $0x4  }
0x117: {  	v4 =	vadd.f32 v4, v5;
	_ =	sdelay $0x1  }
0x118: {  	[tilespmem:s21+$0x5380] =	vst v4;
	v4 =	vld [tilespmem:s21+$0x5390]  }
0x119: {  	v5 =	vld [tilespmem:s20+$0xFFFFFFD0];
	_ =	sdelay $0x4  }
0x11a: {  	v4 =	vadd.f32 v5, v4;
	_ =	sdelay $0x1  }
0x11b: {  	[tilespmem:s21+$0x5390] =	vst v4;
	v4 =	vld [tilespmem:s21+$0x53A0]  }
0x11c: {  	v5 =	vld [tilespmem:s20+$0xFFFFFFE0];
	_ =	sdelay $0x4  }
0x11d: {  	v4 =	vadd.f32 v5, v4;
	_ =	sdelay $0x1  }
0x11e: {  	[tilespmem:s21+$0x53A0] =	vst v4;
	v4 =	vld [tilespmem:s21+$0x53B0]  }
0x11f: {  	v5 =	vld [tilespmem:s20+$0xFFFFFFF0];
	_ =	sdelay $0x4  }
0x120: {  	v4 =	vadd.f32 v5, v4;
	_ =	sdelay $0x1  }
0x121: {  	[tilespmem:s21+$0x53B0] =	vst v4;
	v4 =	vld [tilespmem:s21+$0x53C0]  }
0x122: {  	v5 =	vld [tilespmem:s20+$0x0];
	_ =	sdelay $0x4  }
0x123: {  	v4 =	vadd.f32 v5, v4;
	_ =	sdelay $0x1  }
0x124: {  	[tilespmem:s21+$0x53C0] =	vst v4;
	v4 =	vld [tilespmem:s21+$0x53D0]  }
0x125: {  	v5 =	vld [tilespmem:s20+$0x10];
	_ =	sdelay $0x4  }
0x126: {  	v4 =	vadd.f32 v5, v4;
	_ =	sdelay $0x1  }
0x127: {  	[tilespmem:s21+$0x53D0] =	vst v4;
	v4 =	vld [tilespmem:s21+$0x53E0]  }
0x128: {  	v5 =	vld [tilespmem:s20+$0x20];
	_ =	sdelay $0x4  }
0x129: {  	v4 =	vadd.f32 v5, v4;
	_ =	sdelay $0x1  }
0x12a: {  	[tilespmem:s21+$0x53E0] =	vst v4;
	v4 =	vld [tilespmem:s21+$0x53F0]  }
0x12b: {  	v5 =	vld [tilespmem:s20+$0x30]  }
.Ltmp12:
0x12c: {  	(pc) =	sbr.rel @p0 .LBB2_13-.Ltmp12, $2  }
0x12d: {  	_ =	sdelay $0x2  }
0x12e: {  	v4 =	vadd.f32 v5, v4  }
.Ltmp13:
0x12f: {  	_ = 	snop;
	(pc) =	sbr.rel .LBB2_14-.Ltmp13, $1  }
0x130: {  	_ =	sdelay $0x3  }
.LBB2_16:
0x131: {  	_ =	sfence.sel $0x180000  }
0x132: {  	[bflag:$0x0] =	sbarrier.arrive $0xFFFF  }
0x133: {  	p0 =	sne.s32 s1, $0x0;
	_ =	strace $0x90000050  }
0x134: {  	s0 =	sadd.s32 @!p0 $0x100000, s0;
	[bflag:$0x2] =	sbarrier.arrive $0xFFFF  }
0x135: {  	[sflag:s0] =	ssyncadd.tile.s32 @!p0 $0x1;
	_ =	shalt  }
.Lfunc_end2:
_tile_overlayer_lowered:
.L_overlay_start_2:
0x136: {  	(tag) =	ssettag $0x2  }
0x137: {  	s0 =	rddreg [dreg:$0x0];
	s2 =	stileid.u32  }
0x138: {  	s1 =	rddreg [dreg:$0x1];
	p0 =	sne.s32 s2, $0x0  }
0x139: {  	s3 =	rddreg [dreg:$0x2];
	[bflag:$0x3] =	sbarrier.arrive $0xFFFF;
	s2 =	simm.s32 @!p0 $0x1C02  }
0x13a: {  	[timem:s3], [sflag:s2] =	dma.local @!p0 [hbm:s0], s1  }
0x13b: {  	s0 =	simm.s32 @!p0 $0x2  }
0x13c: {  	_ =	swait.ge @!p0 [sflag:s0], s1  }
0x13d: {  	s1 =	ssub.s32 @!p0 $0x0, s1;
	[sflag:s0] =	ssyncset.done @!p0 $0x0  }
0x13e: {  	[sflag:s0] =	ssyncadd.s32 @!p0 s1  }
0x13f: {  	[bflag:$0x3] =	sbarrier.arrive $0xFFFF  }
0x140: {  	_ =	shalt  }

// kernel: kernel.24.cloned.1.call-start
scs
__scs_entry_jumppad:
0x0: {  	(pc) =	sbr.rel $0x88, $3  }
0x1: {  	(tag) =	ssettag $0x0;
	lr =	simm.s32 $0x1  }
0x2: {  	[smem:$0x3F98] =	sst lr;
	_ =	strace $0xD0000000  }
0x3: {  	_ = 	snop  }
0x4: {  	_ = 	snop  }
0x5: {  	_ = 	snop  }
0x6: {  	_ = 	snop  }
0x7: {  	_ = 	snop  }
__scs_overlays_trampoline_lowered:
0x8: {  	[smem:$0x3FA7] =	sst s0  }
0x9: {  	[smem:$0x3FA8] =	sst s1  }
0xa: {  	[smem:$0x3FA9] =	sst s2  }
0xb: {  	[smem:$0x3FAA] =	sst s3  }
0xc: {  	[smem:$0x3FAB] =	sst s4  }
0xd: {  	[smem:$0x3FAC] =	sst s5  }
0xe: {  	[smem:$0x3FAD] =	sst s6  }
0xf: {  	[smem:$0x3FAE] =	sst s7  }
0x10: {  	[smem:$0x3FAF] =	sst s8  }
0x11: {  	[smem:$0x3FB0] =	sst s9;
	s0 =	simm.s32 @!p0 $0x0  }
0x12: {  	s1 =	sld [smem:$0x3F96];
	s0 =	simm.s32 @p0 $0x1  }
0x13: {  	[smem:$0x3FB1] =	sst s0;
	s0 =	simm.s32 @!p1 $0x0  }
0x14: {  	s2 =	sld [smem:$0x3F95];
	s0 =	simm.s32 @p1 $0x1  }
0x15: {  	[smem:$0x3FB2] =	sst s0;
	s0 =	simm.s32 @!p2 $0x0  }
0x16: {  	s3 =	sld [smem:$0x3FDB];
	s0 =	simm.s32 @p2 $0x1  }
0x17: {  	s4 =	simm.s32 $0x1BF5;
	[smem:$0x3FB4] =	sst s0  }
0x18: {  	s0 =	sld [smem:$0x3F97];
	_ =	swait.ge [sflag:s4], $0x0  }
0x19: {  	s7 =	sld [smem:$0x3F98]  }
0x1a: {  	s8 =	sadd.s32 $0xFFFFE003, lr  }
0x1b: {  	s9 =	sadd.s32 $0xFFFFFEF7, lr;
	s5 =	simm.s32 $0xFFFFFFFF;
	p2 =	slt.u32 s8, $0xFFFFF086  }
0x1c: {  	p1 =	slt.u32 s9, $0xF7A;
	s5 =	simm.s32 @!p2 $0x0  }
0x1d: {  	s5 =	simm.s32 @p1 $0x1;
	p0 =	seq.s32 s7, s2  }
0x1e: {  	s7 =	smul.u32 @!p0 $0xF7A, s2;
	p2 =	seq.s32 @!p0 s5, $0x0  }
0x1f: {  	s9 =	smul.u32 $0xF7A, s1;
	s8 =	simm.s32 @!p0 $0x1BF5;
	p2 =	por !p2, p0  }
0x20: {  	[sflag:s8] =	ssyncset.s32 @!p0 $0xFFFFF086;
	s6 =	sadd.s32 @!p0 s3, s7;
	s7 =	simm.s32 @!p0 $0x108  }
0x21: {  	s3 =	sadd.s32 s3, s9;
	s6 =	sadd.s32 @!p0 $0x88, s6;
	s7 =	simm.s32 @p2 $0x1082  }
0x22: {  	[simem:s7], [sflag:s8] =	dma.local @!p0 [hbm:s6], $0xF7A  }
0x23: {  	s9 =	sor.u32 $0xD0000000, s2;
	s6 =	simm.s32 $0x108;
	_ =	swait.ge @!p0 [sflag:s8], $0x0  }
0x24: {  	s3 =	sadd.s32 $0x88, s3;
	s6 =	simm.s32 @!p1 $0x1082;
	[sflag:s4] =	ssyncset.s32 $0xFFFFF086  }
0x25: {  	[simem:s6], [sflag:s4] =	dma.local [hbm:s3], $0xF7A  }
0x26: {  	[smem:$0x3F98] =	sst s1;
	(tag) =	ssettag s2;
	_ =	strace s9  }
0x27: {  	s1 =	sld [smem:$0x3FA8]  }
0x28: {  	s2 =	sld [smem:$0x3FA9]  }
0x29: {  	s4 =	sld [smem:$0x3FAB]  }
0x2a: {  	p0 =	seq.s32 s5, $0x0;
	s5 =	sld [smem:$0x3FAC]  }
0x2b: {  	s6 =	sld [smem:$0x3FAD]  }
0x2c: {  	s7 =	sld [smem:$0x3FAE]  }
0x2d: {  	s3 =	simm.s32 $0x108;
	s8 =	sld [smem:$0x3FAF]  }
0x2e: {  	s3 =	simm.s32 @!p0 $0x1082;
	s9 =	sld [smem:$0x3FB0]  }
0x2f: {  	lr =	sadd.s32 s0, s3;
	s0 =	sld [smem:$0x3FA7]  }
0x30: {  	s3 =	sld [smem:$0x3FAA]  }
0x31: {  	[smem:$0x3FB3] =	sst s10  }
0x32: {  	s10 =	sld [smem:$0x3FB1];
	_ =	sdelay $0x3  }
0x33: {  	p0 =	seq.s32 s10, $0x1;
	s10 =	sld [smem:$0x3FB3];
	_ =	sdelay $0x3  }
0x34: {  	[smem:$0x3FB3] =	sst s10  }
0x35: {  	s10 =	sld [smem:$0x3FB2];
	_ =	sdelay $0x3  }
0x36: {  	p1 =	seq.s32 s10, $0x1;
	s10 =	sld [smem:$0x3FB3];
	_ =	sdelay $0x3  }
0x37: {  	[smem:$0x3FB3] =	sst s10  }
0x38: {  	s10 =	sld [smem:$0x3FB4]  }
0x39: {  	_ = 	snop;
	(pc) =	sbr.ind lr, $3  }
0x3a: {  	_ = 	snop  }
0x3b: {  	_ = 	snop  }
0x3c: {  	p2 =	seq.s32 s10, $0x1;
	s10 =	sld [smem:$0x3FB3]  }
0x3d: {  	_ =	shalt  }
0x3e: {  	_ =	shalt  }
0x3f: {  	_ =	shalt  }
0x40: {  	_ =	shalt  }
0x41: {  	_ =	shalt  }
0x42: {  	_ =	shalt  }
0x43: {  	_ =	shalt  }
0x44: {  	_ =	shalt  }
0x45: {  	_ =	shalt  }
0x46: {  	_ =	shalt  }
0x47: {  	_ =	shalt  }
0x48: {  	_ =	shalt  }
0x49: {  	_ =	shalt  }
0x4a: {  	_ =	shalt  }
0x4b: {  	_ =	shalt  }
0x4c: {  	_ =	shalt  }
0x4d: {  	_ =	shalt  }
0x4e: {  	_ =	shalt  }
0x4f: {  	_ =	shalt  }
0x50: {  	_ =	shalt  }
0x51: {  	_ =	shalt  }
0x52: {  	_ =	shalt  }
0x53: {  	_ =	shalt  }
0x54: {  	_ =	shalt  }
0x55: {  	_ =	shalt  }
0x56: {  	_ =	shalt  }
0x57: {  	_ =	shalt  }
0x58: {  	_ =	shalt  }
0x59: {  	_ =	shalt  }
0x5a: {  	_ =	shalt  }
0x5b: {  	_ =	shalt  }
0x5c: {  	_ =	shalt  }
0x5d: {  	_ =	shalt  }
0x5e: {  	_ =	shalt  }
0x5f: {  	_ =	shalt  }
0x60: {  	_ =	shalt  }
0x61: {  	_ =	shalt  }
0x62: {  	_ =	shalt  }
0x63: {  	_ =	shalt  }
0x64: {  	_ =	shalt  }
0x65: {  	_ =	shalt  }
0x66: {  	_ =	shalt  }
0x67: {  	_ =	shalt  }
0x68: {  	_ =	shalt  }
0x69: {  	_ =	shalt  }
0x6a: {  	_ =	shalt  }
0x6b: {  	_ =	shalt  }
0x6c: {  	_ =	shalt  }
0x6d: {  	_ =	shalt  }
0x6e: {  	_ =	shalt  }
0x6f: {  	_ =	shalt  }
0x70: {  	_ =	shalt  }
0x71: {  	_ =	shalt  }
0x72: {  	_ =	shalt  }
0x73: {  	_ =	shalt  }
0x74: {  	_ =	shalt  }
0x75: {  	_ =	shalt  }
0x76: {  	_ =	shalt  }
0x77: {  	_ =	shalt  }
0x78: {  	_ =	shalt  }
0x79: {  	_ =	shalt  }
0x7a: {  	_ =	shalt  }
0x7b: {  	_ =	shalt  }
0x7c: {  	_ =	shalt  }
0x7d: {  	_ =	shalt  }
0x7e: {  	_ =	shalt  }
0x7f: {  	_ =	shalt  }
0x80: {  	_ =	shalt  }
0x81: {  	_ =	shalt  }
0x82: {  	_ =	shalt  }
0x83: {  	_ =	shalt  }
0x84: {  	_ =	shalt  }
0x85: {  	_ =	shalt  }
0x86: {  	_ =	shalt  }
0x87: {  	_ =	shalt  }
.Lfunc_end0:
.L_simem_size_0:
called_computation.4_lowered:
.L_overlay_start_0:
0x88: {  	s2 =	sld [smem:$0x3FD9]  }
0x89: {  	s3 =	sld [smem:$0x3FFE];
	_ =	sdelay $0x1  }
0x8a: {  	s1 =	srdreg.scid  }
0x8b: {  	s0 =	sand.u32 $0x1, s1  }
0x8c: {  	s17 =	sshll.u32 s0, $0xA;
	s2 =	sadd.s32 s3, s2  }
0x8d: {  	s2 =	sadd.s32 s2, s17  }
0x8e: {  	[smem:$0x3FBF] =	sst s2  }
0x8f: {  	_ = 	snop  }
0x90: {  	s18 =	sld [smem:$0x3FD0];
	(tm) =	ssettm $0x1  }
0x91: {  	s19 =	sld [smem:$0x3FFB];
	_ =	sdelay $0x3  }
0x92: {  	_ =	strace s19  }
0x93: {  	s2 =	sld [smem:$0x3FFC];
	_ =	sdelay $0x3  }
0x94: {  	_ =	strace s2  }
0x95: {  	s2 =	sld [smem:$0x3FFD];
	_ =	sdelay $0x3  }
0x96: {  	_ =	strace s2  }
0x97: {  	_ =	strace $0x8FFFFFFF  }
0x98: {  	s20 =	sld [smem:$0x3FDB];
	_ =	sdelay $0x1  }
0x99: {  	s4 =	simm.s32 $_scs_section_size  }
0x9a: {  	s5 =	simm.s32 $_size__tile_overlayer_lowered;
	s6 =	simm.s32 $_tile_overlayer_lowered  }
0x9b: {  	s7 =	simm.s32 $0x1BFF;
	s21 =	sshll.u32 s6, $0x1;
	s4 =	sadd.s32 s4, s20  }
0x9c: {  	s22 =	simm.s32 $0x0;
	s5 =	sshll.u32 s5, $0x1;
	s6 =	sadd.s32 s21, s4  }
0x9d: {  	[timem:s22], [sflag:s7] =	dma.local [hbm:s6], s5  }
0x9e: {  	_ =	swait.ge [sflag:s7], s5  }
0x9f: {  	s5 =	ssub.s32 $0x0, s5;
	[sflag:s7] =	ssyncset.done $0x0  }
0xa0: {  	[sflag:s7] =	ssyncadd.s32 s5;
	_ =	sdelay $0x1  }
0xa1: {  	s23 =	simm.s32 $0x1B8B  }
0xa2: {  	_ =	swait.ge [sflag:s23], $0x1  }
0xa3: {  	[sflag:s23] =	ssyncset.done $0x0  }
0xa4: {  	[sflag:s23] =	ssyncadd.s32 $0xFFFFFFFF  }
0xa5: {  	s5 =	sld [smem:$0x0]  }
0xa6: {  	s6 =	sand.u32 $0xFFFFFFFE, s1  }
0xa7: {  	p0 =	sne.s32 s1, s6  }
0xa8: {  	s6 =	sshll.u32 @p0 s6, $0xE  }
0xa9: {  	s6 =	sadd.s32 @p0 $0x11B8D, s6;
	s7 =	sshll.u32 @p0 s5, $0x11  }
0xaa: {  	s6 =	sor.u32 @p0 s7, s6  }
0xab: {  	[sflag:s6] =	ssyncadd.remote.s32 @p0 $0x1;
	_ =	sdelay $0x1  }
0xac: {  	s6 =	simm.s32 @p0 $0x1B8D  }
0xad: {  	_ =	swait.eq @p0 [sflag:s6], $0x1  }
0xae: {  	[sflag:s6] =	ssyncadd.s32 @p0 $0xFFFFFFFF  }
0xaf: {  	s7 =	sshll.u32 @!p0 s1, $0xE  }
0xb0: {  	s7 =	sor.u32 @!p0 $0x4000, s7;
	s6 =	simm.s32 @!p0 $0x1B8D  }
0xb1: {  	s5 =	sshll.u32 @!p0 s5, $0x11;
	s7 =	sadd.s32 @!p0 $0x11B8D, s7;
	_ =	swait.eq @!p0 [sflag:s6], $0x1  }
0xb2: {  	s5 =	sor.u32 @!p0 s5, s7;
	[sflag:s6] =	ssyncadd.s32 @!p0 $0xFFFFFFFF  }
0xb3: {  	s25 =	simm.s32 $0x1B8E;
	s24 =	sld [smem:$0x3FFE];
	[sflag:s5] =	ssyncadd.remote.s32 @!p0 $0x1  }
0xb4: {  	s26 =	simm.s32 $execute0_lowered;
	[smem:$0x3FD2] =	sst s25  }
0xb5: {  	s6 =	sshll.u32 s26, $0x1;
	_ =	strace $0x80000052;
	[dreg:$0x1] =	wrdreg $0xFFFFFFFF  }
0xb6: {  	s28 =	simm.s32 $_size_execute0_lowered;
	s4 =	sadd.s32 s4, s6;
	[dreg:$0x0] =	wrdreg $0x0  }
0xb7: {  	s6 =	sshll.u32 s28, $0x1;
	[dreg:$0x2] =	wrdreg s4  }
0xb8: {  	[dreg:$0x3] =	wrdreg s6  }
0xb9: {  	[dreg:$0x4] =	wrdreg $0xC0  }
0xba: {  	_ =	task [dreg:s22], $0x5FFFF  }
0xbb: {  	[dreg:$0x1] =	wrdreg $0xFFFFFFFF  }
0xbc: {  	[dreg:$0x0] =	wrdreg $0x60  }
0xbd: {  	[dreg:$0x2] =	wrdreg s18  }
0xbe: {  	[dreg:$0x3] =	wrdreg s24  }
0xbf: {  	[dreg:$0x4] =	wrdreg $0xA  }
0xc0: {  	_ =	task.clear_ibuf [dreg:s22], $0x5FFFF;
	_ =	strace $0x90000052  }
0xc1: {  	s29 =	simm.s32 $0xA;
	_ =	strace $0x80000054  }
0xc2: {  	_ =	swait.ge [sflag:s29], $0x1  }
0xc3: {  	[sflag:s29] =	ssyncadd.s32 $0xFFFFFFFF  }
0xc4: {  	_ =	strace $0x90000054  }
0xc5: {  	_ =	sfence  }
0xc6: {  	s30 =	sld [smem:$0x0];
	_ =	sdelay $0x2  }
0xc7: {  	s31 =	sshll.u32 s1, $0xD;
	s1 =	sshrl.u32 s1, $0x2  }
0xc8: {  	s4 =	sand.u32 $0x4000, s31;
	s1 =	sadd.s32 s1, s30  }
0xc9: {  	s0 =	sor.u32 s4, s0;
	s1 =	sshll.u32 s1, $0x11  }
0xca: {  	s0 =	sor.u32 s1, s0  }
0xcb: {  	s0 =	sadd.s32 $0x8F2B, s0  }
0xcc: {  	[sflag:s0] =	ssyncadd.remote.s32 $0x1  }
0xcd: {  	_ =	sfence.sel $0xFFFF  }
0xce: {  	[dreg:$0x0] =	wrdreg $0xFFFFFFFF;
	(pc) =	sbr.abs _section_cstart, $3  }
0xcf: {  	[dreg:$0x1] =	wrdreg $0xFFFFFFFF  }
0xd0: {  	_ =	task.clear_ibuf [dreg:s22], $0x2FFFF;
	_ =	strace $0x9FFFFFFF  }
0xd1: {  	(tm) =	ssettm $0x7FFFFFFF  }
tec
execute0_lowered:
.L_overlay_start_1:
0x0: {  	(tag) =	ssettag $0x1  }
0x1: {  	s2 =	rddreg [dreg:$0x0]  }
0x2: {  	s6 =	rddreg [dreg:$0x1]  }
0x3: {  	s0 =	rddreg [dreg:$0x2]  }
0x4: {  	s4 =	srdreg.scid;
	s1 =	stileid.u32  }
0x5: {  	s3 =	simm.s32 $0x0;
	s11 =	simm.s32 $0x80;
	s12 =	simm.s32 $0x100  }
0x6: {  	s7 =	sand.u32 $0x1, s4;
	s30 =	smul.u32 $0x4F00, s1;
	[smem:$0x7FF] =	sst s3  }
0x7: {  	s13 =	simm.s32 $0x9500;
	s5 =	sshll.u32 s7, $0x7;
	_ =	strace $0x80000053  }
.Ltmp0:
0x8: {  	s8 =	ssub.s32 $0x2, s7;
	s4 =	sor.u32 s5, s30;
	(pc) =	sbr.rel .LBB2_1-.Ltmp0, $4  }
0x9: {  	s10 =	sshrl.u32 s8, $0x1;
	s9 =	sshrl.u32 s4, $0x3;
	s4 =	smul.u32 $0x278, s1  }
0xa: {  	s5 =	sadd.s32 $0x5800, s6;
	s8 =	ssub.s32 s8, s10;
	s10 =	simm.s32 $0x800  }
0xb: {  	v2 =	vimm.f32 $0.0e+00;
	v3 =	vlaneseq.u32;
	s9 =	sadd.s32 s9, s6;
	s6 =	smul.u32 $0x27100, s7;
	s31 =	sadd.s32 $0x278, s4  }
0xc: {  	v4 =	vimm.s32 $0x0;
	s8 =	smax.u32 s8, $0x1;
	s7 =	sadd.s32 $0x19400, s9;
	v0 =	vmov s4;
	s9 =	simm.s32 $0x1;
	v1 =	vmov s31  }
.LBB2_11:
0xd: {  	s3 =	sadd.s32 $0x1, s3  }
0xe: {  	p0 =	sne.s32 s3, s8  }
.Ltmp1:
0xf: {  	_ = 	snop;
	(pc) =	sbr.rel @!p0 .LBB2_12-.Ltmp1, $4  }
0x10: {  	[hbm4b:s7+s11] =	stream.strided.scatter [tilespmem:s13], [sflag:$0x1], $0x2780, s12, s11, $0x38;
	[tilespmem:$0xBC80] =	vst v63  }
0x11: {  	_ =	swait.ge [sflag:s9], $0x2780  }
0x12: {  	[sflag:s9] =	ssyncset.done $0x0  }
0x13: {  	[sflag:s9] =	ssyncadd.s32 $0xFFFFD880  }
.LBB2_1:
0x14: {  	s14 =	simm.s32 $0x40;
	s15 =	simm.s32 $0x0  }
.LBB2_2:
0x15: {  	p0 =	sne.s32 s14, $0x9DC0;
	[tilespmem:s15+$0x9500] =	vst v2;
	s15 =	smov.u32 s14;
	s14 =	sadd.s32 $0x40, s14  }
.Ltmp2:
0x16: {  	(pc) =	sbr.rel @p0 .LBB2_2-.Ltmp2, $2  }
0x17: {  	_ =	sdelay $0x2  }
0x18: {  	s15 =	sshra.s32 s15, $0x2  }
.Ltmp3:
0x19: {  	(pc) =	sbr.rel .LBB2_4-.Ltmp3, $2  }
0x1a: {  	_ =	sdelay $0x2  }
0x1b: {  	[tilespmem:s15+$0x9500] =	vst v2;
	s14 =	simm.s32 $0x0;
	s15 =	simm.s32 $0x0  }
.LBB2_9:
0x1c: {  	(v2sf) =	vpush v5, $0x0  }
0x1d: {  	(v2sf) =	vpush v6, $0x0;
	_ =	sdelay $0xd  }
0x1e: {  	s16 =	spop (v2sf)  }
0x1f: {  	s17 =	spop (v2sf)  }
0x20: {  	s16 =	sshll.u32 s16, $0x6;
	s17 =	ssub.s32 s17, s4  }
0x21: {  	s16 =	sshra.s32 s16, $0x2;
	s17 =	sshll.u32 s17, $0x6  }
0x22: {  	v5 =	vld [tilespmem:s16+$0x800];
	s17 =	sshra.s32 s17, $0x2  }
0x23: {  	v6 =	vld [tilespmem:s17+$0x9500];
	_ =	sdelay $0x4  }
0x24: {  	v5 =	vadd.f32 v5, v6;
	_ =	sdelay $0x1  }
0x25: {  	[tilespmem:s17+$0x9500] =	vst v5  }
.LBB2_10:
0x26: {  	s15 =	sadd.s32 $0x1, s15  }
0x27: {  	p0 =	sne.s32 s15, $0x50  }
.Ltmp4:
0x28: {  	_ = 	snop;
	(pc) =	sbr.rel @!p0 .LBB2_11-.Ltmp4, $1  }
0x29: {  	_ =	sdelay $0x3  }
.LBB2_4:
0x2a: {  	s16 =	smul.u32 $0x7D0, s15;
	_ =	sdelay $0x1  }
0x2b: {  	s16 =	sadd.s32 s6, s16  }
0x2c: {  	s17 =	sshrl.u32 s16, $0x3  }
0x2d: {  	s17 =	sadd.s32 s5, s17  }
0x2e: {  	[tilespmem:s14], [sflag:$0x1] =	stream.linear.gather [hbm4b:s17+s14], $0x7D0, $0x38;
	[tilespmem:$0xBC80] =	vst v63  }
0x2f: {  	_ =	swait.ge [sflag:s9], $0x7D0  }
0x30: {  	s16 =	sshll.u32 s16, $0x1;
	[sflag:s9] =	ssyncset.done $0x0  }
0x31: {  	s16 =	sadd.s32 s2, s16;
	[sflag:s9] =	ssyncadd.s32 $0xFFFFF830  }
0x32: {  	[tilespmem:s10], [sflag:$0x1] =	stream.linear.gather [hbm4b:s16+s14], $0x7D00, $0x38;
	[tilespmem:$0xBC80] =	vst v63  }
0x33: {  	_ =	swait.ge [sflag:s9], $0x7D00  }
0x34: {  	[sflag:s9] =	ssyncset.done $0x0  }
0x35: {  	[sflag:s9] =	ssyncadd.s32 $0xFFFF8300  }
0x36: {  	v5 =	vld [tilespmem:s14+$0x0];
	_ =	sdelay $0x4  }
0x37: {  	vm0 =	vge.s32 v5, v0;
	vm1 =	vlt.s32 v5, v1  }
0x38: {  	vm0 =	vmand vm0, vm1  }
0x39: {  	v6 =	vsel vm0, $0x1, v4  }
0x3a: {  	(xrf0) =	vadd.scan.msk.s32 $0xffff, v6;
	_ =	sdelay $0x2  }
0x3b: {  	v6 =	vor.u32 s14, v3;
	_ =	sdelay $0x2  }
0x3c: {  	[tilespmem:s14+$0x8500] =	vst.msk vm0, v6;
	v6, _, _ =	vpop (xrf0)  }
0x3d: {  	(v2sf) =	vpush v6, $0xF  }
0x3e: {  	s16 =	simm.s32 $0x10;
	[tilespmem:s14+$0x8D00] =	vst.msk vm0, v5  }
0x3f: {  	s18 =	simm.s32 $0x20;
	s19 =	simm.s32 $0x10;
	s17 =	simm.s32 $0x0;
	v5 =	vld [tilespmem:s16+$0x0]  }
.LBB2_5:
0x40: {  	p0 =	seq.s32 s18, $0x7C0;
	_ =	sdelay $0x3  }
0x41: {  	vm0 =	vge.s32 v5, v0;
	vm1 =	vlt.s32 v5, v1  }
0x42: {  	vm0 =	vmand vm0, vm1  }
0x43: {  	v6 =	vsel vm0, $0x1, v4  }
0x44: {  	(xrf0) =	vadd.scan.msk.s32 $0xffff, v6;
	_ =	sdelay $0x4  }
.Ltmp5:
0x45: {  	s20 =	spop (v2sf);
	(pc) =	sbr.rel @!p0 .LBB2_5-.Ltmp5, $4  }
0x46: {  	v6 =	vor.u32 s16, v3;
	s16 =	smov.u32 s18;
	v7, _, _ =	vpop (xrf0);
	s17 =	sadd.s32 s17, s20  }
0x47: {  	[tilespmem:s17+$0x8500] =	vst.msk vm0, v6;
	(v2sf) =	vpush v7, $0xF  }
0x48: {  	s19 =	sadd.s32 $0x10, s19;
	[tilespmem:s17+$0x8D00] =	vst.msk vm0, v5  }
0x49: {  	s18 =	sadd.s32 $0x10, s18;
	v5 =	vld [tilespmem:s19+$0x0]  }
0x4a: {  	_ =	sdelay $0x3  }
0x4b: {  	vm0 =	vge.s32 v5, v0;
	vm1 =	vlt.s32 v5, v1  }
0x4c: {  	vm0 =	vmand vm0, vm1  }
0x4d: {  	v6 =	vsel vm0, $0x1, v4  }
0x4e: {  	(xrf0) =	vadd.scan.msk.s32 $0xffff, v6;
	_ =	sdelay $0x5  }
0x4f: {  	v6, _, _ =	vpop (xrf0)  }
0x50: {  	(v2sf) =	vpush v6, $0xF;
	_ =	sdelay $0xd  }
0x51: {  	s18 =	spop (v2sf)  }
0x52: {  	v6 =	vor.u32 s16, v3;
	s16 =	sadd.s32 s17, s18;
	s17 =	spop (v2sf)  }
0x53: {  	s18 =	sadd.s32 s16, s17  }
0x54: {  	p0 =	slt.s32 s18, $0x1  }
.Ltmp6:
0x55: {  	_ = 	snop;
	(pc) =	sbr.rel @p0 .LBB2_10-.Ltmp6, $3  }
0x56: {  	_ =	sdelay $0x1  }
0x57: {  	[tilespmem:s16+$0x8500] =	vst.msk vm0, v6  }
0x58: {  	[tilespmem:s16+$0x8D00] =	vst.msk vm0, v5  }
0x59: {  	s18 =	sadd.s32 s16, s17  }
0x5a: {  	s17 =	simm.s32 $0x8500;
	p0 =	sne.s32 s18, $0x1  }
.Ltmp7:
0x5b: {  	s16 =	simm.s32 $0x8D00;
	v5 =	vld [tilespmem:s17+$0x0];
	(pc) =	sbr.rel @!p0 .LBB2_9-.Ltmp7, $2  }
0x5c: {  	v6 =	vld [tilespmem:s16+$0x0];
	_ =	sdelay $0x2  }
0x5d: {  	s18 =	sadd.s32 $0xFFFFFFFF, s18  }
.LBB2_8:
0x5e: {  	p0 =	sne.s32 s18, $0x1;
	_ =	sdelay $0x2  }
0x5f: {  	(v2sf) =	vpush v5, $0x0  }
0x60: {  	(v2sf) =	vpush v6, $0x0;
	_ =	sdelay $0xd  }
0x61: {  	s19 =	spop (v2sf)  }
0x62: {  	s20 =	spop (v2sf)  }
0x63: {  	s19 =	sshll.u32 s19, $0x6;
	s20 =	ssub.s32 s20, s4  }
0x64: {  	s19 =	sshra.s32 s19, $0x2;
	s20 =	sshll.u32 s20, $0x6  }
0x65: {  	s20 =	sshra.s32 s20, $0x2;
	v5 =	vld [tilespmem:s19+$0x800]  }
0x66: {  	v6 =	vld [tilespmem:s20+$0x9500];
	_ =	sdelay $0x4  }
.Ltmp8:
0x67: {  	v5 =	vadd.f32 v5, v6;
	(pc) =	sbr.rel @p0 .LBB2_8-.Ltmp8, $4  }
0x68: {  	_ = 	snop  }
0x69: {  	s17 =	sadd.s32 $0x1, s17;
	[tilespmem:s20+$0x9500] =	vst v5  }
0x6a: {  	s16 =	sadd.s32 $0x1, s16;
	v5 =	vld [tilespmem:s17+$0x0]  }
0x6b: {  	s18 =	sadd.s32 $0xFFFFFFFF, s18;
	v6 =	vld [tilespmem:s16+$0x0]  }
.Ltmp9:
0x6c: {  	_ = 	snop;
	(pc) =	sbr.rel .LBB2_9-.Ltmp9, $1  }
0x6d: {  	_ =	sdelay $0x3  }
.LBB2_12:
0x6e: {  	_ =	sfence.sel $0x180000  }
0x6f: {  	[bflag:$0x0] =	sbarrier.arrive $0xFFFF  }
0x70: {  	p0 =	sne.s32 s1, $0x0;
	_ =	strace $0x90000053  }
0x71: {  	s0 =	sadd.s32 @!p0 $0x100000, s0;
	[bflag:$0x2] =	sbarrier.arrive $0xFFFF  }
0x72: {  	[sflag:s0] =	ssyncadd.tile.s32 @!p0 $0x1;
	_ =	shalt  }
.Lfunc_end2:
_tile_overlayer_lowered:
.L_overlay_start_2:
0x73: {  	(tag) =	ssettag $0x2  }
0x74: {  	s0 =	rddreg [dreg:$0x0];
	s2 =	stileid.u32  }
0x75: {  	s1 =	rddreg [dreg:$0x1];
	p0 =	sne.s32 s2, $0x0  }
0x76: {  	s3 =	rddreg [dreg:$0x2];
	[bflag:$0x3] =	sbarrier.arrive $0xFFFF;
	s2 =	simm.s32 @!p0 $0x1C01  }
0x77: {  	[timem:s3], [sflag:s2] =	dma.local @!p0 [hbm:s0], s1  }
0x78: {  	s0 =	simm.s32 @!p0 $0x1  }
0x79: {  	_ =	swait.ge @!p0 [sflag:s0], s1  }
0x7a: {  	s1 =	ssub.s32 @!p0 $0x0, s1;
	[sflag:s0] =	ssyncset.done @!p0 $0x0  }
0x7b: {  	[sflag:s0] =	ssyncadd.s32 @!p0 s1  }
0x7c: {  	[bflag:$0x3] =	sbarrier.arrive $0xFFFF  }
0x7d: {  	_ =	shalt  }

// kernel: kernel.27.cloned.1.call-start
scs
__scs_entry_jumppad:
0x0: {  	(pc) =	sbr.rel $0x88, $3  }
0x1: {  	(tag) =	ssettag $0x0;
	lr =	simm.s32 $0x1  }
0x2: {  	[smem:$0x3F98] =	sst lr;
	_ =	strace $0xD0000000  }
0x3: {  	_ = 	snop  }
0x4: {  	_ = 	snop  }
0x5: {  	_ = 	snop  }
0x6: {  	_ = 	snop  }
0x7: {  	_ = 	snop  }
__scs_overlays_trampoline_lowered:
0x8: {  	[smem:$0x3FA7] =	sst s0  }
0x9: {  	[smem:$0x3FA8] =	sst s1  }
0xa: {  	[smem:$0x3FA9] =	sst s2  }
0xb: {  	[smem:$0x3FAA] =	sst s3  }
0xc: {  	[smem:$0x3FAB] =	sst s4  }
0xd: {  	[smem:$0x3FAC] =	sst s5  }
0xe: {  	[smem:$0x3FAD] =	sst s6  }
0xf: {  	[smem:$0x3FAE] =	sst s7  }
0x10: {  	[smem:$0x3FAF] =	sst s8  }
0x11: {  	[smem:$0x3FB0] =	sst s9;
	s0 =	simm.s32 @!p0 $0x0  }
0x12: {  	s1 =	sld [smem:$0x3F96];
	s0 =	simm.s32 @p0 $0x1  }
0x13: {  	[smem:$0x3FB1] =	sst s0;
	s0 =	simm.s32 @!p1 $0x0  }
0x14: {  	s2 =	sld [smem:$0x3F95];
	s0 =	simm.s32 @p1 $0x1  }
0x15: {  	[smem:$0x3FB2] =	sst s0;
	s0 =	simm.s32 @!p2 $0x0  }
0x16: {  	s3 =	sld [smem:$0x3FDB];
	s0 =	simm.s32 @p2 $0x1  }
0x17: {  	s4 =	simm.s32 $0x1BF5;
	[smem:$0x3FB4] =	sst s0  }
0x18: {  	s0 =	sld [smem:$0x3F97];
	_ =	swait.ge [sflag:s4], $0x0  }
0x19: {  	s7 =	sld [smem:$0x3F98]  }
0x1a: {  	s8 =	sadd.s32 $0xFFFFE003, lr  }
0x1b: {  	s9 =	sadd.s32 $0xFFFFFEF7, lr;
	s5 =	simm.s32 $0xFFFFFFFF;
	p2 =	slt.u32 s8, $0xFFFFF086  }
0x1c: {  	p1 =	slt.u32 s9, $0xF7A;
	s5 =	simm.s32 @!p2 $0x0  }
0x1d: {  	s5 =	simm.s32 @p1 $0x1;
	p0 =	seq.s32 s7, s2  }
0x1e: {  	s7 =	smul.u32 @!p0 $0xF7A, s2;
	p2 =	seq.s32 @!p0 s5, $0x0  }
0x1f: {  	s9 =	smul.u32 $0xF7A, s1;
	s8 =	simm.s32 @!p0 $0x1BF5;
	p2 =	por !p2, p0  }
0x20: {  	[sflag:s8] =	ssyncset.s32 @!p0 $0xFFFFF086;
	s6 =	sadd.s32 @!p0 s3, s7;
	s7 =	simm.s32 @!p0 $0x108  }
0x21: {  	s3 =	sadd.s32 s3, s9;
	s6 =	sadd.s32 @!p0 $0x88, s6;
	s7 =	simm.s32 @p2 $0x1082  }
0x22: {  	[simem:s7], [sflag:s8] =	dma.local @!p0 [hbm:s6], $0xF7A  }
0x23: {  	s9 =	sor.u32 $0xD0000000, s2;
	s6 =	simm.s32 $0x108;
	_ =	swait.ge @!p0 [sflag:s8], $0x0  }
0x24: {  	s3 =	sadd.s32 $0x88, s3;
	s6 =	simm.s32 @!p1 $0x1082;
	[sflag:s4] =	ssyncset.s32 $0xFFFFF086  }
0x25: {  	[simem:s6], [sflag:s4] =	dma.local [hbm:s3], $0xF7A  }
0x26: {  	[smem:$0x3F98] =	sst s1;
	(tag) =	ssettag s2;
	_ =	strace s9  }
0x27: {  	s1 =	sld [smem:$0x3FA8]  }
0x28: {  	s2 =	sld [smem:$0x3FA9]  }
0x29: {  	s4 =	sld [smem:$0x3FAB]  }
0x2a: {  	p0 =	seq.s32 s5, $0x0;
	s5 =	sld [smem:$0x3FAC]  }
0x2b: {  	s6 =	sld [smem:$0x3FAD]  }
0x2c: {  	s7 =	sld [smem:$0x3FAE]  }
0x2d: {  	s3 =	simm.s32 $0x108;
	s8 =	sld [smem:$0x3FAF]  }
0x2e: {  	s3 =	simm.s32 @!p0 $0x1082;
	s9 =	sld [smem:$0x3FB0]  }
0x2f: {  	lr =	sadd.s32 s0, s3;
	s0 =	sld [smem:$0x3FA7]  }
0x30: {  	s3 =	sld [smem:$0x3FAA]  }
0x31: {  	[smem:$0x3FB3] =	sst s10  }
0x32: {  	s10 =	sld [smem:$0x3FB1];
	_ =	sdelay $0x3  }
0x33: {  	p0 =	seq.s32 s10, $0x1;
	s10 =	sld [smem:$0x3FB3];
	_ =	sdelay $0x3  }
0x34: {  	[smem:$0x3FB3] =	sst s10  }
0x35: {  	s10 =	sld [smem:$0x3FB2];
	_ =	sdelay $0x3  }
0x36: {  	p1 =	seq.s32 s10, $0x1;
	s10 =	sld [smem:$0x3FB3];
	_ =	sdelay $0x3  }
0x37: {  	[smem:$0x3FB3] =	sst s10  }
0x38: {  	s10 =	sld [smem:$0x3FB4]  }
0x39: {  	_ = 	snop;
	(pc) =	sbr.ind lr, $3  }
0x3a: {  	_ = 	snop  }
0x3b: {  	_ = 	snop  }
0x3c: {  	p2 =	seq.s32 s10, $0x1;
	s10 =	sld [smem:$0x3FB3]  }
0x3d: {  	_ =	shalt  }
0x3e: {  	_ =	shalt  }
0x3f: {  	_ =	shalt  }
0x40: {  	_ =	shalt  }
0x41: {  	_ =	shalt  }
0x42: {  	_ =	shalt  }
0x43: {  	_ =	shalt  }
0x44: {  	_ =	shalt  }
0x45: {  	_ =	shalt  }
0x46: {  	_ =	shalt  }
0x47: {  	_ =	shalt  }
0x48: {  	_ =	shalt  }
0x49: {  	_ =	shalt  }
0x4a: {  	_ =	shalt  }
0x4b: {  	_ =	shalt  }
0x4c: {  	_ =	shalt  }
0x4d: {  	_ =	shalt  }
0x4e: {  	_ =	shalt  }
0x4f: {  	_ =	shalt  }
0x50: {  	_ =	shalt  }
0x51: {  	_ =	shalt  }
0x52: {  	_ =	shalt  }
0x53: {  	_ =	shalt  }
0x54: {  	_ =	shalt  }
0x55: {  	_ =	shalt  }
0x56: {  	_ =	shalt  }
0x57: {  	_ =	shalt  }
0x58: {  	_ =	shalt  }
0x59: {  	_ =	shalt  }
0x5a: {  	_ =	shalt  }
0x5b: {  	_ =	shalt  }
0x5c: {  	_ =	shalt  }
0x5d: {  	_ =	shalt  }
0x5e: {  	_ =	shalt  }
0x5f: {  	_ =	shalt  }
0x60: {  	_ =	shalt  }
0x61: {  	_ =	shalt  }
0x62: {  	_ =	shalt  }
0x63: {  	_ =	shalt  }
0x64: {  	_ =	shalt  }
0x65: {  	_ =	shalt  }
0x66: {  	_ =	shalt  }
0x67: {  	_ =	shalt  }
0x68: {  	_ =	shalt  }
0x69: {  	_ =	shalt  }
0x6a: {  	_ =	shalt  }
0x6b: {  	_ =	shalt  }
0x6c: {  	_ =	shalt  }
0x6d: {  	_ =	shalt  }
0x6e: {  	_ =	shalt  }
0x6f: {  	_ =	shalt  }
0x70: {  	_ =	shalt  }
0x71: {  	_ =	shalt  }
0x72: {  	_ =	shalt  }
0x73: {  	_ =	shalt  }
0x74: {  	_ =	shalt  }
0x75: {  	_ =	shalt  }
0x76: {  	_ =	shalt  }
0x77: {  	_ =	shalt  }
0x78: {  	_ =	shalt  }
0x79: {  	_ =	shalt  }
0x7a: {  	_ =	shalt  }
0x7b: {  	_ =	shalt  }
0x7c: {  	_ =	shalt  }
0x7d: {  	_ =	shalt  }
0x7e: {  	_ =	shalt  }
0x7f: {  	_ =	shalt  }
0x80: {  	_ =	shalt  }
0x81: {  	_ =	shalt  }
0x82: {  	_ =	shalt  }
0x83: {  	_ =	shalt  }
0x84: {  	_ =	shalt  }
0x85: {  	_ =	shalt  }
0x86: {  	_ =	shalt  }
0x87: {  	_ =	shalt  }
.Lfunc_end0:
.L_simem_size_0:
called_computation.5_lowered:
.L_overlay_start_0:
0x88: {  	s2 =	sld [smem:$0x3FD9]  }
0x89: {  	s3 =	sld [smem:$0x3FFE];
	_ =	sdelay $0x1  }
0x8a: {  	s1 =	srdreg.scid  }
0x8b: {  	s0 =	sand.u32 $0x1, s1  }
0x8c: {  	s17 =	sshll.u32 s0, $0xA;
	s2 =	sadd.s32 s3, s2  }
0x8d: {  	s2 =	sadd.s32 s2, s17  }
0x8e: {  	[smem:$0x3FBF] =	sst s2  }
0x8f: {  	_ = 	snop  }
0x90: {  	s2 =	sld [smem:$0x3FD0];
	(tm) =	ssettm $0x1  }
0x91: {  	s18 =	sld [smem:$0x3FFB];
	_ =	sdelay $0x3  }
0x92: {  	_ =	strace s18  }
0x93: {  	s3 =	sld [smem:$0x3FFC];
	_ =	sdelay $0x3  }
0x94: {  	_ =	strace s3  }
0x95: {  	s3 =	sld [smem:$0x3FFD];
	_ =	sdelay $0x3  }
0x96: {  	_ =	strace s3  }
0x97: {  	_ =	strace $0x8FFFFFFF  }
0x98: {  	s19 =	sld [smem:$0x3FDB];
	_ =	sdelay $0x1  }
0x99: {  	s4 =	simm.s32 $_scs_section_size  }
0x9a: {  	s5 =	simm.s32 $_size__tile_overlayer_lowered;
	s6 =	simm.s32 $_tile_overlayer_lowered  }
0x9b: {  	s22 =	simm.s32 $0x1BFF;
	s21 =	sshll.u32 s6, $0x1;
	s3 =	sadd.s32 s4, s19  }
0x9c: {  	s7 =	simm.s32 $0x0;
	s20 =	sshll.u32 s5, $0x1;
	s5 =	sadd.s32 s21, s3  }
0x9d: {  	[timem:s7], [sflag:s22] =	dma.local [hbm:s5], s20  }
0x9e: {  	_ =	swait.ge [sflag:s22], s20  }
0x9f: {  	s4 =	ssub.s32 $0x0, s20;
	[sflag:s22] =	ssyncset.done $0x0  }
0xa0: {  	[sflag:s22] =	ssyncadd.s32 s4;
	_ =	sdelay $0x1  }
0xa1: {  	s23 =	simm.s32 $0x1B8B  }
0xa2: {  	_ =	swait.ge [sflag:s23], $0x1  }
0xa3: {  	[sflag:s23] =	ssyncset.done $0x0  }
0xa4: {  	s25 =	simm.s32 $0x1B8E;
	s24 =	sld [smem:$0x3FFE];
	[sflag:s23] =	ssyncadd.s32 $0xFFFFFFFF  }
0xa5: {  	s26 =	simm.s32 $execute0_lowered;
	[smem:$0x3FD2] =	sst s25  }
0xa6: {  	s5 =	sshll.u32 s26, $0x1;
	_ =	strace $0x80000055;
	[dreg:$0x1] =	wrdreg $0xFFFFFFFF  }
0xa7: {  	s28 =	simm.s32 $_size_execute0_lowered;
	s3 =	sadd.s32 s3, s5;
	[dreg:$0x0] =	wrdreg $0x0  }
0xa8: {  	s5 =	sshll.u32 s28, $0x1;
	[dreg:$0x2] =	wrdreg s3  }
0xa9: {  	[dreg:$0x3] =	wrdreg s5  }
0xaa: {  	[dreg:$0x4] =	wrdreg $0xC0  }
0xab: {  	_ =	task [dreg:s7], $0x5FFFF  }
0xac: {  	[dreg:$0x1] =	wrdreg $0xFFFFFFFF  }
0xad: {  	[dreg:$0x0] =	wrdreg $0x60  }
0xae: {  	[dreg:$0x2] =	wrdreg s2  }
0xaf: {  	[dreg:$0x3] =	wrdreg s24  }
0xb0: {  	[dreg:$0x4] =	wrdreg $0x9  }
0xb1: {  	_ =	task.clear_ibuf [dreg:s7], $0x5FFFF;
	_ =	strace $0x90000055  }
0xb2: {  	s29 =	simm.s32 $0x9;
	_ =	strace $0x80000057  }
0xb3: {  	_ =	swait.ge [sflag:s29], $0x1  }
0xb4: {  	[sflag:s29] =	ssyncadd.s32 $0xFFFFFFFF  }
0xb5: {  	_ =	strace $0x90000057  }
0xb6: {  	_ =	sfence  }
0xb7: {  	s30 =	sld [smem:$0x0];
	_ =	sdelay $0x2  }
0xb8: {  	s31 =	sshll.u32 s1, $0xD;
	s1 =	sshrl.u32 s1, $0x2  }
0xb9: {  	s3 =	sand.u32 $0x4000, s31;
	s1 =	sadd.s32 s1, s30  }
0xba: {  	s0 =	sor.u32 s3, s0;
	s1 =	sshll.u32 s1, $0x11  }
0xbb: {  	s0 =	sor.u32 s1, s0  }
0xbc: {  	s0 =	sadd.s32 $0x8F2B, s0  }
0xbd: {  	[sflag:s0] =	ssyncadd.remote.s32 $0x1  }
0xbe: {  	_ =	sfence.sel $0xFFFF  }
0xbf: {  	[dreg:$0x0] =	wrdreg $0xFFFFFFFF;
	(pc) =	sbr.abs _section_cstart, $3  }
0xc0: {  	[dreg:$0x1] =	wrdreg $0xFFFFFFFF  }
0xc1: {  	_ =	task.clear_ibuf [dreg:s7], $0x2FFFF;
	_ =	strace $0x9FFFFFFF  }
0xc2: {  	(tm) =	ssettm $0x7FFFFFFF  }
0xc3: {  	_ =	shalt  }
tec
execute0_lowered:
.L_overlay_start_1:
0x0: {  	(tag) =	ssettag $0x1  }
0x1: {  	s1 =	rddreg [dreg:$0x0]  }
0x2: {  	s6 =	rddreg [dreg:$0x1]  }
0x3: {  	s0 =	rddreg [dreg:$0x2];
	s2 =	simm.s32 $0x0;
	s3 =	srdreg.scid  }
0x4: {  	s13 =	simm.s32 $0x40;
	s14 =	simm.s32 $0x100;
	s15 =	simm.s32 $0x1  }
0x5: {  	s16 =	simm.s32 $0x2100;
	s17 =	simm.s32 $0x0;
	[smem:$0x7FF] =	sst s2  }
0x6: {  	s7 =	sand.u32 $0x1, s3;
	s4 =	sadd.s32 $0xF600, s6;
	s3 =	stileid.u32  }
0x7: {  	s5 =	sadd.s32 $0x5800, s6;
	_ =	strace $0x80000056;
	s8 =	ssub.s32 $0x2, s7  }
0x8: {  	s10 =	sshll.u32 s3, $0x1;
	s11 =	sshll.u32 s3, $0xB;
	s30 =	sshll.u32 s3, $0x7  }
0x9: {  	s31 =	sshll.u32 s7, $0x6;
	s12 =	sshll.u32 s7, $0xA;
	s9 =	sshrl.u32 s8, $0x1  }
0xa: {  	s26 =	sor.u32 s10, s7;
	s28 =	sadd.s32 s11, s6;
	s11 =	simm.s32 $0x2  }
0xb: {  	s8 =	ssub.s32 s8, s9;
	s29 =	ssub.s32 $0x13A7, s26;
	s10 =	sadd.s32 s12, s28  }
0xc: {  	s12 =	simm.s32 $0x80;
	s6 =	smax.u32 s8, $0x1;
	s7 =	sshrl.u32 s29, $0x5  }
0xd: {  	s8 =	sor.u32 s31, s30;
	s9 =	sadd.s32 $0x19400, s10;
	s10 =	sadd.s32 $0x572800, s10  }
.LBB2_1:
0xe: {  	p1 =	sne.s32 s7, $0x1  }
.Ltmp0:
0xf: {  	_ = 	snop;
	(pc) =	sbr.rel @!p1 .LBB2_2-.Ltmp0, $2  }
0x10: {  	_ =	sdelay $0x2  }
0x11: {  	s18 =	sadd.s32 $0xFFFFFFFF, s7;
	s22 =	sshrl.u32 s8, $0x3;
	p0 =	por $0x0, $0x0  }
0x12: {  	s19 =	sadd.s32 s4, s22  }
0x13: {  	[tilespmem:s2], [sflag:$0x2] =	stream.linear.gather [hbm4b:s19+s2], $0x40, $0x38;
	[tilespmem:$0x4100] =	vst v63  }
0x14: {  	_ =	swait.ge [sflag:s11], $0x40  }
0x15: {  	[sflag:s11] =	ssyncset.done $0x0  }
0x16: {  	s31 =	sadd.s32 s5, s22;
	[sflag:s11] =	ssyncadd.s32 $0xFFFFFFC0  }
0x17: {  	[tilespmem:s12], [sflag:$0x2] =	stream.linear.gather [hbm4b:s31+s2], $0x40, $0x38;
	[tilespmem:$0x4100] =	vst v63  }
0x18: {  	_ =	swait.ge [sflag:s11], $0x40  }
0x19: {  	[sflag:s11] =	ssyncset.done $0x0  }
0x1a: {  	[sflag:s11] =	ssyncadd.s32 $0xFFFFFFC0  }
0x1b: {  	[tilespmem:s14], [sflag:$0x1] =	stream.indirect.gather [hbm4b:s1+s13], $0x80, s2, s13, $0xb8;
	[tilespmem:$0x4100] =	vst v63  }
0x1c: {  	_ =	swait.ge [sflag:s15], $0x2000  }
0x1d: {  	[sflag:s15] =	ssyncset.done $0x0  }
0x1e: {  	[sflag:s15] =	ssyncadd.s32 $0xFFFFE000  }
0x1f: {  	[tilespmem:s16], [sflag:$0x1] =	stream.indirect.gather [hbm4b:s1+s13], $0x80, s12, s13, $0xb8;
	[tilespmem:$0x4100] =	vst v63  }
0x20: {  	_ =	swait.ge [sflag:s15], $0x2000  }
0x21: {  	[sflag:s15] =	ssyncset.done $0x0  }
0x22: {  	[sflag:s15] =	ssyncadd.s32 $0xFFFFE000  }
0x23: {  	[hbm4b:s9+s2] =	stream.linear.scatter [tilespmem:s14], [sflag:$0x2], $0x2000, $0x38;
	[tilespmem:$0x4100] =	vst v63  }
0x24: {  	p1 =	sne.s32 s18, $0x1;
	_ =	swait.ge [sflag:s11], $0x2000  }
.Ltmp1:
0x25: {  	[sflag:s11] =	ssyncset.done $0x0;
	(pc) =	sbr.rel @!p1 .LBB2_4-.Ltmp1, $4  }
0x26: {  	s20 =	sadd.s32 $0x800, s8;
	s21 =	sadd.s32 $0xFFFFFFFF, s18;
	[sflag:s11] =	ssyncadd.s32 $0xFFFFE000  }
0x27: {  	[hbm4b:s10+s2] =	stream.linear.scatter [tilespmem:s16], [sflag:$0x2], $0x2000, $0x38;
	[tilespmem:$0x4100] =	vst v63  }
0x28: {  	s18 =	sadd.s32 $0x8000, s10;
	p0 =	por $0x1, $0x1;
	_ =	swait.ge [sflag:s11], $0x2000  }
0x29: {  	s22 =	sshrl.u32 s20, $0x3;
	s19 =	smov.u32 s9;
	[sflag:s11] =	ssyncset.done $0x0  }
.LBB2_5:
0x2a: {  	s23 =	sadd.s32 s4, s22;
	[sflag:s11] =	ssyncadd.s32 $0xFFFFE000;
	s19 =	sadd.s32 $0x8000, s19  }
0x2b: {  	[tilespmem:s2], [sflag:$0x2] =	stream.linear.gather [hbm4b:s23+s2], $0x40, $0x38;
	[tilespmem:$0x4100] =	vst v63  }
0x2c: {  	p1 =	sne.s32 s21, $0x1;
	s21 =	sadd.s32 $0xFFFFFFFF, s21;
	_ =	swait.ge [sflag:s11], $0x40  }
0x2d: {  	[sflag:s11] =	ssyncset.done $0x0  }
0x2e: {  	s22 =	sadd.s32 s5, s22;
	[sflag:s11] =	ssyncadd.s32 $0xFFFFFFC0  }
0x2f: {  	[tilespmem:s12], [sflag:$0x2] =	stream.linear.gather [hbm4b:s22+s2], $0x40, $0x38;
	[tilespmem:$0x4100] =	vst v63  }
0x30: {  	_ =	swait.ge [sflag:s11], $0x40  }
0x31: {  	[sflag:s11] =	ssyncset.done $0x0  }
0x32: {  	[sflag:s11] =	ssyncadd.s32 $0xFFFFFFC0  }
0x33: {  	[tilespmem:s14], [sflag:$0x1] =	stream.indirect.gather [hbm4b:s1+s13], $0x80, s2, s13, $0xb8;
	[tilespmem:$0x4100] =	vst v63  }
0x34: {  	_ =	swait.ge [sflag:s15], $0x2000  }
0x35: {  	[sflag:s15] =	ssyncset.done $0x0  }
0x36: {  	[sflag:s15] =	ssyncadd.s32 $0xFFFFE000  }
0x37: {  	[tilespmem:s16], [sflag:$0x1] =	stream.indirect.gather [hbm4b:s1+s13], $0x80, s12, s13, $0xb8;
	[tilespmem:$0x4100] =	vst v63  }
0x38: {  	_ =	swait.ge [sflag:s15], $0x2000  }
0x39: {  	[sflag:s15] =	ssyncset.done $0x0  }
0x3a: {  	[sflag:s15] =	ssyncadd.s32 $0xFFFFE000  }
0x3b: {  	[hbm4b:s19+s2] =	stream.linear.scatter [tilespmem:s14], [sflag:$0x2], $0x2000, $0x38;
	[tilespmem:$0x4100] =	vst v63  }
0x3c: {  	_ =	swait.ge [sflag:s11], $0x2000  }
.Ltmp2:
0x3d: {  	[sflag:s11] =	ssyncset.done $0x0;
	(pc) =	sbr.rel @p1 .LBB2_5-.Ltmp2, $4  }
0x3e: {  	[sflag:s11] =	ssyncadd.s32 $0xFFFFE000  }
0x3f: {  	[hbm4b:s18+s2] =	stream.linear.scatter [tilespmem:s16], [sflag:$0x2], $0x2000, $0x38;
	[tilespmem:$0x4100] =	vst v63  }
0x40: {  	s20 =	sadd.s32 $0x800, s20;
	_ =	swait.ge [sflag:s11], $0x2000  }
0x41: {  	s22 =	sshrl.u32 s20, $0x3;
	s18 =	sadd.s32 $0x8000, s18;
	[sflag:s11] =	ssyncset.done $0x0  }
.LBB2_6:
0x42: {  	s20 =	sadd.s32 s4, s22;
	[sflag:s11] =	ssyncadd.s32 @p0 $0xFFFFE000  }
0x43: {  	[tilespmem:s2], [sflag:$0x2] =	stream.linear.gather [hbm4b:s20+s2], $0x40, $0x38;
	[tilespmem:$0x4100] =	vst v63  }
0x44: {  	_ =	swait.ge [sflag:s11], $0x40  }
0x45: {  	[sflag:s11] =	ssyncset.done $0x0  }
0x46: {  	s31 =	sadd.s32 s5, s22;
	[sflag:s11] =	ssyncadd.s32 $0xFFFFFFC0  }
0x47: {  	[tilespmem:s12], [sflag:$0x2] =	stream.linear.gather [hbm4b:s31+s2], $0x40, $0x38;
	[tilespmem:$0x4100] =	vst v63  }
0x48: {  	_ =	swait.ge [sflag:s11], $0x40  }
0x49: {  	[sflag:s11] =	ssyncset.done $0x0  }
0x4a: {  	[sflag:s11] =	ssyncadd.s32 $0xFFFFFFC0  }
0x4b: {  	[tilespmem:s14], [sflag:$0x1] =	stream.indirect.gather [hbm4b:s1+s13], $0x80, s2, s13, $0xb8;
	[tilespmem:$0x4100] =	vst v63  }
0x4c: {  	_ =	swait.ge [sflag:s15], $0x2000  }
0x4d: {  	[sflag:s15] =	ssyncset.done $0x0  }
0x4e: {  	[sflag:s15] =	ssyncadd.s32 $0xFFFFE000  }
0x4f: {  	[tilespmem:s16], [sflag:$0x1] =	stream.indirect.gather [hbm4b:s1+s13], $0x80, s12, s13, $0xb8;
	[tilespmem:$0x4100] =	vst v63  }
0x50: {  	_ =	swait.ge [sflag:s15], $0x2000  }
0x51: {  	s19 =	sadd.s32 @p0 $0x8000, s19;
	s20 =	smov.u32 s9;
	[sflag:s15] =	ssyncset.done $0x0  }
0x52: {  	s20 =	smov.u32 @p0 s19;
	[sflag:s15] =	ssyncadd.s32 $0xFFFFE000  }
0x53: {  	[hbm4b:s20+s2] =	stream.linear.scatter [tilespmem:s14], [sflag:$0x2], $0x2000, $0x38;
	[tilespmem:$0x4100] =	vst v63  }
0x54: {  	_ =	swait.ge [sflag:s11], $0x2000  }
0x55: {  	s17 =	sadd.s32 $0x1, s17;
	[sflag:s11] =	ssyncset.done $0x0  }
0x56: {  	p0 =	sne.s32 s17, s6;
	[sflag:s11] =	ssyncadd.s32 $0xFFFFE000  }
0x57: {  	[hbm4b:s18+s2] =	stream.linear.scatter [tilespmem:s16], [sflag:$0x2], $0x2000, $0x38;
	[tilespmem:$0x4100] =	vst v63  }
.Ltmp3:
0x58: {  	_ = 	snop;
	(pc) =	sbr.rel @p0 .LBB2_1-.Ltmp3, $4  }
.Ltmp4:
0x59: {  	_ = 	snop;
	(pc) =	sbr.rel @!p0 .LBB2_7-.Ltmp4, $4  }
0x5a: {  	_ =	swait.ge [sflag:s11], $0x2000  }
0x5b: {  	[sflag:s11] =	ssyncset.done $0x0  }
0x5c: {  	[sflag:s11] =	ssyncadd.s32 $0xFFFFE000  }
0x5d: {  	_ = 	snop  }
.LBB2_2:
.Ltmp5:
0x5e: {  	(pc) =	sbr.rel .LBB2_6-.Ltmp5, $2  }
0x5f: {  	_ =	sdelay $0x2  }
0x60: {  	s19 =	smov.u32 s9;
	s18 =	smov.u32 s10  }
.LBB2_4:
.Ltmp6:
0x61: {  	(pc) =	sbr.rel .LBB2_6-.Ltmp6, $2  }
0x62: {  	_ =	sdelay $0x2  }
0x63: {  	s19 =	smov.u32 s9  }
.LBB2_7:
0x64: {  	_ =	sfence.sel $0x180000  }
0x65: {  	[bflag:$0x0] =	sbarrier.arrive $0xFFFF  }
0x66: {  	p0 =	sne.s32 s3, $0x0;
	_ =	strace $0x90000056  }
0x67: {  	s0 =	sadd.s32 @!p0 $0x100000, s0;
	[bflag:$0x2] =	sbarrier.arrive $0xFFFF  }
0x68: {  	[sflag:s0] =	ssyncadd.tile.s32 @!p0 $0x1;
	_ =	shalt  }
.Lfunc_end2:
_tile_overlayer_lowered:
.L_overlay_start_2:
0x69: {  	(tag) =	ssettag $0x2  }
0x6a: {  	s0 =	rddreg [dreg:$0x0];
	s2 =	stileid.u32  }
0x6b: {  	s1 =	rddreg [dreg:$0x1];
	p0 =	sne.s32 s2, $0x0  }
0x6c: {  	s3 =	rddreg [dreg:$0x2];
	[bflag:$0x3] =	sbarrier.arrive $0xFFFF;
	s2 =	simm.s32 @!p0 $0x1C02  }
0x6d: {  	[timem:s3], [sflag:s2] =	dma.local @!p0 [hbm:s0], s1  }
0x6e: {  	s0 =	simm.s32 @!p0 $0x2  }
0x6f: {  	_ =	swait.ge @!p0 [sflag:s0], s1  }
0x70: {  	s1 =	ssub.s32 @!p0 $0x0, s1;
	[sflag:s0] =	ssyncset.done @!p0 $0x0  }
0x71: {  	[sflag:s0] =	ssyncadd.s32 @!p0 s1  }
0x72: {  	[bflag:$0x3] =	sbarrier.arrive $0xFFFF  }
0x73: {  	_ =	shalt  }

</sc_bundles>
